<compile_context>
chip_gen: v7x
topology: tpu7x:2x2x1
jax: 0.10.2.dev20260603
libtpu: 0.0.44.dev20260713+nightly
codegen_flags: <defaults>
</compile_context>

<pallas_src>
import jax
import jax.numpy as jnp

_HI = jax.lax.Precision.HIGHEST
from jax import lax
from jax.experimental import pallas as pl
from jax.experimental.pallas import tpu as pltpu
from jax.experimental.pallas import tpu_sc as plsc

N = 10000
E = 320000
F_IN = 128
H1N = 8
C1 = 16
F1 = H1N * C1
C2 = 16
NCLS = 40

NC, NS = 2, 16
NT = NC * NS
EPT = E // NT
CH = 80
NCHUNK = EPT // CH
SUP = 5
NSUP = EPT // (SUP * CH)
NPAD = 10240
RPT = NPAD // NS
ZR = 128

RB = 2000
GR = N // RB

_f32 = jnp.float32


def _dense1_body(x_ref, w1_ref, bds_ref, bdd_ref, mcs_ref, mcd_ref,
                 h1_ref, asc_ref, adc_ref, sm_ref, sd_ref):
    h1 = jnp.dot(x_ref[...], w1_ref[...])
    asb = jnp.dot(h1, bds_ref[...], precision=_HI)
    adb = jnp.dot(h1, bdd_ref[...], precision=_HI)
    asc = jnp.dot(h1, mcs_ref[...], precision=_HI)
    adc = jnp.dot(h1, mcd_ref[...], precision=_HI)
    h1_ref[...] = h1
    asc_ref[...] = asc
    adc_ref[...] = adc
    tb = asb + adb
    wb = jnp.exp(jnp.maximum(tb, 0.2 * tb))
    sm_ref[...] = wb * h1
    tc = asc + adc
    sd_ref[...] = jnp.exp(jnp.maximum(tc, 0.2 * tc))


def _dense1(x, w1, bds, bdd, mcs, mcd):
    full = lambda s: pl.BlockSpec(s, lambda i: (0, 0))
    rows = lambda d: pl.BlockSpec((RB, d), lambda i: (i, 0))
    return pl.pallas_call(
        _dense1_body,
        grid=(GR,),
        in_specs=[rows(F_IN), full((F_IN, F1)), full((F1, F1)), full((F1, F1)),
                  full((F1, C1)), full((F1, C1))],
        out_specs=[rows(F1), rows(C1), rows(C1), rows(F1), rows(C1)],
        out_shape=[jax.ShapeDtypeStruct((N, F1), _f32),
                   jax.ShapeDtypeStruct((N, C1), _f32),
                   jax.ShapeDtypeStruct((N, C1), _f32),
                   jax.ShapeDtypeStruct((N, F1), _f32),
                   jax.ShapeDtypeStruct((N, C1), _f32)],
    )(x, w1, bds, bdd, mcs, mcd)


def _sc1_body(src_hbm, dst_hbm, h1_hbm, asc_hbm, adc_hbm,
              pm_hbm, pd_hbm,
              accm, accd, sidx0, sidx1, didx0, didx1, hbuf0, hbuf1,
              asc0, asc1, adc0, adc1, dstg0, dstg1,
              gsem0, gsem1, ssem0, ssem1):
    c = lax.axis_index("c")
    s = lax.axis_index("s")
    sidx = [sidx0, sidx1]
    didx = [didx0, didx1]
    hbuf = [hbuf0, hbuf1]
    asc = [asc0, asc1]
    adc = [adc0, adc1]
    dstg = [dstg0, dstg1]
    gsem = [gsem0, gsem1]
    ssem = [ssem0, ssem1]

    def zrow(i, carry):
        for j in range(F1 // 16):
            hbuf0[i, pl.ds(j * 16, 16)] = jnp.zeros((16,), _f32)
        dstg0[i, :] = jnp.zeros((16,), _f32)
        return carry

    lax.fori_loop(0, CH, zrow, 0)
    for k in range(RPT // CH):
        pltpu.sync_copy(hbuf0, accm.at[pl.ds(s * RPT + k * CH, CH)])
        pltpu.sync_copy(dstg0, accd.at[pl.ds(s * RPT + k * CH, CH)])
    plsc.subcore_barrier()

    base = (c * NS + s) * EPT

    def gather_issue(p, i):
        cb = base + i * CH
        pltpu.sync_copy(src_hbm.at[pl.ds(cb, CH)], sidx[p])
        pltpu.sync_copy(dst_hbm.at[pl.ds(cb, CH)], didx[p])
        pltpu.async_copy(h1_hbm.at[sidx[p]], hbuf[p], gsem[p])
        pltpu.async_copy(asc_hbm.at[sidx[p]], asc[p], gsem[p])
        pltpu.async_copy(adc_hbm.at[didx[p]], adc[p], gsem[p])

    def gather_wait(p):
        pltpu.make_async_copy(h1_hbm.at[sidx[p]], hbuf[p], gsem[p]).wait()
        pltpu.make_async_copy(asc_hbm.at[sidx[p]], asc[p], gsem[p]).wait()
        pltpu.make_async_copy(adc_hbm.at[didx[p]], adc[p], gsem[p]).wait()

    def scatter_issue(p):
        pltpu.async_copy(hbuf[p], accm.at[didx[p]], ssem[p], add=True)
        pltpu.async_copy(dstg[p], accd.at[didx[p]], ssem[p], add=True)

    def scatter_wait(p):
        pltpu.make_async_copy(hbuf[p], accm.at[didx[p]], ssem[p]).wait()
        pltpu.make_async_copy(dstg[p], accd.at[didx[p]], ssem[p]).wait()

    hvecs = [jnp.full((16,), hh, jnp.int32) for hh in range(H1N)]

    gather_issue(0, 0)

    def gloop(g, carry):
        for b in range(2):
            i = 2 * g + b
            p, q = b, 1 - b

            @pl.when(i < NCHUNK)
            def _():
                gather_wait(p)

                @pl.when(i + 1 < NCHUNK)
                def _():
                    @pl.when(i >= 1)
                    def _():
                        scatter_wait(q)
                    gather_issue(q, i + 1)

                def edge(e, ec):
                    t = asc[p][e, :] + adc[p][e, :]
                    w16 = jnp.exp(jnp.maximum(t, 0.2 * t))
                    dstg[p][e, :] = w16
                    for hh in range(H1N):
                        sl = pl.ds(hh * 16, 16)
                        wb = w16[hvecs[hh]]
                        hbuf[p][e, sl] = wb * hbuf[p][e, sl]
                    return ec

                lax.fori_loop(0, CH, edge, 0)
                scatter_issue(p)
        return carry

    lax.fori_loop(0, (NCHUNK + 1) // 2, gloop, 0)
    scatter_wait(1 - (NCHUNK - 1) % 2)
    scatter_wait((NCHUNK - 1) % 2)
    plsc.subcore_barrier()
    pltpu.sync_copy(accm.at[pl.ds(s * RPT, RPT)], pm_hbm.at[c, pl.ds(s * RPT, RPT)])
    pltpu.sync_copy(accd.at[pl.ds(s * RPT, RPT)], pd_hbm.at[c, pl.ds(s * RPT, RPT)])


def _sc_layer1(src, dst, h1, asc, adc):
    mesh = plsc.VectorSubcoreMesh(core_axis_name="c", subcore_axis_name="s",
                                  num_cores=NC, num_subcores=NS)
    f = pl.kernel(
        _sc1_body,
        out_type=[jax.ShapeDtypeStruct((NC, NPAD, F1), _f32),
                  jax.ShapeDtypeStruct((NC, NPAD, C1), _f32)],
        mesh=mesh,
        compiler_params=pltpu.CompilerParams(use_tc_tiling_on_sc=False),
        scratch_types=(
            [pltpu.VMEM_SHARED((NPAD, F1), _f32),
             pltpu.VMEM_SHARED((NPAD, C1), _f32)]
            + [pltpu.VMEM((CH,), jnp.int32)] * 4
            + [pltpu.VMEM((CH, F1), _f32)] * 2
            + [pltpu.VMEM((CH, C1), _f32)] * 6
            + [pltpu.SemaphoreType.DMA] * 4
        ),
    )
    return f(src, dst, h1, asc, adc)


def _dense2_body(pm0_ref, pm1_ref, pd0_ref, pd1_ref, sm_ref, sd_ref,
                 r8_ref, w2_ref, as2m_ref, ad2m_ref, b1_ref,
                 h2_ref, as2_ref, ad2_ref, s2m_ref, s2d_ref):
    num = pm0_ref[...] + pm1_ref[...] + sm_ref[...]
    den16 = pd0_ref[...] + pd1_ref[...] + sd_ref[...]
    denb = jnp.dot(den16, r8_ref[...], precision=_HI)
    out1 = num / denb + b1_ref[...]
    helu = jnp.where(out1 > 0, out1, jnp.exp(out1) - 1.0)
    h2 = jnp.dot(helu, w2_ref[...])
    as2 = jnp.dot(h2, as2m_ref[...], precision=_HI)
    ad2 = jnp.dot(h2, ad2m_ref[...], precision=_HI)
    h2_ref[...] = h2
    as2_ref[...] = as2
    ad2_ref[...] = ad2
    t = as2 + ad2
    w = jnp.exp(jnp.maximum(t, 0.2 * t))
    s2m_ref[...] = w * h2
    s2d_ref[...] = w


def _dense2(pm0, pm1, pd0, pd1, sm, sd, r8, w2, as2m, ad2m, b1):
    full = lambda s: pl.BlockSpec(s, lambda i: (0, 0))
    rows = lambda d: pl.BlockSpec((RB, d), lambda i: (i, 0))
    return pl.pallas_call(
        _dense2_body,
        grid=(GR,),
        in_specs=[rows(F1), rows(F1), rows(C1), rows(C1), rows(F1), rows(C1),
                  full((C1, F1)), full((F1, C2)), full((C2, C2)),
                  full((C2, C2)), full((1, F1))],
        out_specs=[rows(C2), rows(C2), rows(C2), rows(C2), rows(C2)],
        out_shape=[jax.ShapeDtypeStruct((N, C2), _f32) for _ in range(5)],
    )(pm0, pm1, pd0, pd1, sm, sd, r8, w2, as2m, ad2m, b1)


def _sc2_body(src_hbm, dst_hbm, h2_hbm, as2_hbm, ad2_hbm,
              pm_hbm, pd_hbm,
              accm, accd, sidx0, sidx1, didx0, didx1, hbuf0, hbuf1,
              as20, as21, ad20, ad21, dstg0, dstg1,
              gsem0, gsem1, ssem0, ssem1):
    c = lax.axis_index("c")
    s = lax.axis_index("s")
    sidx = [sidx0, sidx1]
    didx = [didx0, didx1]
    hbuf = [hbuf0, hbuf1]
    as2 = [as20, as21]
    ad2 = [ad20, ad21]
    dstg = [dstg0, dstg1]
    gsem = [gsem0, gsem1]
    ssem = [ssem0, ssem1]
    SCH = SUP * CH

    def zrow(i, carry):
        dstg0[i, :] = jnp.zeros((16,), _f32)
        return carry

    lax.fori_loop(0, SCH, zrow, 0)
    pltpu.sync_copy(dstg0, accm.at[pl.ds(s * RPT, SCH)])
    pltpu.sync_copy(dstg0, accd.at[pl.ds(s * RPT, SCH)])
    pltpu.sync_copy(dstg0.at[pl.ds(0, RPT - SCH)],
                    accm.at[pl.ds(s * RPT + SCH, RPT - SCH)])
    pltpu.sync_copy(dstg0.at[pl.ds(0, RPT - SCH)],
                    accd.at[pl.ds(s * RPT + SCH, RPT - SCH)])
    plsc.subcore_barrier()

    brow = (c * NS + s) * NCHUNK

    def gather_issue(p, i):
        pltpu.sync_copy(src_hbm.at[pl.ds(brow + i * SUP, SUP)], sidx[p])
        pltpu.sync_copy(dst_hbm.at[pl.ds(brow + i * SUP, SUP)], didx[p])
        for j in range(SUP):
            sl = pl.ds(j * CH, CH)
            pltpu.async_copy(h2_hbm.at[sidx[p].at[j]], hbuf[p].at[sl], gsem[p])
            pltpu.async_copy(as2_hbm.at[sidx[p].at[j]], as2[p].at[sl], gsem[p])
            pltpu.async_copy(ad2_hbm.at[didx[p].at[j]], ad2[p].at[sl], gsem[p])

    def gather_wait(p):
        for j in range(SUP):
            sl = pl.ds(j * CH, CH)
            pltpu.make_async_copy(h2_hbm.at[sidx[p].at[j]], hbuf[p].at[sl], gsem[p]).wait()
            pltpu.make_async_copy(as2_hbm.at[sidx[p].at[j]], as2[p].at[sl], gsem[p]).wait()
            pltpu.make_async_copy(ad2_hbm.at[didx[p].at[j]], ad2[p].at[sl], gsem[p]).wait()

    def scatter_issue(p):
        for j in range(SUP):
            sl = pl.ds(j * CH, CH)
            pltpu.async_copy(hbuf[p].at[sl], accm.at[didx[p].at[j]], ssem[p], add=True)
            pltpu.async_copy(dstg[p].at[sl], accd.at[didx[p].at[j]], ssem[p], add=True)

    def scatter_wait(p):
        for j in range(SUP):
            sl = pl.ds(j * CH, CH)
            pltpu.make_async_copy(hbuf[p].at[sl], accm.at[didx[p].at[j]], ssem[p]).wait()
            pltpu.make_async_copy(dstg[p].at[sl], accd.at[didx[p].at[j]], ssem[p]).wait()

    gather_issue(0, 0)

    def gloop(g, carry):
        for b in range(2):
            i = 2 * g + b
            p, q = b, 1 - b

            @pl.when(i < NSUP)
            def _():
                gather_wait(p)

                @pl.when(i + 1 < NSUP)
                def _():
                    @pl.when(i >= 1)
                    def _():
                        scatter_wait(q)
                    gather_issue(q, i + 1)

                def edge(e, ec):
                    t = as2[p][e, :] + ad2[p][e, :]
                    w = jnp.exp(jnp.maximum(t, 0.2 * t))
                    hbuf[p][e, :] = w * hbuf[p][e, :]
                    dstg[p][e, :] = w
                    return ec

                lax.fori_loop(0, SCH, edge, 0)
                scatter_issue(p)
        return carry

    lax.fori_loop(0, (NSUP + 1) // 2, gloop, 0)
    scatter_wait(1 - (NSUP - 1) % 2)
    scatter_wait((NSUP - 1) % 2)
    plsc.subcore_barrier()
    pltpu.sync_copy(accm.at[pl.ds(s * RPT, RPT)], pm_hbm.at[c, pl.ds(s * RPT, RPT)])
    pltpu.sync_copy(accd.at[pl.ds(s * RPT, RPT)], pd_hbm.at[c, pl.ds(s * RPT, RPT)])


def _sc_layer2(src2, dst2, h2, as2, ad2):
    mesh = plsc.VectorSubcoreMesh(core_axis_name="c", subcore_axis_name="s",
                                  num_cores=NC, num_subcores=NS)
    f = pl.kernel(
        _sc2_body,
        out_type=[jax.ShapeDtypeStruct((NC, NPAD, C2), _f32),
                  jax.ShapeDtypeStruct((NC, NPAD, C2), _f32)],
        mesh=mesh,
        compiler_params=pltpu.CompilerParams(use_tc_tiling_on_sc=False),
        scratch_types=(
            [pltpu.VMEM_SHARED((NPAD, C2), _f32),
             pltpu.VMEM_SHARED((NPAD, C2), _f32)]
            + [pltpu.VMEM((SUP, CH), jnp.int32)] * 4
            + [pltpu.VMEM((SUP * CH, C2), _f32)] * 8
            + [pltpu.SemaphoreType.DMA] * 4
        ),
    )
    return f(src2, dst2, h2, as2, ad2)


def _dense3_body(pm0_ref, pm1_ref, pd0_ref, pd1_ref, s2m_ref, s2d_ref,
                 b2_ref, wc_ref, bc_ref,
                 logits_ref, emb_ref, soft_ref, hard_ref):
    num = pm0_ref[...] + pm1_ref[...] + s2m_ref[...]
    den = pd0_ref[...] + pd1_ref[...] + s2d_ref[...]
    emb = num / den + b2_ref[...]
    logits = jnp.dot(emb, wc_ref[...]) + bc_ref[...]
    m = jnp.max(logits, axis=1, keepdims=True)
    ex = jnp.exp(logits - m)
    soft = ex / jnp.sum(ex, axis=1, keepdims=True)
    idx = lax.broadcasted_iota(jnp.int32, logits.shape, 1)
    hard = jnp.min(jnp.where(logits >= m, idx, NCLS), axis=1)
    emb_ref[...] = emb
    logits_ref[...] = logits
    soft_ref[...] = soft
    hard_ref[...] = hard[:, None]


def _dense3(pm0, pm1, pd0, pd1, s2m, s2d, b2, wc, bc):
    full = lambda s: pl.BlockSpec(s, lambda i: (0, 0))
    rows = lambda d: pl.BlockSpec((RB, d), lambda i: (i, 0))
    return pl.pallas_call(
        _dense3_body,
        grid=(GR,),
        in_specs=[rows(C2), rows(C2), rows(C2), rows(C2), rows(C2), rows(C2),
                  full((1, C2)), full((C2, NCLS)), full((1, NCLS))],
        out_specs=[rows(NCLS), rows(C2), rows(NCLS), rows(1)],
        out_shape=[jax.ShapeDtypeStruct((N, NCLS), _f32),
                   jax.ShapeDtypeStruct((N, C2), _f32),
                   jax.ShapeDtypeStruct((N, NCLS), _f32),
                   jax.ShapeDtypeStruct((N, 1), jnp.int32)],
    )(pm0, pm1, pd0, pd1, s2m, s2d, b2, wc, bc)


def kernel(x, edge_index, W1, att_src1, att_dst1, b1, W2, att_src2, att_dst2,
           b2, Wc, bc):
    src = edge_index[0]
    dst = edge_index[1]

    eye8 = jnp.eye(H1N, dtype=_f32)
    ones_c = jnp.ones((C1,), _f32)
    bds = (att_src1[:, :, None, None] * eye8[:, None, :, None]
           * ones_c[None, None, None, :]).reshape(F1, F1)
    bdd = (att_dst1[:, :, None, None] * eye8[:, None, :, None]
           * ones_c[None, None, None, :]).reshape(F1, F1)
    mcs = jnp.concatenate(
        [(att_src1[:, :, None] * eye8[:, None, :]).reshape(F1, H1N),
         jnp.zeros((F1, C1 - H1N), _f32)], axis=1)
    mcd = jnp.concatenate(
        [(att_dst1[:, :, None] * eye8[:, None, :]).reshape(F1, H1N),
         jnp.zeros((F1, C1 - H1N), _f32)], axis=1)
    r8 = (jnp.eye(C1, H1N, dtype=_f32)[:, :, None]
          * ones_c[None, None, :]).reshape(C1, F1)
    as2m = att_src2[0][:, None] * jnp.ones((1, C2), _f32)
    ad2m = att_dst2[0][:, None] * jnp.ones((1, C2), _f32)

    h1, asc, adc, sm, sd = _dense1(x, W1, bds, bdd, mcs, mcd)
    pm, pd = _sc_layer1(src, dst, h1, asc, adc)
    h2, as2, ad2, s2m, s2d = _dense2(pm[0, :N], pm[1, :N], pd[0, :N], pd[1, :N], sm, sd,
                                     r8, W2, as2m, ad2m, b1[None, :])
    p2m, p2d = _sc_layer2(src.reshape(E // CH, CH), dst.reshape(E // CH, CH), h2, as2, ad2)
    logits, emb, soft, hard2d = _dense3(p2m[0, :N], p2m[1, :N], p2d[0, :N], p2d[1, :N],
                                        s2m, s2d, b2[None, :], Wc, bc[None, :])
    return (logits, emb, soft, hard2d.reshape(N))

# --- scband reference (transcript-rebuilt; emitter-appended) ---
"""Pipeline reference for scband-gat-29231547416617 (READ-ONLY COPY).

The authoritative reference and input builder live on the scoring server;
editing this copy changes nothing except your own understanding.
"""

import jax, jax.numpy as jnp
import numpy as np

N_NODES = 10000
N_EDGES = 320000
IN_FEATS = 128
HIDDEN = 16
HEADS = 8
OUT_FEATS = 40


def _glorot(key, shape):
    fan_in, fan_out = shape[0], shape[-1]
    s = jnp.sqrt(2.0 / (fan_in + fan_out))
    return jax.random.normal(key, shape, dtype=jnp.float32) * s


def setup_inputs(seed: int = 0):
    key = jax.random.key(seed)
    ks = jax.random.split(key, 12)
    x = jax.random.normal(ks[0], (N_NODES, IN_FEATS), dtype=jnp.float32)
    edge_index = jax.random.randint(ks[1], (2, N_EDGES), 0, N_NODES, dtype=jnp.int32)
    W1 = _glorot(ks[2], (IN_FEATS, HEADS * HIDDEN))
    att_src1 = _glorot(ks[3], (HEADS, HIDDEN))
    att_dst1 = _glorot(ks[4], (HEADS, HIDDEN))
    b1 = jnp.zeros((HEADS * HIDDEN,), dtype=jnp.float32)
    W2 = _glorot(ks[5], (HEADS * HIDDEN, HIDDEN))
    att_src2 = _glorot(ks[6], (1, HIDDEN))
    att_dst2 = _glorot(ks[7], (1, HIDDEN))
    b2 = jnp.zeros((HIDDEN,), dtype=jnp.float32)
    Wc = _glorot(ks[8], (HIDDEN, OUT_FEATS))
    bc = jnp.zeros((OUT_FEATS,), dtype=jnp.float32)
    return dict(x=x, edge_index=edge_index, W1=W1, att_src1=att_src1, att_dst1=att_dst1, b1=b1,
                W2=W2, att_src2=att_src2, att_dst2=att_dst2, b2=b2, Wc=Wc, bc=bc)


def _gat_conv(x, src, dst, W, att_src, att_dst, bias, heads, out_ch, concat):
    # PyG-style GATConv (eval mode: dropout is identity). Self-loops added by caller.
    N = x.shape[0]
    h = (x @ W).reshape(N, heads, out_ch)
    a_src = jnp.sum(h * att_src[None], axis=-1)  # [N, H]
    a_dst = jnp.sum(h * att_dst[None], axis=-1)  # [N, H]
    e = jax.nn.leaky_relu(a_src[src] + a_dst[dst], negative_slope=0.2)  # [E, H]
    e_max = jax.ops.segment_max(e, dst, num_segments=N)
    e = jnp.exp(e - e_max[dst])
    denom = jax.ops.segment_sum(e, dst, num_segments=N)
    alpha = e / (denom[dst] + 1e-16)
    out = jax.ops.segment_sum(h[src] * alpha[:, :, None], dst, num_segments=N)  # [N, H, C]
    if concat:
        out = out.reshape(N, heads * out_ch)
    else:
        out = out.mean(axis=1)
    return out + bias


def reference(x, edge_index, W1, att_src1, att_dst1, b1, W2, att_src2, att_dst2, b2, Wc, bc):
    N = x.shape[0]
    loop = jnp.arange(N, dtype=edge_index.dtype)
    src = jnp.concatenate([edge_index[0], loop])
    dst = jnp.concatenate([edge_index[1], loop])
    # eval mode: F.dropout on features is identity
    h = _gat_conv(x, src, dst, W1, att_src1, att_dst1, b1, HEADS, HIDDEN, True)
    h = jax.nn.elu(h)
    emb = _gat_conv(h, src, dst, W2, att_src2, att_dst2, b2, 1, HIDDEN, False)
    logits = emb @ Wc + bc
    soft_label = jax.nn.softmax(logits, axis=1)
    hard_label = jnp.argmax(soft_label, axis=1)
    return (logits, emb, soft_label, hard_label)

if __name__ == "__main__":
    import jax
    _d = setup_inputs()
    print(jax.jit(kernel)(*tuple(_d.values())))

</pallas_src>

<mosaic_0001>
#map = affine_map<(d0, d1) -> (0)>
#map1 = affine_map<(d0, d1) -> (0, 0)>
#map2 = affine_map<(d0, d1) -> (0, 0, 0)>
module attributes {stable_mosaic.version = 14 : i64} {
  func.func @_sc1_body(%arg0: i32, %arg1: i32, %arg2: memref<320000xi32, #tpu.memory_space<hbm>>, %arg3: memref<320000xi32, #tpu.memory_space<hbm>>, %arg4: memref<10000x128xf32, #tpu.memory_space<hbm>>, %arg5: memref<10000x16xf32, #tpu.memory_space<hbm>>, %arg6: memref<10000x16xf32, #tpu.memory_space<hbm>>, %arg7: memref<2x10240x128xf32, #tpu.memory_space<hbm>>, %arg8: memref<2x10240x16xf32, #tpu.memory_space<hbm>>, %arg9: memref<10240x128xf32, #tpu.memory_space<vmem_shared>>, %arg10: memref<10240x16xf32, #tpu.memory_space<vmem_shared>>, %arg11: memref<80xi32, #tpu.memory_space<vmem>>, %arg12: memref<80xi32, #tpu.memory_space<vmem>>, %arg13: memref<80xi32, #tpu.memory_space<vmem>>, %arg14: memref<80xi32, #tpu.memory_space<vmem>>, %arg15: memref<80x128xf32, #tpu.memory_space<vmem>>, %arg16: memref<80x128xf32, #tpu.memory_space<vmem>>, %arg17: memref<80x16xf32, #tpu.memory_space<vmem>>, %arg18: memref<80x16xf32, #tpu.memory_space<vmem>>, %arg19: memref<80x16xf32, #tpu.memory_space<vmem>>, %arg20: memref<80x16xf32, #tpu.memory_space<vmem>>, %arg21: memref<80x16xf32, #tpu.memory_space<vmem>>, %arg22: memref<80x16xf32, #tpu.memory_space<vmem>>, %arg23: memref<!tpu.dma_semaphore, #tpu.memory_space<semaphore_mem>>, %arg24: memref<!tpu.dma_semaphore, #tpu.memory_space<semaphore_mem>>, %arg25: memref<!tpu.dma_semaphore, #tpu.memory_space<semaphore_mem>>, %arg26: memref<!tpu.dma_semaphore, #tpu.memory_space<semaphore_mem>>) attributes {dimension_semantics = [#tpu.dimension_semantics<core_parallel>, #tpu.dimension_semantics<subcore_parallel>], iteration_bounds = array<i64: 2, 16>, scalar_prefetch = 0 : i64, scratch_operands = 18 : i64, tpu.core_type = #tpu.core_type<sc_vector_subcore>, window_params = [{transform_indices = #map}, {transform_indices = #map}, {transform_indices = #map1}, {transform_indices = #map1}, {transform_indices = #map1}, {transform_indices = #map2}, {transform_indices = #map2}]} {
    %scan3A = arith.constant 0 : i32
    %scan3A_0 = arith.constant 0 : i32
    %scan3A_1 = arith.constant 80 : i32
    %scan3A_2 = arith.addi %scan3A_0, %scan3A_1 : i32
    %scan3A_3 = arith.constant 1 : i32
    scf.for %scan3A_123 = %scan3A_0 to %scan3A_2 step %scan3A_3  : i32 {
      %broadcast_in_dim3A_124 = arith.constant 0.000000e+00 : f32
      %broadcast_in_dim3A_125 = vector.broadcast %broadcast_in_dim3A_124 : f32 to vector<16xf32>
      %swap3A = arith.index_cast %scan3A_123 : i32 to index
      %swap3A_126 = arith.constant 0 : index
      %swap3A_127 = tpu.vector_load %arg15[%swap3A, %swap3A_126] {strides = array<i32>} : memref<80x128xf32, #tpu.memory_space<vmem>>, vector<1x16xf32>,
      %swap3A_128 = vector.shape_cast %swap3A_127 : vector<1x16xf32> to vector<16xf32>
      %swap3A_129 = vector.shape_cast %broadcast_in_dim3A_125 : vector<16xf32> to vector<1x16xf32>
      tpu.vector_store %arg15[%swap3A, %swap3A_126], %swap3A_129 {strides = array<i32>} : memref<80x128xf32, #tpu.memory_space<vmem>>, vector<1x16xf32>,
      %broadcast_in_dim3A_130 = arith.constant 0.000000e+00 : f32
      %broadcast_in_dim3A_131 = vector.broadcast %broadcast_in_dim3A_130 : f32 to vector<16xf32>
      %swap3A_132 = arith.index_cast %scan3A_123 : i32 to index
      %swap3A_133 = arith.constant 16 : index
      %swap3A_134 = tpu.vector_load %arg15[%swap3A_132, %swap3A_133] {strides = array<i32>} : memref<80x128xf32, #tpu.memory_space<vmem>>, vector<1x16xf32>,
      %swap3A_135 = vector.shape_cast %swap3A_134 : vector<1x16xf32> to vector<16xf32>
      %swap3A_136 = vector.shape_cast %broadcast_in_dim3A_131 : vector<16xf32> to vector<1x16xf32>
      tpu.vector_store %arg15[%swap3A_132, %swap3A_133], %swap3A_136 {strides = array<i32>} : memref<80x128xf32, #tpu.memory_space<vmem>>, vector<1x16xf32>,
      %broadcast_in_dim3A_137 = arith.constant 0.000000e+00 : f32
      %broadcast_in_dim3A_138 = vector.broadcast %broadcast_in_dim3A_137 : f32 to vector<16xf32>
      %swap3A_139 = arith.index_cast %scan3A_123 : i32 to index
      %swap3A_140 = arith.constant 32 : index
      %swap3A_141 = tpu.vector_load %arg15[%swap3A_139, %swap3A_140] {strides = array<i32>} : memref<80x128xf32, #tpu.memory_space<vmem>>, vector<1x16xf32>,
      %swap3A_142 = vector.shape_cast %swap3A_141 : vector<1x16xf32> to vector<16xf32>
      %swap3A_143 = vector.shape_cast %broadcast_in_dim3A_138 : vector<16xf32> to vector<1x16xf32>
      tpu.vector_store %arg15[%swap3A_139, %swap3A_140], %swap3A_143 {strides = array<i32>} : memref<80x128xf32, #tpu.memory_space<vmem>>, vector<1x16xf32>,
      %broadcast_in_dim3A_144 = arith.constant 0.000000e+00 : f32
      %broadcast_in_dim3A_145 = vector.broadcast %broadcast_in_dim3A_144 : f32 to vector<16xf32>
      %swap3A_146 = arith.index_cast %scan3A_123 : i32 to index
      %swap3A_147 = arith.constant 48 : index
      %swap3A_148 = tpu.vector_load %arg15[%swap3A_146, %swap3A_147] {strides = array<i32>} : memref<80x128xf32, #tpu.memory_space<vmem>>, vector<1x16xf32>,
      %swap3A_149 = vector.shape_cast %swap3A_148 : vector<1x16xf32> to vector<16xf32>
      %swap3A_150 = vector.shape_cast %broadcast_in_dim3A_145 : vector<16xf32> to vector<1x16xf32>
      tpu.vector_store %arg15[%swap3A_146, %swap3A_147], %swap3A_150 {strides = array<i32>} : memref<80x128xf32, #tpu.memory_space<vmem>>, vector<1x16xf32>,
      %broadcast_in_dim3A_151 = arith.constant 0.000000e+00 : f32
      %broadcast_in_dim3A_152 = vector.broadcast %broadcast_in_dim3A_151 : f32 to vector<16xf32>
      %swap3A_153 = arith.index_cast %scan3A_123 : i32 to index
      %swap3A_154 = arith.constant 64 : index
      %swap3A_155 = tpu.vector_load %arg15[%swap3A_153, %swap3A_154] {strides = array<i32>} : memref<80x128xf32, #tpu.memory_space<vmem>>, vector<1x16xf32>,
      %swap3A_156 = vector.shape_cast %swap3A_155 : vector<1x16xf32> to vector<16xf32>
      %swap3A_157 = vector.shape_cast %broadcast_in_dim3A_152 : vector<16xf32> to vector<1x16xf32>
      tpu.vector_store %arg15[%swap3A_153, %swap3A_154], %swap3A_157 {strides = array<i32>} : memref<80x128xf32, #tpu.memory_space<vmem>>, vector<1x16xf32>,
      %broadcast_in_dim3A_158 = arith.constant 0.000000e+00 : f32
      %broadcast_in_dim3A_159 = vector.broadcast %broadcast_in_dim3A_158 : f32 to vector<16xf32>
      %swap3A_160 = arith.index_cast %scan3A_123 : i32 to index
      %swap3A_161 = arith.constant 80 : index
      %swap3A_162 = tpu.vector_load %arg15[%swap3A_160, %swap3A_161] {strides = array<i32>} : memref<80x128xf32, #tpu.memory_space<vmem>>, vector<1x16xf32>,
      %swap3A_163 = vector.shape_cast %swap3A_162 : vector<1x16xf32> to vector<16xf32>
      %swap3A_164 = vector.shape_cast %broadcast_in_dim3A_159 : vector<16xf32> to vector<1x16xf32>
      tpu.vector_store %arg15[%swap3A_160, %swap3A_161], %swap3A_164 {strides = array<i32>} : memref<80x128xf32, #tpu.memory_space<vmem>>, vector<1x16xf32>,
      %broadcast_in_dim3A_165 = arith.constant 0.000000e+00 : f32
      %broadcast_in_dim3A_166 = vector.broadcast %broadcast_in_dim3A_165 : f32 to vector<16xf32>
      %swap3A_167 = arith.index_cast %scan3A_123 : i32 to index
      %swap3A_168 = arith.constant 96 : index
      %swap3A_169 = tpu.vector_load %arg15[%swap3A_167, %swap3A_168] {strides = array<i32>} : memref<80x128xf32, #tpu.memory_space<vmem>>, vector<1x16xf32>,
      %swap3A_170 = vector.shape_cast %swap3A_169 : vector<1x16xf32> to vector<16xf32>
      %swap3A_171 = vector.shape_cast %broadcast_in_dim3A_166 : vector<16xf32> to vector<1x16xf32>
      tpu.vector_store %arg15[%swap3A_167, %swap3A_168], %swap3A_171 {strides = array<i32>} : memref<80x128xf32, #tpu.memory_space<vmem>>, vector<1x16xf32>,
      %broadcast_in_dim3A_172 = arith.constant 0.000000e+00 : f32
      %broadcast_in_dim3A_173 = vector.broadcast %broadcast_in_dim3A_172 : f32 to vector<16xf32>
      %swap3A_174 = arith.index_cast %scan3A_123 : i32 to index
      %swap3A_175 = arith.constant 112 : index
      %swap3A_176 = tpu.vector_load %arg15[%swap3A_174, %swap3A_175] {strides = array<i32>} : memref<80x128xf32, #tpu.memory_space<vmem>>, vector<1x16xf32>,
      %swap3A_177 = vector.shape_cast %swap3A_176 : vector<1x16xf32> to vector<16xf32>
      %swap3A_178 = vector.shape_cast %broadcast_in_dim3A_173 : vector<16xf32> to vector<1x16xf32>
      tpu.vector_store %arg15[%swap3A_174, %swap3A_175], %swap3A_178 {strides = array<i32>} : memref<80x128xf32, #tpu.memory_space<vmem>>, vector<1x16xf32>,
      %broadcast_in_dim3A_179 = arith.constant 0.000000e+00 : f32
      %broadcast_in_dim3A_180 = vector.broadcast %broadcast_in_dim3A_179 : f32 to vector<16xf32>
      %swap3A_181 = arith.index_cast %scan3A_123 : i32 to index
      %swap3A_182 = arith.constant 0 : index
      %swap3A_183 = tpu.vector_load %arg21[%swap3A_181, %swap3A_182] {strides = array<i32>} : memref<80x16xf32, #tpu.memory_space<vmem>>, vector<1x16xf32>,
      %swap3A_184 = vector.shape_cast %swap3A_183 : vector<1x16xf32> to vector<16xf32>
      %swap3A_185 = vector.shape_cast %broadcast_in_dim3A_180 : vector<16xf32> to vector<1x16xf32>
      tpu.vector_store %arg21[%swap3A_181, %swap3A_182], %swap3A_185 {strides = array<i32>} : memref<80x16xf32, #tpu.memory_space<vmem>>, vector<1x16xf32>,
    }
    %scan3A_4 = arith.constant 80 : i32
    %mul3A = arith.constant 640 : i32
    %mul3A_5 = arith.muli %arg1, %mul3A : i32
    %add3A = arith.constant 0 : i32
    %add3A_6 = arith.addi %mul3A_5, %add3A : i32
    "tpu.region"() ({
      %run_scoped3A = tpu.sem_alloc : memref<!tpu.dma_semaphore, #tpu.memory_space<semaphore_mem>>
      %dma_start3A_123 = arith.constant 0 : i32
      %dma_start3A_124 = tpu.memref_slice %arg9[%add3A_6, %dma_start3A_123] : memref<10240x128xf32, #tpu.memory_space<vmem_shared>> -> memref<80x128xf32, #tpu.memory_space<vmem_shared>>
      %dma_start3A_125 = arith.constant 0 : i32
      %dma_start3A_126 = tpu.memref_slice %arg9[%add3A_6, %dma_start3A_125] : memref<10240x128xf32, #tpu.memory_space<vmem_shared>> -> memref<80x128xf32, #tpu.memory_space<vmem_shared>>
      tpu.enqueue_dma source(%arg15 : memref<80x128xf32, #tpu.memory_space<vmem>>) target(%dma_start3A_126 : memref<80x128xf32, #tpu.memory_space<vmem_shared>>) target_semaphore(%run_scoped3A : memref<!tpu.dma_semaphore, #tpu.memory_space<semaphore_mem>>)
      %dma_wait3A_127 = arith.constant 0 : i32
      %dma_wait3A_128 = tpu.memref_slice %arg9[%add3A_6, %dma_wait3A_127] : memref<10240x128xf32, #tpu.memory_space<vmem_shared>> -> memref<80x128xf32, #tpu.memory_space<vmem_shared>>
      %dma_wait3A_129 = arith.constant 0 : i32
      %dma_wait3A_130 = tpu.memref_slice %arg9[%add3A_6, %dma_wait3A_129] : memref<10240x128xf32, #tpu.memory_space<vmem_shared>> -> memref<80x128xf32, #tpu.memory_space<vmem_shared>>
      tpu.wait_dma2 semaphore(%run_scoped3A : memref<!tpu.dma_semaphore, #tpu.memory_space<semaphore_mem>>) src(%arg15 : memref<80x128xf32, #tpu.memory_space<vmem>>) dst(%dma_wait3A_130 : memref<80x128xf32, #tpu.memory_space<vmem_shared>>)
      tpu.yield
    }) : () -> ()
    %mul3A_7 = arith.constant 640 : i32
    %mul3A_8 = arith.muli %arg1, %mul3A_7 : i32
    %add3A_9 = arith.constant 0 : i32
    %add3A_10 = arith.addi %mul3A_8, %add3A_9 : i32
    "tpu.region"() ({
      %run_scoped3A = tpu.sem_alloc : memref<!tpu.dma_semaphore, #tpu.memory_space<semaphore_mem>>
      %dma_start3A_123 = arith.constant 0 : i32
      %dma_start3A_124 = tpu.memref_slice %arg10[%add3A_10, %dma_start3A_123] : memref<10240x16xf32, #tpu.memory_space<vmem_shared>> -> memref<80x16xf32, #tpu.memory_space<vmem_shared>>
      %dma_start3A_125 = arith.constant 0 : i32
      %dma_start3A_126 = tpu.memref_slice %arg10[%add3A_10, %dma_start3A_125] : memref<10240x16xf32, #tpu.memory_space<vmem_shared>> -> memref<80x16xf32, #tpu.memory_space<vmem_shared>>
      tpu.enqueue_dma source(%arg21 : memref<80x16xf32, #tpu.memory_space<vmem>>) target(%dma_start3A_126 : memref<80x16xf32, #tpu.memory_space<vmem_shared>>) target_semaphore(%run_scoped3A : memref<!tpu.dma_semaphore, #tpu.memory_space<semaphore_mem>>)
      %dma_wait3A_127 = arith.constant 0 : i32
      %dma_wait3A_128 = tpu.memref_slice %arg10[%add3A_10, %dma_wait3A_127] : memref<10240x16xf32, #tpu.memory_space<vmem_shared>> -> memref<80x16xf32, #tpu.memory_space<vmem_shared>>
      %dma_wait3A_129 = arith.constant 0 : i32
      %dma_wait3A_130 = tpu.memref_slice %arg10[%add3A_10, %dma_wait3A_129] : memref<10240x16xf32, #tpu.memory_space<vmem_shared>> -> memref<80x16xf32, #tpu.memory_space<vmem_shared>>
      tpu.wait_dma2 semaphore(%run_scoped3A : memref<!tpu.dma_semaphore, #tpu.memory_space<semaphore_mem>>) src(%arg21 : memref<80x16xf32, #tpu.memory_space<vmem>>) dst(%dma_wait3A_130 : memref<80x16xf32, #tpu.memory_space<vmem_shared>>)
      tpu.yield
    }) : () -> ()
    %mul3A_11 = arith.constant 640 : i32
    %mul3A_12 = arith.muli %arg1, %mul3A_11 : i32
    %add3A_13 = arith.constant 80 : i32
    %add3A_14 = arith.addi %mul3A_12, %add3A_13 : i32
    "tpu.region"() ({
      %run_scoped3A = tpu.sem_alloc : memref<!tpu.dma_semaphore, #tpu.memory_space<semaphore_mem>>
      %dma_start3A_123 = arith.constant 0 : i32
      %dma_start3A_124 = tpu.memref_slice %arg9[%add3A_14, %dma_start3A_123] : memref<10240x128xf32, #tpu.memory_space<vmem_shared>> -> memref<80x128xf32, #tpu.memory_space<vmem_shared>>
      %dma_start3A_125 = arith.constant 0 : i32
      %dma_start3A_126 = tpu.memref_slice %arg9[%add3A_14, %dma_start3A_125] : memref<10240x128xf32, #tpu.memory_space<vmem_shared>> -> memref<80x128xf32, #tpu.memory_space<vmem_shared>>
      tpu.enqueue_dma source(%arg15 : memref<80x128xf32, #tpu.memory_space<vmem>>) target(%dma_start3A_126 : memref<80x128xf32, #tpu.memory_space<vmem_shared>>) target_semaphore(%run_scoped3A : memref<!tpu.dma_semaphore, #tpu.memory_space<semaphore_mem>>)
      %dma_wait3A_127 = arith.constant 0 : i32
      %dma_wait3A_128 = tpu.memref_slice %arg9[%add3A_14, %dma_wait3A_127] : memref<10240x128xf32, #tpu.memory_space<vmem_shared>> -> memref<80x128xf32, #tpu.memory_space<vmem_shared>>
      %dma_wait3A_129 = arith.constant 0 : i32
      %dma_wait3A_130 = tpu.memref_slice %arg9[%add3A_14, %dma_wait3A_129] : memref<10240x128xf32, #tpu.memory_space<vmem_shared>> -> memref<80x128xf32, #tpu.memory_space<vmem_shared>>
      tpu.wait_dma2 semaphore(%run_scoped3A : memref<!tpu.dma_semaphore, #tpu.memory_space<semaphore_mem>>) src(%arg15 : memref<80x128xf32, #tpu.memory_space<vmem>>) dst(%dma_wait3A_130 : memref<80x128xf32, #tpu.memory_space<vmem_shared>>)
      tpu.yield
    }) : () -> ()
    %mul3A_15 = arith.constant 640 : i32
    %mul3A_16 = arith.muli %arg1, %mul3A_15 : i32
    %add3A_17 = arith.constant 80 : i32
    %add3A_18 = arith.addi %mul3A_16, %add3A_17 : i32
    "tpu.region"() ({
      %run_scoped3A = tpu.sem_alloc : memref<!tpu.dma_semaphore, #tpu.memory_space<semaphore_mem>>
      %dma_start3A_123 = arith.constant 0 : i32
      %dma_start3A_124 = tpu.memref_slice %arg10[%add3A_18, %dma_start3A_123] : memref<10240x16xf32, #tpu.memory_space<vmem_shared>> -> memref<80x16xf32, #tpu.memory_space<vmem_shared>>
      %dma_start3A_125 = arith.constant 0 : i32
      %dma_start3A_126 = tpu.memref_slice %arg10[%add3A_18, %dma_start3A_125] : memref<10240x16xf32, #tpu.memory_space<vmem_shared>> -> memref<80x16xf32, #tpu.memory_space<vmem_shared>>
      tpu.enqueue_dma source(%arg21 : memref<80x16xf32, #tpu.memory_space<vmem>>) target(%dma_start3A_126 : memref<80x16xf32, #tpu.memory_space<vmem_shared>>) target_semaphore(%run_scoped3A : memref<!tpu.dma_semaphore, #tpu.memory_space<semaphore_mem>>)
      %dma_wait3A_127 = arith.constant 0 : i32
      %dma_wait3A_128 = tpu.memref_slice %arg10[%add3A_18, %dma_wait3A_127] : memref<10240x16xf32, #tpu.memory_space<vmem_shared>> -> memref<80x16xf32, #tpu.memory_space<vmem_shared>>
      %dma_wait3A_129 = arith.constant 0 : i32
      %dma_wait3A_130 = tpu.memref_slice %arg10[%add3A_18, %dma_wait3A_129] : memref<10240x16xf32, #tpu.memory_space<vmem_shared>> -> memref<80x16xf32, #tpu.memory_space<vmem_shared>>
      tpu.wait_dma2 semaphore(%run_scoped3A : memref<!tpu.dma_semaphore, #tpu.memory_space<semaphore_mem>>) src(%arg21 : memref<80x16xf32, #tpu.memory_space<vmem>>) dst(%dma_wait3A_130 : memref<80x16xf32, #tpu.memory_space<vmem_shared>>)
      tpu.yield
    }) : () -> ()
    %mul3A_19 = arith.constant 640 : i32
    %mul3A_20 = arith.muli %arg1, %mul3A_19 : i32
    %add3A_21 = arith.constant 160 : i32
    %add3A_22 = arith.addi %mul3A_20, %add3A_21 : i32
    "tpu.region"() ({
      %run_scoped3A = tpu.sem_alloc : memref<!tpu.dma_semaphore, #tpu.memory_space<semaphore_mem>>
      %dma_start3A_123 = arith.constant 0 : i32
      %dma_start3A_124 = tpu.memref_slice %arg9[%add3A_22, %dma_start3A_123] : memref<10240x128xf32, #tpu.memory_space<vmem_shared>> -> memref<80x128xf32, #tpu.memory_space<vmem_shared>>
      %dma_start3A_125 = arith.constant 0 : i32
      %dma_start3A_126 = tpu.memref_slice %arg9[%add3A_22, %dma_start3A_125] : memref<10240x128xf32, #tpu.memory_space<vmem_shared>> -> memref<80x128xf32, #tpu.memory_space<vmem_shared>>
      tpu.enqueue_dma source(%arg15 : memref<80x128xf32, #tpu.memory_space<vmem>>) target(%dma_start3A_126 : memref<80x128xf32, #tpu.memory_space<vmem_shared>>) target_semaphore(%run_scoped3A : memref<!tpu.dma_semaphore, #tpu.memory_space<semaphore_mem>>)
      %dma_wait3A_127 = arith.constant 0 : i32
      %dma_wait3A_128 = tpu.memref_slice %arg9[%add3A_22, %dma_wait3A_127] : memref<10240x128xf32, #tpu.memory_space<vmem_shared>> -> memref<80x128xf32, #tpu.memory_space<vmem_shared>>
      %dma_wait3A_129 = arith.constant 0 : i32
      %dma_wait3A_130 = tpu.memref_slice %arg9[%add3A_22, %dma_wait3A_129] : memref<10240x128xf32, #tpu.memory_space<vmem_shared>> -> memref<80x128xf32, #tpu.memory_space<vmem_shared>>
      tpu.wait_dma2 semaphore(%run_scoped3A : memref<!tpu.dma_semaphore, #tpu.memory_space<semaphore_mem>>) src(%arg15 : memref<80x128xf32, #tpu.memory_space<vmem>>) dst(%dma_wait3A_130 : memref<80x128xf32, #tpu.memory_space<vmem_shared>>)
      tpu.yield
    }) : () -> ()
    %mul3A_23 = arith.constant 640 : i32
    %mul3A_24 = arith.muli %arg1, %mul3A_23 : i32
    %add3A_25 = arith.constant 160 : i32
    %add3A_26 = arith.addi %mul3A_24, %add3A_25 : i32
    "tpu.region"() ({
      %run_scoped3A = tpu.sem_alloc : memref<!tpu.dma_semaphore, #tpu.memory_space<semaphore_mem>>
      %dma_start3A_123 = arith.constant 0 : i32
      %dma_start3A_124 = tpu.memref_slice %arg10[%add3A_26, %dma_start3A_123] : memref<10240x16xf32, #tpu.memory_space<vmem_shared>> -> memref<80x16xf32, #tpu.memory_space<vmem_shared>>
      %dma_start3A_125 = arith.constant 0 : i32
      %dma_start3A_126 = tpu.memref_slice %arg10[%add3A_26, %dma_start3A_125] : memref<10240x16xf32, #tpu.memory_space<vmem_shared>> -> memref<80x16xf32, #tpu.memory_space<vmem_shared>>
      tpu.enqueue_dma source(%arg21 : memref<80x16xf32, #tpu.memory_space<vmem>>) target(%dma_start3A_126 : memref<80x16xf32, #tpu.memory_space<vmem_shared>>) target_semaphore(%run_scoped3A : memref<!tpu.dma_semaphore, #tpu.memory_space<semaphore_mem>>)
      %dma_wait3A_127 = arith.constant 0 : i32
      %dma_wait3A_128 = tpu.memref_slice %arg10[%add3A_26, %dma_wait3A_127] : memref<10240x16xf32, #tpu.memory_space<vmem_shared>> -> memref<80x16xf32, #tpu.memory_space<vmem_shared>>
      %dma_wait3A_129 = arith.constant 0 : i32
      %dma_wait3A_130 = tpu.memref_slice %arg10[%add3A_26, %dma_wait3A_129] : memref<10240x16xf32, #tpu.memory_space<vmem_shared>> -> memref<80x16xf32, #tpu.memory_space<vmem_shared>>
      tpu.wait_dma2 semaphore(%run_scoped3A : memref<!tpu.dma_semaphore, #tpu.memory_space<semaphore_mem>>) src(%arg21 : memref<80x16xf32, #tpu.memory_space<vmem>>) dst(%dma_wait3A_130 : memref<80x16xf32, #tpu.memory_space<vmem_shared>>)
      tpu.yield
    }) : () -> ()
    %mul3A_27 = arith.constant 640 : i32
    %mul3A_28 = arith.muli %arg1, %mul3A_27 : i32
    %add3A_29 = arith.constant 240 : i32
    %add3A_30 = arith.addi %mul3A_28, %add3A_29 : i32
    "tpu.region"() ({
      %run_scoped3A = tpu.sem_alloc : memref<!tpu.dma_semaphore, #tpu.memory_space<semaphore_mem>>
      %dma_start3A_123 = arith.constant 0 : i32
      %dma_start3A_124 = tpu.memref_slice %arg9[%add3A_30, %dma_start3A_123] : memref<10240x128xf32, #tpu.memory_space<vmem_shared>> -> memref<80x128xf32, #tpu.memory_space<vmem_shared>>
      %dma_start3A_125 = arith.constant 0 : i32
      %dma_start3A_126 = tpu.memref_slice %arg9[%add3A_30, %dma_start3A_125] : memref<10240x128xf32, #tpu.memory_space<vmem_shared>> -> memref<80x128xf32, #tpu.memory_space<vmem_shared>>
      tpu.enqueue_dma source(%arg15 : memref<80x128xf32, #tpu.memory_space<vmem>>) target(%dma_start3A_126 : memref<80x128xf32, #tpu.memory_space<vmem_shared>>) target_semaphore(%run_scoped3A : memref<!tpu.dma_semaphore, #tpu.memory_space<semaphore_mem>>)
      %dma_wait3A_127 = arith.constant 0 : i32
      %dma_wait3A_128 = tpu.memref_slice %arg9[%add3A_30, %dma_wait3A_127] : memref<10240x128xf32, #tpu.memory_space<vmem_shared>> -> memref<80x128xf32, #tpu.memory_space<vmem_shared>>
      %dma_wait3A_129 = arith.constant 0 : i32
      %dma_wait3A_130 = tpu.memref_slice %arg9[%add3A_30, %dma_wait3A_129] : memref<10240x128xf32, #tpu.memory_space<vmem_shared>> -> memref<80x128xf32, #tpu.memory_space<vmem_shared>>
      tpu.wait_dma2 semaphore(%run_scoped3A : memref<!tpu.dma_semaphore, #tpu.memory_space<semaphore_mem>>) src(%arg15 : memref<80x128xf32, #tpu.memory_space<vmem>>) dst(%dma_wait3A_130 : memref<80x128xf32, #tpu.memory_space<vmem_shared>>)
      tpu.yield
    }) : () -> ()
    %mul3A_31 = arith.constant 640 : i32
    %mul3A_32 = arith.muli %arg1, %mul3A_31 : i32
    %add3A_33 = arith.constant 240 : i32
    %add3A_34 = arith.addi %mul3A_32, %add3A_33 : i32
    "tpu.region"() ({
      %run_scoped3A = tpu.sem_alloc : memref<!tpu.dma_semaphore, #tpu.memory_space<semaphore_mem>>
      %dma_start3A_123 = arith.constant 0 : i32
      %dma_start3A_124 = tpu.memref_slice %arg10[%add3A_34, %dma_start3A_123] : memref<10240x16xf32, #tpu.memory_space<vmem_shared>> -> memref<80x16xf32, #tpu.memory_space<vmem_shared>>
      %dma_start3A_125 = arith.constant 0 : i32
      %dma_start3A_126 = tpu.memref_slice %arg10[%add3A_34, %dma_start3A_125] : memref<10240x16xf32, #tpu.memory_space<vmem_shared>> -> memref<80x16xf32, #tpu.memory_space<vmem_shared>>
      tpu.enqueue_dma source(%arg21 : memref<80x16xf32, #tpu.memory_space<vmem>>) target(%dma_start3A_126 : memref<80x16xf32, #tpu.memory_space<vmem_shared>>) target_semaphore(%run_scoped3A : memref<!tpu.dma_semaphore, #tpu.memory_space<semaphore_mem>>)
      %dma_wait3A_127 = arith.constant 0 : i32
      %dma_wait3A_128 = tpu.memref_slice %arg10[%add3A_34, %dma_wait3A_127] : memref<10240x16xf32, #tpu.memory_space<vmem_shared>> -> memref<80x16xf32, #tpu.memory_space<vmem_shared>>
      %dma_wait3A_129 = arith.constant 0 : i32
      %dma_wait3A_130 = tpu.memref_slice %arg10[%add3A_34, %dma_wait3A_129] : memref<10240x16xf32, #tpu.memory_space<vmem_shared>> -> memref<80x16xf32, #tpu.memory_space<vmem_shared>>
      tpu.wait_dma2 semaphore(%run_scoped3A : memref<!tpu.dma_semaphore, #tpu.memory_space<semaphore_mem>>) src(%arg21 : memref<80x16xf32, #tpu.memory_space<vmem>>) dst(%dma_wait3A_130 : memref<80x16xf32, #tpu.memory_space<vmem_shared>>)
      tpu.yield
    }) : () -> ()
    %mul3A_35 = arith.constant 640 : i32
    %mul3A_36 = arith.muli %arg1, %mul3A_35 : i32
    %add3A_37 = arith.constant 320 : i32
    %add3A_38 = arith.addi %mul3A_36, %add3A_37 : i32
    "tpu.region"() ({
      %run_scoped3A = tpu.sem_alloc : memref<!tpu.dma_semaphore, #tpu.memory_space<semaphore_mem>>
      %dma_start3A_123 = arith.constant 0 : i32
      %dma_start3A_124 = tpu.memref_slice %arg9[%add3A_38, %dma_start3A_123] : memref<10240x128xf32, #tpu.memory_space<vmem_shared>> -> memref<80x128xf32, #tpu.memory_space<vmem_shared>>
      %dma_start3A_125 = arith.constant 0 : i32
      %dma_start3A_126 = tpu.memref_slice %arg9[%add3A_38, %dma_start3A_125] : memref<10240x128xf32, #tpu.memory_space<vmem_shared>> -> memref<80x128xf32, #tpu.memory_space<vmem_shared>>
      tpu.enqueue_dma source(%arg15 : memref<80x128xf32, #tpu.memory_space<vmem>>) target(%dma_start3A_126 : memref<80x128xf32, #tpu.memory_space<vmem_shared>>) target_semaphore(%run_scoped3A : memref<!tpu.dma_semaphore, #tpu.memory_space<semaphore_mem>>)
      %dma_wait3A_127 = arith.constant 0 : i32
      %dma_wait3A_128 = tpu.memref_slice %arg9[%add3A_38, %dma_wait3A_127] : memref<10240x128xf32, #tpu.memory_space<vmem_shared>> -> memref<80x128xf32, #tpu.memory_space<vmem_shared>>
      %dma_wait3A_129 = arith.constant 0 : i32
      %dma_wait3A_130 = tpu.memref_slice %arg9[%add3A_38, %dma_wait3A_129] : memref<10240x128xf32, #tpu.memory_space<vmem_shared>> -> memref<80x128xf32, #tpu.memory_space<vmem_shared>>
      tpu.wait_dma2 semaphore(%run_scoped3A : memref<!tpu.dma_semaphore, #tpu.memory_space<semaphore_mem>>) src(%arg15 : memref<80x128xf32, #tpu.memory_space<vmem>>) dst(%dma_wait3A_130 : memref<80x128xf32, #tpu.memory_space<vmem_shared>>)
      tpu.yield
    }) : () -> ()
    %mul3A_39 = arith.constant 640 : i32
    %mul3A_40 = arith.muli %arg1, %mul3A_39 : i32
    %add3A_41 = arith.constant 320 : i32
    %add3A_42 = arith.addi %mul3A_40, %add3A_41 : i32
    "tpu.region"() ({
      %run_scoped3A = tpu.sem_alloc : memref<!tpu.dma_semaphore, #tpu.memory_space<semaphore_mem>>
      %dma_start3A_123 = arith.constant 0 : i32
      %dma_start3A_124 = tpu.memref_slice %arg10[%add3A_42, %dma_start3A_123] : memref<10240x16xf32, #tpu.memory_space<vmem_shared>> -> memref<80x16xf32, #tpu.memory_space<vmem_shared>>
      %dma_start3A_125 = arith.constant 0 : i32
      %dma_start3A_126 = tpu.memref_slice %arg10[%add3A_42, %dma_start3A_125] : memref<10240x16xf32, #tpu.memory_space<vmem_shared>> -> memref<80x16xf32, #tpu.memory_space<vmem_shared>>
      tpu.enqueue_dma source(%arg21 : memref<80x16xf32, #tpu.memory_space<vmem>>) target(%dma_start3A_126 : memref<80x16xf32, #tpu.memory_space<vmem_shared>>) target_semaphore(%run_scoped3A : memref<!tpu.dma_semaphore, #tpu.memory_space<semaphore_mem>>)
      %dma_wait3A_127 = arith.constant 0 : i32
      %dma_wait3A_128 = tpu.memref_slice %arg10[%add3A_42, %dma_wait3A_127] : memref<10240x16xf32, #tpu.memory_space<vmem_shared>> -> memref<80x16xf32, #tpu.memory_space<vmem_shared>>
      %dma_wait3A_129 = arith.constant 0 : i32
      %dma_wait3A_130 = tpu.memref_slice %arg10[%add3A_42, %dma_wait3A_129] : memref<10240x16xf32, #tpu.memory_space<vmem_shared>> -> memref<80x16xf32, #tpu.memory_space<vmem_shared>>
      tpu.wait_dma2 semaphore(%run_scoped3A : memref<!tpu.dma_semaphore, #tpu.memory_space<semaphore_mem>>) src(%arg21 : memref<80x16xf32, #tpu.memory_space<vmem>>) dst(%dma_wait3A_130 : memref<80x16xf32, #tpu.memory_space<vmem_shared>>)
      tpu.yield
    }) : () -> ()
    %mul3A_43 = arith.constant 640 : i32
    %mul3A_44 = arith.muli %arg1, %mul3A_43 : i32
    %add3A_45 = arith.constant 400 : i32
    %add3A_46 = arith.addi %mul3A_44, %add3A_45 : i32
    "tpu.region"() ({
      %run_scoped3A = tpu.sem_alloc : memref<!tpu.dma_semaphore, #tpu.memory_space<semaphore_mem>>
      %dma_start3A_123 = arith.constant 0 : i32
      %dma_start3A_124 = tpu.memref_slice %arg9[%add3A_46, %dma_start3A_123] : memref<10240x128xf32, #tpu.memory_space<vmem_shared>> -> memref<80x128xf32, #tpu.memory_space<vmem_shared>>
      %dma_start3A_125 = arith.constant 0 : i32
      %dma_start3A_126 = tpu.memref_slice %arg9[%add3A_46, %dma_start3A_125] : memref<10240x128xf32, #tpu.memory_space<vmem_shared>> -> memref<80x128xf32, #tpu.memory_space<vmem_shared>>
      tpu.enqueue_dma source(%arg15 : memref<80x128xf32, #tpu.memory_space<vmem>>) target(%dma_start3A_126 : memref<80x128xf32, #tpu.memory_space<vmem_shared>>) target_semaphore(%run_scoped3A : memref<!tpu.dma_semaphore, #tpu.memory_space<semaphore_mem>>)
      %dma_wait3A_127 = arith.constant 0 : i32
      %dma_wait3A_128 = tpu.memref_slice %arg9[%add3A_46, %dma_wait3A_127] : memref<10240x128xf32, #tpu.memory_space<vmem_shared>> -> memref<80x128xf32, #tpu.memory_space<vmem_shared>>
      %dma_wait3A_129 = arith.constant 0 : i32
      %dma_wait3A_130 = tpu.memref_slice %arg9[%add3A_46, %dma_wait3A_129] : memref<10240x128xf32, #tpu.memory_space<vmem_shared>> -> memref<80x128xf32, #tpu.memory_space<vmem_shared>>
      tpu.wait_dma2 semaphore(%run_scoped3A : memref<!tpu.dma_semaphore, #tpu.memory_space<semaphore_mem>>) src(%arg15 : memref<80x128xf32, #tpu.memory_space<vmem>>) dst(%dma_wait3A_130 : memref<80x128xf32, #tpu.memory_space<vmem_shared>>)
      tpu.yield
    }) : () -> ()
    %mul3A_47 = arith.constant 640 : i32
    %mul3A_48 = arith.muli %arg1, %mul3A_47 : i32
    %add3A_49 = arith.constant 400 : i32
    %add3A_50 = arith.addi %mul3A_48, %add3A_49 : i32
    "tpu.region"() ({
      %run_scoped3A = tpu.sem_alloc : memref<!tpu.dma_semaphore, #tpu.memory_space<semaphore_mem>>
      %dma_start3A_123 = arith.constant 0 : i32
      %dma_start3A_124 = tpu.memref_slice %arg10[%add3A_50, %dma_start3A_123] : memref<10240x16xf32, #tpu.memory_space<vmem_shared>> -> memref<80x16xf32, #tpu.memory_space<vmem_shared>>
      %dma_start3A_125 = arith.constant 0 : i32
      %dma_start3A_126 = tpu.memref_slice %arg10[%add3A_50, %dma_start3A_125] : memref<10240x16xf32, #tpu.memory_space<vmem_shared>> -> memref<80x16xf32, #tpu.memory_space<vmem_shared>>
      tpu.enqueue_dma source(%arg21 : memref<80x16xf32, #tpu.memory_space<vmem>>) target(%dma_start3A_126 : memref<80x16xf32, #tpu.memory_space<vmem_shared>>) target_semaphore(%run_scoped3A : memref<!tpu.dma_semaphore, #tpu.memory_space<semaphore_mem>>)
      %dma_wait3A_127 = arith.constant 0 : i32
      %dma_wait3A_128 = tpu.memref_slice %arg10[%add3A_50, %dma_wait3A_127] : memref<10240x16xf32, #tpu.memory_space<vmem_shared>> -> memref<80x16xf32, #tpu.memory_space<vmem_shared>>
      %dma_wait3A_129 = arith.constant 0 : i32
      %dma_wait3A_130 = tpu.memref_slice %arg10[%add3A_50, %dma_wait3A_129] : memref<10240x16xf32, #tpu.memory_space<vmem_shared>> -> memref<80x16xf32, #tpu.memory_space<vmem_shared>>
      tpu.wait_dma2 semaphore(%run_scoped3A : memref<!tpu.dma_semaphore, #tpu.memory_space<semaphore_mem>>) src(%arg21 : memref<80x16xf32, #tpu.memory_space<vmem>>) dst(%dma_wait3A_130 : memref<80x16xf32, #tpu.memory_space<vmem_shared>>)
      tpu.yield
    }) : () -> ()
    %mul3A_51 = arith.constant 640 : i32
    %mul3A_52 = arith.muli %arg1, %mul3A_51 : i32
    %add3A_53 = arith.constant 480 : i32
    %add3A_54 = arith.addi %mul3A_52, %add3A_53 : i32
    "tpu.region"() ({
      %run_scoped3A = tpu.sem_alloc : memref<!tpu.dma_semaphore, #tpu.memory_space<semaphore_mem>>
      %dma_start3A_123 = arith.constant 0 : i32
      %dma_start3A_124 = tpu.memref_slice %arg9[%add3A_54, %dma_start3A_123] : memref<10240x128xf32, #tpu.memory_space<vmem_shared>> -> memref<80x128xf32, #tpu.memory_space<vmem_shared>>
      %dma_start3A_125 = arith.constant 0 : i32
      %dma_start3A_126 = tpu.memref_slice %arg9[%add3A_54, %dma_start3A_125] : memref<10240x128xf32, #tpu.memory_space<vmem_shared>> -> memref<80x128xf32, #tpu.memory_space<vmem_shared>>
      tpu.enqueue_dma source(%arg15 : memref<80x128xf32, #tpu.memory_space<vmem>>) target(%dma_start3A_126 : memref<80x128xf32, #tpu.memory_space<vmem_shared>>) target_semaphore(%run_scoped3A : memref<!tpu.dma_semaphore, #tpu.memory_space<semaphore_mem>>)
      %dma_wait3A_127 = arith.constant 0 : i32
      %dma_wait3A_128 = tpu.memref_slice %arg9[%add3A_54, %dma_wait3A_127] : memref<10240x128xf32, #tpu.memory_space<vmem_shared>> -> memref<80x128xf32, #tpu.memory_space<vmem_shared>>
      %dma_wait3A_129 = arith.constant 0 : i32
      %dma_wait3A_130 = tpu.memref_slice %arg9[%add3A_54, %dma_wait3A_129] : memref<10240x128xf32, #tpu.memory_space<vmem_shared>> -> memref<80x128xf32, #tpu.memory_space<vmem_shared>>
      tpu.wait_dma2 semaphore(%run_scoped3A : memref<!tpu.dma_semaphore, #tpu.memory_space<semaphore_mem>>) src(%arg15 : memref<80x128xf32, #tpu.memory_space<vmem>>) dst(%dma_wait3A_130 : memref<80x128xf32, #tpu.memory_space<vmem_shared>>)
      tpu.yield
    }) : () -> ()
    %mul3A_55 = arith.constant 640 : i32
    %mul3A_56 = arith.muli %arg1, %mul3A_55 : i32
    %add3A_57 = arith.constant 480 : i32
    %add3A_58 = arith.addi %mul3A_56, %add3A_57 : i32
    "tpu.region"() ({
      %run_scoped3A = tpu.sem_alloc : memref<!tpu.dma_semaphore, #tpu.memory_space<semaphore_mem>>
      %dma_start3A_123 = arith.constant 0 : i32
      %dma_start3A_124 = tpu.memref_slice %arg10[%add3A_58, %dma_start3A_123] : memref<10240x16xf32, #tpu.memory_space<vmem_shared>> -> memref<80x16xf32, #tpu.memory_space<vmem_shared>>
      %dma_start3A_125 = arith.constant 0 : i32
      %dma_start3A_126 = tpu.memref_slice %arg10[%add3A_58, %dma_start3A_125] : memref<10240x16xf32, #tpu.memory_space<vmem_shared>> -> memref<80x16xf32, #tpu.memory_space<vmem_shared>>
      tpu.enqueue_dma source(%arg21 : memref<80x16xf32, #tpu.memory_space<vmem>>) target(%dma_start3A_126 : memref<80x16xf32, #tpu.memory_space<vmem_shared>>) target_semaphore(%run_scoped3A : memref<!tpu.dma_semaphore, #tpu.memory_space<semaphore_mem>>)
      %dma_wait3A_127 = arith.constant 0 : i32
      %dma_wait3A_128 = tpu.memref_slice %arg10[%add3A_58, %dma_wait3A_127] : memref<10240x16xf32, #tpu.memory_space<vmem_shared>> -> memref<80x16xf32, #tpu.memory_space<vmem_shared>>
      %dma_wait3A_129 = arith.constant 0 : i32
      %dma_wait3A_130 = tpu.memref_slice %arg10[%add3A_58, %dma_wait3A_129] : memref<10240x16xf32, #tpu.memory_space<vmem_shared>> -> memref<80x16xf32, #tpu.memory_space<vmem_shared>>
      tpu.wait_dma2 semaphore(%run_scoped3A : memref<!tpu.dma_semaphore, #tpu.memory_space<semaphore_mem>>) src(%arg21 : memref<80x16xf32, #tpu.memory_space<vmem>>) dst(%dma_wait3A_130 : memref<80x16xf32, #tpu.memory_space<vmem_shared>>)
      tpu.yield
    }) : () -> ()
    %mul3A_59 = arith.constant 640 : i32
    %mul3A_60 = arith.muli %arg1, %mul3A_59 : i32
    %add3A_61 = arith.constant 560 : i32
    %add3A_62 = arith.addi %mul3A_60, %add3A_61 : i32
    "tpu.region"() ({
      %run_scoped3A = tpu.sem_alloc : memref<!tpu.dma_semaphore, #tpu.memory_space<semaphore_mem>>
      %dma_start3A_123 = arith.constant 0 : i32
      %dma_start3A_124 = tpu.memref_slice %arg9[%add3A_62, %dma_start3A_123] : memref<10240x128xf32, #tpu.memory_space<vmem_shared>> -> memref<80x128xf32, #tpu.memory_space<vmem_shared>>
      %dma_start3A_125 = arith.constant 0 : i32
      %dma_start3A_126 = tpu.memref_slice %arg9[%add3A_62, %dma_start3A_125] : memref<10240x128xf32, #tpu.memory_space<vmem_shared>> -> memref<80x128xf32, #tpu.memory_space<vmem_shared>>
      tpu.enqueue_dma source(%arg15 : memref<80x128xf32, #tpu.memory_space<vmem>>) target(%dma_start3A_126 : memref<80x128xf32, #tpu.memory_space<vmem_shared>>) target_semaphore(%run_scoped3A : memref<!tpu.dma_semaphore, #tpu.memory_space<semaphore_mem>>)
      %dma_wait3A_127 = arith.constant 0 : i32
      %dma_wait3A_128 = tpu.memref_slice %arg9[%add3A_62, %dma_wait3A_127] : memref<10240x128xf32, #tpu.memory_space<vmem_shared>> -> memref<80x128xf32, #tpu.memory_space<vmem_shared>>
      %dma_wait3A_129 = arith.constant 0 : i32
      %dma_wait3A_130 = tpu.memref_slice %arg9[%add3A_62, %dma_wait3A_129] : memref<10240x128xf32, #tpu.memory_space<vmem_shared>> -> memref<80x128xf32, #tpu.memory_space<vmem_shared>>
      tpu.wait_dma2 semaphore(%run_scoped3A : memref<!tpu.dma_semaphore, #tpu.memory_space<semaphore_mem>>) src(%arg15 : memref<80x128xf32, #tpu.memory_space<vmem>>) dst(%dma_wait3A_130 : memref<80x128xf32, #tpu.memory_space<vmem_shared>>)
      tpu.yield
    }) : () -> ()
    %mul3A_63 = arith.constant 640 : i32
    %mul3A_64 = arith.muli %arg1, %mul3A_63 : i32
    %add3A_65 = arith.constant 560 : i32
    %add3A_66 = arith.addi %mul3A_64, %add3A_65 : i32
    "tpu.region"() ({
      %run_scoped3A = tpu.sem_alloc : memref<!tpu.dma_semaphore, #tpu.memory_space<semaphore_mem>>
      %dma_start3A_123 = arith.constant 0 : i32
      %dma_start3A_124 = tpu.memref_slice %arg10[%add3A_66, %dma_start3A_123] : memref<10240x16xf32, #tpu.memory_space<vmem_shared>> -> memref<80x16xf32, #tpu.memory_space<vmem_shared>>
      %dma_start3A_125 = arith.constant 0 : i32
      %dma_start3A_126 = tpu.memref_slice %arg10[%add3A_66, %dma_start3A_125] : memref<10240x16xf32, #tpu.memory_space<vmem_shared>> -> memref<80x16xf32, #tpu.memory_space<vmem_shared>>
      tpu.enqueue_dma source(%arg21 : memref<80x16xf32, #tpu.memory_space<vmem>>) target(%dma_start3A_126 : memref<80x16xf32, #tpu.memory_space<vmem_shared>>) target_semaphore(%run_scoped3A : memref<!tpu.dma_semaphore, #tpu.memory_space<semaphore_mem>>)
      %dma_wait3A_127 = arith.constant 0 : i32
      %dma_wait3A_128 = tpu.memref_slice %arg10[%add3A_66, %dma_wait3A_127] : memref<10240x16xf32, #tpu.memory_space<vmem_shared>> -> memref<80x16xf32, #tpu.memory_space<vmem_shared>>
      %dma_wait3A_129 = arith.constant 0 : i32
      %dma_wait3A_130 = tpu.memref_slice %arg10[%add3A_66, %dma_wait3A_129] : memref<10240x16xf32, #tpu.memory_space<vmem_shared>> -> memref<80x16xf32, #tpu.memory_space<vmem_shared>>
      tpu.wait_dma2 semaphore(%run_scoped3A : memref<!tpu.dma_semaphore, #tpu.memory_space<semaphore_mem>>) src(%arg21 : memref<80x16xf32, #tpu.memory_space<vmem>>) dst(%dma_wait3A_130 : memref<80x16xf32, #tpu.memory_space<vmem_shared>>)
      tpu.yield
    }) : () -> ()
    %barrier3A = arith.constant 0 : index
    tpu.barrier barrier_id(%barrier3A)
    %mul3A_67 = arith.constant 16 : i32
    %mul3A_68 = arith.muli %arg0, %mul3A_67 : i32
    %add3A_69 = arith.addi %mul3A_68, %arg1 : i32
    %mul3A_70 = arith.constant 10000 : i32
    %mul3A_71 = arith.muli %add3A_69, %mul3A_70 : i32
    %broadcast_in_dim3A = arith.constant 0 : i32
    %broadcast_in_dim3A_72 = vector.broadcast %broadcast_in_dim3A : i32 to vector<16xi32>
    %broadcast_in_dim3A_73 = arith.constant 1 : i32
    %broadcast_in_dim3A_74 = vector.broadcast %broadcast_in_dim3A_73 : i32 to vector<16xi32>
    %broadcast_in_dim3A_75 = arith.constant 2 : i32
    %broadcast_in_dim3A_76 = vector.broadcast %broadcast_in_dim3A_75 : i32 to vector<16xi32>
    %broadcast_in_dim3A_77 = arith.constant 3 : i32
    %broadcast_in_dim3A_78 = vector.broadcast %broadcast_in_dim3A_77 : i32 to vector<16xi32>
    %broadcast_in_dim3A_79 = arith.constant 4 : i32
    %broadcast_in_dim3A_80 = vector.broadcast %broadcast_in_dim3A_79 : i32 to vector<16xi32>
    %broadcast_in_dim3A_81 = arith.constant 5 : i32
    %broadcast_in_dim3A_82 = vector.broadcast %broadcast_in_dim3A_81 : i32 to vector<16xi32>
    %broadcast_in_dim3A_83 = arith.constant 6 : i32
    %broadcast_in_dim3A_84 = vector.broadcast %broadcast_in_dim3A_83 : i32 to vector<16xi32>
    %broadcast_in_dim3A_85 = arith.constant 7 : i32
    %broadcast_in_dim3A_86 = vector.broadcast %broadcast_in_dim3A_85 : i32 to vector<16xi32>
    %add3A_87 = arith.constant 0 : i32
    %add3A_88 = arith.addi %mul3A_71, %add3A_87 : i32
    "tpu.region"() ({
      %run_scoped3A = tpu.sem_alloc : memref<!tpu.dma_semaphore, #tpu.memory_space<semaphore_mem>>
      %dma_start3A_123 = tpu.memref_slice %arg2[%add3A_88] : memref<320000xi32, #tpu.memory_space<hbm>> -> memref<80xi32, #tpu.memory_space<hbm>>
      %dma_start3A_124 = tpu.memref_slice %arg2[%add3A_88] : memref<320000xi32, #tpu.memory_space<hbm>> -> memref<80xi32, #tpu.memory_space<hbm>>
      tpu.enqueue_dma source(%dma_start3A_124 : memref<80xi32, #tpu.memory_space<hbm>>) target(%arg11 : memref<80xi32, #tpu.memory_space<vmem>>) target_semaphore(%run_scoped3A : memref<!tpu.dma_semaphore, #tpu.memory_space<semaphore_mem>>)
      %dma_wait3A_125 = tpu.memref_slice %arg2[%add3A_88] : memref<320000xi32, #tpu.memory_space<hbm>> -> memref<80xi32, #tpu.memory_space<hbm>>
      %dma_wait3A_126 = tpu.memref_slice %arg2[%add3A_88] : memref<320000xi32, #tpu.memory_space<hbm>> -> memref<80xi32, #tpu.memory_space<hbm>>
      tpu.wait_dma2 semaphore(%run_scoped3A : memref<!tpu.dma_semaphore, #tpu.memory_space<semaphore_mem>>) src(%dma_wait3A_126 : memref<80xi32, #tpu.memory_space<hbm>>) dst(%arg11 : memref<80xi32, #tpu.memory_space<vmem>>)
      tpu.yield
    }) : () -> ()
    "tpu.region"() ({
      %run_scoped3A = tpu.sem_alloc : memref<!tpu.dma_semaphore, #tpu.memory_space<semaphore_mem>>
      %dma_start3A_123 = tpu.memref_slice %arg3[%add3A_88] : memref<320000xi32, #tpu.memory_space<hbm>> -> memref<80xi32, #tpu.memory_space<hbm>>
      %dma_start3A_124 = tpu.memref_slice %arg3[%add3A_88] : memref<320000xi32, #tpu.memory_space<hbm>> -> memref<80xi32, #tpu.memory_space<hbm>>
      tpu.enqueue_dma source(%dma_start3A_124 : memref<80xi32, #tpu.memory_space<hbm>>) target(%arg13 : memref<80xi32, #tpu.memory_space<vmem>>) target_semaphore(%run_scoped3A : memref<!tpu.dma_semaphore, #tpu.memory_space<semaphore_mem>>)
      %dma_wait3A_125 = tpu.memref_slice %arg3[%add3A_88] : memref<320000xi32, #tpu.memory_space<hbm>> -> memref<80xi32, #tpu.memory_space<hbm>>
      %dma_wait3A_126 = tpu.memref_slice %arg3[%add3A_88] : memref<320000xi32, #tpu.memory_space<hbm>> -> memref<80xi32, #tpu.memory_space<hbm>>
      tpu.wait_dma2 semaphore(%run_scoped3A : memref<!tpu.dma_semaphore, #tpu.memory_space<semaphore_mem>>) src(%dma_wait3A_126 : memref<80xi32, #tpu.memory_space<hbm>>) dst(%arg13 : memref<80xi32, #tpu.memory_space<vmem>>)
      tpu.yield
    }) : () -> ()
    %dma_start3A = arith.constant 0 : i32
    %dma_start3A_89 = arith.constant 0 : i32
    %dma_start3A_90 = tpu.memref_slice %arg4[%dma_start3A, %dma_start3A_89] : memref<10000x128xf32, #tpu.memory_space<hbm>> -> memref<10000x128xf32, #tpu.memory_space<hbm>>
    tpu.enqueue_indirect_dma source(%dma_start3A_90 : memref<10000x128xf32, #tpu.memory_space<hbm>>) target(%arg15 : memref<80x128xf32, #tpu.memory_space<vmem>>) offsets(%arg11 : memref<80xi32, #tpu.memory_space<vmem>>) semaphore(%arg23 : memref<!tpu.dma_semaphore, #tpu.memory_space<semaphore_mem>>)
    %dma_start3A_91 = arith.constant 0 : i32
    %dma_start3A_92 = arith.constant 0 : i32
    %dma_start3A_93 = tpu.memref_slice %arg5[%dma_start3A_91, %dma_start3A_92] : memref<10000x16xf32, #tpu.memory_space<hbm>> -> memref<10000x16xf32, #tpu.memory_space<hbm>>
    tpu.enqueue_indirect_dma source(%dma_start3A_93 : memref<10000x16xf32, #tpu.memory_space<hbm>>) target(%arg17 : memref<80x16xf32, #tpu.memory_space<vmem>>) offsets(%arg11 : memref<80xi32, #tpu.memory_space<vmem>>) semaphore(%arg23 : memref<!tpu.dma_semaphore, #tpu.memory_space<semaphore_mem>>)
    %dma_start3A_94 = arith.constant 0 : i32
    %dma_start3A_95 = arith.constant 0 : i32
    %dma_start3A_96 = tpu.memref_slice %arg6[%dma_start3A_94, %dma_start3A_95] : memref<10000x16xf32, #tpu.memory_space<hbm>> -> memref<10000x16xf32, #tpu.memory_space<hbm>>
    tpu.enqueue_indirect_dma source(%dma_start3A_96 : memref<10000x16xf32, #tpu.memory_space<hbm>>) target(%arg19 : memref<80x16xf32, #tpu.memory_space<vmem>>) offsets(%arg13 : memref<80xi32, #tpu.memory_space<vmem>>) semaphore(%arg23 : memref<!tpu.dma_semaphore, #tpu.memory_space<semaphore_mem>>)
    %scan3A_97 = arith.constant 0 : i32
    %scan3A_98 = arith.constant 0 : i32
    %scan3A_99 = arith.constant 63 : i32
    %scan3A_100 = arith.addi %scan3A_98, %scan3A_99 : i32
    %scan3A_101 = arith.constant 1 : i32
    scf.for %scan3A_123 = %scan3A_98 to %scan3A_100 step %scan3A_101  : i32 {
      %mul3A_124 = arith.constant 2 : i32
      %mul3A_125 = arith.muli %mul3A_124, %scan3A_123 : i32
      %add3A_126 = arith.constant 0 : i32
      %add3A_127 = arith.addi %mul3A_125, %add3A_126 : i32
      %lt3A = arith.constant 125 : i32
      %lt3A_128 = arith.cmpi slt, %add3A_127, %lt3A : i32
      %convert_element_type3A = arith.extui %lt3A_128 : i1 to i32
      %cond3A = arith.constant 0 : i32
      %cond3A_129 = arith.cmpi ne, %convert_element_type3A, %cond3A : i32
      scf.if %cond3A_129 {
        %dma_wait3A_139 = arith.constant 0 : i32
        %dma_wait3A_140 = arith.constant 0 : i32
        %dma_wait3A_141 = tpu.memref_slice %arg4[%dma_wait3A_139, %dma_wait3A_140] : memref<10000x128xf32, #tpu.memory_space<hbm>> -> memref<10000x128xf32, #tpu.memory_space<hbm>>
        tpu.wait_indirect_dma semaphore(%arg23 : memref<!tpu.dma_semaphore, #tpu.memory_space<semaphore_mem>>) src(%dma_wait3A_141 : memref<10000x128xf32, #tpu.memory_space<hbm>>) dst(%arg15 : memref<80x128xf32, #tpu.memory_space<vmem>>)
        %dma_wait3A_142 = arith.constant 0 : i32
        %dma_wait3A_143 = arith.constant 0 : i32
        %dma_wait3A_144 = tpu.memref_slice %arg5[%dma_wait3A_142, %dma_wait3A_143] : memref<10000x16xf32, #tpu.memory_space<hbm>> -> memref<10000x16xf32, #tpu.memory_space<hbm>>
        tpu.wait_indirect_dma semaphore(%arg23 : memref<!tpu.dma_semaphore, #tpu.memory_space<semaphore_mem>>) src(%dma_wait3A_144 : memref<10000x16xf32, #tpu.memory_space<hbm>>) dst(%arg17 : memref<80x16xf32, #tpu.memory_space<vmem>>)
        %dma_wait3A_145 = arith.constant 0 : i32
        %dma_wait3A_146 = arith.constant 0 : i32
        %dma_wait3A_147 = tpu.memref_slice %arg6[%dma_wait3A_145, %dma_wait3A_146] : memref<10000x16xf32, #tpu.memory_space<hbm>> -> memref<10000x16xf32, #tpu.memory_space<hbm>>
        tpu.wait_indirect_dma semaphore(%arg23 : memref<!tpu.dma_semaphore, #tpu.memory_space<semaphore_mem>>) src(%dma_wait3A_147 : memref<10000x16xf32, #tpu.memory_space<hbm>>) dst(%arg19 : memref<80x16xf32, #tpu.memory_space<vmem>>)
        %add3A_148 = arith.constant 1 : i32
        %add3A_149 = arith.addi %add3A_127, %add3A_148 : i32
        %lt3A_150 = arith.constant 125 : i32
        %lt3A_151 = arith.cmpi slt, %add3A_149, %lt3A_150 : i32
        %convert_element_type3A_152 = arith.extui %lt3A_151 : i1 to i32
        %cond3A_153 = arith.constant 0 : i32
        %cond3A_154 = arith.cmpi ne, %convert_element_type3A_152, %cond3A_153 : i32
        scf.if %cond3A_154 {
          %ge3A = arith.constant 1 : i32
          %ge3A_167 = arith.cmpi sge, %add3A_127, %ge3A : i32
          %convert_element_type3A_168 = arith.extui %ge3A_167 : i1 to i32
          %cond3A_169 = arith.constant 0 : i32
          %cond3A_170 = arith.cmpi ne, %convert_element_type3A_168, %cond3A_169 : i32
          scf.if %cond3A_170 {
            %dma_wait3A_185 = arith.constant 0 : i32
            %dma_wait3A_186 = arith.constant 0 : i32
            %dma_wait3A_187 = tpu.memref_slice %arg9[%dma_wait3A_185, %dma_wait3A_186] : memref<10240x128xf32, #tpu.memory_space<vmem_shared>> -> memref<10240x128xf32, #tpu.memory_space<vmem_shared>>
            tpu.wait_indirect_dma semaphore(%arg26 : memref<!tpu.dma_semaphore, #tpu.memory_space<semaphore_mem>>) src(%arg16 : memref<80x128xf32, #tpu.memory_space<vmem>>) dst(%dma_wait3A_187 : memref<10240x128xf32, #tpu.memory_space<vmem_shared>>)
            %dma_wait3A_188 = arith.constant 0 : i32
            %dma_wait3A_189 = arith.constant 0 : i32
            %dma_wait3A_190 = tpu.memref_slice %arg10[%dma_wait3A_188, %dma_wait3A_189] : memref<10240x16xf32, #tpu.memory_space<vmem_shared>> -> memref<10240x16xf32, #tpu.memory_space<vmem_shared>>
            tpu.wait_indirect_dma semaphore(%arg26 : memref<!tpu.dma_semaphore, #tpu.memory_space<semaphore_mem>>) src(%arg22 : memref<80x16xf32, #tpu.memory_space<vmem>>) dst(%dma_wait3A_190 : memref<10240x16xf32, #tpu.memory_space<vmem_shared>>)
          } else {
          }
          %add3A_171 = arith.constant 1 : i32
          %add3A_172 = arith.addi %add3A_127, %add3A_171 : i32
          %mul3A_173 = arith.constant 80 : i32
          %mul3A_174 = arith.muli %add3A_172, %mul3A_173 : i32
          %add3A_175 = arith.addi %mul3A_71, %mul3A_174 : i32
          "tpu.region"() ({
            %run_scoped3A = tpu.sem_alloc : memref<!tpu.dma_semaphore, #tpu.memory_space<semaphore_mem>>
            %dma_start3A_185 = tpu.memref_slice %arg2[%add3A_175] : memref<320000xi32, #tpu.memory_space<hbm>> -> memref<80xi32, #tpu.memory_space<hbm>>
            %dma_start3A_186 = tpu.memref_slice %arg2[%add3A_175] : memref<320000xi32, #tpu.memory_space<hbm>> -> memref<80xi32, #tpu.memory_space<hbm>>
            tpu.enqueue_dma source(%dma_start3A_186 : memref<80xi32, #tpu.memory_space<hbm>>) target(%arg12 : memref<80xi32, #tpu.memory_space<vmem>>) target_semaphore(%run_scoped3A : memref<!tpu.dma_semaphore, #tpu.memory_space<semaphore_mem>>)
            %dma_wait3A_187 = tpu.memref_slice %arg2[%add3A_175] : memref<320000xi32, #tpu.memory_space<hbm>> -> memref<80xi32, #tpu.memory_space<hbm>>
            %dma_wait3A_188 = tpu.memref_slice %arg2[%add3A_175] : memref<320000xi32, #tpu.memory_space<hbm>> -> memref<80xi32, #tpu.memory_space<hbm>>
            tpu.wait_dma2 semaphore(%run_scoped3A : memref<!tpu.dma_semaphore, #tpu.memory_space<semaphore_mem>>) src(%dma_wait3A_188 : memref<80xi32, #tpu.memory_space<hbm>>) dst(%arg12 : memref<80xi32, #tpu.memory_space<vmem>>)
            tpu.yield
          }) : () -> ()
          "tpu.region"() ({
            %run_scoped3A = tpu.sem_alloc : memref<!tpu.dma_semaphore, #tpu.memory_space<semaphore_mem>>
            %dma_start3A_185 = tpu.memref_slice %arg3[%add3A_175] : memref<320000xi32, #tpu.memory_space<hbm>> -> memref<80xi32, #tpu.memory_space<hbm>>
            %dma_start3A_186 = tpu.memref_slice %arg3[%add3A_175] : memref<320000xi32, #tpu.memory_space<hbm>> -> memref<80xi32, #tpu.memory_space<hbm>>
            tpu.enqueue_dma source(%dma_start3A_186 : memref<80xi32, #tpu.memory_space<hbm>>) target(%arg14 : memref<80xi32, #tpu.memory_space<vmem>>) target_semaphore(%run_scoped3A : memref<!tpu.dma_semaphore, #tpu.memory_space<semaphore_mem>>)
            %dma_wait3A_187 = tpu.memref_slice %arg3[%add3A_175] : memref<320000xi32, #tpu.memory_space<hbm>> -> memref<80xi32, #tpu.memory_space<hbm>>
            %dma_wait3A_188 = tpu.memref_slice %arg3[%add3A_175] : memref<320000xi32, #tpu.memory_space<hbm>> -> memref<80xi32, #tpu.memory_space<hbm>>
            tpu.wait_dma2 semaphore(%run_scoped3A : memref<!tpu.dma_semaphore, #tpu.memory_space<semaphore_mem>>) src(%dma_wait3A_188 : memref<80xi32, #tpu.memory_space<hbm>>) dst(%arg14 : memref<80xi32, #tpu.memory_space<vmem>>)
            tpu.yield
          }) : () -> ()
          %dma_start3A_176 = arith.constant 0 : i32
          %dma_start3A_177 = arith.constant 0 : i32
          %dma_start3A_178 = tpu.memref_slice %arg4[%dma_start3A_176, %dma_start3A_177] : memref<10000x128xf32, #tpu.memory_space<hbm>> -> memref<10000x128xf32, #tpu.memory_space<hbm>>
          tpu.enqueue_indirect_dma source(%dma_start3A_178 : memref<10000x128xf32, #tpu.memory_space<hbm>>) target(%arg16 : memref<80x128xf32, #tpu.memory_space<vmem>>) offsets(%arg12 : memref<80xi32, #tpu.memory_space<vmem>>) semaphore(%arg24 : memref<!tpu.dma_semaphore, #tpu.memory_space<semaphore_mem>>)
          %dma_start3A_179 = arith.constant 0 : i32
          %dma_start3A_180 = arith.constant 0 : i32
          %dma_start3A_181 = tpu.memref_slice %arg5[%dma_start3A_179, %dma_start3A_180] : memref<10000x16xf32, #tpu.memory_space<hbm>> -> memref<10000x16xf32, #tpu.memory_space<hbm>>
          tpu.enqueue_indirect_dma source(%dma_start3A_181 : memref<10000x16xf32, #tpu.memory_space<hbm>>) target(%arg18 : memref<80x16xf32, #tpu.memory_space<vmem>>) offsets(%arg12 : memref<80xi32, #tpu.memory_space<vmem>>) semaphore(%arg24 : memref<!tpu.dma_semaphore, #tpu.memory_space<semaphore_mem>>)
          %dma_start3A_182 = arith.constant 0 : i32
          %dma_start3A_183 = arith.constant 0 : i32
          %dma_start3A_184 = tpu.memref_slice %arg6[%dma_start3A_182, %dma_start3A_183] : memref<10000x16xf32, #tpu.memory_space<hbm>> -> memref<10000x16xf32, #tpu.memory_space<hbm>>
          tpu.enqueue_indirect_dma source(%dma_start3A_184 : memref<10000x16xf32, #tpu.memory_space<hbm>>) target(%arg20 : memref<80x16xf32, #tpu.memory_space<vmem>>) offsets(%arg14 : memref<80xi32, #tpu.memory_space<vmem>>) semaphore(%arg24 : memref<!tpu.dma_semaphore, #tpu.memory_space<semaphore_mem>>)
        } else {
        }
        %scan3A_155 = arith.constant 0 : i32
        %scan3A_156 = arith.constant 0 : i32
        %scan3A_157 = arith.constant 80 : i32
        %scan3A_158 = arith.addi %scan3A_156, %scan3A_157 : i32
        %scan3A_159 = arith.constant 1 : i32
        scf.for %scan3A_167 = %scan3A_156 to %scan3A_158 step %scan3A_159  : i32 {
          %get3A = arith.index_cast %scan3A_167 : i32 to index
          %get3A_168 = arith.constant 0 : index
          %get3A_169 = tpu.vector_load %arg17[%get3A, %get3A_168] {strides = array<i32>} : memref<80x16xf32, #tpu.memory_space<vmem>>, vector<1x16xf32>,
          %get3A_170 = vector.shape_cast %get3A_169 : vector<1x16xf32> to vector<16xf32>
          %get3A_171 = arith.index_cast %scan3A_167 : i32 to index
          %get3A_172 = arith.constant 0 : index
          %get3A_173 = tpu.vector_load %arg19[%get3A_171, %get3A_172] {strides = array<i32>} : memref<80x16xf32, #tpu.memory_space<vmem>>, vector<1x16xf32>,
          %get3A_174 = vector.shape_cast %get3A_173 : vector<1x16xf32> to vector<16xf32>
          %add3A_175 = arith.addf %get3A_170, %get3A_174 : vector<16xf32>
          %mul3A_176 = arith.constant 2.000000e-01 : f32
          %mul3A_177 = vector.broadcast %mul3A_176 : f32 to vector<16xf32>
          %mul3A_178 = arith.mulf %mul3A_177, %add3A_175 : vector<16xf32>
          %max3A = arith.maximumf %add3A_175, %mul3A_178 : vector<16xf32>
          %exp3A = math.exp %max3A : vector<16xf32>
          %swap3A = arith.index_cast %scan3A_167 : i32 to index
          %swap3A_179 = arith.constant 0 : index
          %swap3A_180 = tpu.vector_load %arg21[%swap3A, %swap3A_179] {strides = array<i32>} : memref<80x16xf32, #tpu.memory_space<vmem>>, vector<1x16xf32>,
          %swap3A_181 = vector.shape_cast %swap3A_180 : vector<1x16xf32> to vector<16xf32>
          %swap3A_182 = vector.shape_cast %exp3A : vector<16xf32> to vector<1x16xf32>
          tpu.vector_store %arg21[%swap3A, %swap3A_179], %swap3A_182 {strides = array<i32>} : memref<80x16xf32, #tpu.memory_space<vmem>>, vector<1x16xf32>,
          %lt3A_183 = arith.constant 0 : i32
          %lt3A_184 = vector.broadcast %lt3A_183 : i32 to vector<16xi32>
          %lt3A_185 = arith.cmpi slt, %broadcast_in_dim3A_72, %lt3A_184 : vector<16xi32>
          %add3A_186 = arith.constant 16 : i32
          %add3A_187 = vector.broadcast %add3A_186 : i32 to vector<16xi32>
          %add3A_188 = arith.addi %broadcast_in_dim3A_72, %add3A_187 : vector<16xi32>
          %select_n3A = arith.select %lt3A_185, %add3A_188, %broadcast_in_dim3A_72 : vector<16xi1>, vector<16xi32>
          %broadcast_in_dim3A_189 = vector.shape_cast %select_n3A : vector<16xi32> to vector<16x1xi32>
          %gather3A = vector.shape_cast %broadcast_in_dim3A_189 : vector<16x1xi32> to vector<16xi32>
          %gather3A_190 = tpu.dynamic_gather %exp3A[%gather3A] in [0] : vector<16xf32>, vector<16xi32> -> vector<16xf32>
          %get3A_191 = arith.index_cast %scan3A_167 : i32 to index
          %get3A_192 = arith.constant 0 : index
          %get3A_193 = tpu.vector_load %arg15[%get3A_191, %get3A_192] {strides = array<i32>} : memref<80x128xf32, #tpu.memory_space<vmem>>, vector<1x16xf32>,
          %get3A_194 = vector.shape_cast %get3A_193 : vector<1x16xf32> to vector<16xf32>
          %mul3A_195 = arith.mulf %gather3A_190, %get3A_194 : vector<16xf32>
          %swap3A_196 = arith.index_cast %scan3A_167 : i32 to index
          %swap3A_197 = arith.constant 0 : index
          %swap3A_198 = tpu.vector_load %arg15[%swap3A_196, %swap3A_197] {strides = array<i32>} : memref<80x128xf32, #tpu.memory_space<vmem>>, vector<1x16xf32>,
          %swap3A_199 = vector.shape_cast %swap3A_198 : vector<1x16xf32> to vector<16xf32>
          %swap3A_200 = vector.shape_cast %mul3A_195 : vector<16xf32> to vector<1x16xf32>
          tpu.vector_store %arg15[%swap3A_196, %swap3A_197], %swap3A_200 {strides = array<i32>} : memref<80x128xf32, #tpu.memory_space<vmem>>, vector<1x16xf32>,
          %lt3A_201 = arith.constant 0 : i32
          %lt3A_202 = vector.broadcast %lt3A_201 : i32 to vector<16xi32>
          %lt3A_203 = arith.cmpi slt, %broadcast_in_dim3A_74, %lt3A_202 : vector<16xi32>
          %add3A_204 = arith.constant 16 : i32
          %add3A_205 = vector.broadcast %add3A_204 : i32 to vector<16xi32>
          %add3A_206 = arith.addi %broadcast_in_dim3A_74, %add3A_205 : vector<16xi32>
          %select_n3A_207 = arith.select %lt3A_203, %add3A_206, %broadcast_in_dim3A_74 : vector<16xi1>, vector<16xi32>
          %broadcast_in_dim3A_208 = vector.shape_cast %select_n3A_207 : vector<16xi32> to vector<16x1xi32>
          %gather3A_209 = vector.shape_cast %broadcast_in_dim3A_208 : vector<16x1xi32> to vector<16xi32>
          %gather3A_210 = tpu.dynamic_gather %exp3A[%gather3A_209] in [0] : vector<16xf32>, vector<16xi32> -> vector<16xf32>
          %get3A_211 = arith.index_cast %scan3A_167 : i32 to index
          %get3A_212 = arith.constant 16 : index
          %get3A_213 = tpu.vector_load %arg15[%get3A_211, %get3A_212] {strides = array<i32>} : memref<80x128xf32, #tpu.memory_space<vmem>>, vector<1x16xf32>,
          %get3A_214 = vector.shape_cast %get3A_213 : vector<1x16xf32> to vector<16xf32>
          %mul3A_215 = arith.mulf %gather3A_210, %get3A_214 : vector<16xf32>
          %swap3A_216 = arith.index_cast %scan3A_167 : i32 to index
          %swap3A_217 = arith.constant 16 : index
          %swap3A_218 = tpu.vector_load %arg15[%swap3A_216, %swap3A_217] {strides = array<i32>} : memref<80x128xf32, #tpu.memory_space<vmem>>, vector<1x16xf32>,
          %swap3A_219 = vector.shape_cast %swap3A_218 : vector<1x16xf32> to vector<16xf32>
          %swap3A_220 = vector.shape_cast %mul3A_215 : vector<16xf32> to vector<1x16xf32>
          tpu.vector_store %arg15[%swap3A_216, %swap3A_217], %swap3A_220 {strides = array<i32>} : memref<80x128xf32, #tpu.memory_space<vmem>>, vector<1x16xf32>,
          %lt3A_221 = arith.constant 0 : i32
          %lt3A_222 = vector.broadcast %lt3A_221 : i32 to vector<16xi32>
          %lt3A_223 = arith.cmpi slt, %broadcast_in_dim3A_76, %lt3A_222 : vector<16xi32>
          %add3A_224 = arith.constant 16 : i32
          %add3A_225 = vector.broadcast %add3A_224 : i32 to vector<16xi32>
          %add3A_226 = arith.addi %broadcast_in_dim3A_76, %add3A_225 : vector<16xi32>
          %select_n3A_227 = arith.select %lt3A_223, %add3A_226, %broadcast_in_dim3A_76 : vector<16xi1>, vector<16xi32>
          %broadcast_in_dim3A_228 = vector.shape_cast %select_n3A_227 : vector<16xi32> to vector<16x1xi32>
          %gather3A_229 = vector.shape_cast %broadcast_in_dim3A_228 : vector<16x1xi32> to vector<16xi32>
          %gather3A_230 = tpu.dynamic_gather %exp3A[%gather3A_229] in [0] : vector<16xf32>, vector<16xi32> -> vector<16xf32>
          %get3A_231 = arith.index_cast %scan3A_167 : i32 to index
          %get3A_232 = arith.constant 32 : index
          %get3A_233 = tpu.vector_load %arg15[%get3A_231, %get3A_232] {strides = array<i32>} : memref<80x128xf32, #tpu.memory_space<vmem>>, vector<1x16xf32>,
          %get3A_234 = vector.shape_cast %get3A_233 : vector<1x16xf32> to vector<16xf32>
          %mul3A_235 = arith.mulf %gather3A_230, %get3A_234 : vector<16xf32>
          %swap3A_236 = arith.index_cast %scan3A_167 : i32 to index
          %swap3A_237 = arith.constant 32 : index
          %swap3A_238 = tpu.vector_load %arg15[%swap3A_236, %swap3A_237] {strides = array<i32>} : memref<80x128xf32, #tpu.memory_space<vmem>>, vector<1x16xf32>,
          %swap3A_239 = vector.shape_cast %swap3A_238 : vector<1x16xf32> to vector<16xf32>
          %swap3A_240 = vector.shape_cast %mul3A_235 : vector<16xf32> to vector<1x16xf32>
          tpu.vector_store %arg15[%swap3A_236, %swap3A_237], %swap3A_240 {strides = array<i32>} : memref<80x128xf32, #tpu.memory_space<vmem>>, vector<1x16xf32>,
          %lt3A_241 = arith.constant 0 : i32
          %lt3A_242 = vector.broadcast %lt3A_241 : i32 to vector<16xi32>
          %lt3A_243 = arith.cmpi slt, %broadcast_in_dim3A_78, %lt3A_242 : vector<16xi32>
          %add3A_244 = arith.constant 16 : i32
          %add3A_245 = vector.broadcast %add3A_244 : i32 to vector<16xi32>
          %add3A_246 = arith.addi %broadcast_in_dim3A_78, %add3A_245 : vector<16xi32>
          %select_n3A_247 = arith.select %lt3A_243, %add3A_246, %broadcast_in_dim3A_78 : vector<16xi1>, vector<16xi32>
          %broadcast_in_dim3A_248 = vector.shape_cast %select_n3A_247 : vector<16xi32> to vector<16x1xi32>
          %gather3A_249 = vector.shape_cast %broadcast_in_dim3A_248 : vector<16x1xi32> to vector<16xi32>
          %gather3A_250 = tpu.dynamic_gather %exp3A[%gather3A_249] in [0] : vector<16xf32>, vector<16xi32> -> vector<16xf32>
          %get3A_251 = arith.index_cast %scan3A_167 : i32 to index
          %get3A_252 = arith.constant 48 : index
          %get3A_253 = tpu.vector_load %arg15[%get3A_251, %get3A_252] {strides = array<i32>} : memref<80x128xf32, #tpu.memory_space<vmem>>, vector<1x16xf32>,
          %get3A_254 = vector.shape_cast %get3A_253 : vector<1x16xf32> to vector<16xf32>
          %mul3A_255 = arith.mulf %gather3A_250, %get3A_254 : vector<16xf32>
          %swap3A_256 = arith.index_cast %scan3A_167 : i32 to index
          %swap3A_257 = arith.constant 48 : index
          %swap3A_258 = tpu.vector_load %arg15[%swap3A_256, %swap3A_257] {strides = array<i32>} : memref<80x128xf32, #tpu.memory_space<vmem>>, vector<1x16xf32>,
          %swap3A_259 = vector.shape_cast %swap3A_258 : vector<1x16xf32> to vector<16xf32>
          %swap3A_260 = vector.shape_cast %mul3A_255 : vector<16xf32> to vector<1x16xf32>
          tpu.vector_store %arg15[%swap3A_256, %swap3A_257], %swap3A_260 {strides = array<i32>} : memref<80x128xf32, #tpu.memory_space<vmem>>, vector<1x16xf32>,
          %lt3A_261 = arith.constant 0 : i32
          %lt3A_262 = vector.broadcast %lt3A_261 : i32 to vector<16xi32>
          %lt3A_263 = arith.cmpi slt, %broadcast_in_dim3A_80, %lt3A_262 : vector<16xi32>
          %add3A_264 = arith.constant 16 : i32
          %add3A_265 = vector.broadcast %add3A_264 : i32 to vector<16xi32>
          %add3A_266 = arith.addi %broadcast_in_dim3A_80, %add3A_265 : vector<16xi32>
          %select_n3A_267 = arith.select %lt3A_263, %add3A_266, %broadcast_in_dim3A_80 : vector<16xi1>, vector<16xi32>
          %broadcast_in_dim3A_268 = vector.shape_cast %select_n3A_267 : vector<16xi32> to vector<16x1xi32>
          %gather3A_269 = vector.shape_cast %broadcast_in_dim3A_268 : vector<16x1xi32> to vector<16xi32>
          %gather3A_270 = tpu.dynamic_gather %exp3A[%gather3A_269] in [0] : vector<16xf32>, vector<16xi32> -> vector<16xf32>
          %get3A_271 = arith.index_cast %scan3A_167 : i32 to index
          %get3A_272 = arith.constant 64 : index
          %get3A_273 = tpu.vector_load %arg15[%get3A_271, %get3A_272] {strides = array<i32>} : memref<80x128xf32, #tpu.memory_space<vmem>>, vector<1x16xf32>,
          %get3A_274 = vector.shape_cast %get3A_273 : vector<1x16xf32> to vector<16xf32>
          %mul3A_275 = arith.mulf %gather3A_270, %get3A_274 : vector<16xf32>
          %swap3A_276 = arith.index_cast %scan3A_167 : i32 to index
          %swap3A_277 = arith.constant 64 : index
          %swap3A_278 = tpu.vector_load %arg15[%swap3A_276, %swap3A_277] {strides = array<i32>} : memref<80x128xf32, #tpu.memory_space<vmem>>, vector<1x16xf32>,
          %swap3A_279 = vector.shape_cast %swap3A_278 : vector<1x16xf32> to vector<16xf32>
          %swap3A_280 = vector.shape_cast %mul3A_275 : vector<16xf32> to vector<1x16xf32>
          tpu.vector_store %arg15[%swap3A_276, %swap3A_277], %swap3A_280 {strides = array<i32>} : memref<80x128xf32, #tpu.memory_space<vmem>>, vector<1x16xf32>,
          %lt3A_281 = arith.constant 0 : i32
          %lt3A_282 = vector.broadcast %lt3A_281 : i32 to vector<16xi32>
          %lt3A_283 = arith.cmpi slt, %broadcast_in_dim3A_82, %lt3A_282 : vector<16xi32>
          %add3A_284 = arith.constant 16 : i32
          %add3A_285 = vector.broadcast %add3A_284 : i32 to vector<16xi32>
          %add3A_286 = arith.addi %broadcast_in_dim3A_82, %add3A_285 : vector<16xi32>
          %select_n3A_287 = arith.select %lt3A_283, %add3A_286, %broadcast_in_dim3A_82 : vector<16xi1>, vector<16xi32>
          %broadcast_in_dim3A_288 = vector.shape_cast %select_n3A_287 : vector<16xi32> to vector<16x1xi32>
          %gather3A_289 = vector.shape_cast %broadcast_in_dim3A_288 : vector<16x1xi32> to vector<16xi32>
          %gather3A_290 = tpu.dynamic_gather %exp3A[%gather3A_289] in [0] : vector<16xf32>, vector<16xi32> -> vector<16xf32>
          %get3A_291 = arith.index_cast %scan3A_167 : i32 to index
          %get3A_292 = arith.constant 80 : index
          %get3A_293 = tpu.vector_load %arg15[%get3A_291, %get3A_292] {strides = array<i32>} : memref<80x128xf32, #tpu.memory_space<vmem>>, vector<1x16xf32>,
          %get3A_294 = vector.shape_cast %get3A_293 : vector<1x16xf32> to vector<16xf32>
          %mul3A_295 = arith.mulf %gather3A_290, %get3A_294 : vector<16xf32>
          %swap3A_296 = arith.index_cast %scan3A_167 : i32 to index
          %swap3A_297 = arith.constant 80 : index
          %swap3A_298 = tpu.vector_load %arg15[%swap3A_296, %swap3A_297] {strides = array<i32>} : memref<80x128xf32, #tpu.memory_space<vmem>>, vector<1x16xf32>,
          %swap3A_299 = vector.shape_cast %swap3A_298 : vector<1x16xf32> to vector<16xf32>
          %swap3A_300 = vector.shape_cast %mul3A_295 : vector<16xf32> to vector<1x16xf32>
          tpu.vector_store %arg15[%swap3A_296, %swap3A_297], %swap3A_300 {strides = array<i32>} : memref<80x128xf32, #tpu.memory_space<vmem>>, vector<1x16xf32>,
          %lt3A_301 = arith.constant 0 : i32
          %lt3A_302 = vector.broadcast %lt3A_301 : i32 to vector<16xi32>
          %lt3A_303 = arith.cmpi slt, %broadcast_in_dim3A_84, %lt3A_302 : vector<16xi32>
          %add3A_304 = arith.constant 16 : i32
          %add3A_305 = vector.broadcast %add3A_304 : i32 to vector<16xi32>
          %add3A_306 = arith.addi %broadcast_in_dim3A_84, %add3A_305 : vector<16xi32>
          %select_n3A_307 = arith.select %lt3A_303, %add3A_306, %broadcast_in_dim3A_84 : vector<16xi1>, vector<16xi32>
          %broadcast_in_dim3A_308 = vector.shape_cast %select_n3A_307 : vector<16xi32> to vector<16x1xi32>
          %gather3A_309 = vector.shape_cast %broadcast_in_dim3A_308 : vector<16x1xi32> to vector<16xi32>
          %gather3A_310 = tpu.dynamic_gather %exp3A[%gather3A_309] in [0] : vector<16xf32>, vector<16xi32> -> vector<16xf32>
          %get3A_311 = arith.index_cast %scan3A_167 : i32 to index
          %get3A_312 = arith.constant 96 : index
          %get3A_313 = tpu.vector_load %arg15[%get3A_311, %get3A_312] {strides = array<i32>} : memref<80x128xf32, #tpu.memory_space<vmem>>, vector<1x16xf32>,
          %get3A_314 = vector.shape_cast %get3A_313 : vector<1x16xf32> to vector<16xf32>
          %mul3A_315 = arith.mulf %gather3A_310, %get3A_314 : vector<16xf32>
          %swap3A_316 = arith.index_cast %scan3A_167 : i32 to index
          %swap3A_317 = arith.constant 96 : index
          %swap3A_318 = tpu.vector_load %arg15[%swap3A_316, %swap3A_317] {strides = array<i32>} : memref<80x128xf32, #tpu.memory_space<vmem>>, vector<1x16xf32>,
          %swap3A_319 = vector.shape_cast %swap3A_318 : vector<1x16xf32> to vector<16xf32>
          %swap3A_320 = vector.shape_cast %mul3A_315 : vector<16xf32> to vector<1x16xf32>
          tpu.vector_store %arg15[%swap3A_316, %swap3A_317], %swap3A_320 {strides = array<i32>} : memref<80x128xf32, #tpu.memory_space<vmem>>, vector<1x16xf32>,
          %lt3A_321 = arith.constant 0 : i32
          %lt3A_322 = vector.broadcast %lt3A_321 : i32 to vector<16xi32>
          %lt3A_323 = arith.cmpi slt, %broadcast_in_dim3A_86, %lt3A_322 : vector<16xi32>
          %add3A_324 = arith.constant 16 : i32
          %add3A_325 = vector.broadcast %add3A_324 : i32 to vector<16xi32>
          %add3A_326 = arith.addi %broadcast_in_dim3A_86, %add3A_325 : vector<16xi32>
          %select_n3A_327 = arith.select %lt3A_323, %add3A_326, %broadcast_in_dim3A_86 : vector<16xi1>, vector<16xi32>
          %broadcast_in_dim3A_328 = vector.shape_cast %select_n3A_327 : vector<16xi32> to vector<16x1xi32>
          %gather3A_329 = vector.shape_cast %broadcast_in_dim3A_328 : vector<16x1xi32> to vector<16xi32>
          %gather3A_330 = tpu.dynamic_gather %exp3A[%gather3A_329] in [0] : vector<16xf32>, vector<16xi32> -> vector<16xf32>
          %get3A_331 = arith.index_cast %scan3A_167 : i32 to index
          %get3A_332 = arith.constant 112 : index
          %get3A_333 = tpu.vector_load %arg15[%get3A_331, %get3A_332] {strides = array<i32>} : memref<80x128xf32, #tpu.memory_space<vmem>>, vector<1x16xf32>,
          %get3A_334 = vector.shape_cast %get3A_333 : vector<1x16xf32> to vector<16xf32>
          %mul3A_335 = arith.mulf %gather3A_330, %get3A_334 : vector<16xf32>
          %swap3A_336 = arith.index_cast %scan3A_167 : i32 to index
          %swap3A_337 = arith.constant 112 : index
          %swap3A_338 = tpu.vector_load %arg15[%swap3A_336, %swap3A_337] {strides = array<i32>} : memref<80x128xf32, #tpu.memory_space<vmem>>, vector<1x16xf32>,
          %swap3A_339 = vector.shape_cast %swap3A_338 : vector<1x16xf32> to vector<16xf32>
          %swap3A_340 = vector.shape_cast %mul3A_335 : vector<16xf32> to vector<1x16xf32>
          tpu.vector_store %arg15[%swap3A_336, %swap3A_337], %swap3A_340 {strides = array<i32>} : memref<80x128xf32, #tpu.memory_space<vmem>>, vector<1x16xf32>,
        }
        %scan3A_160 = arith.constant 80 : i32
        %dma_start3A_161 = arith.constant 0 : i32
        %dma_start3A_162 = arith.constant 0 : i32
        %dma_start3A_163 = tpu.memref_slice %arg9[%dma_start3A_161, %dma_start3A_162] : memref<10240x128xf32, #tpu.memory_space<vmem_shared>> -> memref<10240x128xf32, #tpu.memory_space<vmem_shared>>
        tpu.enqueue_indirect_dma source(%arg15 : memref<80x128xf32, #tpu.memory_space<vmem>>) target(%dma_start3A_163 : memref<10240x128xf32, #tpu.memory_space<vmem_shared>>) offsets(%arg13 : memref<80xi32, #tpu.memory_space<vmem>>) semaphore(%arg25 : memref<!tpu.dma_semaphore, #tpu.memory_space<semaphore_mem>>) {add = true}
        %dma_start3A_164 = arith.constant 0 : i32
        %dma_start3A_165 = arith.constant 0 : i32
        %dma_start3A_166 = tpu.memref_slice %arg10[%dma_start3A_164, %dma_start3A_165] : memref<10240x16xf32, #tpu.memory_space<vmem_shared>> -> memref<10240x16xf32, #tpu.memory_space<vmem_shared>>
        tpu.enqueue_indirect_dma source(%arg21 : memref<80x16xf32, #tpu.memory_space<vmem>>) target(%dma_start3A_166 : memref<10240x16xf32, #tpu.memory_space<vmem_shared>>) offsets(%arg13 : memref<80xi32, #tpu.memory_space<vmem>>) semaphore(%arg25 : memref<!tpu.dma_semaphore, #tpu.memory_space<semaphore_mem>>) {add = true}
      } else {
      }
      %mul3A_130 = arith.constant 2 : i32
      %mul3A_131 = arith.muli %mul3A_130, %scan3A_123 : i32
      %add3A_132 = arith.constant 1 : i32
      %add3A_133 = arith.addi %mul3A_131, %add3A_132 : i32
      %lt3A_134 = arith.constant 125 : i32
      %lt3A_135 = arith.cmpi slt, %add3A_133, %lt3A_134 : i32
      %convert_element_type3A_136 = arith.extui %lt3A_135 : i1 to i32
      %cond3A_137 = arith.constant 0 : i32
      %cond3A_138 = arith.cmpi ne, %convert_element_type3A_136, %cond3A_137 : i32
      scf.if %cond3A_138 {
        %dma_wait3A_139 = arith.constant 0 : i32
        %dma_wait3A_140 = arith.constant 0 : i32
        %dma_wait3A_141 = tpu.memref_slice %arg4[%dma_wait3A_139, %dma_wait3A_140] : memref<10000x128xf32, #tpu.memory_space<hbm>> -> memref<10000x128xf32, #tpu.memory_space<hbm>>
        tpu.wait_indirect_dma semaphore(%arg24 : memref<!tpu.dma_semaphore, #tpu.memory_space<semaphore_mem>>) src(%dma_wait3A_141 : memref<10000x128xf32, #tpu.memory_space<hbm>>) dst(%arg16 : memref<80x128xf32, #tpu.memory_space<vmem>>)
        %dma_wait3A_142 = arith.constant 0 : i32
        %dma_wait3A_143 = arith.constant 0 : i32
        %dma_wait3A_144 = tpu.memref_slice %arg5[%dma_wait3A_142, %dma_wait3A_143] : memref<10000x16xf32, #tpu.memory_space<hbm>> -> memref<10000x16xf32, #tpu.memory_space<hbm>>
        tpu.wait_indirect_dma semaphore(%arg24 : memref<!tpu.dma_semaphore, #tpu.memory_space<semaphore_mem>>) src(%dma_wait3A_144 : memref<10000x16xf32, #tpu.memory_space<hbm>>) dst(%arg18 : memref<80x16xf32, #tpu.memory_space<vmem>>)
        %dma_wait3A_145 = arith.constant 0 : i32
        %dma_wait3A_146 = arith.constant 0 : i32
        %dma_wait3A_147 = tpu.memref_slice %arg6[%dma_wait3A_145, %dma_wait3A_146] : memref<10000x16xf32, #tpu.memory_space<hbm>> -> memref<10000x16xf32, #tpu.memory_space<hbm>>
        tpu.wait_indirect_dma semaphore(%arg24 : memref<!tpu.dma_semaphore, #tpu.memory_space<semaphore_mem>>) src(%dma_wait3A_147 : memref<10000x16xf32, #tpu.memory_space<hbm>>) dst(%arg20 : memref<80x16xf32, #tpu.memory_space<vmem>>)
        %add3A_148 = arith.constant 1 : i32
        %add3A_149 = arith.addi %add3A_133, %add3A_148 : i32
        %lt3A_150 = arith.constant 125 : i32
        %lt3A_151 = arith.cmpi slt, %add3A_149, %lt3A_150 : i32
        %convert_element_type3A_152 = arith.extui %lt3A_151 : i1 to i32
        %cond3A_153 = arith.constant 0 : i32
        %cond3A_154 = arith.cmpi ne, %convert_element_type3A_152, %cond3A_153 : i32
        scf.if %cond3A_154 {
          %ge3A = arith.constant 1 : i32
          %ge3A_167 = arith.cmpi sge, %add3A_133, %ge3A : i32
          %convert_element_type3A_168 = arith.extui %ge3A_167 : i1 to i32
          %cond3A_169 = arith.constant 0 : i32
          %cond3A_170 = arith.cmpi ne, %convert_element_type3A_168, %cond3A_169 : i32
          scf.if %cond3A_170 {
            %dma_wait3A_185 = arith.constant 0 : i32
            %dma_wait3A_186 = arith.constant 0 : i32
            %dma_wait3A_187 = tpu.memref_slice %arg9[%dma_wait3A_185, %dma_wait3A_186] : memref<10240x128xf32, #tpu.memory_space<vmem_shared>> -> memref<10240x128xf32, #tpu.memory_space<vmem_shared>>
            tpu.wait_indirect_dma semaphore(%arg25 : memref<!tpu.dma_semaphore, #tpu.memory_space<semaphore_mem>>) src(%arg15 : memref<80x128xf32, #tpu.memory_space<vmem>>) dst(%dma_wait3A_187 : memref<10240x128xf32, #tpu.memory_space<vmem_shared>>)
            %dma_wait3A_188 = arith.constant 0 : i32
            %dma_wait3A_189 = arith.constant 0 : i32
            %dma_wait3A_190 = tpu.memref_slice %arg10[%dma_wait3A_188, %dma_wait3A_189] : memref<10240x16xf32, #tpu.memory_space<vmem_shared>> -> memref<10240x16xf32, #tpu.memory_space<vmem_shared>>
            tpu.wait_indirect_dma semaphore(%arg25 : memref<!tpu.dma_semaphore, #tpu.memory_space<semaphore_mem>>) src(%arg21 : memref<80x16xf32, #tpu.memory_space<vmem>>) dst(%dma_wait3A_190 : memref<10240x16xf32, #tpu.memory_space<vmem_shared>>)
          } else {
          }
          %add3A_171 = arith.constant 1 : i32
          %add3A_172 = arith.addi %add3A_133, %add3A_171 : i32
          %mul3A_173 = arith.constant 80 : i32
          %mul3A_174 = arith.muli %add3A_172, %mul3A_173 : i32
          %add3A_175 = arith.addi %mul3A_71, %mul3A_174 : i32
          "tpu.region"() ({
            %run_scoped3A = tpu.sem_alloc : memref<!tpu.dma_semaphore, #tpu.memory_space<semaphore_mem>>
            %dma_start3A_185 = tpu.memref_slice %arg2[%add3A_175] : memref<320000xi32, #tpu.memory_space<hbm>> -> memref<80xi32, #tpu.memory_space<hbm>>
            %dma_start3A_186 = tpu.memref_slice %arg2[%add3A_175] : memref<320000xi32, #tpu.memory_space<hbm>> -> memref<80xi32, #tpu.memory_space<hbm>>
            tpu.enqueue_dma source(%dma_start3A_186 : memref<80xi32, #tpu.memory_space<hbm>>) target(%arg11 : memref<80xi32, #tpu.memory_space<vmem>>) target_semaphore(%run_scoped3A : memref<!tpu.dma_semaphore, #tpu.memory_space<semaphore_mem>>)
            %dma_wait3A_187 = tpu.memref_slice %arg2[%add3A_175] : memref<320000xi32, #tpu.memory_space<hbm>> -> memref<80xi32, #tpu.memory_space<hbm>>
            %dma_wait3A_188 = tpu.memref_slice %arg2[%add3A_175] : memref<320000xi32, #tpu.memory_space<hbm>> -> memref<80xi32, #tpu.memory_space<hbm>>
            tpu.wait_dma2 semaphore(%run_scoped3A : memref<!tpu.dma_semaphore, #tpu.memory_space<semaphore_mem>>) src(%dma_wait3A_188 : memref<80xi32, #tpu.memory_space<hbm>>) dst(%arg11 : memref<80xi32, #tpu.memory_space<vmem>>)
            tpu.yield
          }) : () -> ()
          "tpu.region"() ({
            %run_scoped3A = tpu.sem_alloc : memref<!tpu.dma_semaphore, #tpu.memory_space<semaphore_mem>>
            %dma_start3A_185 = tpu.memref_slice %arg3[%add3A_175] : memref<320000xi32, #tpu.memory_space<hbm>> -> memref<80xi32, #tpu.memory_space<hbm>>
            %dma_start3A_186 = tpu.memref_slice %arg3[%add3A_175] : memref<320000xi32, #tpu.memory_space<hbm>> -> memref<80xi32, #tpu.memory_space<hbm>>
            tpu.enqueue_dma source(%dma_start3A_186 : memref<80xi32, #tpu.memory_space<hbm>>) target(%arg13 : memref<80xi32, #tpu.memory_space<vmem>>) target_semaphore(%run_scoped3A : memref<!tpu.dma_semaphore, #tpu.memory_space<semaphore_mem>>)
            %dma_wait3A_187 = tpu.memref_slice %arg3[%add3A_175] : memref<320000xi32, #tpu.memory_space<hbm>> -> memref<80xi32, #tpu.memory_space<hbm>>
            %dma_wait3A_188 = tpu.memref_slice %arg3[%add3A_175] : memref<320000xi32, #tpu.memory_space<hbm>> -> memref<80xi32, #tpu.memory_space<hbm>>
            tpu.wait_dma2 semaphore(%run_scoped3A : memref<!tpu.dma_semaphore, #tpu.memory_space<semaphore_mem>>) src(%dma_wait3A_188 : memref<80xi32, #tpu.memory_space<hbm>>) dst(%arg13 : memref<80xi32, #tpu.memory_space<vmem>>)
            tpu.yield
          }) : () -> ()
          %dma_start3A_176 = arith.constant 0 : i32
          %dma_start3A_177 = arith.constant 0 : i32
          %dma_start3A_178 = tpu.memref_slice %arg4[%dma_start3A_176, %dma_start3A_177] : memref<10000x128xf32, #tpu.memory_space<hbm>> -> memref<10000x128xf32, #tpu.memory_space<hbm>>
          tpu.enqueue_indirect_dma source(%dma_start3A_178 : memref<10000x128xf32, #tpu.memory_space<hbm>>) target(%arg15 : memref<80x128xf32, #tpu.memory_space<vmem>>) offsets(%arg11 : memref<80xi32, #tpu.memory_space<vmem>>) semaphore(%arg23 : memref<!tpu.dma_semaphore, #tpu.memory_space<semaphore_mem>>)
          %dma_start3A_179 = arith.constant 0 : i32
          %dma_start3A_180 = arith.constant 0 : i32
          %dma_start3A_181 = tpu.memref_slice %arg5[%dma_start3A_179, %dma_start3A_180] : memref<10000x16xf32, #tpu.memory_space<hbm>> -> memref<10000x16xf32, #tpu.memory_space<hbm>>
          tpu.enqueue_indirect_dma source(%dma_start3A_181 : memref<10000x16xf32, #tpu.memory_space<hbm>>) target(%arg17 : memref<80x16xf32, #tpu.memory_space<vmem>>) offsets(%arg11 : memref<80xi32, #tpu.memory_space<vmem>>) semaphore(%arg23 : memref<!tpu.dma_semaphore, #tpu.memory_space<semaphore_mem>>)
          %dma_start3A_182 = arith.constant 0 : i32
          %dma_start3A_183 = arith.constant 0 : i32
          %dma_start3A_184 = tpu.memref_slice %arg6[%dma_start3A_182, %dma_start3A_183] : memref<10000x16xf32, #tpu.memory_space<hbm>> -> memref<10000x16xf32, #tpu.memory_space<hbm>>
          tpu.enqueue_indirect_dma source(%dma_start3A_184 : memref<10000x16xf32, #tpu.memory_space<hbm>>) target(%arg19 : memref<80x16xf32, #tpu.memory_space<vmem>>) offsets(%arg13 : memref<80xi32, #tpu.memory_space<vmem>>) semaphore(%arg23 : memref<!tpu.dma_semaphore, #tpu.memory_space<semaphore_mem>>)
        } else {
        }
        %scan3A_155 = arith.constant 0 : i32
        %scan3A_156 = arith.constant 0 : i32
        %scan3A_157 = arith.constant 80 : i32
        %scan3A_158 = arith.addi %scan3A_156, %scan3A_157 : i32
        %scan3A_159 = arith.constant 1 : i32
        scf.for %scan3A_167 = %scan3A_156 to %scan3A_158 step %scan3A_159  : i32 {
          %get3A = arith.index_cast %scan3A_167 : i32 to index
          %get3A_168 = arith.constant 0 : index
          %get3A_169 = tpu.vector_load %arg18[%get3A, %get3A_168] {strides = array<i32>} : memref<80x16xf32, #tpu.memory_space<vmem>>, vector<1x16xf32>,
          %get3A_170 = vector.shape_cast %get3A_169 : vector<1x16xf32> to vector<16xf32>
          %get3A_171 = arith.index_cast %scan3A_167 : i32 to index
          %get3A_172 = arith.constant 0 : index
          %get3A_173 = tpu.vector_load %arg20[%get3A_171, %get3A_172] {strides = array<i32>} : memref<80x16xf32, #tpu.memory_space<vmem>>, vector<1x16xf32>,
          %get3A_174 = vector.shape_cast %get3A_173 : vector<1x16xf32> to vector<16xf32>
          %add3A_175 = arith.addf %get3A_170, %get3A_174 : vector<16xf32>
          %mul3A_176 = arith.constant 2.000000e-01 : f32
          %mul3A_177 = vector.broadcast %mul3A_176 : f32 to vector<16xf32>
          %mul3A_178 = arith.mulf %mul3A_177, %add3A_175 : vector<16xf32>
          %max3A = arith.maximumf %add3A_175, %mul3A_178 : vector<16xf32>
          %exp3A = math.exp %max3A : vector<16xf32>
          %swap3A = arith.index_cast %scan3A_167 : i32 to index
          %swap3A_179 = arith.constant 0 : index
          %swap3A_180 = tpu.vector_load %arg22[%swap3A, %swap3A_179] {strides = array<i32>} : memref<80x16xf32, #tpu.memory_space<vmem>>, vector<1x16xf32>,
          %swap3A_181 = vector.shape_cast %swap3A_180 : vector<1x16xf32> to vector<16xf32>
          %swap3A_182 = vector.shape_cast %exp3A : vector<16xf32> to vector<1x16xf32>
          tpu.vector_store %arg22[%swap3A, %swap3A_179], %swap3A_182 {strides = array<i32>} : memref<80x16xf32, #tpu.memory_space<vmem>>, vector<1x16xf32>,
          %lt3A_183 = arith.constant 0 : i32
          %lt3A_184 = vector.broadcast %lt3A_183 : i32 to vector<16xi32>
          %lt3A_185 = arith.cmpi slt, %broadcast_in_dim3A_72, %lt3A_184 : vector<16xi32>
          %add3A_186 = arith.constant 16 : i32
          %add3A_187 = vector.broadcast %add3A_186 : i32 to vector<16xi32>
          %add3A_188 = arith.addi %broadcast_in_dim3A_72, %add3A_187 : vector<16xi32>
          %select_n3A = arith.select %lt3A_185, %add3A_188, %broadcast_in_dim3A_72 : vector<16xi1>, vector<16xi32>
          %broadcast_in_dim3A_189 = vector.shape_cast %select_n3A : vector<16xi32> to vector<16x1xi32>
          %gather3A = vector.shape_cast %broadcast_in_dim3A_189 : vector<16x1xi32> to vector<16xi32>
          %gather3A_190 = tpu.dynamic_gather %exp3A[%gather3A] in [0] : vector<16xf32>, vector<16xi32> -> vector<16xf32>
          %get3A_191 = arith.index_cast %scan3A_167 : i32 to index
          %get3A_192 = arith.constant 0 : index
          %get3A_193 = tpu.vector_load %arg16[%get3A_191, %get3A_192] {strides = array<i32>} : memref<80x128xf32, #tpu.memory_space<vmem>>, vector<1x16xf32>,
          %get3A_194 = vector.shape_cast %get3A_193 : vector<1x16xf32> to vector<16xf32>
          %mul3A_195 = arith.mulf %gather3A_190, %get3A_194 : vector<16xf32>
          %swap3A_196 = arith.index_cast %scan3A_167 : i32 to index
          %swap3A_197 = arith.constant 0 : index
          %swap3A_198 = tpu.vector_load %arg16[%swap3A_196, %swap3A_197] {strides = array<i32>} : memref<80x128xf32, #tpu.memory_space<vmem>>, vector<1x16xf32>,
          %swap3A_199 = vector.shape_cast %swap3A_198 : vector<1x16xf32> to vector<16xf32>
          %swap3A_200 = vector.shape_cast %mul3A_195 : vector<16xf32> to vector<1x16xf32>
          tpu.vector_store %arg16[%swap3A_196, %swap3A_197], %swap3A_200 {strides = array<i32>} : memref<80x128xf32, #tpu.memory_space<vmem>>, vector<1x16xf32>,
          %lt3A_201 = arith.constant 0 : i32
          %lt3A_202 = vector.broadcast %lt3A_201 : i32 to vector<16xi32>
          %lt3A_203 = arith.cmpi slt, %broadcast_in_dim3A_74, %lt3A_202 : vector<16xi32>
          %add3A_204 = arith.constant 16 : i32
          %add3A_205 = vector.broadcast %add3A_204 : i32 to vector<16xi32>
          %add3A_206 = arith.addi %broadcast_in_dim3A_74, %add3A_205 : vector<16xi32>
          %select_n3A_207 = arith.select %lt3A_203, %add3A_206, %broadcast_in_dim3A_74 : vector<16xi1>, vector<16xi32>
          %broadcast_in_dim3A_208 = vector.shape_cast %select_n3A_207 : vector<16xi32> to vector<16x1xi32>
          %gather3A_209 = vector.shape_cast %broadcast_in_dim3A_208 : vector<16x1xi32> to vector<16xi32>
          %gather3A_210 = tpu.dynamic_gather %exp3A[%gather3A_209] in [0] : vector<16xf32>, vector<16xi32> -> vector<16xf32>
          %get3A_211 = arith.index_cast %scan3A_167 : i32 to index
          %get3A_212 = arith.constant 16 : index
          %get3A_213 = tpu.vector_load %arg16[%get3A_211, %get3A_212] {strides = array<i32>} : memref<80x128xf32, #tpu.memory_space<vmem>>, vector<1x16xf32>,
          %get3A_214 = vector.shape_cast %get3A_213 : vector<1x16xf32> to vector<16xf32>
          %mul3A_215 = arith.mulf %gather3A_210, %get3A_214 : vector<16xf32>
          %swap3A_216 = arith.index_cast %scan3A_167 : i32 to index
          %swap3A_217 = arith.constant 16 : index
          %swap3A_218 = tpu.vector_load %arg16[%swap3A_216, %swap3A_217] {strides = array<i32>} : memref<80x128xf32, #tpu.memory_space<vmem>>, vector<1x16xf32>,
          %swap3A_219 = vector.shape_cast %swap3A_218 : vector<1x16xf32> to vector<16xf32>
          %swap3A_220 = vector.shape_cast %mul3A_215 : vector<16xf32> to vector<1x16xf32>
          tpu.vector_store %arg16[%swap3A_216, %swap3A_217], %swap3A_220 {strides = array<i32>} : memref<80x128xf32, #tpu.memory_space<vmem>>, vector<1x16xf32>,
          %lt3A_221 = arith.constant 0 : i32
          %lt3A_222 = vector.broadcast %lt3A_221 : i32 to vector<16xi32>
          %lt3A_223 = arith.cmpi slt, %broadcast_in_dim3A_76, %lt3A_222 : vector<16xi32>
          %add3A_224 = arith.constant 16 : i32
          %add3A_225 = vector.broadcast %add3A_224 : i32 to vector<16xi32>
          %add3A_226 = arith.addi %broadcast_in_dim3A_76, %add3A_225 : vector<16xi32>
          %select_n3A_227 = arith.select %lt3A_223, %add3A_226, %broadcast_in_dim3A_76 : vector<16xi1>, vector<16xi32>
          %broadcast_in_dim3A_228 = vector.shape_cast %select_n3A_227 : vector<16xi32> to vector<16x1xi32>
          %gather3A_229 = vector.shape_cast %broadcast_in_dim3A_228 : vector<16x1xi32> to vector<16xi32>
          %gather3A_230 = tpu.dynamic_gather %exp3A[%gather3A_229] in [0] : vector<16xf32>, vector<16xi32> -> vector<16xf32>
          %get3A_231 = arith.index_cast %scan3A_167 : i32 to index
          %get3A_232 = arith.constant 32 : index
          %get3A_233 = tpu.vector_load %arg16[%get3A_231, %get3A_232] {strides = array<i32>} : memref<80x128xf32, #tpu.memory_space<vmem>>, vector<1x16xf32>,
          %get3A_234 = vector.shape_cast %get3A_233 : vector<1x16xf32> to vector<16xf32>
          %mul3A_235 = arith.mulf %gather3A_230, %get3A_234 : vector<16xf32>
          %swap3A_236 = arith.index_cast %scan3A_167 : i32 to index
          %swap3A_237 = arith.constant 32 : index
          %swap3A_238 = tpu.vector_load %arg16[%swap3A_236, %swap3A_237] {strides = array<i32>} : memref<80x128xf32, #tpu.memory_space<vmem>>, vector<1x16xf32>,
          %swap3A_239 = vector.shape_cast %swap3A_238 : vector<1x16xf32> to vector<16xf32>
          %swap3A_240 = vector.shape_cast %mul3A_235 : vector<16xf32> to vector<1x16xf32>
          tpu.vector_store %arg16[%swap3A_236, %swap3A_237], %swap3A_240 {strides = array<i32>} : memref<80x128xf32, #tpu.memory_space<vmem>>, vector<1x16xf32>,
          %lt3A_241 = arith.constant 0 : i32
          %lt3A_242 = vector.broadcast %lt3A_241 : i32 to vector<16xi32>
          %lt3A_243 = arith.cmpi slt, %broadcast_in_dim3A_78, %lt3A_242 : vector<16xi32>
          %add3A_244 = arith.constant 16 : i32
          %add3A_245 = vector.broadcast %add3A_244 : i32 to vector<16xi32>
          %add3A_246 = arith.addi %broadcast_in_dim3A_78, %add3A_245 : vector<16xi32>
          %select_n3A_247 = arith.select %lt3A_243, %add3A_246, %broadcast_in_dim3A_78 : vector<16xi1>, vector<16xi32>
          %broadcast_in_dim3A_248 = vector.shape_cast %select_n3A_247 : vector<16xi32> to vector<16x1xi32>
          %gather3A_249 = vector.shape_cast %broadcast_in_dim3A_248 : vector<16x1xi32> to vector<16xi32>
          %gather3A_250 = tpu.dynamic_gather %exp3A[%gather3A_249] in [0] : vector<16xf32>, vector<16xi32> -> vector<16xf32>
          %get3A_251 = arith.index_cast %scan3A_167 : i32 to index
          %get3A_252 = arith.constant 48 : index
          %get3A_253 = tpu.vector_load %arg16[%get3A_251, %get3A_252] {strides = array<i32>} : memref<80x128xf32, #tpu.memory_space<vmem>>, vector<1x16xf32>,
          %get3A_254 = vector.shape_cast %get3A_253 : vector<1x16xf32> to vector<16xf32>
          %mul3A_255 = arith.mulf %gather3A_250, %get3A_254 : vector<16xf32>
          %swap3A_256 = arith.index_cast %scan3A_167 : i32 to index
          %swap3A_257 = arith.constant 48 : index
          %swap3A_258 = tpu.vector_load %arg16[%swap3A_256, %swap3A_257] {strides = array<i32>} : memref<80x128xf32, #tpu.memory_space<vmem>>, vector<1x16xf32>,
          %swap3A_259 = vector.shape_cast %swap3A_258 : vector<1x16xf32> to vector<16xf32>
          %swap3A_260 = vector.shape_cast %mul3A_255 : vector<16xf32> to vector<1x16xf32>
          tpu.vector_store %arg16[%swap3A_256, %swap3A_257], %swap3A_260 {strides = array<i32>} : memref<80x128xf32, #tpu.memory_space<vmem>>, vector<1x16xf32>,
          %lt3A_261 = arith.constant 0 : i32
          %lt3A_262 = vector.broadcast %lt3A_261 : i32 to vector<16xi32>
          %lt3A_263 = arith.cmpi slt, %broadcast_in_dim3A_80, %lt3A_262 : vector<16xi32>
          %add3A_264 = arith.constant 16 : i32
          %add3A_265 = vector.broadcast %add3A_264 : i32 to vector<16xi32>
          %add3A_266 = arith.addi %broadcast_in_dim3A_80, %add3A_265 : vector<16xi32>
          %select_n3A_267 = arith.select %lt3A_263, %add3A_266, %broadcast_in_dim3A_80 : vector<16xi1>, vector<16xi32>
          %broadcast_in_dim3A_268 = vector.shape_cast %select_n3A_267 : vector<16xi32> to vector<16x1xi32>
          %gather3A_269 = vector.shape_cast %broadcast_in_dim3A_268 : vector<16x1xi32> to vector<16xi32>
          %gather3A_270 = tpu.dynamic_gather %exp3A[%gather3A_269] in [0] : vector<16xf32>, vector<16xi32> -> vector<16xf32>
          %get3A_271 = arith.index_cast %scan3A_167 : i32 to index
          %get3A_272 = arith.constant 64 : index
          %get3A_273 = tpu.vector_load %arg16[%get3A_271, %get3A_272] {strides = array<i32>} : memref<80x128xf32, #tpu.memory_space<vmem>>, vector<1x16xf32>,
          %get3A_274 = vector.shape_cast %get3A_273 : vector<1x16xf32> to vector<16xf32>
          %mul3A_275 = arith.mulf %gather3A_270, %get3A_274 : vector<16xf32>
          %swap3A_276 = arith.index_cast %scan3A_167 : i32 to index
          %swap3A_277 = arith.constant 64 : index
          %swap3A_278 = tpu.vector_load %arg16[%swap3A_276, %swap3A_277] {strides = array<i32>} : memref<80x128xf32, #tpu.memory_space<vmem>>, vector<1x16xf32>,
          %swap3A_279 = vector.shape_cast %swap3A_278 : vector<1x16xf32> to vector<16xf32>
          %swap3A_280 = vector.shape_cast %mul3A_275 : vector<16xf32> to vector<1x16xf32>
          tpu.vector_store %arg16[%swap3A_276, %swap3A_277], %swap3A_280 {strides = array<i32>} : memref<80x128xf32, #tpu.memory_space<vmem>>, vector<1x16xf32>,
          %lt3A_281 = arith.constant 0 : i32
          %lt3A_282 = vector.broadcast %lt3A_281 : i32 to vector<16xi32>
          %lt3A_283 = arith.cmpi slt, %broadcast_in_dim3A_82, %lt3A_282 : vector<16xi32>
          %add3A_284 = arith.constant 16 : i32
          %add3A_285 = vector.broadcast %add3A_284 : i32 to vector<16xi32>
          %add3A_286 = arith.addi %broadcast_in_dim3A_82, %add3A_285 : vector<16xi32>
          %select_n3A_287 = arith.select %lt3A_283, %add3A_286, %broadcast_in_dim3A_82 : vector<16xi1>, vector<16xi32>
          %broadcast_in_dim3A_288 = vector.shape_cast %select_n3A_287 : vector<16xi32> to vector<16x1xi32>
          %gather3A_289 = vector.shape_cast %broadcast_in_dim3A_288 : vector<16x1xi32> to vector<16xi32>
          %gather3A_290 = tpu.dynamic_gather %exp3A[%gather3A_289] in [0] : vector<16xf32>, vector<16xi32> -> vector<16xf32>
          %get3A_291 = arith.index_cast %scan3A_167 : i32 to index
          %get3A_292 = arith.constant 80 : index
          %get3A_293 = tpu.vector_load %arg16[%get3A_291, %get3A_292] {strides = array<i32>} : memref<80x128xf32, #tpu.memory_space<vmem>>, vector<1x16xf32>,
          %get3A_294 = vector.shape_cast %get3A_293 : vector<1x16xf32> to vector<16xf32>
          %mul3A_295 = arith.mulf %gather3A_290, %get3A_294 : vector<16xf32>
          %swap3A_296 = arith.index_cast %scan3A_167 : i32 to index
          %swap3A_297 = arith.constant 80 : index
          %swap3A_298 = tpu.vector_load %arg16[%swap3A_296, %swap3A_297] {strides = array<i32>} : memref<80x128xf32, #tpu.memory_space<vmem>>, vector<1x16xf32>,
          %swap3A_299 = vector.shape_cast %swap3A_298 : vector<1x16xf32> to vector<16xf32>
          %swap3A_300 = vector.shape_cast %mul3A_295 : vector<16xf32> to vector<1x16xf32>
          tpu.vector_store %arg16[%swap3A_296, %swap3A_297], %swap3A_300 {strides = array<i32>} : memref<80x128xf32, #tpu.memory_space<vmem>>, vector<1x16xf32>,
          %lt3A_301 = arith.constant 0 : i32
          %lt3A_302 = vector.broadcast %lt3A_301 : i32 to vector<16xi32>
          %lt3A_303 = arith.cmpi slt, %broadcast_in_dim3A_84, %lt3A_302 : vector<16xi32>
          %add3A_304 = arith.constant 16 : i32
          %add3A_305 = vector.broadcast %add3A_304 : i32 to vector<16xi32>
          %add3A_306 = arith.addi %broadcast_in_dim3A_84, %add3A_305 : vector<16xi32>
          %select_n3A_307 = arith.select %lt3A_303, %add3A_306, %broadcast_in_dim3A_84 : vector<16xi1>, vector<16xi32>
          %broadcast_in_dim3A_308 = vector.shape_cast %select_n3A_307 : vector<16xi32> to vector<16x1xi32>
          %gather3A_309 = vector.shape_cast %broadcast_in_dim3A_308 : vector<16x1xi32> to vector<16xi32>
          %gather3A_310 = tpu.dynamic_gather %exp3A[%gather3A_309] in [0] : vector<16xf32>, vector<16xi32> -> vector<16xf32>
          %get3A_311 = arith.index_cast %scan3A_167 : i32 to index
          %get3A_312 = arith.constant 96 : index
          %get3A_313 = tpu.vector_load %arg16[%get3A_311, %get3A_312] {strides = array<i32>} : memref<80x128xf32, #tpu.memory_space<vmem>>, vector<1x16xf32>,
          %get3A_314 = vector.shape_cast %get3A_313 : vector<1x16xf32> to vector<16xf32>
          %mul3A_315 = arith.mulf %gather3A_310, %get3A_314 : vector<16xf32>
          %swap3A_316 = arith.index_cast %scan3A_167 : i32 to index
          %swap3A_317 = arith.constant 96 : index
          %swap3A_318 = tpu.vector_load %arg16[%swap3A_316, %swap3A_317] {strides = array<i32>} : memref<80x128xf32, #tpu.memory_space<vmem>>, vector<1x16xf32>,
          %swap3A_319 = vector.shape_cast %swap3A_318 : vector<1x16xf32> to vector<16xf32>
          %swap3A_320 = vector.shape_cast %mul3A_315 : vector<16xf32> to vector<1x16xf32>
          tpu.vector_store %arg16[%swap3A_316, %swap3A_317], %swap3A_320 {strides = array<i32>} : memref<80x128xf32, #tpu.memory_space<vmem>>, vector<1x16xf32>,
          %lt3A_321 = arith.constant 0 : i32
          %lt3A_322 = vector.broadcast %lt3A_321 : i32 to vector<16xi32>
          %lt3A_323 = arith.cmpi slt, %broadcast_in_dim3A_86, %lt3A_322 : vector<16xi32>
          %add3A_324 = arith.constant 16 : i32
          %add3A_325 = vector.broadcast %add3A_324 : i32 to vector<16xi32>
          %add3A_326 = arith.addi %broadcast_in_dim3A_86, %add3A_325 : vector<16xi32>
          %select_n3A_327 = arith.select %lt3A_323, %add3A_326, %broadcast_in_dim3A_86 : vector<16xi1>, vector<16xi32>
          %broadcast_in_dim3A_328 = vector.shape_cast %select_n3A_327 : vector<16xi32> to vector<16x1xi32>
          %gather3A_329 = vector.shape_cast %broadcast_in_dim3A_328 : vector<16x1xi32> to vector<16xi32>
          %gather3A_330 = tpu.dynamic_gather %exp3A[%gather3A_329] in [0] : vector<16xf32>, vector<16xi32> -> vector<16xf32>
          %get3A_331 = arith.index_cast %scan3A_167 : i32 to index
          %get3A_332 = arith.constant 112 : index
          %get3A_333 = tpu.vector_load %arg16[%get3A_331, %get3A_332] {strides = array<i32>} : memref<80x128xf32, #tpu.memory_space<vmem>>, vector<1x16xf32>,
          %get3A_334 = vector.shape_cast %get3A_333 : vector<1x16xf32> to vector<16xf32>
          %mul3A_335 = arith.mulf %gather3A_330, %get3A_334 : vector<16xf32>
          %swap3A_336 = arith.index_cast %scan3A_167 : i32 to index
          %swap3A_337 = arith.constant 112 : index
          %swap3A_338 = tpu.vector_load %arg16[%swap3A_336, %swap3A_337] {strides = array<i32>} : memref<80x128xf32, #tpu.memory_space<vmem>>, vector<1x16xf32>,
          %swap3A_339 = vector.shape_cast %swap3A_338 : vector<1x16xf32> to vector<16xf32>
          %swap3A_340 = vector.shape_cast %mul3A_335 : vector<16xf32> to vector<1x16xf32>
          tpu.vector_store %arg16[%swap3A_336, %swap3A_337], %swap3A_340 {strides = array<i32>} : memref<80x128xf32, #tpu.memory_space<vmem>>, vector<1x16xf32>,
        }
        %scan3A_160 = arith.constant 80 : i32
        %dma_start3A_161 = arith.constant 0 : i32
        %dma_start3A_162 = arith.constant 0 : i32
        %dma_start3A_163 = tpu.memref_slice %arg9[%dma_start3A_161, %dma_start3A_162] : memref<10240x128xf32, #tpu.memory_space<vmem_shared>> -> memref<10240x128xf32, #tpu.memory_space<vmem_shared>>
        tpu.enqueue_indirect_dma source(%arg16 : memref<80x128xf32, #tpu.memory_space<vmem>>) target(%dma_start3A_163 : memref<10240x128xf32, #tpu.memory_space<vmem_shared>>) offsets(%arg14 : memref<80xi32, #tpu.memory_space<vmem>>) semaphore(%arg26 : memref<!tpu.dma_semaphore, #tpu.memory_space<semaphore_mem>>) {add = true}
        %dma_start3A_164 = arith.constant 0 : i32
        %dma_start3A_165 = arith.constant 0 : i32
        %dma_start3A_166 = tpu.memref_slice %arg10[%dma_start3A_164, %dma_start3A_165] : memref<10240x16xf32, #tpu.memory_space<vmem_shared>> -> memref<10240x16xf32, #tpu.memory_space<vmem_shared>>
        tpu.enqueue_indirect_dma source(%arg22 : memref<80x16xf32, #tpu.memory_space<vmem>>) target(%dma_start3A_166 : memref<10240x16xf32, #tpu.memory_space<vmem_shared>>) offsets(%arg14 : memref<80xi32, #tpu.memory_space<vmem>>) semaphore(%arg26 : memref<!tpu.dma_semaphore, #tpu.memory_space<semaphore_mem>>) {add = true}
      } else {
      }
    }
    %scan3A_102 = arith.constant 63 : i32
    %dma_wait3A = arith.constant 0 : i32
    %dma_wait3A_103 = arith.constant 0 : i32
    %dma_wait3A_104 = tpu.memref_slice %arg9[%dma_wait3A, %dma_wait3A_103] : memref<10240x128xf32, #tpu.memory_space<vmem_shared>> -> memref<10240x128xf32, #tpu.memory_space<vmem_shared>>
    tpu.wait_indirect_dma semaphore(%arg26 : memref<!tpu.dma_semaphore, #tpu.memory_space<semaphore_mem>>) src(%arg16 : memref<80x128xf32, #tpu.memory_space<vmem>>) dst(%dma_wait3A_104 : memref<10240x128xf32, #tpu.memory_space<vmem_shared>>)
    %dma_wait3A_105 = arith.constant 0 : i32
    %dma_wait3A_106 = arith.constant 0 : i32
    %dma_wait3A_107 = tpu.memref_slice %arg10[%dma_wait3A_105, %dma_wait3A_106] : memref<10240x16xf32, #tpu.memory_space<vmem_shared>> -> memref<10240x16xf32, #tpu.memory_space<vmem_shared>>
    tpu.wait_indirect_dma semaphore(%arg26 : memref<!tpu.dma_semaphore, #tpu.memory_space<semaphore_mem>>) src(%arg22 : memref<80x16xf32, #tpu.memory_space<vmem>>) dst(%dma_wait3A_107 : memref<10240x16xf32, #tpu.memory_space<vmem_shared>>)
    %dma_wait3A_108 = arith.constant 0 : i32
    %dma_wait3A_109 = arith.constant 0 : i32
    %dma_wait3A_110 = tpu.memref_slice %arg9[%dma_wait3A_108, %dma_wait3A_109] : memref<10240x128xf32, #tpu.memory_space<vmem_shared>> -> memref<10240x128xf32, #tpu.memory_space<vmem_shared>>
    tpu.wait_indirect_dma semaphore(%arg25 : memref<!tpu.dma_semaphore, #tpu.memory_space<semaphore_mem>>) src(%arg15 : memref<80x128xf32, #tpu.memory_space<vmem>>) dst(%dma_wait3A_110 : memref<10240x128xf32, #tpu.memory_space<vmem_shared>>)
    %dma_wait3A_111 = arith.constant 0 : i32
    %dma_wait3A_112 = arith.constant 0 : i32
    %dma_wait3A_113 = tpu.memref_slice %arg10[%dma_wait3A_111, %dma_wait3A_112] : memref<10240x16xf32, #tpu.memory_space<vmem_shared>> -> memref<10240x16xf32, #tpu.memory_space<vmem_shared>>
    tpu.wait_indirect_dma semaphore(%arg25 : memref<!tpu.dma_semaphore, #tpu.memory_space<semaphore_mem>>) src(%arg21 : memref<80x16xf32, #tpu.memory_space<vmem>>) dst(%dma_wait3A_113 : memref<10240x16xf32, #tpu.memory_space<vmem_shared>>)
    %barrier3A_114 = arith.constant 0 : index
    tpu.barrier barrier_id(%barrier3A_114)
    %mul3A_115 = arith.constant 640 : i32
    %mul3A_116 = arith.muli %arg1, %mul3A_115 : i32
    %mul3A_117 = arith.constant 640 : i32
    %mul3A_118 = arith.muli %arg1, %mul3A_117 : i32
    "tpu.region"() ({
      %run_scoped3A = tpu.sem_alloc : memref<!tpu.dma_semaphore, #tpu.memory_space<semaphore_mem>>
      %dma_start3A_123 = arith.constant 0 : i32
      %dma_start3A_124 = tpu.memref_slice %arg7[%arg0, %mul3A_118, %dma_start3A_123] : memref<2x10240x128xf32, #tpu.memory_space<hbm>> -> memref<1x640x128xf32, #tpu.memory_space<hbm>>
      %dma_start3A_125 = tpu.memref_squeeze %dma_start3A_124 : memref<1x640x128xf32, #tpu.memory_space<hbm>> -> memref<640x128xf32, #tpu.memory_space<hbm>>
      %dma_start3A_126 = arith.constant 0 : i32
      %dma_start3A_127 = tpu.memref_slice %arg9[%mul3A_116, %dma_start3A_126] : memref<10240x128xf32, #tpu.memory_space<vmem_shared>> -> memref<640x128xf32, #tpu.memory_space<vmem_shared>>
      tpu.enqueue_dma source(%dma_start3A_127 : memref<640x128xf32, #tpu.memory_space<vmem_shared>>) target(%dma_start3A_125 : memref<640x128xf32, #tpu.memory_space<hbm>>) target_semaphore(%run_scoped3A : memref<!tpu.dma_semaphore, #tpu.memory_space<semaphore_mem>>)
      %dma_wait3A_128 = arith.constant 0 : i32
      %dma_wait3A_129 = tpu.memref_slice %arg7[%arg0, %mul3A_118, %dma_wait3A_128] : memref<2x10240x128xf32, #tpu.memory_space<hbm>> -> memref<1x640x128xf32, #tpu.memory_space<hbm>>
      %dma_wait3A_130 = tpu.memref_squeeze %dma_wait3A_129 : memref<1x640x128xf32, #tpu.memory_space<hbm>> -> memref<640x128xf32, #tpu.memory_space<hbm>>
      %dma_wait3A_131 = arith.constant 0 : i32
      %dma_wait3A_132 = tpu.memref_slice %arg9[%mul3A_116, %dma_wait3A_131] : memref<10240x128xf32, #tpu.memory_space<vmem_shared>> -> memref<640x128xf32, #tpu.memory_space<vmem_shared>>
      tpu.wait_dma2 semaphore(%run_scoped3A : memref<!tpu.dma_semaphore, #tpu.memory_space<semaphore_mem>>) src(%dma_wait3A_132 : memref<640x128xf32, #tpu.memory_space<vmem_shared>>) dst(%dma_wait3A_130 : memref<640x128xf32, #tpu.memory_space<hbm>>)
      tpu.yield
    }) : () -> ()
    %mul3A_119 = arith.constant 640 : i32
    %mul3A_120 = arith.muli %arg1, %mul3A_119 : i32
    %mul3A_121 = arith.constant 640 : i32
    %mul3A_122 = arith.muli %arg1, %mul3A_121 : i32
    "tpu.region"() ({
      %run_scoped3A = tpu.sem_alloc : memref<!tpu.dma_semaphore, #tpu.memory_space<semaphore_mem>>
      %dma_start3A_123 = arith.constant 0 : i32
      %dma_start3A_124 = tpu.memref_slice %arg8[%arg0, %mul3A_122, %dma_start3A_123] : memref<2x10240x16xf32, #tpu.memory_space<hbm>> -> memref<1x640x16xf32, #tpu.memory_space<hbm>>
      %dma_start3A_125 = tpu.memref_squeeze %dma_start3A_124 : memref<1x640x16xf32, #tpu.memory_space<hbm>> -> memref<640x16xf32, #tpu.memory_space<hbm>>
      %dma_start3A_126 = arith.constant 0 : i32
      %dma_start3A_127 = tpu.memref_slice %arg10[%mul3A_120, %dma_start3A_126] : memref<10240x16xf32, #tpu.memory_space<vmem_shared>> -> memref<640x16xf32, #tpu.memory_space<vmem_shared>>
      tpu.enqueue_dma source(%dma_start3A_127 : memref<640x16xf32, #tpu.memory_space<vmem_shared>>) target(%dma_start3A_125 : memref<640x16xf32, #tpu.memory_space<hbm>>) target_semaphore(%run_scoped3A : memref<!tpu.dma_semaphore, #tpu.memory_space<semaphore_mem>>)
      %dma_wait3A_128 = arith.constant 0 : i32
      %dma_wait3A_129 = tpu.memref_slice %arg8[%arg0, %mul3A_122, %dma_wait3A_128] : memref<2x10240x16xf32, #tpu.memory_space<hbm>> -> memref<1x640x16xf32, #tpu.memory_space<hbm>>
      %dma_wait3A_130 = tpu.memref_squeeze %dma_wait3A_129 : memref<1x640x16xf32, #tpu.memory_space<hbm>> -> memref<640x16xf32, #tpu.memory_space<hbm>>
      %dma_wait3A_131 = arith.constant 0 : i32
      %dma_wait3A_132 = tpu.memref_slice %arg10[%mul3A_120, %dma_wait3A_131] : memref<10240x16xf32, #tpu.memory_space<vmem_shared>> -> memref<640x16xf32, #tpu.memory_space<vmem_shared>>
      tpu.wait_dma2 semaphore(%run_scoped3A : memref<!tpu.dma_semaphore, #tpu.memory_space<semaphore_mem>>) src(%dma_wait3A_132 : memref<640x16xf32, #tpu.memory_space<vmem_shared>>) dst(%dma_wait3A_130 : memref<640x16xf32, #tpu.memory_space<hbm>>)
      tpu.yield
    }) : () -> ()
    return
  }
}

#map = affine_map<(d0, d1) -> (0, 0)>
#map1 = affine_map<(d0, d1) -> (0, 0, 0)>
module attributes {stable_mosaic.version = 14 : i64} {
  func.func @_sc2_body(%arg0: i32, %arg1: i32, %arg2: memref<4000x80xi32, #tpu.memory_space<hbm>>, %arg3: memref<4000x80xi32, #tpu.memory_space<hbm>>, %arg4: memref<10000x16xf32, #tpu.memory_space<hbm>>, %arg5: memref<10000x16xf32, #tpu.memory_space<hbm>>, %arg6: memref<10000x16xf32, #tpu.memory_space<hbm>>, %arg7: memref<2x10240x16xf32, #tpu.memory_space<hbm>>, %arg8: memref<2x10240x16xf32, #tpu.memory_space<hbm>>, %arg9: memref<10240x16xf32, #tpu.memory_space<vmem_shared>>, %arg10: memref<10240x16xf32, #tpu.memory_space<vmem_shared>>, %arg11: memref<5x80xi32, #tpu.memory_space<vmem>>, %arg12: memref<5x80xi32, #tpu.memory_space<vmem>>, %arg13: memref<5x80xi32, #tpu.memory_space<vmem>>, %arg14: memref<5x80xi32, #tpu.memory_space<vmem>>, %arg15: memref<400x16xf32, #tpu.memory_space<vmem>>, %arg16: memref<400x16xf32, #tpu.memory_space<vmem>>, %arg17: memref<400x16xf32, #tpu.memory_space<vmem>>, %arg18: memref<400x16xf32, #tpu.memory_space<vmem>>, %arg19: memref<400x16xf32, #tpu.memory_space<vmem>>, %arg20: memref<400x16xf32, #tpu.memory_space<vmem>>, %arg21: memref<400x16xf32, #tpu.memory_space<vmem>>, %arg22: memref<400x16xf32, #tpu.memory_space<vmem>>, %arg23: memref<!tpu.dma_semaphore, #tpu.memory_space<semaphore_mem>>, %arg24: memref<!tpu.dma_semaphore, #tpu.memory_space<semaphore_mem>>, %arg25: memref<!tpu.dma_semaphore, #tpu.memory_space<semaphore_mem>>, %arg26: memref<!tpu.dma_semaphore, #tpu.memory_space<semaphore_mem>>) attributes {dimension_semantics = [#tpu.dimension_semantics<core_parallel>, #tpu.dimension_semantics<subcore_parallel>], iteration_bounds = array<i64: 2, 16>, scalar_prefetch = 0 : i64, scratch_operands = 18 : i64, tpu.core_type = #tpu.core_type<sc_vector_subcore>, window_params = [{transform_indices = #map}, {transform_indices = #map}, {transform_indices = #map}, {transform_indices = #map}, {transform_indices = #map}, {transform_indices = #map1}, {transform_indices = #map1}]} {
    %scan3A = arith.constant 0 : i32
    %scan3A_0 = arith.constant 0 : i32
    %scan3A_1 = arith.constant 400 : i32
    %scan3A_2 = arith.addi %scan3A_0, %scan3A_1 : i32
    %scan3A_3 = arith.constant 1 : i32
    scf.for %scan3A_387 = %scan3A_0 to %scan3A_2 step %scan3A_3  : i32 {
      %broadcast_in_dim3A = arith.constant 0.000000e+00 : f32
      %broadcast_in_dim3A_388 = vector.broadcast %broadcast_in_dim3A : f32 to vector<16xf32>
      %swap3A = arith.index_cast %scan3A_387 : i32 to index
      %swap3A_389 = arith.constant 0 : index
      %swap3A_390 = tpu.vector_load %arg21[%swap3A, %swap3A_389] {strides = array<i32>} : memref<400x16xf32, #tpu.memory_space<vmem>>, vector<1x16xf32>,
      %swap3A_391 = vector.shape_cast %swap3A_390 : vector<1x16xf32> to vector<16xf32>
      %swap3A_392 = vector.shape_cast %broadcast_in_dim3A_388 : vector<16xf32> to vector<1x16xf32>
      tpu.vector_store %arg21[%swap3A, %swap3A_389], %swap3A_392 {strides = array<i32>} : memref<400x16xf32, #tpu.memory_space<vmem>>, vector<1x16xf32>,
    }
    %scan3A_4 = arith.constant 400 : i32
    %mul3A = arith.constant 640 : i32
    %mul3A_5 = arith.muli %arg1, %mul3A : i32
    "tpu.region"() ({
      %run_scoped3A = tpu.sem_alloc : memref<!tpu.dma_semaphore, #tpu.memory_space<semaphore_mem>>
      %dma_start3A_387 = arith.constant 0 : i32
      %dma_start3A_388 = tpu.memref_slice %arg9[%mul3A_5, %dma_start3A_387] : memref<10240x16xf32, #tpu.memory_space<vmem_shared>> -> memref<400x16xf32, #tpu.memory_space<vmem_shared>>
      %dma_start3A_389 = arith.constant 0 : i32
      %dma_start3A_390 = tpu.memref_slice %arg9[%mul3A_5, %dma_start3A_389] : memref<10240x16xf32, #tpu.memory_space<vmem_shared>> -> memref<400x16xf32, #tpu.memory_space<vmem_shared>>
      tpu.enqueue_dma source(%arg21 : memref<400x16xf32, #tpu.memory_space<vmem>>) target(%dma_start3A_390 : memref<400x16xf32, #tpu.memory_space<vmem_shared>>) target_semaphore(%run_scoped3A : memref<!tpu.dma_semaphore, #tpu.memory_space<semaphore_mem>>)
      %dma_wait3A_391 = arith.constant 0 : i32
      %dma_wait3A_392 = tpu.memref_slice %arg9[%mul3A_5, %dma_wait3A_391] : memref<10240x16xf32, #tpu.memory_space<vmem_shared>> -> memref<400x16xf32, #tpu.memory_space<vmem_shared>>
      %dma_wait3A_393 = arith.constant 0 : i32
      %dma_wait3A_394 = tpu.memref_slice %arg9[%mul3A_5, %dma_wait3A_393] : memref<10240x16xf32, #tpu.memory_space<vmem_shared>> -> memref<400x16xf32, #tpu.memory_space<vmem_shared>>
      tpu.wait_dma2 semaphore(%run_scoped3A : memref<!tpu.dma_semaphore, #tpu.memory_space<semaphore_mem>>) src(%arg21 : memref<400x16xf32, #tpu.memory_space<vmem>>) dst(%dma_wait3A_394 : memref<400x16xf32, #tpu.memory_space<vmem_shared>>)
      tpu.yield
    }) : () -> ()
    %mul3A_6 = arith.constant 640 : i32
    %mul3A_7 = arith.muli %arg1, %mul3A_6 : i32
    "tpu.region"() ({
      %run_scoped3A = tpu.sem_alloc : memref<!tpu.dma_semaphore, #tpu.memory_space<semaphore_mem>>
      %dma_start3A_387 = arith.constant 0 : i32
      %dma_start3A_388 = tpu.memref_slice %arg10[%mul3A_7, %dma_start3A_387] : memref<10240x16xf32, #tpu.memory_space<vmem_shared>> -> memref<400x16xf32, #tpu.memory_space<vmem_shared>>
      %dma_start3A_389 = arith.constant 0 : i32
      %dma_start3A_390 = tpu.memref_slice %arg10[%mul3A_7, %dma_start3A_389] : memref<10240x16xf32, #tpu.memory_space<vmem_shared>> -> memref<400x16xf32, #tpu.memory_space<vmem_shared>>
      tpu.enqueue_dma source(%arg21 : memref<400x16xf32, #tpu.memory_space<vmem>>) target(%dma_start3A_390 : memref<400x16xf32, #tpu.memory_space<vmem_shared>>) target_semaphore(%run_scoped3A : memref<!tpu.dma_semaphore, #tpu.memory_space<semaphore_mem>>)
      %dma_wait3A_391 = arith.constant 0 : i32
      %dma_wait3A_392 = tpu.memref_slice %arg10[%mul3A_7, %dma_wait3A_391] : memref<10240x16xf32, #tpu.memory_space<vmem_shared>> -> memref<400x16xf32, #tpu.memory_space<vmem_shared>>
      %dma_wait3A_393 = arith.constant 0 : i32
      %dma_wait3A_394 = tpu.memref_slice %arg10[%mul3A_7, %dma_wait3A_393] : memref<10240x16xf32, #tpu.memory_space<vmem_shared>> -> memref<400x16xf32, #tpu.memory_space<vmem_shared>>
      tpu.wait_dma2 semaphore(%run_scoped3A : memref<!tpu.dma_semaphore, #tpu.memory_space<semaphore_mem>>) src(%arg21 : memref<400x16xf32, #tpu.memory_space<vmem>>) dst(%dma_wait3A_394 : memref<400x16xf32, #tpu.memory_space<vmem_shared>>)
      tpu.yield
    }) : () -> ()
    %mul3A_8 = arith.constant 640 : i32
    %mul3A_9 = arith.muli %arg1, %mul3A_8 : i32
    %add3A = arith.constant 400 : i32
    %add3A_10 = arith.addi %mul3A_9, %add3A : i32
    "tpu.region"() ({
      %run_scoped3A = tpu.sem_alloc : memref<!tpu.dma_semaphore, #tpu.memory_space<semaphore_mem>>
      %dma_start3A_387 = arith.constant 0 : i32
      %dma_start3A_388 = arith.constant 0 : i32
      %dma_start3A_389 = tpu.memref_slice %arg21[%dma_start3A_387, %dma_start3A_388] : memref<400x16xf32, #tpu.memory_space<vmem>> -> memref<240x16xf32, #tpu.memory_space<vmem>>
      %dma_start3A_390 = arith.constant 0 : i32
      %dma_start3A_391 = tpu.memref_slice %arg9[%add3A_10, %dma_start3A_390] : memref<10240x16xf32, #tpu.memory_space<vmem_shared>> -> memref<240x16xf32, #tpu.memory_space<vmem_shared>>
      %dma_start3A_392 = arith.constant 0 : i32
      %dma_start3A_393 = tpu.memref_slice %arg9[%add3A_10, %dma_start3A_392] : memref<10240x16xf32, #tpu.memory_space<vmem_shared>> -> memref<240x16xf32, #tpu.memory_space<vmem_shared>>
      %dma_start3A_394 = arith.constant 0 : i32
      %dma_start3A_395 = arith.constant 0 : i32
      %dma_start3A_396 = tpu.memref_slice %arg21[%dma_start3A_394, %dma_start3A_395] : memref<400x16xf32, #tpu.memory_space<vmem>> -> memref<240x16xf32, #tpu.memory_space<vmem>>
      tpu.enqueue_dma source(%dma_start3A_396 : memref<240x16xf32, #tpu.memory_space<vmem>>) target(%dma_start3A_393 : memref<240x16xf32, #tpu.memory_space<vmem_shared>>) target_semaphore(%run_scoped3A : memref<!tpu.dma_semaphore, #tpu.memory_space<semaphore_mem>>)
      %dma_wait3A_397 = arith.constant 0 : i32
      %dma_wait3A_398 = arith.constant 0 : i32
      %dma_wait3A_399 = tpu.memref_slice %arg21[%dma_wait3A_397, %dma_wait3A_398] : memref<400x16xf32, #tpu.memory_space<vmem>> -> memref<240x16xf32, #tpu.memory_space<vmem>>
      %dma_wait3A_400 = arith.constant 0 : i32
      %dma_wait3A_401 = tpu.memref_slice %arg9[%add3A_10, %dma_wait3A_400] : memref<10240x16xf32, #tpu.memory_space<vmem_shared>> -> memref<240x16xf32, #tpu.memory_space<vmem_shared>>
      %dma_wait3A_402 = arith.constant 0 : i32
      %dma_wait3A_403 = tpu.memref_slice %arg9[%add3A_10, %dma_wait3A_402] : memref<10240x16xf32, #tpu.memory_space<vmem_shared>> -> memref<240x16xf32, #tpu.memory_space<vmem_shared>>
      %dma_wait3A_404 = arith.constant 0 : i32
      %dma_wait3A_405 = arith.constant 0 : i32
      %dma_wait3A_406 = tpu.memref_slice %arg21[%dma_wait3A_404, %dma_wait3A_405] : memref<400x16xf32, #tpu.memory_space<vmem>> -> memref<240x16xf32, #tpu.memory_space<vmem>>
      tpu.wait_dma2 semaphore(%run_scoped3A : memref<!tpu.dma_semaphore, #tpu.memory_space<semaphore_mem>>) src(%dma_wait3A_406 : memref<240x16xf32, #tpu.memory_space<vmem>>) dst(%dma_wait3A_403 : memref<240x16xf32, #tpu.memory_space<vmem_shared>>)
      tpu.yield
    }) : () -> ()
    %mul3A_11 = arith.constant 640 : i32
    %mul3A_12 = arith.muli %arg1, %mul3A_11 : i32
    %add3A_13 = arith.constant 400 : i32
    %add3A_14 = arith.addi %mul3A_12, %add3A_13 : i32
    "tpu.region"() ({
      %run_scoped3A = tpu.sem_alloc : memref<!tpu.dma_semaphore, #tpu.memory_space<semaphore_mem>>
      %dma_start3A_387 = arith.constant 0 : i32
      %dma_start3A_388 = arith.constant 0 : i32
      %dma_start3A_389 = tpu.memref_slice %arg21[%dma_start3A_387, %dma_start3A_388] : memref<400x16xf32, #tpu.memory_space<vmem>> -> memref<240x16xf32, #tpu.memory_space<vmem>>
      %dma_start3A_390 = arith.constant 0 : i32
      %dma_start3A_391 = tpu.memref_slice %arg10[%add3A_14, %dma_start3A_390] : memref<10240x16xf32, #tpu.memory_space<vmem_shared>> -> memref<240x16xf32, #tpu.memory_space<vmem_shared>>
      %dma_start3A_392 = arith.constant 0 : i32
      %dma_start3A_393 = tpu.memref_slice %arg10[%add3A_14, %dma_start3A_392] : memref<10240x16xf32, #tpu.memory_space<vmem_shared>> -> memref<240x16xf32, #tpu.memory_space<vmem_shared>>
      %dma_start3A_394 = arith.constant 0 : i32
      %dma_start3A_395 = arith.constant 0 : i32
      %dma_start3A_396 = tpu.memref_slice %arg21[%dma_start3A_394, %dma_start3A_395] : memref<400x16xf32, #tpu.memory_space<vmem>> -> memref<240x16xf32, #tpu.memory_space<vmem>>
      tpu.enqueue_dma source(%dma_start3A_396 : memref<240x16xf32, #tpu.memory_space<vmem>>) target(%dma_start3A_393 : memref<240x16xf32, #tpu.memory_space<vmem_shared>>) target_semaphore(%run_scoped3A : memref<!tpu.dma_semaphore, #tpu.memory_space<semaphore_mem>>)
      %dma_wait3A_397 = arith.constant 0 : i32
      %dma_wait3A_398 = arith.constant 0 : i32
      %dma_wait3A_399 = tpu.memref_slice %arg21[%dma_wait3A_397, %dma_wait3A_398] : memref<400x16xf32, #tpu.memory_space<vmem>> -> memref<240x16xf32, #tpu.memory_space<vmem>>
      %dma_wait3A_400 = arith.constant 0 : i32
      %dma_wait3A_401 = tpu.memref_slice %arg10[%add3A_14, %dma_wait3A_400] : memref<10240x16xf32, #tpu.memory_space<vmem_shared>> -> memref<240x16xf32, #tpu.memory_space<vmem_shared>>
      %dma_wait3A_402 = arith.constant 0 : i32
      %dma_wait3A_403 = tpu.memref_slice %arg10[%add3A_14, %dma_wait3A_402] : memref<10240x16xf32, #tpu.memory_space<vmem_shared>> -> memref<240x16xf32, #tpu.memory_space<vmem_shared>>
      %dma_wait3A_404 = arith.constant 0 : i32
      %dma_wait3A_405 = arith.constant 0 : i32
      %dma_wait3A_406 = tpu.memref_slice %arg21[%dma_wait3A_404, %dma_wait3A_405] : memref<400x16xf32, #tpu.memory_space<vmem>> -> memref<240x16xf32, #tpu.memory_space<vmem>>
      tpu.wait_dma2 semaphore(%run_scoped3A : memref<!tpu.dma_semaphore, #tpu.memory_space<semaphore_mem>>) src(%dma_wait3A_406 : memref<240x16xf32, #tpu.memory_space<vmem>>) dst(%dma_wait3A_403 : memref<240x16xf32, #tpu.memory_space<vmem_shared>>)
      tpu.yield
    }) : () -> ()
    %barrier3A = arith.constant 0 : index
    tpu.barrier barrier_id(%barrier3A)
    %mul3A_15 = arith.constant 16 : i32
    %mul3A_16 = arith.muli %arg0, %mul3A_15 : i32
    %add3A_17 = arith.addi %mul3A_16, %arg1 : i32
    %mul3A_18 = arith.constant 125 : i32
    %mul3A_19 = arith.muli %add3A_17, %mul3A_18 : i32
    %add3A_20 = arith.constant 0 : i32
    %add3A_21 = arith.addi %mul3A_19, %add3A_20 : i32
    "tpu.region"() ({
      %run_scoped3A = tpu.sem_alloc : memref<!tpu.dma_semaphore, #tpu.memory_space<semaphore_mem>>
      %dma_start3A_387 = arith.constant 0 : i32
      %dma_start3A_388 = tpu.memref_slice %arg2[%add3A_21, %dma_start3A_387] : memref<4000x80xi32, #tpu.memory_space<hbm>> -> memref<5x80xi32, #tpu.memory_space<hbm>>
      %dma_start3A_389 = arith.constant 0 : i32
      %dma_start3A_390 = tpu.memref_slice %arg2[%add3A_21, %dma_start3A_389] : memref<4000x80xi32, #tpu.memory_space<hbm>> -> memref<5x80xi32, #tpu.memory_space<hbm>>
      tpu.enqueue_dma source(%dma_start3A_390 : memref<5x80xi32, #tpu.memory_space<hbm>>) target(%arg11 : memref<5x80xi32, #tpu.memory_space<vmem>>) target_semaphore(%run_scoped3A : memref<!tpu.dma_semaphore, #tpu.memory_space<semaphore_mem>>)
      %dma_wait3A_391 = arith.constant 0 : i32
      %dma_wait3A_392 = tpu.memref_slice %arg2[%add3A_21, %dma_wait3A_391] : memref<4000x80xi32, #tpu.memory_space<hbm>> -> memref<5x80xi32, #tpu.memory_space<hbm>>
      %dma_wait3A_393 = arith.constant 0 : i32
      %dma_wait3A_394 = tpu.memref_slice %arg2[%add3A_21, %dma_wait3A_393] : memref<4000x80xi32, #tpu.memory_space<hbm>> -> memref<5x80xi32, #tpu.memory_space<hbm>>
      tpu.wait_dma2 semaphore(%run_scoped3A : memref<!tpu.dma_semaphore, #tpu.memory_space<semaphore_mem>>) src(%dma_wait3A_394 : memref<5x80xi32, #tpu.memory_space<hbm>>) dst(%arg11 : memref<5x80xi32, #tpu.memory_space<vmem>>)
      tpu.yield
    }) : () -> ()
    %add3A_22 = arith.constant 0 : i32
    %add3A_23 = arith.addi %mul3A_19, %add3A_22 : i32
    "tpu.region"() ({
      %run_scoped3A = tpu.sem_alloc : memref<!tpu.dma_semaphore, #tpu.memory_space<semaphore_mem>>
      %dma_start3A_387 = arith.constant 0 : i32
      %dma_start3A_388 = tpu.memref_slice %arg3[%add3A_23, %dma_start3A_387] : memref<4000x80xi32, #tpu.memory_space<hbm>> -> memref<5x80xi32, #tpu.memory_space<hbm>>
      %dma_start3A_389 = arith.constant 0 : i32
      %dma_start3A_390 = tpu.memref_slice %arg3[%add3A_23, %dma_start3A_389] : memref<4000x80xi32, #tpu.memory_space<hbm>> -> memref<5x80xi32, #tpu.memory_space<hbm>>
      tpu.enqueue_dma source(%dma_start3A_390 : memref<5x80xi32, #tpu.memory_space<hbm>>) target(%arg13 : memref<5x80xi32, #tpu.memory_space<vmem>>) target_semaphore(%run_scoped3A : memref<!tpu.dma_semaphore, #tpu.memory_space<semaphore_mem>>)
      %dma_wait3A_391 = arith.constant 0 : i32
      %dma_wait3A_392 = tpu.memref_slice %arg3[%add3A_23, %dma_wait3A_391] : memref<4000x80xi32, #tpu.memory_space<hbm>> -> memref<5x80xi32, #tpu.memory_space<hbm>>
      %dma_wait3A_393 = arith.constant 0 : i32
      %dma_wait3A_394 = tpu.memref_slice %arg3[%add3A_23, %dma_wait3A_393] : memref<4000x80xi32, #tpu.memory_space<hbm>> -> memref<5x80xi32, #tpu.memory_space<hbm>>
      tpu.wait_dma2 semaphore(%run_scoped3A : memref<!tpu.dma_semaphore, #tpu.memory_space<semaphore_mem>>) src(%dma_wait3A_394 : memref<5x80xi32, #tpu.memory_space<hbm>>) dst(%arg13 : memref<5x80xi32, #tpu.memory_space<vmem>>)
      tpu.yield
    }) : () -> ()
    %dma_start3A = arith.constant 0 : i32
    %dma_start3A_24 = arith.constant 0 : i32
    %dma_start3A_25 = arith.constant 0 : i32
    %dma_start3A_26 = tpu.memref_slice %arg15[%dma_start3A_24, %dma_start3A_25] : memref<400x16xf32, #tpu.memory_space<vmem>> -> memref<80x16xf32, #tpu.memory_space<vmem>>
    %dma_start3A_27 = arith.constant 0 : i32
    %dma_start3A_28 = tpu.memref_slice %arg11[%dma_start3A, %dma_start3A_27] : memref<5x80xi32, #tpu.memory_space<vmem>> -> memref<1x80xi32, #tpu.memory_space<vmem>>
    %dma_start3A_29 = tpu.memref_squeeze %dma_start3A_28 : memref<1x80xi32, #tpu.memory_space<vmem>> -> memref<80xi32, #tpu.memory_space<vmem>>
    %dma_start3A_30 = arith.constant 0 : i32
    %dma_start3A_31 = arith.constant 0 : i32
    %dma_start3A_32 = tpu.memref_slice %arg4[%dma_start3A_30, %dma_start3A_31] : memref<10000x16xf32, #tpu.memory_space<hbm>> -> memref<10000x16xf32, #tpu.memory_space<hbm>>
    tpu.enqueue_indirect_dma source(%dma_start3A_32 : memref<10000x16xf32, #tpu.memory_space<hbm>>) target(%dma_start3A_26 : memref<80x16xf32, #tpu.memory_space<vmem>>) offsets(%dma_start3A_29 : memref<80xi32, #tpu.memory_space<vmem>>) semaphore(%arg23 : memref<!tpu.dma_semaphore, #tpu.memory_space<semaphore_mem>>)
    %dma_start3A_33 = arith.constant 0 : i32
    %dma_start3A_34 = arith.constant 0 : i32
    %dma_start3A_35 = arith.constant 0 : i32
    %dma_start3A_36 = tpu.memref_slice %arg17[%dma_start3A_34, %dma_start3A_35] : memref<400x16xf32, #tpu.memory_space<vmem>> -> memref<80x16xf32, #tpu.memory_space<vmem>>
    %dma_start3A_37 = arith.constant 0 : i32
    %dma_start3A_38 = tpu.memref_slice %arg11[%dma_start3A_33, %dma_start3A_37] : memref<5x80xi32, #tpu.memory_space<vmem>> -> memref<1x80xi32, #tpu.memory_space<vmem>>
    %dma_start3A_39 = tpu.memref_squeeze %dma_start3A_38 : memref<1x80xi32, #tpu.memory_space<vmem>> -> memref<80xi32, #tpu.memory_space<vmem>>
    %dma_start3A_40 = arith.constant 0 : i32
    %dma_start3A_41 = arith.constant 0 : i32
    %dma_start3A_42 = tpu.memref_slice %arg5[%dma_start3A_40, %dma_start3A_41] : memref<10000x16xf32, #tpu.memory_space<hbm>> -> memref<10000x16xf32, #tpu.memory_space<hbm>>
    tpu.enqueue_indirect_dma source(%dma_start3A_42 : memref<10000x16xf32, #tpu.memory_space<hbm>>) target(%dma_start3A_36 : memref<80x16xf32, #tpu.memory_space<vmem>>) offsets(%dma_start3A_39 : memref<80xi32, #tpu.memory_space<vmem>>) semaphore(%arg23 : memref<!tpu.dma_semaphore, #tpu.memory_space<semaphore_mem>>)
    %dma_start3A_43 = arith.constant 0 : i32
    %dma_start3A_44 = arith.constant 0 : i32
    %dma_start3A_45 = arith.constant 0 : i32
    %dma_start3A_46 = tpu.memref_slice %arg19[%dma_start3A_44, %dma_start3A_45] : memref<400x16xf32, #tpu.memory_space<vmem>> -> memref<80x16xf32, #tpu.memory_space<vmem>>
    %dma_start3A_47 = arith.constant 0 : i32
    %dma_start3A_48 = tpu.memref_slice %arg13[%dma_start3A_43, %dma_start3A_47] : memref<5x80xi32, #tpu.memory_space<vmem>> -> memref<1x80xi32, #tpu.memory_space<vmem>>
    %dma_start3A_49 = tpu.memref_squeeze %dma_start3A_48 : memref<1x80xi32, #tpu.memory_space<vmem>> -> memref<80xi32, #tpu.memory_space<vmem>>
    %dma_start3A_50 = arith.constant 0 : i32
    %dma_start3A_51 = arith.constant 0 : i32
    %dma_start3A_52 = tpu.memref_slice %arg6[%dma_start3A_50, %dma_start3A_51] : memref<10000x16xf32, #tpu.memory_space<hbm>> -> memref<10000x16xf32, #tpu.memory_space<hbm>>
    tpu.enqueue_indirect_dma source(%dma_start3A_52 : memref<10000x16xf32, #tpu.memory_space<hbm>>) target(%dma_start3A_46 : memref<80x16xf32, #tpu.memory_space<vmem>>) offsets(%dma_start3A_49 : memref<80xi32, #tpu.memory_space<vmem>>) semaphore(%arg23 : memref<!tpu.dma_semaphore, #tpu.memory_space<semaphore_mem>>)
    %dma_start3A_53 = arith.constant 1 : i32
    %dma_start3A_54 = arith.constant 80 : i32
    %dma_start3A_55 = arith.constant 0 : i32
    %dma_start3A_56 = tpu.memref_slice %arg15[%dma_start3A_54, %dma_start3A_55] : memref<400x16xf32, #tpu.memory_space<vmem>> -> memref<80x16xf32, #tpu.memory_space<vmem>>
    %dma_start3A_57 = arith.constant 0 : i32
    %dma_start3A_58 = tpu.memref_slice %arg11[%dma_start3A_53, %dma_start3A_57] : memref<5x80xi32, #tpu.memory_space<vmem>> -> memref<1x80xi32, #tpu.memory_space<vmem>>
    %dma_start3A_59 = tpu.memref_squeeze %dma_start3A_58 : memref<1x80xi32, #tpu.memory_space<vmem>> -> memref<80xi32, #tpu.memory_space<vmem>>
    %dma_start3A_60 = arith.constant 0 : i32
    %dma_start3A_61 = arith.constant 0 : i32
    %dma_start3A_62 = tpu.memref_slice %arg4[%dma_start3A_60, %dma_start3A_61] : memref<10000x16xf32, #tpu.memory_space<hbm>> -> memref<10000x16xf32, #tpu.memory_space<hbm>>
    tpu.enqueue_indirect_dma source(%dma_start3A_62 : memref<10000x16xf32, #tpu.memory_space<hbm>>) target(%dma_start3A_56 : memref<80x16xf32, #tpu.memory_space<vmem>>) offsets(%dma_start3A_59 : memref<80xi32, #tpu.memory_space<vmem>>) semaphore(%arg23 : memref<!tpu.dma_semaphore, #tpu.memory_space<semaphore_mem>>)
    %dma_start3A_63 = arith.constant 1 : i32
    %dma_start3A_64 = arith.constant 80 : i32
    %dma_start3A_65 = arith.constant 0 : i32
    %dma_start3A_66 = tpu.memref_slice %arg17[%dma_start3A_64, %dma_start3A_65] : memref<400x16xf32, #tpu.memory_space<vmem>> -> memref<80x16xf32, #tpu.memory_space<vmem>>
    %dma_start3A_67 = arith.constant 0 : i32
    %dma_start3A_68 = tpu.memref_slice %arg11[%dma_start3A_63, %dma_start3A_67] : memref<5x80xi32, #tpu.memory_space<vmem>> -> memref<1x80xi32, #tpu.memory_space<vmem>>
    %dma_start3A_69 = tpu.memref_squeeze %dma_start3A_68 : memref<1x80xi32, #tpu.memory_space<vmem>> -> memref<80xi32, #tpu.memory_space<vmem>>
    %dma_start3A_70 = arith.constant 0 : i32
    %dma_start3A_71 = arith.constant 0 : i32
    %dma_start3A_72 = tpu.memref_slice %arg5[%dma_start3A_70, %dma_start3A_71] : memref<10000x16xf32, #tpu.memory_space<hbm>> -> memref<10000x16xf32, #tpu.memory_space<hbm>>
    tpu.enqueue_indirect_dma source(%dma_start3A_72 : memref<10000x16xf32, #tpu.memory_space<hbm>>) target(%dma_start3A_66 : memref<80x16xf32, #tpu.memory_space<vmem>>) offsets(%dma_start3A_69 : memref<80xi32, #tpu.memory_space<vmem>>) semaphore(%arg23 : memref<!tpu.dma_semaphore, #tpu.memory_space<semaphore_mem>>)
    %dma_start3A_73 = arith.constant 1 : i32
    %dma_start3A_74 = arith.constant 80 : i32
    %dma_start3A_75 = arith.constant 0 : i32
    %dma_start3A_76 = tpu.memref_slice %arg19[%dma_start3A_74, %dma_start3A_75] : memref<400x16xf32, #tpu.memory_space<vmem>> -> memref<80x16xf32, #tpu.memory_space<vmem>>
    %dma_start3A_77 = arith.constant 0 : i32
    %dma_start3A_78 = tpu.memref_slice %arg13[%dma_start3A_73, %dma_start3A_77] : memref<5x80xi32, #tpu.memory_space<vmem>> -> memref<1x80xi32, #tpu.memory_space<vmem>>
    %dma_start3A_79 = tpu.memref_squeeze %dma_start3A_78 : memref<1x80xi32, #tpu.memory_space<vmem>> -> memref<80xi32, #tpu.memory_space<vmem>>
    %dma_start3A_80 = arith.constant 0 : i32
    %dma_start3A_81 = arith.constant 0 : i32
    %dma_start3A_82 = tpu.memref_slice %arg6[%dma_start3A_80, %dma_start3A_81] : memref<10000x16xf32, #tpu.memory_space<hbm>> -> memref<10000x16xf32, #tpu.memory_space<hbm>>
    tpu.enqueue_indirect_dma source(%dma_start3A_82 : memref<10000x16xf32, #tpu.memory_space<hbm>>) target(%dma_start3A_76 : memref<80x16xf32, #tpu.memory_space<vmem>>) offsets(%dma_start3A_79 : memref<80xi32, #tpu.memory_space<vmem>>) semaphore(%arg23 : memref<!tpu.dma_semaphore, #tpu.memory_space<semaphore_mem>>)
    %dma_start3A_83 = arith.constant 2 : i32
    %dma_start3A_84 = arith.constant 160 : i32
    %dma_start3A_85 = arith.constant 0 : i32
    %dma_start3A_86 = tpu.memref_slice %arg15[%dma_start3A_84, %dma_start3A_85] : memref<400x16xf32, #tpu.memory_space<vmem>> -> memref<80x16xf32, #tpu.memory_space<vmem>>
    %dma_start3A_87 = arith.constant 0 : i32
    %dma_start3A_88 = tpu.memref_slice %arg11[%dma_start3A_83, %dma_start3A_87] : memref<5x80xi32, #tpu.memory_space<vmem>> -> memref<1x80xi32, #tpu.memory_space<vmem>>
    %dma_start3A_89 = tpu.memref_squeeze %dma_start3A_88 : memref<1x80xi32, #tpu.memory_space<vmem>> -> memref<80xi32, #tpu.memory_space<vmem>>
    %dma_start3A_90 = arith.constant 0 : i32
    %dma_start3A_91 = arith.constant 0 : i32
    %dma_start3A_92 = tpu.memref_slice %arg4[%dma_start3A_90, %dma_start3A_91] : memref<10000x16xf32, #tpu.memory_space<hbm>> -> memref<10000x16xf32, #tpu.memory_space<hbm>>
    tpu.enqueue_indirect_dma source(%dma_start3A_92 : memref<10000x16xf32, #tpu.memory_space<hbm>>) target(%dma_start3A_86 : memref<80x16xf32, #tpu.memory_space<vmem>>) offsets(%dma_start3A_89 : memref<80xi32, #tpu.memory_space<vmem>>) semaphore(%arg23 : memref<!tpu.dma_semaphore, #tpu.memory_space<semaphore_mem>>)
    %dma_start3A_93 = arith.constant 2 : i32
    %dma_start3A_94 = arith.constant 160 : i32
    %dma_start3A_95 = arith.constant 0 : i32
    %dma_start3A_96 = tpu.memref_slice %arg17[%dma_start3A_94, %dma_start3A_95] : memref<400x16xf32, #tpu.memory_space<vmem>> -> memref<80x16xf32, #tpu.memory_space<vmem>>
    %dma_start3A_97 = arith.constant 0 : i32
    %dma_start3A_98 = tpu.memref_slice %arg11[%dma_start3A_93, %dma_start3A_97] : memref<5x80xi32, #tpu.memory_space<vmem>> -> memref<1x80xi32, #tpu.memory_space<vmem>>
    %dma_start3A_99 = tpu.memref_squeeze %dma_start3A_98 : memref<1x80xi32, #tpu.memory_space<vmem>> -> memref<80xi32, #tpu.memory_space<vmem>>
    %dma_start3A_100 = arith.constant 0 : i32
    %dma_start3A_101 = arith.constant 0 : i32
    %dma_start3A_102 = tpu.memref_slice %arg5[%dma_start3A_100, %dma_start3A_101] : memref<10000x16xf32, #tpu.memory_space<hbm>> -> memref<10000x16xf32, #tpu.memory_space<hbm>>
    tpu.enqueue_indirect_dma source(%dma_start3A_102 : memref<10000x16xf32, #tpu.memory_space<hbm>>) target(%dma_start3A_96 : memref<80x16xf32, #tpu.memory_space<vmem>>) offsets(%dma_start3A_99 : memref<80xi32, #tpu.memory_space<vmem>>) semaphore(%arg23 : memref<!tpu.dma_semaphore, #tpu.memory_space<semaphore_mem>>)
    %dma_start3A_103 = arith.constant 2 : i32
    %dma_start3A_104 = arith.constant 160 : i32
    %dma_start3A_105 = arith.constant 0 : i32
    %dma_start3A_106 = tpu.memref_slice %arg19[%dma_start3A_104, %dma_start3A_105] : memref<400x16xf32, #tpu.memory_space<vmem>> -> memref<80x16xf32, #tpu.memory_space<vmem>>
    %dma_start3A_107 = arith.constant 0 : i32
    %dma_start3A_108 = tpu.memref_slice %arg13[%dma_start3A_103, %dma_start3A_107] : memref<5x80xi32, #tpu.memory_space<vmem>> -> memref<1x80xi32, #tpu.memory_space<vmem>>
    %dma_start3A_109 = tpu.memref_squeeze %dma_start3A_108 : memref<1x80xi32, #tpu.memory_space<vmem>> -> memref<80xi32, #tpu.memory_space<vmem>>
    %dma_start3A_110 = arith.constant 0 : i32
    %dma_start3A_111 = arith.constant 0 : i32
    %dma_start3A_112 = tpu.memref_slice %arg6[%dma_start3A_110, %dma_start3A_111] : memref<10000x16xf32, #tpu.memory_space<hbm>> -> memref<10000x16xf32, #tpu.memory_space<hbm>>
    tpu.enqueue_indirect_dma source(%dma_start3A_112 : memref<10000x16xf32, #tpu.memory_space<hbm>>) target(%dma_start3A_106 : memref<80x16xf32, #tpu.memory_space<vmem>>) offsets(%dma_start3A_109 : memref<80xi32, #tpu.memory_space<vmem>>) semaphore(%arg23 : memref<!tpu.dma_semaphore, #tpu.memory_space<semaphore_mem>>)
    %dma_start3A_113 = arith.constant 3 : i32
    %dma_start3A_114 = arith.constant 240 : i32
    %dma_start3A_115 = arith.constant 0 : i32
    %dma_start3A_116 = tpu.memref_slice %arg15[%dma_start3A_114, %dma_start3A_115] : memref<400x16xf32, #tpu.memory_space<vmem>> -> memref<80x16xf32, #tpu.memory_space<vmem>>
    %dma_start3A_117 = arith.constant 0 : i32
    %dma_start3A_118 = tpu.memref_slice %arg11[%dma_start3A_113, %dma_start3A_117] : memref<5x80xi32, #tpu.memory_space<vmem>> -> memref<1x80xi32, #tpu.memory_space<vmem>>
    %dma_start3A_119 = tpu.memref_squeeze %dma_start3A_118 : memref<1x80xi32, #tpu.memory_space<vmem>> -> memref<80xi32, #tpu.memory_space<vmem>>
    %dma_start3A_120 = arith.constant 0 : i32
    %dma_start3A_121 = arith.constant 0 : i32
    %dma_start3A_122 = tpu.memref_slice %arg4[%dma_start3A_120, %dma_start3A_121] : memref<10000x16xf32, #tpu.memory_space<hbm>> -> memref<10000x16xf32, #tpu.memory_space<hbm>>
    tpu.enqueue_indirect_dma source(%dma_start3A_122 : memref<10000x16xf32, #tpu.memory_space<hbm>>) target(%dma_start3A_116 : memref<80x16xf32, #tpu.memory_space<vmem>>) offsets(%dma_start3A_119 : memref<80xi32, #tpu.memory_space<vmem>>) semaphore(%arg23 : memref<!tpu.dma_semaphore, #tpu.memory_space<semaphore_mem>>)
    %dma_start3A_123 = arith.constant 3 : i32
    %dma_start3A_124 = arith.constant 240 : i32
    %dma_start3A_125 = arith.constant 0 : i32
    %dma_start3A_126 = tpu.memref_slice %arg17[%dma_start3A_124, %dma_start3A_125] : memref<400x16xf32, #tpu.memory_space<vmem>> -> memref<80x16xf32, #tpu.memory_space<vmem>>
    %dma_start3A_127 = arith.constant 0 : i32
    %dma_start3A_128 = tpu.memref_slice %arg11[%dma_start3A_123, %dma_start3A_127] : memref<5x80xi32, #tpu.memory_space<vmem>> -> memref<1x80xi32, #tpu.memory_space<vmem>>
    %dma_start3A_129 = tpu.memref_squeeze %dma_start3A_128 : memref<1x80xi32, #tpu.memory_space<vmem>> -> memref<80xi32, #tpu.memory_space<vmem>>
    %dma_start3A_130 = arith.constant 0 : i32
    %dma_start3A_131 = arith.constant 0 : i32
    %dma_start3A_132 = tpu.memref_slice %arg5[%dma_start3A_130, %dma_start3A_131] : memref<10000x16xf32, #tpu.memory_space<hbm>> -> memref<10000x16xf32, #tpu.memory_space<hbm>>
    tpu.enqueue_indirect_dma source(%dma_start3A_132 : memref<10000x16xf32, #tpu.memory_space<hbm>>) target(%dma_start3A_126 : memref<80x16xf32, #tpu.memory_space<vmem>>) offsets(%dma_start3A_129 : memref<80xi32, #tpu.memory_space<vmem>>) semaphore(%arg23 : memref<!tpu.dma_semaphore, #tpu.memory_space<semaphore_mem>>)
    %dma_start3A_133 = arith.constant 3 : i32
    %dma_start3A_134 = arith.constant 240 : i32
    %dma_start3A_135 = arith.constant 0 : i32
    %dma_start3A_136 = tpu.memref_slice %arg19[%dma_start3A_134, %dma_start3A_135] : memref<400x16xf32, #tpu.memory_space<vmem>> -> memref<80x16xf32, #tpu.memory_space<vmem>>
    %dma_start3A_137 = arith.constant 0 : i32
    %dma_start3A_138 = tpu.memref_slice %arg13[%dma_start3A_133, %dma_start3A_137] : memref<5x80xi32, #tpu.memory_space<vmem>> -> memref<1x80xi32, #tpu.memory_space<vmem>>
    %dma_start3A_139 = tpu.memref_squeeze %dma_start3A_138 : memref<1x80xi32, #tpu.memory_space<vmem>> -> memref<80xi32, #tpu.memory_space<vmem>>
    %dma_start3A_140 = arith.constant 0 : i32
    %dma_start3A_141 = arith.constant 0 : i32
    %dma_start3A_142 = tpu.memref_slice %arg6[%dma_start3A_140, %dma_start3A_141] : memref<10000x16xf32, #tpu.memory_space<hbm>> -> memref<10000x16xf32, #tpu.memory_space<hbm>>
    tpu.enqueue_indirect_dma source(%dma_start3A_142 : memref<10000x16xf32, #tpu.memory_space<hbm>>) target(%dma_start3A_136 : memref<80x16xf32, #tpu.memory_space<vmem>>) offsets(%dma_start3A_139 : memref<80xi32, #tpu.memory_space<vmem>>) semaphore(%arg23 : memref<!tpu.dma_semaphore, #tpu.memory_space<semaphore_mem>>)
    %dma_start3A_143 = arith.constant 4 : i32
    %dma_start3A_144 = arith.constant 320 : i32
    %dma_start3A_145 = arith.constant 0 : i32
    %dma_start3A_146 = tpu.memref_slice %arg15[%dma_start3A_144, %dma_start3A_145] : memref<400x16xf32, #tpu.memory_space<vmem>> -> memref<80x16xf32, #tpu.memory_space<vmem>>
    %dma_start3A_147 = arith.constant 0 : i32
    %dma_start3A_148 = tpu.memref_slice %arg11[%dma_start3A_143, %dma_start3A_147] : memref<5x80xi32, #tpu.memory_space<vmem>> -> memref<1x80xi32, #tpu.memory_space<vmem>>
    %dma_start3A_149 = tpu.memref_squeeze %dma_start3A_148 : memref<1x80xi32, #tpu.memory_space<vmem>> -> memref<80xi32, #tpu.memory_space<vmem>>
    %dma_start3A_150 = arith.constant 0 : i32
    %dma_start3A_151 = arith.constant 0 : i32
    %dma_start3A_152 = tpu.memref_slice %arg4[%dma_start3A_150, %dma_start3A_151] : memref<10000x16xf32, #tpu.memory_space<hbm>> -> memref<10000x16xf32, #tpu.memory_space<hbm>>
    tpu.enqueue_indirect_dma source(%dma_start3A_152 : memref<10000x16xf32, #tpu.memory_space<hbm>>) target(%dma_start3A_146 : memref<80x16xf32, #tpu.memory_space<vmem>>) offsets(%dma_start3A_149 : memref<80xi32, #tpu.memory_space<vmem>>) semaphore(%arg23 : memref<!tpu.dma_semaphore, #tpu.memory_space<semaphore_mem>>)
    %dma_start3A_153 = arith.constant 4 : i32
    %dma_start3A_154 = arith.constant 320 : i32
    %dma_start3A_155 = arith.constant 0 : i32
    %dma_start3A_156 = tpu.memref_slice %arg17[%dma_start3A_154, %dma_start3A_155] : memref<400x16xf32, #tpu.memory_space<vmem>> -> memref<80x16xf32, #tpu.memory_space<vmem>>
    %dma_start3A_157 = arith.constant 0 : i32
    %dma_start3A_158 = tpu.memref_slice %arg11[%dma_start3A_153, %dma_start3A_157] : memref<5x80xi32, #tpu.memory_space<vmem>> -> memref<1x80xi32, #tpu.memory_space<vmem>>
    %dma_start3A_159 = tpu.memref_squeeze %dma_start3A_158 : memref<1x80xi32, #tpu.memory_space<vmem>> -> memref<80xi32, #tpu.memory_space<vmem>>
    %dma_start3A_160 = arith.constant 0 : i32
    %dma_start3A_161 = arith.constant 0 : i32
    %dma_start3A_162 = tpu.memref_slice %arg5[%dma_start3A_160, %dma_start3A_161] : memref<10000x16xf32, #tpu.memory_space<hbm>> -> memref<10000x16xf32, #tpu.memory_space<hbm>>
    tpu.enqueue_indirect_dma source(%dma_start3A_162 : memref<10000x16xf32, #tpu.memory_space<hbm>>) target(%dma_start3A_156 : memref<80x16xf32, #tpu.memory_space<vmem>>) offsets(%dma_start3A_159 : memref<80xi32, #tpu.memory_space<vmem>>) semaphore(%arg23 : memref<!tpu.dma_semaphore, #tpu.memory_space<semaphore_mem>>)
    %dma_start3A_163 = arith.constant 4 : i32
    %dma_start3A_164 = arith.constant 320 : i32
    %dma_start3A_165 = arith.constant 0 : i32
    %dma_start3A_166 = tpu.memref_slice %arg19[%dma_start3A_164, %dma_start3A_165] : memref<400x16xf32, #tpu.memory_space<vmem>> -> memref<80x16xf32, #tpu.memory_space<vmem>>
    %dma_start3A_167 = arith.constant 0 : i32
    %dma_start3A_168 = tpu.memref_slice %arg13[%dma_start3A_163, %dma_start3A_167] : memref<5x80xi32, #tpu.memory_space<vmem>> -> memref<1x80xi32, #tpu.memory_space<vmem>>
    %dma_start3A_169 = tpu.memref_squeeze %dma_start3A_168 : memref<1x80xi32, #tpu.memory_space<vmem>> -> memref<80xi32, #tpu.memory_space<vmem>>
    %dma_start3A_170 = arith.constant 0 : i32
    %dma_start3A_171 = arith.constant 0 : i32
    %dma_start3A_172 = tpu.memref_slice %arg6[%dma_start3A_170, %dma_start3A_171] : memref<10000x16xf32, #tpu.memory_space<hbm>> -> memref<10000x16xf32, #tpu.memory_space<hbm>>
    tpu.enqueue_indirect_dma source(%dma_start3A_172 : memref<10000x16xf32, #tpu.memory_space<hbm>>) target(%dma_start3A_166 : memref<80x16xf32, #tpu.memory_space<vmem>>) offsets(%dma_start3A_169 : memref<80xi32, #tpu.memory_space<vmem>>) semaphore(%arg23 : memref<!tpu.dma_semaphore, #tpu.memory_space<semaphore_mem>>)
    %scan3A_173 = arith.constant 0 : i32
    %scan3A_174 = arith.constant 0 : i32
    %scan3A_175 = arith.constant 13 : i32
    %scan3A_176 = arith.addi %scan3A_174, %scan3A_175 : i32
    %scan3A_177 = arith.constant 1 : i32
    scf.for %scan3A_387 = %scan3A_174 to %scan3A_176 step %scan3A_177  : i32 {
      %mul3A_388 = arith.constant 2 : i32
      %mul3A_389 = arith.muli %mul3A_388, %scan3A_387 : i32
      %add3A_390 = arith.constant 0 : i32
      %add3A_391 = arith.addi %mul3A_389, %add3A_390 : i32
      %lt3A = arith.constant 25 : i32
      %lt3A_392 = arith.cmpi slt, %add3A_391, %lt3A : i32
      %convert_element_type3A = arith.extui %lt3A_392 : i1 to i32
      %cond3A = arith.constant 0 : i32
      %cond3A_393 = arith.cmpi ne, %convert_element_type3A, %cond3A : i32
      scf.if %cond3A_393 {
        %dma_wait3A_403 = arith.constant 0 : i32
        %dma_wait3A_404 = arith.constant 0 : i32
        %dma_wait3A_405 = arith.constant 0 : i32
        %dma_wait3A_406 = tpu.memref_slice %arg15[%dma_wait3A_404, %dma_wait3A_405] : memref<400x16xf32, #tpu.memory_space<vmem>> -> memref<80x16xf32, #tpu.memory_space<vmem>>
        %dma_wait3A_407 = arith.constant 0 : i32
        %dma_wait3A_408 = tpu.memref_slice %arg11[%dma_wait3A_403, %dma_wait3A_407] : memref<5x80xi32, #tpu.memory_space<vmem>> -> memref<1x80xi32, #tpu.memory_space<vmem>>
        %dma_wait3A_409 = tpu.memref_squeeze %dma_wait3A_408 : memref<1x80xi32, #tpu.memory_space<vmem>> -> memref<80xi32, #tpu.memory_space<vmem>>
        %dma_wait3A_410 = arith.constant 0 : i32
        %dma_wait3A_411 = arith.constant 0 : i32
        %dma_wait3A_412 = tpu.memref_slice %arg4[%dma_wait3A_410, %dma_wait3A_411] : memref<10000x16xf32, #tpu.memory_space<hbm>> -> memref<10000x16xf32, #tpu.memory_space<hbm>>
        tpu.wait_indirect_dma semaphore(%arg23 : memref<!tpu.dma_semaphore, #tpu.memory_space<semaphore_mem>>) src(%dma_wait3A_412 : memref<10000x16xf32, #tpu.memory_space<hbm>>) dst(%dma_wait3A_406 : memref<80x16xf32, #tpu.memory_space<vmem>>)
        %dma_wait3A_413 = arith.constant 0 : i32
        %dma_wait3A_414 = arith.constant 0 : i32
        %dma_wait3A_415 = arith.constant 0 : i32
        %dma_wait3A_416 = tpu.memref_slice %arg17[%dma_wait3A_414, %dma_wait3A_415] : memref<400x16xf32, #tpu.memory_space<vmem>> -> memref<80x16xf32, #tpu.memory_space<vmem>>
        %dma_wait3A_417 = arith.constant 0 : i32
        %dma_wait3A_418 = tpu.memref_slice %arg11[%dma_wait3A_413, %dma_wait3A_417] : memref<5x80xi32, #tpu.memory_space<vmem>> -> memref<1x80xi32, #tpu.memory_space<vmem>>
        %dma_wait3A_419 = tpu.memref_squeeze %dma_wait3A_418 : memref<1x80xi32, #tpu.memory_space<vmem>> -> memref<80xi32, #tpu.memory_space<vmem>>
        %dma_wait3A_420 = arith.constant 0 : i32
        %dma_wait3A_421 = arith.constant 0 : i32
        %dma_wait3A_422 = tpu.memref_slice %arg5[%dma_wait3A_420, %dma_wait3A_421] : memref<10000x16xf32, #tpu.memory_space<hbm>> -> memref<10000x16xf32, #tpu.memory_space<hbm>>
        tpu.wait_indirect_dma semaphore(%arg23 : memref<!tpu.dma_semaphore, #tpu.memory_space<semaphore_mem>>) src(%dma_wait3A_422 : memref<10000x16xf32, #tpu.memory_space<hbm>>) dst(%dma_wait3A_416 : memref<80x16xf32, #tpu.memory_space<vmem>>)
        %dma_wait3A_423 = arith.constant 0 : i32
        %dma_wait3A_424 = arith.constant 0 : i32
        %dma_wait3A_425 = arith.constant 0 : i32
        %dma_wait3A_426 = tpu.memref_slice %arg19[%dma_wait3A_424, %dma_wait3A_425] : memref<400x16xf32, #tpu.memory_space<vmem>> -> memref<80x16xf32, #tpu.memory_space<vmem>>
        %dma_wait3A_427 = arith.constant 0 : i32
        %dma_wait3A_428 = tpu.memref_slice %arg13[%dma_wait3A_423, %dma_wait3A_427] : memref<5x80xi32, #tpu.memory_space<vmem>> -> memref<1x80xi32, #tpu.memory_space<vmem>>
        %dma_wait3A_429 = tpu.memref_squeeze %dma_wait3A_428 : memref<1x80xi32, #tpu.memory_space<vmem>> -> memref<80xi32, #tpu.memory_space<vmem>>
        %dma_wait3A_430 = arith.constant 0 : i32
        %dma_wait3A_431 = arith.constant 0 : i32
        %dma_wait3A_432 = tpu.memref_slice %arg6[%dma_wait3A_430, %dma_wait3A_431] : memref<10000x16xf32, #tpu.memory_space<hbm>> -> memref<10000x16xf32, #tpu.memory_space<hbm>>
        tpu.wait_indirect_dma semaphore(%arg23 : memref<!tpu.dma_semaphore, #tpu.memory_space<semaphore_mem>>) src(%dma_wait3A_432 : memref<10000x16xf32, #tpu.memory_space<hbm>>) dst(%dma_wait3A_426 : memref<80x16xf32, #tpu.memory_space<vmem>>)
        %dma_wait3A_433 = arith.constant 1 : i32
        %dma_wait3A_434 = arith.constant 80 : i32
        %dma_wait3A_435 = arith.constant 0 : i32
        %dma_wait3A_436 = tpu.memref_slice %arg15[%dma_wait3A_434, %dma_wait3A_435] : memref<400x16xf32, #tpu.memory_space<vmem>> -> memref<80x16xf32, #tpu.memory_space<vmem>>
        %dma_wait3A_437 = arith.constant 0 : i32
        %dma_wait3A_438 = tpu.memref_slice %arg11[%dma_wait3A_433, %dma_wait3A_437] : memref<5x80xi32, #tpu.memory_space<vmem>> -> memref<1x80xi32, #tpu.memory_space<vmem>>
        %dma_wait3A_439 = tpu.memref_squeeze %dma_wait3A_438 : memref<1x80xi32, #tpu.memory_space<vmem>> -> memref<80xi32, #tpu.memory_space<vmem>>
        %dma_wait3A_440 = arith.constant 0 : i32
        %dma_wait3A_441 = arith.constant 0 : i32
        %dma_wait3A_442 = tpu.memref_slice %arg4[%dma_wait3A_440, %dma_wait3A_441] : memref<10000x16xf32, #tpu.memory_space<hbm>> -> memref<10000x16xf32, #tpu.memory_space<hbm>>
        tpu.wait_indirect_dma semaphore(%arg23 : memref<!tpu.dma_semaphore, #tpu.memory_space<semaphore_mem>>) src(%dma_wait3A_442 : memref<10000x16xf32, #tpu.memory_space<hbm>>) dst(%dma_wait3A_436 : memref<80x16xf32, #tpu.memory_space<vmem>>)
        %dma_wait3A_443 = arith.constant 1 : i32
        %dma_wait3A_444 = arith.constant 80 : i32
        %dma_wait3A_445 = arith.constant 0 : i32
        %dma_wait3A_446 = tpu.memref_slice %arg17[%dma_wait3A_444, %dma_wait3A_445] : memref<400x16xf32, #tpu.memory_space<vmem>> -> memref<80x16xf32, #tpu.memory_space<vmem>>
        %dma_wait3A_447 = arith.constant 0 : i32
        %dma_wait3A_448 = tpu.memref_slice %arg11[%dma_wait3A_443, %dma_wait3A_447] : memref<5x80xi32, #tpu.memory_space<vmem>> -> memref<1x80xi32, #tpu.memory_space<vmem>>
        %dma_wait3A_449 = tpu.memref_squeeze %dma_wait3A_448 : memref<1x80xi32, #tpu.memory_space<vmem>> -> memref<80xi32, #tpu.memory_space<vmem>>
        %dma_wait3A_450 = arith.constant 0 : i32
        %dma_wait3A_451 = arith.constant 0 : i32
        %dma_wait3A_452 = tpu.memref_slice %arg5[%dma_wait3A_450, %dma_wait3A_451] : memref<10000x16xf32, #tpu.memory_space<hbm>> -> memref<10000x16xf32, #tpu.memory_space<hbm>>
        tpu.wait_indirect_dma semaphore(%arg23 : memref<!tpu.dma_semaphore, #tpu.memory_space<semaphore_mem>>) src(%dma_wait3A_452 : memref<10000x16xf32, #tpu.memory_space<hbm>>) dst(%dma_wait3A_446 : memref<80x16xf32, #tpu.memory_space<vmem>>)
        %dma_wait3A_453 = arith.constant 1 : i32
        %dma_wait3A_454 = arith.constant 80 : i32
        %dma_wait3A_455 = arith.constant 0 : i32
        %dma_wait3A_456 = tpu.memref_slice %arg19[%dma_wait3A_454, %dma_wait3A_455] : memref<400x16xf32, #tpu.memory_space<vmem>> -> memref<80x16xf32, #tpu.memory_space<vmem>>
        %dma_wait3A_457 = arith.constant 0 : i32
        %dma_wait3A_458 = tpu.memref_slice %arg13[%dma_wait3A_453, %dma_wait3A_457] : memref<5x80xi32, #tpu.memory_space<vmem>> -> memref<1x80xi32, #tpu.memory_space<vmem>>
        %dma_wait3A_459 = tpu.memref_squeeze %dma_wait3A_458 : memref<1x80xi32, #tpu.memory_space<vmem>> -> memref<80xi32, #tpu.memory_space<vmem>>
        %dma_wait3A_460 = arith.constant 0 : i32
        %dma_wait3A_461 = arith.constant 0 : i32
        %dma_wait3A_462 = tpu.memref_slice %arg6[%dma_wait3A_460, %dma_wait3A_461] : memref<10000x16xf32, #tpu.memory_space<hbm>> -> memref<10000x16xf32, #tpu.memory_space<hbm>>
        tpu.wait_indirect_dma semaphore(%arg23 : memref<!tpu.dma_semaphore, #tpu.memory_space<semaphore_mem>>) src(%dma_wait3A_462 : memref<10000x16xf32, #tpu.memory_space<hbm>>) dst(%dma_wait3A_456 : memref<80x16xf32, #tpu.memory_space<vmem>>)
        %dma_wait3A_463 = arith.constant 2 : i32
        %dma_wait3A_464 = arith.constant 160 : i32
        %dma_wait3A_465 = arith.constant 0 : i32
        %dma_wait3A_466 = tpu.memref_slice %arg15[%dma_wait3A_464, %dma_wait3A_465] : memref<400x16xf32, #tpu.memory_space<vmem>> -> memref<80x16xf32, #tpu.memory_space<vmem>>
        %dma_wait3A_467 = arith.constant 0 : i32
        %dma_wait3A_468 = tpu.memref_slice %arg11[%dma_wait3A_463, %dma_wait3A_467] : memref<5x80xi32, #tpu.memory_space<vmem>> -> memref<1x80xi32, #tpu.memory_space<vmem>>
        %dma_wait3A_469 = tpu.memref_squeeze %dma_wait3A_468 : memref<1x80xi32, #tpu.memory_space<vmem>> -> memref<80xi32, #tpu.memory_space<vmem>>
        %dma_wait3A_470 = arith.constant 0 : i32
        %dma_wait3A_471 = arith.constant 0 : i32
        %dma_wait3A_472 = tpu.memref_slice %arg4[%dma_wait3A_470, %dma_wait3A_471] : memref<10000x16xf32, #tpu.memory_space<hbm>> -> memref<10000x16xf32, #tpu.memory_space<hbm>>
        tpu.wait_indirect_dma semaphore(%arg23 : memref<!tpu.dma_semaphore, #tpu.memory_space<semaphore_mem>>) src(%dma_wait3A_472 : memref<10000x16xf32, #tpu.memory_space<hbm>>) dst(%dma_wait3A_466 : memref<80x16xf32, #tpu.memory_space<vmem>>)
        %dma_wait3A_473 = arith.constant 2 : i32
        %dma_wait3A_474 = arith.constant 160 : i32
        %dma_wait3A_475 = arith.constant 0 : i32
        %dma_wait3A_476 = tpu.memref_slice %arg17[%dma_wait3A_474, %dma_wait3A_475] : memref<400x16xf32, #tpu.memory_space<vmem>> -> memref<80x16xf32, #tpu.memory_space<vmem>>
        %dma_wait3A_477 = arith.constant 0 : i32
        %dma_wait3A_478 = tpu.memref_slice %arg11[%dma_wait3A_473, %dma_wait3A_477] : memref<5x80xi32, #tpu.memory_space<vmem>> -> memref<1x80xi32, #tpu.memory_space<vmem>>
        %dma_wait3A_479 = tpu.memref_squeeze %dma_wait3A_478 : memref<1x80xi32, #tpu.memory_space<vmem>> -> memref<80xi32, #tpu.memory_space<vmem>>
        %dma_wait3A_480 = arith.constant 0 : i32
        %dma_wait3A_481 = arith.constant 0 : i32
        %dma_wait3A_482 = tpu.memref_slice %arg5[%dma_wait3A_480, %dma_wait3A_481] : memref<10000x16xf32, #tpu.memory_space<hbm>> -> memref<10000x16xf32, #tpu.memory_space<hbm>>
        tpu.wait_indirect_dma semaphore(%arg23 : memref<!tpu.dma_semaphore, #tpu.memory_space<semaphore_mem>>) src(%dma_wait3A_482 : memref<10000x16xf32, #tpu.memory_space<hbm>>) dst(%dma_wait3A_476 : memref<80x16xf32, #tpu.memory_space<vmem>>)
        %dma_wait3A_483 = arith.constant 2 : i32
        %dma_wait3A_484 = arith.constant 160 : i32
        %dma_wait3A_485 = arith.constant 0 : i32
        %dma_wait3A_486 = tpu.memref_slice %arg19[%dma_wait3A_484, %dma_wait3A_485] : memref<400x16xf32, #tpu.memory_space<vmem>> -> memref<80x16xf32, #tpu.memory_space<vmem>>
        %dma_wait3A_487 = arith.constant 0 : i32
        %dma_wait3A_488 = tpu.memref_slice %arg13[%dma_wait3A_483, %dma_wait3A_487] : memref<5x80xi32, #tpu.memory_space<vmem>> -> memref<1x80xi32, #tpu.memory_space<vmem>>
        %dma_wait3A_489 = tpu.memref_squeeze %dma_wait3A_488 : memref<1x80xi32, #tpu.memory_space<vmem>> -> memref<80xi32, #tpu.memory_space<vmem>>
        %dma_wait3A_490 = arith.constant 0 : i32
        %dma_wait3A_491 = arith.constant 0 : i32
        %dma_wait3A_492 = tpu.memref_slice %arg6[%dma_wait3A_490, %dma_wait3A_491] : memref<10000x16xf32, #tpu.memory_space<hbm>> -> memref<10000x16xf32, #tpu.memory_space<hbm>>
        tpu.wait_indirect_dma semaphore(%arg23 : memref<!tpu.dma_semaphore, #tpu.memory_space<semaphore_mem>>) src(%dma_wait3A_492 : memref<10000x16xf32, #tpu.memory_space<hbm>>) dst(%dma_wait3A_486 : memref<80x16xf32, #tpu.memory_space<vmem>>)
        %dma_wait3A_493 = arith.constant 3 : i32
        %dma_wait3A_494 = arith.constant 240 : i32
        %dma_wait3A_495 = arith.constant 0 : i32
        %dma_wait3A_496 = tpu.memref_slice %arg15[%dma_wait3A_494, %dma_wait3A_495] : memref<400x16xf32, #tpu.memory_space<vmem>> -> memref<80x16xf32, #tpu.memory_space<vmem>>
        %dma_wait3A_497 = arith.constant 0 : i32
        %dma_wait3A_498 = tpu.memref_slice %arg11[%dma_wait3A_493, %dma_wait3A_497] : memref<5x80xi32, #tpu.memory_space<vmem>> -> memref<1x80xi32, #tpu.memory_space<vmem>>
        %dma_wait3A_499 = tpu.memref_squeeze %dma_wait3A_498 : memref<1x80xi32, #tpu.memory_space<vmem>> -> memref<80xi32, #tpu.memory_space<vmem>>
        %dma_wait3A_500 = arith.constant 0 : i32
        %dma_wait3A_501 = arith.constant 0 : i32
        %dma_wait3A_502 = tpu.memref_slice %arg4[%dma_wait3A_500, %dma_wait3A_501] : memref<10000x16xf32, #tpu.memory_space<hbm>> -> memref<10000x16xf32, #tpu.memory_space<hbm>>
        tpu.wait_indirect_dma semaphore(%arg23 : memref<!tpu.dma_semaphore, #tpu.memory_space<semaphore_mem>>) src(%dma_wait3A_502 : memref<10000x16xf32, #tpu.memory_space<hbm>>) dst(%dma_wait3A_496 : memref<80x16xf32, #tpu.memory_space<vmem>>)
        %dma_wait3A_503 = arith.constant 3 : i32
        %dma_wait3A_504 = arith.constant 240 : i32
        %dma_wait3A_505 = arith.constant 0 : i32
        %dma_wait3A_506 = tpu.memref_slice %arg17[%dma_wait3A_504, %dma_wait3A_505] : memref<400x16xf32, #tpu.memory_space<vmem>> -> memref<80x16xf32, #tpu.memory_space<vmem>>
        %dma_wait3A_507 = arith.constant 0 : i32
        %dma_wait3A_508 = tpu.memref_slice %arg11[%dma_wait3A_503, %dma_wait3A_507] : memref<5x80xi32, #tpu.memory_space<vmem>> -> memref<1x80xi32, #tpu.memory_space<vmem>>
        %dma_wait3A_509 = tpu.memref_squeeze %dma_wait3A_508 : memref<1x80xi32, #tpu.memory_space<vmem>> -> memref<80xi32, #tpu.memory_space<vmem>>
        %dma_wait3A_510 = arith.constant 0 : i32
        %dma_wait3A_511 = arith.constant 0 : i32
        %dma_wait3A_512 = tpu.memref_slice %arg5[%dma_wait3A_510, %dma_wait3A_511] : memref<10000x16xf32, #tpu.memory_space<hbm>> -> memref<10000x16xf32, #tpu.memory_space<hbm>>
        tpu.wait_indirect_dma semaphore(%arg23 : memref<!tpu.dma_semaphore, #tpu.memory_space<semaphore_mem>>) src(%dma_wait3A_512 : memref<10000x16xf32, #tpu.memory_space<hbm>>) dst(%dma_wait3A_506 : memref<80x16xf32, #tpu.memory_space<vmem>>)
        %dma_wait3A_513 = arith.constant 3 : i32
        %dma_wait3A_514 = arith.constant 240 : i32
        %dma_wait3A_515 = arith.constant 0 : i32
        %dma_wait3A_516 = tpu.memref_slice %arg19[%dma_wait3A_514, %dma_wait3A_515] : memref<400x16xf32, #tpu.memory_space<vmem>> -> memref<80x16xf32, #tpu.memory_space<vmem>>
        %dma_wait3A_517 = arith.constant 0 : i32
        %dma_wait3A_518 = tpu.memref_slice %arg13[%dma_wait3A_513, %dma_wait3A_517] : memref<5x80xi32, #tpu.memory_space<vmem>> -> memref<1x80xi32, #tpu.memory_space<vmem>>
        %dma_wait3A_519 = tpu.memref_squeeze %dma_wait3A_518 : memref<1x80xi32, #tpu.memory_space<vmem>> -> memref<80xi32, #tpu.memory_space<vmem>>
        %dma_wait3A_520 = arith.constant 0 : i32
        %dma_wait3A_521 = arith.constant 0 : i32
        %dma_wait3A_522 = tpu.memref_slice %arg6[%dma_wait3A_520, %dma_wait3A_521] : memref<10000x16xf32, #tpu.memory_space<hbm>> -> memref<10000x16xf32, #tpu.memory_space<hbm>>
        tpu.wait_indirect_dma semaphore(%arg23 : memref<!tpu.dma_semaphore, #tpu.memory_space<semaphore_mem>>) src(%dma_wait3A_522 : memref<10000x16xf32, #tpu.memory_space<hbm>>) dst(%dma_wait3A_516 : memref<80x16xf32, #tpu.memory_space<vmem>>)
        %dma_wait3A_523 = arith.constant 4 : i32
        %dma_wait3A_524 = arith.constant 320 : i32
        %dma_wait3A_525 = arith.constant 0 : i32
        %dma_wait3A_526 = tpu.memref_slice %arg15[%dma_wait3A_524, %dma_wait3A_525] : memref<400x16xf32, #tpu.memory_space<vmem>> -> memref<80x16xf32, #tpu.memory_space<vmem>>
        %dma_wait3A_527 = arith.constant 0 : i32
        %dma_wait3A_528 = tpu.memref_slice %arg11[%dma_wait3A_523, %dma_wait3A_527] : memref<5x80xi32, #tpu.memory_space<vmem>> -> memref<1x80xi32, #tpu.memory_space<vmem>>
        %dma_wait3A_529 = tpu.memref_squeeze %dma_wait3A_528 : memref<1x80xi32, #tpu.memory_space<vmem>> -> memref<80xi32, #tpu.memory_space<vmem>>
        %dma_wait3A_530 = arith.constant 0 : i32
        %dma_wait3A_531 = arith.constant 0 : i32
        %dma_wait3A_532 = tpu.memref_slice %arg4[%dma_wait3A_530, %dma_wait3A_531] : memref<10000x16xf32, #tpu.memory_space<hbm>> -> memref<10000x16xf32, #tpu.memory_space<hbm>>
        tpu.wait_indirect_dma semaphore(%arg23 : memref<!tpu.dma_semaphore, #tpu.memory_space<semaphore_mem>>) src(%dma_wait3A_532 : memref<10000x16xf32, #tpu.memory_space<hbm>>) dst(%dma_wait3A_526 : memref<80x16xf32, #tpu.memory_space<vmem>>)
        %dma_wait3A_533 = arith.constant 4 : i32
        %dma_wait3A_534 = arith.constant 320 : i32
        %dma_wait3A_535 = arith.constant 0 : i32
        %dma_wait3A_536 = tpu.memref_slice %arg17[%dma_wait3A_534, %dma_wait3A_535] : memref<400x16xf32, #tpu.memory_space<vmem>> -> memref<80x16xf32, #tpu.memory_space<vmem>>
        %dma_wait3A_537 = arith.constant 0 : i32
        %dma_wait3A_538 = tpu.memref_slice %arg11[%dma_wait3A_533, %dma_wait3A_537] : memref<5x80xi32, #tpu.memory_space<vmem>> -> memref<1x80xi32, #tpu.memory_space<vmem>>
        %dma_wait3A_539 = tpu.memref_squeeze %dma_wait3A_538 : memref<1x80xi32, #tpu.memory_space<vmem>> -> memref<80xi32, #tpu.memory_space<vmem>>
        %dma_wait3A_540 = arith.constant 0 : i32
        %dma_wait3A_541 = arith.constant 0 : i32
        %dma_wait3A_542 = tpu.memref_slice %arg5[%dma_wait3A_540, %dma_wait3A_541] : memref<10000x16xf32, #tpu.memory_space<hbm>> -> memref<10000x16xf32, #tpu.memory_space<hbm>>
        tpu.wait_indirect_dma semaphore(%arg23 : memref<!tpu.dma_semaphore, #tpu.memory_space<semaphore_mem>>) src(%dma_wait3A_542 : memref<10000x16xf32, #tpu.memory_space<hbm>>) dst(%dma_wait3A_536 : memref<80x16xf32, #tpu.memory_space<vmem>>)
        %dma_wait3A_543 = arith.constant 4 : i32
        %dma_wait3A_544 = arith.constant 320 : i32
        %dma_wait3A_545 = arith.constant 0 : i32
        %dma_wait3A_546 = tpu.memref_slice %arg19[%dma_wait3A_544, %dma_wait3A_545] : memref<400x16xf32, #tpu.memory_space<vmem>> -> memref<80x16xf32, #tpu.memory_space<vmem>>
        %dma_wait3A_547 = arith.constant 0 : i32
        %dma_wait3A_548 = tpu.memref_slice %arg13[%dma_wait3A_543, %dma_wait3A_547] : memref<5x80xi32, #tpu.memory_space<vmem>> -> memref<1x80xi32, #tpu.memory_space<vmem>>
        %dma_wait3A_549 = tpu.memref_squeeze %dma_wait3A_548 : memref<1x80xi32, #tpu.memory_space<vmem>> -> memref<80xi32, #tpu.memory_space<vmem>>
        %dma_wait3A_550 = arith.constant 0 : i32
        %dma_wait3A_551 = arith.constant 0 : i32
        %dma_wait3A_552 = tpu.memref_slice %arg6[%dma_wait3A_550, %dma_wait3A_551] : memref<10000x16xf32, #tpu.memory_space<hbm>> -> memref<10000x16xf32, #tpu.memory_space<hbm>>
        tpu.wait_indirect_dma semaphore(%arg23 : memref<!tpu.dma_semaphore, #tpu.memory_space<semaphore_mem>>) src(%dma_wait3A_552 : memref<10000x16xf32, #tpu.memory_space<hbm>>) dst(%dma_wait3A_546 : memref<80x16xf32, #tpu.memory_space<vmem>>)
        %add3A_553 = arith.constant 1 : i32
        %add3A_554 = arith.addi %add3A_391, %add3A_553 : i32
        %lt3A_555 = arith.constant 25 : i32
        %lt3A_556 = arith.cmpi slt, %add3A_554, %lt3A_555 : i32
        %convert_element_type3A_557 = arith.extui %lt3A_556 : i1 to i32
        %cond3A_558 = arith.constant 0 : i32
        %cond3A_559 = arith.cmpi ne, %convert_element_type3A_557, %cond3A_558 : i32
        scf.if %cond3A_559 {
          %ge3A = arith.constant 1 : i32
          %ge3A_666 = arith.cmpi sge, %add3A_391, %ge3A : i32
          %convert_element_type3A_667 = arith.extui %ge3A_666 : i1 to i32
          %cond3A_668 = arith.constant 0 : i32
          %cond3A_669 = arith.cmpi ne, %convert_element_type3A_667, %cond3A_668 : i32
          scf.if %cond3A_669 {
            %dma_wait3A_828 = arith.constant 0 : i32
            %dma_wait3A_829 = arith.constant 0 : i32
            %dma_wait3A_830 = arith.constant 0 : i32
            %dma_wait3A_831 = tpu.memref_slice %arg16[%dma_wait3A_829, %dma_wait3A_830] : memref<400x16xf32, #tpu.memory_space<vmem>> -> memref<80x16xf32, #tpu.memory_space<vmem>>
            %dma_wait3A_832 = arith.constant 0 : i32
            %dma_wait3A_833 = tpu.memref_slice %arg14[%dma_wait3A_828, %dma_wait3A_832] : memref<5x80xi32, #tpu.memory_space<vmem>> -> memref<1x80xi32, #tpu.memory_space<vmem>>
            %dma_wait3A_834 = tpu.memref_squeeze %dma_wait3A_833 : memref<1x80xi32, #tpu.memory_space<vmem>> -> memref<80xi32, #tpu.memory_space<vmem>>
            %dma_wait3A_835 = arith.constant 0 : i32
            %dma_wait3A_836 = arith.constant 0 : i32
            %dma_wait3A_837 = tpu.memref_slice %arg9[%dma_wait3A_835, %dma_wait3A_836] : memref<10240x16xf32, #tpu.memory_space<vmem_shared>> -> memref<10240x16xf32, #tpu.memory_space<vmem_shared>>
            tpu.wait_indirect_dma semaphore(%arg26 : memref<!tpu.dma_semaphore, #tpu.memory_space<semaphore_mem>>) src(%dma_wait3A_831 : memref<80x16xf32, #tpu.memory_space<vmem>>) dst(%dma_wait3A_837 : memref<10240x16xf32, #tpu.memory_space<vmem_shared>>)
            %dma_wait3A_838 = arith.constant 0 : i32
            %dma_wait3A_839 = arith.constant 0 : i32
            %dma_wait3A_840 = arith.constant 0 : i32
            %dma_wait3A_841 = tpu.memref_slice %arg22[%dma_wait3A_839, %dma_wait3A_840] : memref<400x16xf32, #tpu.memory_space<vmem>> -> memref<80x16xf32, #tpu.memory_space<vmem>>
            %dma_wait3A_842 = arith.constant 0 : i32
            %dma_wait3A_843 = tpu.memref_slice %arg14[%dma_wait3A_838, %dma_wait3A_842] : memref<5x80xi32, #tpu.memory_space<vmem>> -> memref<1x80xi32, #tpu.memory_space<vmem>>
            %dma_wait3A_844 = tpu.memref_squeeze %dma_wait3A_843 : memref<1x80xi32, #tpu.memory_space<vmem>> -> memref<80xi32, #tpu.memory_space<vmem>>
            %dma_wait3A_845 = arith.constant 0 : i32
            %dma_wait3A_846 = arith.constant 0 : i32
            %dma_wait3A_847 = tpu.memref_slice %arg10[%dma_wait3A_845, %dma_wait3A_846] : memref<10240x16xf32, #tpu.memory_space<vmem_shared>> -> memref<10240x16xf32, #tpu.memory_space<vmem_shared>>
            tpu.wait_indirect_dma semaphore(%arg26 : memref<!tpu.dma_semaphore, #tpu.memory_space<semaphore_mem>>) src(%dma_wait3A_841 : memref<80x16xf32, #tpu.memory_space<vmem>>) dst(%dma_wait3A_847 : memref<10240x16xf32, #tpu.memory_space<vmem_shared>>)
            %dma_wait3A_848 = arith.constant 1 : i32
            %dma_wait3A_849 = arith.constant 80 : i32
            %dma_wait3A_850 = arith.constant 0 : i32
            %dma_wait3A_851 = tpu.memref_slice %arg16[%dma_wait3A_849, %dma_wait3A_850] : memref<400x16xf32, #tpu.memory_space<vmem>> -> memref<80x16xf32, #tpu.memory_space<vmem>>
            %dma_wait3A_852 = arith.constant 0 : i32
            %dma_wait3A_853 = tpu.memref_slice %arg14[%dma_wait3A_848, %dma_wait3A_852] : memref<5x80xi32, #tpu.memory_space<vmem>> -> memref<1x80xi32, #tpu.memory_space<vmem>>
            %dma_wait3A_854 = tpu.memref_squeeze %dma_wait3A_853 : memref<1x80xi32, #tpu.memory_space<vmem>> -> memref<80xi32, #tpu.memory_space<vmem>>
            %dma_wait3A_855 = arith.constant 0 : i32
            %dma_wait3A_856 = arith.constant 0 : i32
            %dma_wait3A_857 = tpu.memref_slice %arg9[%dma_wait3A_855, %dma_wait3A_856] : memref<10240x16xf32, #tpu.memory_space<vmem_shared>> -> memref<10240x16xf32, #tpu.memory_space<vmem_shared>>
            tpu.wait_indirect_dma semaphore(%arg26 : memref<!tpu.dma_semaphore, #tpu.memory_space<semaphore_mem>>) src(%dma_wait3A_851 : memref<80x16xf32, #tpu.memory_space<vmem>>) dst(%dma_wait3A_857 : memref<10240x16xf32, #tpu.memory_space<vmem_shared>>)
            %dma_wait3A_858 = arith.constant 1 : i32
            %dma_wait3A_859 = arith.constant 80 : i32
            %dma_wait3A_860 = arith.constant 0 : i32
            %dma_wait3A_861 = tpu.memref_slice %arg22[%dma_wait3A_859, %dma_wait3A_860] : memref<400x16xf32, #tpu.memory_space<vmem>> -> memref<80x16xf32, #tpu.memory_space<vmem>>
            %dma_wait3A_862 = arith.constant 0 : i32
            %dma_wait3A_863 = tpu.memref_slice %arg14[%dma_wait3A_858, %dma_wait3A_862] : memref<5x80xi32, #tpu.memory_space<vmem>> -> memref<1x80xi32, #tpu.memory_space<vmem>>
            %dma_wait3A_864 = tpu.memref_squeeze %dma_wait3A_863 : memref<1x80xi32, #tpu.memory_space<vmem>> -> memref<80xi32, #tpu.memory_space<vmem>>
            %dma_wait3A_865 = arith.constant 0 : i32
            %dma_wait3A_866 = arith.constant 0 : i32
            %dma_wait3A_867 = tpu.memref_slice %arg10[%dma_wait3A_865, %dma_wait3A_866] : memref<10240x16xf32, #tpu.memory_space<vmem_shared>> -> memref<10240x16xf32, #tpu.memory_space<vmem_shared>>
            tpu.wait_indirect_dma semaphore(%arg26 : memref<!tpu.dma_semaphore, #tpu.memory_space<semaphore_mem>>) src(%dma_wait3A_861 : memref<80x16xf32, #tpu.memory_space<vmem>>) dst(%dma_wait3A_867 : memref<10240x16xf32, #tpu.memory_space<vmem_shared>>)
            %dma_wait3A_868 = arith.constant 2 : i32
            %dma_wait3A_869 = arith.constant 160 : i32
            %dma_wait3A_870 = arith.constant 0 : i32
            %dma_wait3A_871 = tpu.memref_slice %arg16[%dma_wait3A_869, %dma_wait3A_870] : memref<400x16xf32, #tpu.memory_space<vmem>> -> memref<80x16xf32, #tpu.memory_space<vmem>>
            %dma_wait3A_872 = arith.constant 0 : i32
            %dma_wait3A_873 = tpu.memref_slice %arg14[%dma_wait3A_868, %dma_wait3A_872] : memref<5x80xi32, #tpu.memory_space<vmem>> -> memref<1x80xi32, #tpu.memory_space<vmem>>
            %dma_wait3A_874 = tpu.memref_squeeze %dma_wait3A_873 : memref<1x80xi32, #tpu.memory_space<vmem>> -> memref<80xi32, #tpu.memory_space<vmem>>
            %dma_wait3A_875 = arith.constant 0 : i32
            %dma_wait3A_876 = arith.constant 0 : i32
            %dma_wait3A_877 = tpu.memref_slice %arg9[%dma_wait3A_875, %dma_wait3A_876] : memref<10240x16xf32, #tpu.memory_space<vmem_shared>> -> memref<10240x16xf32, #tpu.memory_space<vmem_shared>>
            tpu.wait_indirect_dma semaphore(%arg26 : memref<!tpu.dma_semaphore, #tpu.memory_space<semaphore_mem>>) src(%dma_wait3A_871 : memref<80x16xf32, #tpu.memory_space<vmem>>) dst(%dma_wait3A_877 : memref<10240x16xf32, #tpu.memory_space<vmem_shared>>)
            %dma_wait3A_878 = arith.constant 2 : i32
            %dma_wait3A_879 = arith.constant 160 : i32
            %dma_wait3A_880 = arith.constant 0 : i32
            %dma_wait3A_881 = tpu.memref_slice %arg22[%dma_wait3A_879, %dma_wait3A_880] : memref<400x16xf32, #tpu.memory_space<vmem>> -> memref<80x16xf32, #tpu.memory_space<vmem>>
            %dma_wait3A_882 = arith.constant 0 : i32
            %dma_wait3A_883 = tpu.memref_slice %arg14[%dma_wait3A_878, %dma_wait3A_882] : memref<5x80xi32, #tpu.memory_space<vmem>> -> memref<1x80xi32, #tpu.memory_space<vmem>>
            %dma_wait3A_884 = tpu.memref_squeeze %dma_wait3A_883 : memref<1x80xi32, #tpu.memory_space<vmem>> -> memref<80xi32, #tpu.memory_space<vmem>>
            %dma_wait3A_885 = arith.constant 0 : i32
            %dma_wait3A_886 = arith.constant 0 : i32
            %dma_wait3A_887 = tpu.memref_slice %arg10[%dma_wait3A_885, %dma_wait3A_886] : memref<10240x16xf32, #tpu.memory_space<vmem_shared>> -> memref<10240x16xf32, #tpu.memory_space<vmem_shared>>
            tpu.wait_indirect_dma semaphore(%arg26 : memref<!tpu.dma_semaphore, #tpu.memory_space<semaphore_mem>>) src(%dma_wait3A_881 : memref<80x16xf32, #tpu.memory_space<vmem>>) dst(%dma_wait3A_887 : memref<10240x16xf32, #tpu.memory_space<vmem_shared>>)
            %dma_wait3A_888 = arith.constant 3 : i32
            %dma_wait3A_889 = arith.constant 240 : i32
            %dma_wait3A_890 = arith.constant 0 : i32
            %dma_wait3A_891 = tpu.memref_slice %arg16[%dma_wait3A_889, %dma_wait3A_890] : memref<400x16xf32, #tpu.memory_space<vmem>> -> memref<80x16xf32, #tpu.memory_space<vmem>>
            %dma_wait3A_892 = arith.constant 0 : i32
            %dma_wait3A_893 = tpu.memref_slice %arg14[%dma_wait3A_888, %dma_wait3A_892] : memref<5x80xi32, #tpu.memory_space<vmem>> -> memref<1x80xi32, #tpu.memory_space<vmem>>
            %dma_wait3A_894 = tpu.memref_squeeze %dma_wait3A_893 : memref<1x80xi32, #tpu.memory_space<vmem>> -> memref<80xi32, #tpu.memory_space<vmem>>
            %dma_wait3A_895 = arith.constant 0 : i32
            %dma_wait3A_896 = arith.constant 0 : i32
            %dma_wait3A_897 = tpu.memref_slice %arg9[%dma_wait3A_895, %dma_wait3A_896] : memref<10240x16xf32, #tpu.memory_space<vmem_shared>> -> memref<10240x16xf32, #tpu.memory_space<vmem_shared>>
            tpu.wait_indirect_dma semaphore(%arg26 : memref<!tpu.dma_semaphore, #tpu.memory_space<semaphore_mem>>) src(%dma_wait3A_891 : memref<80x16xf32, #tpu.memory_space<vmem>>) dst(%dma_wait3A_897 : memref<10240x16xf32, #tpu.memory_space<vmem_shared>>)
            %dma_wait3A_898 = arith.constant 3 : i32
            %dma_wait3A_899 = arith.constant 240 : i32
            %dma_wait3A_900 = arith.constant 0 : i32
            %dma_wait3A_901 = tpu.memref_slice %arg22[%dma_wait3A_899, %dma_wait3A_900] : memref<400x16xf32, #tpu.memory_space<vmem>> -> memref<80x16xf32, #tpu.memory_space<vmem>>
            %dma_wait3A_902 = arith.constant 0 : i32
            %dma_wait3A_903 = tpu.memref_slice %arg14[%dma_wait3A_898, %dma_wait3A_902] : memref<5x80xi32, #tpu.memory_space<vmem>> -> memref<1x80xi32, #tpu.memory_space<vmem>>
            %dma_wait3A_904 = tpu.memref_squeeze %dma_wait3A_903 : memref<1x80xi32, #tpu.memory_space<vmem>> -> memref<80xi32, #tpu.memory_space<vmem>>
            %dma_wait3A_905 = arith.constant 0 : i32
            %dma_wait3A_906 = arith.constant 0 : i32
            %dma_wait3A_907 = tpu.memref_slice %arg10[%dma_wait3A_905, %dma_wait3A_906] : memref<10240x16xf32, #tpu.memory_space<vmem_shared>> -> memref<10240x16xf32, #tpu.memory_space<vmem_shared>>
            tpu.wait_indirect_dma semaphore(%arg26 : memref<!tpu.dma_semaphore, #tpu.memory_space<semaphore_mem>>) src(%dma_wait3A_901 : memref<80x16xf32, #tpu.memory_space<vmem>>) dst(%dma_wait3A_907 : memref<10240x16xf32, #tpu.memory_space<vmem_shared>>)
            %dma_wait3A_908 = arith.constant 4 : i32
            %dma_wait3A_909 = arith.constant 320 : i32
            %dma_wait3A_910 = arith.constant 0 : i32
            %dma_wait3A_911 = tpu.memref_slice %arg16[%dma_wait3A_909, %dma_wait3A_910] : memref<400x16xf32, #tpu.memory_space<vmem>> -> memref<80x16xf32, #tpu.memory_space<vmem>>
            %dma_wait3A_912 = arith.constant 0 : i32
            %dma_wait3A_913 = tpu.memref_slice %arg14[%dma_wait3A_908, %dma_wait3A_912] : memref<5x80xi32, #tpu.memory_space<vmem>> -> memref<1x80xi32, #tpu.memory_space<vmem>>
            %dma_wait3A_914 = tpu.memref_squeeze %dma_wait3A_913 : memref<1x80xi32, #tpu.memory_space<vmem>> -> memref<80xi32, #tpu.memory_space<vmem>>
            %dma_wait3A_915 = arith.constant 0 : i32
            %dma_wait3A_916 = arith.constant 0 : i32
            %dma_wait3A_917 = tpu.memref_slice %arg9[%dma_wait3A_915, %dma_wait3A_916] : memref<10240x16xf32, #tpu.memory_space<vmem_shared>> -> memref<10240x16xf32, #tpu.memory_space<vmem_shared>>
            tpu.wait_indirect_dma semaphore(%arg26 : memref<!tpu.dma_semaphore, #tpu.memory_space<semaphore_mem>>) src(%dma_wait3A_911 : memref<80x16xf32, #tpu.memory_space<vmem>>) dst(%dma_wait3A_917 : memref<10240x16xf32, #tpu.memory_space<vmem_shared>>)
            %dma_wait3A_918 = arith.constant 4 : i32
            %dma_wait3A_919 = arith.constant 320 : i32
            %dma_wait3A_920 = arith.constant 0 : i32
            %dma_wait3A_921 = tpu.memref_slice %arg22[%dma_wait3A_919, %dma_wait3A_920] : memref<400x16xf32, #tpu.memory_space<vmem>> -> memref<80x16xf32, #tpu.memory_space<vmem>>
            %dma_wait3A_922 = arith.constant 0 : i32
            %dma_wait3A_923 = tpu.memref_slice %arg14[%dma_wait3A_918, %dma_wait3A_922] : memref<5x80xi32, #tpu.memory_space<vmem>> -> memref<1x80xi32, #tpu.memory_space<vmem>>
            %dma_wait3A_924 = tpu.memref_squeeze %dma_wait3A_923 : memref<1x80xi32, #tpu.memory_space<vmem>> -> memref<80xi32, #tpu.memory_space<vmem>>
            %dma_wait3A_925 = arith.constant 0 : i32
            %dma_wait3A_926 = arith.constant 0 : i32
            %dma_wait3A_927 = tpu.memref_slice %arg10[%dma_wait3A_925, %dma_wait3A_926] : memref<10240x16xf32, #tpu.memory_space<vmem_shared>> -> memref<10240x16xf32, #tpu.memory_space<vmem_shared>>
            tpu.wait_indirect_dma semaphore(%arg26 : memref<!tpu.dma_semaphore, #tpu.memory_space<semaphore_mem>>) src(%dma_wait3A_921 : memref<80x16xf32, #tpu.memory_space<vmem>>) dst(%dma_wait3A_927 : memref<10240x16xf32, #tpu.memory_space<vmem_shared>>)
          } else {
          }
          %add3A_670 = arith.constant 1 : i32
          %add3A_671 = arith.addi %add3A_391, %add3A_670 : i32
          %mul3A_672 = arith.constant 5 : i32
          %mul3A_673 = arith.muli %add3A_671, %mul3A_672 : i32
          %add3A_674 = arith.addi %mul3A_19, %mul3A_673 : i32
          "tpu.region"() ({
            %run_scoped3A = tpu.sem_alloc : memref<!tpu.dma_semaphore, #tpu.memory_space<semaphore_mem>>
            %dma_start3A_828 = arith.constant 0 : i32
            %dma_start3A_829 = tpu.memref_slice %arg2[%add3A_674, %dma_start3A_828] : memref<4000x80xi32, #tpu.memory_space<hbm>> -> memref<5x80xi32, #tpu.memory_space<hbm>>
            %dma_start3A_830 = arith.constant 0 : i32
            %dma_start3A_831 = tpu.memref_slice %arg2[%add3A_674, %dma_start3A_830] : memref<4000x80xi32, #tpu.memory_space<hbm>> -> memref<5x80xi32, #tpu.memory_space<hbm>>
            tpu.enqueue_dma source(%dma_start3A_831 : memref<5x80xi32, #tpu.memory_space<hbm>>) target(%arg12 : memref<5x80xi32, #tpu.memory_space<vmem>>) target_semaphore(%run_scoped3A : memref<!tpu.dma_semaphore, #tpu.memory_space<semaphore_mem>>)
            %dma_wait3A_832 = arith.constant 0 : i32
            %dma_wait3A_833 = tpu.memref_slice %arg2[%add3A_674, %dma_wait3A_832] : memref<4000x80xi32, #tpu.memory_space<hbm>> -> memref<5x80xi32, #tpu.memory_space<hbm>>
            %dma_wait3A_834 = arith.constant 0 : i32
            %dma_wait3A_835 = tpu.memref_slice %arg2[%add3A_674, %dma_wait3A_834] : memref<4000x80xi32, #tpu.memory_space<hbm>> -> memref<5x80xi32, #tpu.memory_space<hbm>>
            tpu.wait_dma2 semaphore(%run_scoped3A : memref<!tpu.dma_semaphore, #tpu.memory_space<semaphore_mem>>) src(%dma_wait3A_835 : memref<5x80xi32, #tpu.memory_space<hbm>>) dst(%arg12 : memref<5x80xi32, #tpu.memory_space<vmem>>)
            tpu.yield
          }) : () -> ()
          %mul3A_675 = arith.constant 5 : i32
          %mul3A_676 = arith.muli %add3A_671, %mul3A_675 : i32
          %add3A_677 = arith.addi %mul3A_19, %mul3A_676 : i32
          "tpu.region"() ({
            %run_scoped3A = tpu.sem_alloc : memref<!tpu.dma_semaphore, #tpu.memory_space<semaphore_mem>>
            %dma_start3A_828 = arith.constant 0 : i32
            %dma_start3A_829 = tpu.memref_slice %arg3[%add3A_677, %dma_start3A_828] : memref<4000x80xi32, #tpu.memory_space<hbm>> -> memref<5x80xi32, #tpu.memory_space<hbm>>
            %dma_start3A_830 = arith.constant 0 : i32
            %dma_start3A_831 = tpu.memref_slice %arg3[%add3A_677, %dma_start3A_830] : memref<4000x80xi32, #tpu.memory_space<hbm>> -> memref<5x80xi32, #tpu.memory_space<hbm>>
            tpu.enqueue_dma source(%dma_start3A_831 : memref<5x80xi32, #tpu.memory_space<hbm>>) target(%arg14 : memref<5x80xi32, #tpu.memory_space<vmem>>) target_semaphore(%run_scoped3A : memref<!tpu.dma_semaphore, #tpu.memory_space<semaphore_mem>>)
            %dma_wait3A_832 = arith.constant 0 : i32
            %dma_wait3A_833 = tpu.memref_slice %arg3[%add3A_677, %dma_wait3A_832] : memref<4000x80xi32, #tpu.memory_space<hbm>> -> memref<5x80xi32, #tpu.memory_space<hbm>>
            %dma_wait3A_834 = arith.constant 0 : i32
            %dma_wait3A_835 = tpu.memref_slice %arg3[%add3A_677, %dma_wait3A_834] : memref<4000x80xi32, #tpu.memory_space<hbm>> -> memref<5x80xi32, #tpu.memory_space<hbm>>
            tpu.wait_dma2 semaphore(%run_scoped3A : memref<!tpu.dma_semaphore, #tpu.memory_space<semaphore_mem>>) src(%dma_wait3A_835 : memref<5x80xi32, #tpu.memory_space<hbm>>) dst(%arg14 : memref<5x80xi32, #tpu.memory_space<vmem>>)
            tpu.yield
          }) : () -> ()
          %dma_start3A_678 = arith.constant 0 : i32
          %dma_start3A_679 = arith.constant 0 : i32
          %dma_start3A_680 = arith.constant 0 : i32
          %dma_start3A_681 = tpu.memref_slice %arg16[%dma_start3A_679, %dma_start3A_680] : memref<400x16xf32, #tpu.memory_space<vmem>> -> memref<80x16xf32, #tpu.memory_space<vmem>>
          %dma_start3A_682 = arith.constant 0 : i32
          %dma_start3A_683 = tpu.memref_slice %arg12[%dma_start3A_678, %dma_start3A_682] : memref<5x80xi32, #tpu.memory_space<vmem>> -> memref<1x80xi32, #tpu.memory_space<vmem>>
          %dma_start3A_684 = tpu.memref_squeeze %dma_start3A_683 : memref<1x80xi32, #tpu.memory_space<vmem>> -> memref<80xi32, #tpu.memory_space<vmem>>
          %dma_start3A_685 = arith.constant 0 : i32
          %dma_start3A_686 = arith.constant 0 : i32
          %dma_start3A_687 = tpu.memref_slice %arg4[%dma_start3A_685, %dma_start3A_686] : memref<10000x16xf32, #tpu.memory_space<hbm>> -> memref<10000x16xf32, #tpu.memory_space<hbm>>
          tpu.enqueue_indirect_dma source(%dma_start3A_687 : memref<10000x16xf32, #tpu.memory_space<hbm>>) target(%dma_start3A_681 : memref<80x16xf32, #tpu.memory_space<vmem>>) offsets(%dma_start3A_684 : memref<80xi32, #tpu.memory_space<vmem>>) semaphore(%arg24 : memref<!tpu.dma_semaphore, #tpu.memory_space<semaphore_mem>>)
          %dma_start3A_688 = arith.constant 0 : i32
          %dma_start3A_689 = arith.constant 0 : i32
          %dma_start3A_690 = arith.constant 0 : i32
          %dma_start3A_691 = tpu.memref_slice %arg18[%dma_start3A_689, %dma_start3A_690] : memref<400x16xf32, #tpu.memory_space<vmem>> -> memref<80x16xf32, #tpu.memory_space<vmem>>
          %dma_start3A_692 = arith.constant 0 : i32
          %dma_start3A_693 = tpu.memref_slice %arg12[%dma_start3A_688, %dma_start3A_692] : memref<5x80xi32, #tpu.memory_space<vmem>> -> memref<1x80xi32, #tpu.memory_space<vmem>>
          %dma_start3A_694 = tpu.memref_squeeze %dma_start3A_693 : memref<1x80xi32, #tpu.memory_space<vmem>> -> memref<80xi32, #tpu.memory_space<vmem>>
          %dma_start3A_695 = arith.constant 0 : i32
          %dma_start3A_696 = arith.constant 0 : i32
          %dma_start3A_697 = tpu.memref_slice %arg5[%dma_start3A_695, %dma_start3A_696] : memref<10000x16xf32, #tpu.memory_space<hbm>> -> memref<10000x16xf32, #tpu.memory_space<hbm>>
          tpu.enqueue_indirect_dma source(%dma_start3A_697 : memref<10000x16xf32, #tpu.memory_space<hbm>>) target(%dma_start3A_691 : memref<80x16xf32, #tpu.memory_space<vmem>>) offsets(%dma_start3A_694 : memref<80xi32, #tpu.memory_space<vmem>>) semaphore(%arg24 : memref<!tpu.dma_semaphore, #tpu.memory_space<semaphore_mem>>)
          %dma_start3A_698 = arith.constant 0 : i32
          %dma_start3A_699 = arith.constant 0 : i32
          %dma_start3A_700 = arith.constant 0 : i32
          %dma_start3A_701 = tpu.memref_slice %arg20[%dma_start3A_699, %dma_start3A_700] : memref<400x16xf32, #tpu.memory_space<vmem>> -> memref<80x16xf32, #tpu.memory_space<vmem>>
          %dma_start3A_702 = arith.constant 0 : i32
          %dma_start3A_703 = tpu.memref_slice %arg14[%dma_start3A_698, %dma_start3A_702] : memref<5x80xi32, #tpu.memory_space<vmem>> -> memref<1x80xi32, #tpu.memory_space<vmem>>
          %dma_start3A_704 = tpu.memref_squeeze %dma_start3A_703 : memref<1x80xi32, #tpu.memory_space<vmem>> -> memref<80xi32, #tpu.memory_space<vmem>>
          %dma_start3A_705 = arith.constant 0 : i32
          %dma_start3A_706 = arith.constant 0 : i32
          %dma_start3A_707 = tpu.memref_slice %arg6[%dma_start3A_705, %dma_start3A_706] : memref<10000x16xf32, #tpu.memory_space<hbm>> -> memref<10000x16xf32, #tpu.memory_space<hbm>>
          tpu.enqueue_indirect_dma source(%dma_start3A_707 : memref<10000x16xf32, #tpu.memory_space<hbm>>) target(%dma_start3A_701 : memref<80x16xf32, #tpu.memory_space<vmem>>) offsets(%dma_start3A_704 : memref<80xi32, #tpu.memory_space<vmem>>) semaphore(%arg24 : memref<!tpu.dma_semaphore, #tpu.memory_space<semaphore_mem>>)
          %dma_start3A_708 = arith.constant 1 : i32
          %dma_start3A_709 = arith.constant 80 : i32
          %dma_start3A_710 = arith.constant 0 : i32
          %dma_start3A_711 = tpu.memref_slice %arg16[%dma_start3A_709, %dma_start3A_710] : memref<400x16xf32, #tpu.memory_space<vmem>> -> memref<80x16xf32, #tpu.memory_space<vmem>>
          %dma_start3A_712 = arith.constant 0 : i32
          %dma_start3A_713 = tpu.memref_slice %arg12[%dma_start3A_708, %dma_start3A_712] : memref<5x80xi32, #tpu.memory_space<vmem>> -> memref<1x80xi32, #tpu.memory_space<vmem>>
          %dma_start3A_714 = tpu.memref_squeeze %dma_start3A_713 : memref<1x80xi32, #tpu.memory_space<vmem>> -> memref<80xi32, #tpu.memory_space<vmem>>
          %dma_start3A_715 = arith.constant 0 : i32
          %dma_start3A_716 = arith.constant 0 : i32
          %dma_start3A_717 = tpu.memref_slice %arg4[%dma_start3A_715, %dma_start3A_716] : memref<10000x16xf32, #tpu.memory_space<hbm>> -> memref<10000x16xf32, #tpu.memory_space<hbm>>
          tpu.enqueue_indirect_dma source(%dma_start3A_717 : memref<10000x16xf32, #tpu.memory_space<hbm>>) target(%dma_start3A_711 : memref<80x16xf32, #tpu.memory_space<vmem>>) offsets(%dma_start3A_714 : memref<80xi32, #tpu.memory_space<vmem>>) semaphore(%arg24 : memref<!tpu.dma_semaphore, #tpu.memory_space<semaphore_mem>>)
          %dma_start3A_718 = arith.constant 1 : i32
          %dma_start3A_719 = arith.constant 80 : i32
          %dma_start3A_720 = arith.constant 0 : i32
          %dma_start3A_721 = tpu.memref_slice %arg18[%dma_start3A_719, %dma_start3A_720] : memref<400x16xf32, #tpu.memory_space<vmem>> -> memref<80x16xf32, #tpu.memory_space<vmem>>
          %dma_start3A_722 = arith.constant 0 : i32
          %dma_start3A_723 = tpu.memref_slice %arg12[%dma_start3A_718, %dma_start3A_722] : memref<5x80xi32, #tpu.memory_space<vmem>> -> memref<1x80xi32, #tpu.memory_space<vmem>>
          %dma_start3A_724 = tpu.memref_squeeze %dma_start3A_723 : memref<1x80xi32, #tpu.memory_space<vmem>> -> memref<80xi32, #tpu.memory_space<vmem>>
          %dma_start3A_725 = arith.constant 0 : i32
          %dma_start3A_726 = arith.constant 0 : i32
          %dma_start3A_727 = tpu.memref_slice %arg5[%dma_start3A_725, %dma_start3A_726] : memref<10000x16xf32, #tpu.memory_space<hbm>> -> memref<10000x16xf32, #tpu.memory_space<hbm>>
          tpu.enqueue_indirect_dma source(%dma_start3A_727 : memref<10000x16xf32, #tpu.memory_space<hbm>>) target(%dma_start3A_721 : memref<80x16xf32, #tpu.memory_space<vmem>>) offsets(%dma_start3A_724 : memref<80xi32, #tpu.memory_space<vmem>>) semaphore(%arg24 : memref<!tpu.dma_semaphore, #tpu.memory_space<semaphore_mem>>)
          %dma_start3A_728 = arith.constant 1 : i32
          %dma_start3A_729 = arith.constant 80 : i32
          %dma_start3A_730 = arith.constant 0 : i32
          %dma_start3A_731 = tpu.memref_slice %arg20[%dma_start3A_729, %dma_start3A_730] : memref<400x16xf32, #tpu.memory_space<vmem>> -> memref<80x16xf32, #tpu.memory_space<vmem>>
          %dma_start3A_732 = arith.constant 0 : i32
          %dma_start3A_733 = tpu.memref_slice %arg14[%dma_start3A_728, %dma_start3A_732] : memref<5x80xi32, #tpu.memory_space<vmem>> -> memref<1x80xi32, #tpu.memory_space<vmem>>
          %dma_start3A_734 = tpu.memref_squeeze %dma_start3A_733 : memref<1x80xi32, #tpu.memory_space<vmem>> -> memref<80xi32, #tpu.memory_space<vmem>>
          %dma_start3A_735 = arith.constant 0 : i32
          %dma_start3A_736 = arith.constant 0 : i32
          %dma_start3A_737 = tpu.memref_slice %arg6[%dma_start3A_735, %dma_start3A_736] : memref<10000x16xf32, #tpu.memory_space<hbm>> -> memref<10000x16xf32, #tpu.memory_space<hbm>>
          tpu.enqueue_indirect_dma source(%dma_start3A_737 : memref<10000x16xf32, #tpu.memory_space<hbm>>) target(%dma_start3A_731 : memref<80x16xf32, #tpu.memory_space<vmem>>) offsets(%dma_start3A_734 : memref<80xi32, #tpu.memory_space<vmem>>) semaphore(%arg24 : memref<!tpu.dma_semaphore, #tpu.memory_space<semaphore_mem>>)
          %dma_start3A_738 = arith.constant 2 : i32
          %dma_start3A_739 = arith.constant 160 : i32
          %dma_start3A_740 = arith.constant 0 : i32
          %dma_start3A_741 = tpu.memref_slice %arg16[%dma_start3A_739, %dma_start3A_740] : memref<400x16xf32, #tpu.memory_space<vmem>> -> memref<80x16xf32, #tpu.memory_space<vmem>>
          %dma_start3A_742 = arith.constant 0 : i32
          %dma_start3A_743 = tpu.memref_slice %arg12[%dma_start3A_738, %dma_start3A_742] : memref<5x80xi32, #tpu.memory_space<vmem>> -> memref<1x80xi32, #tpu.memory_space<vmem>>
          %dma_start3A_744 = tpu.memref_squeeze %dma_start3A_743 : memref<1x80xi32, #tpu.memory_space<vmem>> -> memref<80xi32, #tpu.memory_space<vmem>>
          %dma_start3A_745 = arith.constant 0 : i32
          %dma_start3A_746 = arith.constant 0 : i32
          %dma_start3A_747 = tpu.memref_slice %arg4[%dma_start3A_745, %dma_start3A_746] : memref<10000x16xf32, #tpu.memory_space<hbm>> -> memref<10000x16xf32, #tpu.memory_space<hbm>>
          tpu.enqueue_indirect_dma source(%dma_start3A_747 : memref<10000x16xf32, #tpu.memory_space<hbm>>) target(%dma_start3A_741 : memref<80x16xf32, #tpu.memory_space<vmem>>) offsets(%dma_start3A_744 : memref<80xi32, #tpu.memory_space<vmem>>) semaphore(%arg24 : memref<!tpu.dma_semaphore, #tpu.memory_space<semaphore_mem>>)
          %dma_start3A_748 = arith.constant 2 : i32
          %dma_start3A_749 = arith.constant 160 : i32
          %dma_start3A_750 = arith.constant 0 : i32
          %dma_start3A_751 = tpu.memref_slice %arg18[%dma_start3A_749, %dma_start3A_750] : memref<400x16xf32, #tpu.memory_space<vmem>> -> memref<80x16xf32, #tpu.memory_space<vmem>>
          %dma_start3A_752 = arith.constant 0 : i32
          %dma_start3A_753 = tpu.memref_slice %arg12[%dma_start3A_748, %dma_start3A_752] : memref<5x80xi32, #tpu.memory_space<vmem>> -> memref<1x80xi32, #tpu.memory_space<vmem>>
          %dma_start3A_754 = tpu.memref_squeeze %dma_start3A_753 : memref<1x80xi32, #tpu.memory_space<vmem>> -> memref<80xi32, #tpu.memory_space<vmem>>
          %dma_start3A_755 = arith.constant 0 : i32
          %dma_start3A_756 = arith.constant 0 : i32
          %dma_start3A_757 = tpu.memref_slice %arg5[%dma_start3A_755, %dma_start3A_756] : memref<10000x16xf32, #tpu.memory_space<hbm>> -> memref<10000x16xf32, #tpu.memory_space<hbm>>
          tpu.enqueue_indirect_dma source(%dma_start3A_757 : memref<10000x16xf32, #tpu.memory_space<hbm>>) target(%dma_start3A_751 : memref<80x16xf32, #tpu.memory_space<vmem>>) offsets(%dma_start3A_754 : memref<80xi32, #tpu.memory_space<vmem>>) semaphore(%arg24 : memref<!tpu.dma_semaphore, #tpu.memory_space<semaphore_mem>>)
          %dma_start3A_758 = arith.constant 2 : i32
          %dma_start3A_759 = arith.constant 160 : i32
          %dma_start3A_760 = arith.constant 0 : i32
          %dma_start3A_761 = tpu.memref_slice %arg20[%dma_start3A_759, %dma_start3A_760] : memref<400x16xf32, #tpu.memory_space<vmem>> -> memref<80x16xf32, #tpu.memory_space<vmem>>
          %dma_start3A_762 = arith.constant 0 : i32
          %dma_start3A_763 = tpu.memref_slice %arg14[%dma_start3A_758, %dma_start3A_762] : memref<5x80xi32, #tpu.memory_space<vmem>> -> memref<1x80xi32, #tpu.memory_space<vmem>>
          %dma_start3A_764 = tpu.memref_squeeze %dma_start3A_763 : memref<1x80xi32, #tpu.memory_space<vmem>> -> memref<80xi32, #tpu.memory_space<vmem>>
          %dma_start3A_765 = arith.constant 0 : i32
          %dma_start3A_766 = arith.constant 0 : i32
          %dma_start3A_767 = tpu.memref_slice %arg6[%dma_start3A_765, %dma_start3A_766] : memref<10000x16xf32, #tpu.memory_space<hbm>> -> memref<10000x16xf32, #tpu.memory_space<hbm>>
          tpu.enqueue_indirect_dma source(%dma_start3A_767 : memref<10000x16xf32, #tpu.memory_space<hbm>>) target(%dma_start3A_761 : memref<80x16xf32, #tpu.memory_space<vmem>>) offsets(%dma_start3A_764 : memref<80xi32, #tpu.memory_space<vmem>>) semaphore(%arg24 : memref<!tpu.dma_semaphore, #tpu.memory_space<semaphore_mem>>)
          %dma_start3A_768 = arith.constant 3 : i32
          %dma_start3A_769 = arith.constant 240 : i32
          %dma_start3A_770 = arith.constant 0 : i32
          %dma_start3A_771 = tpu.memref_slice %arg16[%dma_start3A_769, %dma_start3A_770] : memref<400x16xf32, #tpu.memory_space<vmem>> -> memref<80x16xf32, #tpu.memory_space<vmem>>
          %dma_start3A_772 = arith.constant 0 : i32
          %dma_start3A_773 = tpu.memref_slice %arg12[%dma_start3A_768, %dma_start3A_772] : memref<5x80xi32, #tpu.memory_space<vmem>> -> memref<1x80xi32, #tpu.memory_space<vmem>>
          %dma_start3A_774 = tpu.memref_squeeze %dma_start3A_773 : memref<1x80xi32, #tpu.memory_space<vmem>> -> memref<80xi32, #tpu.memory_space<vmem>>
          %dma_start3A_775 = arith.constant 0 : i32
          %dma_start3A_776 = arith.constant 0 : i32
          %dma_start3A_777 = tpu.memref_slice %arg4[%dma_start3A_775, %dma_start3A_776] : memref<10000x16xf32, #tpu.memory_space<hbm>> -> memref<10000x16xf32, #tpu.memory_space<hbm>>
          tpu.enqueue_indirect_dma source(%dma_start3A_777 : memref<10000x16xf32, #tpu.memory_space<hbm>>) target(%dma_start3A_771 : memref<80x16xf32, #tpu.memory_space<vmem>>) offsets(%dma_start3A_774 : memref<80xi32, #tpu.memory_space<vmem>>) semaphore(%arg24 : memref<!tpu.dma_semaphore, #tpu.memory_space<semaphore_mem>>)
          %dma_start3A_778 = arith.constant 3 : i32
          %dma_start3A_779 = arith.constant 240 : i32
          %dma_start3A_780 = arith.constant 0 : i32
          %dma_start3A_781 = tpu.memref_slice %arg18[%dma_start3A_779, %dma_start3A_780] : memref<400x16xf32, #tpu.memory_space<vmem>> -> memref<80x16xf32, #tpu.memory_space<vmem>>
          %dma_start3A_782 = arith.constant 0 : i32
          %dma_start3A_783 = tpu.memref_slice %arg12[%dma_start3A_778, %dma_start3A_782] : memref<5x80xi32, #tpu.memory_space<vmem>> -> memref<1x80xi32, #tpu.memory_space<vmem>>
          %dma_start3A_784 = tpu.memref_squeeze %dma_start3A_783 : memref<1x80xi32, #tpu.memory_space<vmem>> -> memref<80xi32, #tpu.memory_space<vmem>>
          %dma_start3A_785 = arith.constant 0 : i32
          %dma_start3A_786 = arith.constant 0 : i32
          %dma_start3A_787 = tpu.memref_slice %arg5[%dma_start3A_785, %dma_start3A_786] : memref<10000x16xf32, #tpu.memory_space<hbm>> -> memref<10000x16xf32, #tpu.memory_space<hbm>>
          tpu.enqueue_indirect_dma source(%dma_start3A_787 : memref<10000x16xf32, #tpu.memory_space<hbm>>) target(%dma_start3A_781 : memref<80x16xf32, #tpu.memory_space<vmem>>) offsets(%dma_start3A_784 : memref<80xi32, #tpu.memory_space<vmem>>) semaphore(%arg24 : memref<!tpu.dma_semaphore, #tpu.memory_space<semaphore_mem>>)
          %dma_start3A_788 = arith.constant 3 : i32
          %dma_start3A_789 = arith.constant 240 : i32
          %dma_start3A_790 = arith.constant 0 : i32
          %dma_start3A_791 = tpu.memref_slice %arg20[%dma_start3A_789, %dma_start3A_790] : memref<400x16xf32, #tpu.memory_space<vmem>> -> memref<80x16xf32, #tpu.memory_space<vmem>>
          %dma_start3A_792 = arith.constant 0 : i32
          %dma_start3A_793 = tpu.memref_slice %arg14[%dma_start3A_788, %dma_start3A_792] : memref<5x80xi32, #tpu.memory_space<vmem>> -> memref<1x80xi32, #tpu.memory_space<vmem>>
          %dma_start3A_794 = tpu.memref_squeeze %dma_start3A_793 : memref<1x80xi32, #tpu.memory_space<vmem>> -> memref<80xi32, #tpu.memory_space<vmem>>
          %dma_start3A_795 = arith.constant 0 : i32
          %dma_start3A_796 = arith.constant 0 : i32
          %dma_start3A_797 = tpu.memref_slice %arg6[%dma_start3A_795, %dma_start3A_796] : memref<10000x16xf32, #tpu.memory_space<hbm>> -> memref<10000x16xf32, #tpu.memory_space<hbm>>
          tpu.enqueue_indirect_dma source(%dma_start3A_797 : memref<10000x16xf32, #tpu.memory_space<hbm>>) target(%dma_start3A_791 : memref<80x16xf32, #tpu.memory_space<vmem>>) offsets(%dma_start3A_794 : memref<80xi32, #tpu.memory_space<vmem>>) semaphore(%arg24 : memref<!tpu.dma_semaphore, #tpu.memory_space<semaphore_mem>>)
          %dma_start3A_798 = arith.constant 4 : i32
          %dma_start3A_799 = arith.constant 320 : i32
          %dma_start3A_800 = arith.constant 0 : i32
          %dma_start3A_801 = tpu.memref_slice %arg16[%dma_start3A_799, %dma_start3A_800] : memref<400x16xf32, #tpu.memory_space<vmem>> -> memref<80x16xf32, #tpu.memory_space<vmem>>
          %dma_start3A_802 = arith.constant 0 : i32
          %dma_start3A_803 = tpu.memref_slice %arg12[%dma_start3A_798, %dma_start3A_802] : memref<5x80xi32, #tpu.memory_space<vmem>> -> memref<1x80xi32, #tpu.memory_space<vmem>>
          %dma_start3A_804 = tpu.memref_squeeze %dma_start3A_803 : memref<1x80xi32, #tpu.memory_space<vmem>> -> memref<80xi32, #tpu.memory_space<vmem>>
          %dma_start3A_805 = arith.constant 0 : i32
          %dma_start3A_806 = arith.constant 0 : i32
          %dma_start3A_807 = tpu.memref_slice %arg4[%dma_start3A_805, %dma_start3A_806] : memref<10000x16xf32, #tpu.memory_space<hbm>> -> memref<10000x16xf32, #tpu.memory_space<hbm>>
          tpu.enqueue_indirect_dma source(%dma_start3A_807 : memref<10000x16xf32, #tpu.memory_space<hbm>>) target(%dma_start3A_801 : memref<80x16xf32, #tpu.memory_space<vmem>>) offsets(%dma_start3A_804 : memref<80xi32, #tpu.memory_space<vmem>>) semaphore(%arg24 : memref<!tpu.dma_semaphore, #tpu.memory_space<semaphore_mem>>)
          %dma_start3A_808 = arith.constant 4 : i32
          %dma_start3A_809 = arith.constant 320 : i32
          %dma_start3A_810 = arith.constant 0 : i32
          %dma_start3A_811 = tpu.memref_slice %arg18[%dma_start3A_809, %dma_start3A_810] : memref<400x16xf32, #tpu.memory_space<vmem>> -> memref<80x16xf32, #tpu.memory_space<vmem>>
          %dma_start3A_812 = arith.constant 0 : i32
          %dma_start3A_813 = tpu.memref_slice %arg12[%dma_start3A_808, %dma_start3A_812] : memref<5x80xi32, #tpu.memory_space<vmem>> -> memref<1x80xi32, #tpu.memory_space<vmem>>
          %dma_start3A_814 = tpu.memref_squeeze %dma_start3A_813 : memref<1x80xi32, #tpu.memory_space<vmem>> -> memref<80xi32, #tpu.memory_space<vmem>>
          %dma_start3A_815 = arith.constant 0 : i32
          %dma_start3A_816 = arith.constant 0 : i32
          %dma_start3A_817 = tpu.memref_slice %arg5[%dma_start3A_815, %dma_start3A_816] : memref<10000x16xf32, #tpu.memory_space<hbm>> -> memref<10000x16xf32, #tpu.memory_space<hbm>>
          tpu.enqueue_indirect_dma source(%dma_start3A_817 : memref<10000x16xf32, #tpu.memory_space<hbm>>) target(%dma_start3A_811 : memref<80x16xf32, #tpu.memory_space<vmem>>) offsets(%dma_start3A_814 : memref<80xi32, #tpu.memory_space<vmem>>) semaphore(%arg24 : memref<!tpu.dma_semaphore, #tpu.memory_space<semaphore_mem>>)
          %dma_start3A_818 = arith.constant 4 : i32
          %dma_start3A_819 = arith.constant 320 : i32
          %dma_start3A_820 = arith.constant 0 : i32
          %dma_start3A_821 = tpu.memref_slice %arg20[%dma_start3A_819, %dma_start3A_820] : memref<400x16xf32, #tpu.memory_space<vmem>> -> memref<80x16xf32, #tpu.memory_space<vmem>>
          %dma_start3A_822 = arith.constant 0 : i32
          %dma_start3A_823 = tpu.memref_slice %arg14[%dma_start3A_818, %dma_start3A_822] : memref<5x80xi32, #tpu.memory_space<vmem>> -> memref<1x80xi32, #tpu.memory_space<vmem>>
          %dma_start3A_824 = tpu.memref_squeeze %dma_start3A_823 : memref<1x80xi32, #tpu.memory_space<vmem>> -> memref<80xi32, #tpu.memory_space<vmem>>
          %dma_start3A_825 = arith.constant 0 : i32
          %dma_start3A_826 = arith.constant 0 : i32
          %dma_start3A_827 = tpu.memref_slice %arg6[%dma_start3A_825, %dma_start3A_826] : memref<10000x16xf32, #tpu.memory_space<hbm>> -> memref<10000x16xf32, #tpu.memory_space<hbm>>
          tpu.enqueue_indirect_dma source(%dma_start3A_827 : memref<10000x16xf32, #tpu.memory_space<hbm>>) target(%dma_start3A_821 : memref<80x16xf32, #tpu.memory_space<vmem>>) offsets(%dma_start3A_824 : memref<80xi32, #tpu.memory_space<vmem>>) semaphore(%arg24 : memref<!tpu.dma_semaphore, #tpu.memory_space<semaphore_mem>>)
        } else {
        }
        %scan3A_560 = arith.constant 0 : i32
        %scan3A_561 = arith.constant 0 : i32
        %scan3A_562 = arith.constant 400 : i32
        %scan3A_563 = arith.addi %scan3A_561, %scan3A_562 : i32
        %scan3A_564 = arith.constant 1 : i32
        scf.for %scan3A_666 = %scan3A_561 to %scan3A_563 step %scan3A_564  : i32 {
          %get3A = arith.index_cast %scan3A_666 : i32 to index
          %get3A_667 = arith.constant 0 : index
          %get3A_668 = tpu.vector_load %arg17[%get3A, %get3A_667] {strides = array<i32>} : memref<400x16xf32, #tpu.memory_space<vmem>>, vector<1x16xf32>,
          %get3A_669 = vector.shape_cast %get3A_668 : vector<1x16xf32> to vector<16xf32>
          %get3A_670 = arith.index_cast %scan3A_666 : i32 to index
          %get3A_671 = arith.constant 0 : index
          %get3A_672 = tpu.vector_load %arg19[%get3A_670, %get3A_671] {strides = array<i32>} : memref<400x16xf32, #tpu.memory_space<vmem>>, vector<1x16xf32>,
          %get3A_673 = vector.shape_cast %get3A_672 : vector<1x16xf32> to vector<16xf32>
          %add3A_674 = arith.addf %get3A_669, %get3A_673 : vector<16xf32>
          %mul3A_675 = arith.constant 2.000000e-01 : f32
          %mul3A_676 = vector.broadcast %mul3A_675 : f32 to vector<16xf32>
          %mul3A_677 = arith.mulf %mul3A_676, %add3A_674 : vector<16xf32>
          %max3A = arith.maximumf %add3A_674, %mul3A_677 : vector<16xf32>
          %exp3A = math.exp %max3A : vector<16xf32>
          %get3A_678 = arith.index_cast %scan3A_666 : i32 to index
          %get3A_679 = arith.constant 0 : index
          %get3A_680 = tpu.vector_load %arg15[%get3A_678, %get3A_679] {strides = array<i32>} : memref<400x16xf32, #tpu.memory_space<vmem>>, vector<1x16xf32>,
          %get3A_681 = vector.shape_cast %get3A_680 : vector<1x16xf32> to vector<16xf32>
          %mul3A_682 = arith.mulf %exp3A, %get3A_681 : vector<16xf32>
          %swap3A = arith.index_cast %scan3A_666 : i32 to index
          %swap3A_683 = arith.constant 0 : index
          %swap3A_684 = tpu.vector_load %arg15[%swap3A, %swap3A_683] {strides = array<i32>} : memref<400x16xf32, #tpu.memory_space<vmem>>, vector<1x16xf32>,
          %swap3A_685 = vector.shape_cast %swap3A_684 : vector<1x16xf32> to vector<16xf32>
          %swap3A_686 = vector.shape_cast %mul3A_682 : vector<16xf32> to vector<1x16xf32>
          tpu.vector_store %arg15[%swap3A, %swap3A_683], %swap3A_686 {strides = array<i32>} : memref<400x16xf32, #tpu.memory_space<vmem>>, vector<1x16xf32>,
          %swap3A_687 = arith.index_cast %scan3A_666 : i32 to index
          %swap3A_688 = arith.constant 0 : index
          %swap3A_689 = tpu.vector_load %arg21[%swap3A_687, %swap3A_688] {strides = array<i32>} : memref<400x16xf32, #tpu.memory_space<vmem>>, vector<1x16xf32>,
          %swap3A_690 = vector.shape_cast %swap3A_689 : vector<1x16xf32> to vector<16xf32>
          %swap3A_691 = vector.shape_cast %exp3A : vector<16xf32> to vector<1x16xf32>
          tpu.vector_store %arg21[%swap3A_687, %swap3A_688], %swap3A_691 {strides = array<i32>} : memref<400x16xf32, #tpu.memory_space<vmem>>, vector<1x16xf32>,
        }
        %scan3A_565 = arith.constant 400 : i32
        %dma_start3A_566 = arith.constant 0 : i32
        %dma_start3A_567 = arith.constant 0 : i32
        %dma_start3A_568 = arith.constant 0 : i32
        %dma_start3A_569 = tpu.memref_slice %arg15[%dma_start3A_567, %dma_start3A_568] : memref<400x16xf32, #tpu.memory_space<vmem>> -> memref<80x16xf32, #tpu.memory_space<vmem>>
        %dma_start3A_570 = arith.constant 0 : i32
        %dma_start3A_571 = tpu.memref_slice %arg13[%dma_start3A_566, %dma_start3A_570] : memref<5x80xi32, #tpu.memory_space<vmem>> -> memref<1x80xi32, #tpu.memory_space<vmem>>
        %dma_start3A_572 = tpu.memref_squeeze %dma_start3A_571 : memref<1x80xi32, #tpu.memory_space<vmem>> -> memref<80xi32, #tpu.memory_space<vmem>>
        %dma_start3A_573 = arith.constant 0 : i32
        %dma_start3A_574 = arith.constant 0 : i32
        %dma_start3A_575 = tpu.memref_slice %arg9[%dma_start3A_573, %dma_start3A_574] : memref<10240x16xf32, #tpu.memory_space<vmem_shared>> -> memref<10240x16xf32, #tpu.memory_space<vmem_shared>>
        tpu.enqueue_indirect_dma source(%dma_start3A_569 : memref<80x16xf32, #tpu.memory_space<vmem>>) target(%dma_start3A_575 : memref<10240x16xf32, #tpu.memory_space<vmem_shared>>) offsets(%dma_start3A_572 : memref<80xi32, #tpu.memory_space<vmem>>) semaphore(%arg25 : memref<!tpu.dma_semaphore, #tpu.memory_space<semaphore_mem>>) {add = true}
        %dma_start3A_576 = arith.constant 0 : i32
        %dma_start3A_577 = arith.constant 0 : i32
        %dma_start3A_578 = arith.constant 0 : i32
        %dma_start3A_579 = tpu.memref_slice %arg21[%dma_start3A_577, %dma_start3A_578] : memref<400x16xf32, #tpu.memory_space<vmem>> -> memref<80x16xf32, #tpu.memory_space<vmem>>
        %dma_start3A_580 = arith.constant 0 : i32
        %dma_start3A_581 = tpu.memref_slice %arg13[%dma_start3A_576, %dma_start3A_580] : memref<5x80xi32, #tpu.memory_space<vmem>> -> memref<1x80xi32, #tpu.memory_space<vmem>>
        %dma_start3A_582 = tpu.memref_squeeze %dma_start3A_581 : memref<1x80xi32, #tpu.memory_space<vmem>> -> memref<80xi32, #tpu.memory_space<vmem>>
        %dma_start3A_583 = arith.constant 0 : i32
        %dma_start3A_584 = arith.constant 0 : i32
        %dma_start3A_585 = tpu.memref_slice %arg10[%dma_start3A_583, %dma_start3A_584] : memref<10240x16xf32, #tpu.memory_space<vmem_shared>> -> memref<10240x16xf32, #tpu.memory_space<vmem_shared>>
        tpu.enqueue_indirect_dma source(%dma_start3A_579 : memref<80x16xf32, #tpu.memory_space<vmem>>) target(%dma_start3A_585 : memref<10240x16xf32, #tpu.memory_space<vmem_shared>>) offsets(%dma_start3A_582 : memref<80xi32, #tpu.memory_space<vmem>>) semaphore(%arg25 : memref<!tpu.dma_semaphore, #tpu.memory_space<semaphore_mem>>) {add = true}
        %dma_start3A_586 = arith.constant 1 : i32
        %dma_start3A_587 = arith.constant 80 : i32
        %dma_start3A_588 = arith.constant 0 : i32
        %dma_start3A_589 = tpu.memref_slice %arg15[%dma_start3A_587, %dma_start3A_588] : memref<400x16xf32, #tpu.memory_space<vmem>> -> memref<80x16xf32, #tpu.memory_space<vmem>>
        %dma_start3A_590 = arith.constant 0 : i32
        %dma_start3A_591 = tpu.memref_slice %arg13[%dma_start3A_586, %dma_start3A_590] : memref<5x80xi32, #tpu.memory_space<vmem>> -> memref<1x80xi32, #tpu.memory_space<vmem>>
        %dma_start3A_592 = tpu.memref_squeeze %dma_start3A_591 : memref<1x80xi32, #tpu.memory_space<vmem>> -> memref<80xi32, #tpu.memory_space<vmem>>
        %dma_start3A_593 = arith.constant 0 : i32
        %dma_start3A_594 = arith.constant 0 : i32
        %dma_start3A_595 = tpu.memref_slice %arg9[%dma_start3A_593, %dma_start3A_594] : memref<10240x16xf32, #tpu.memory_space<vmem_shared>> -> memref<10240x16xf32, #tpu.memory_space<vmem_shared>>
        tpu.enqueue_indirect_dma source(%dma_start3A_589 : memref<80x16xf32, #tpu.memory_space<vmem>>) target(%dma_start3A_595 : memref<10240x16xf32, #tpu.memory_space<vmem_shared>>) offsets(%dma_start3A_592 : memref<80xi32, #tpu.memory_space<vmem>>) semaphore(%arg25 : memref<!tpu.dma_semaphore, #tpu.memory_space<semaphore_mem>>) {add = true}
        %dma_start3A_596 = arith.constant 1 : i32
        %dma_start3A_597 = arith.constant 80 : i32
        %dma_start3A_598 = arith.constant 0 : i32
        %dma_start3A_599 = tpu.memref_slice %arg21[%dma_start3A_597, %dma_start3A_598] : memref<400x16xf32, #tpu.memory_space<vmem>> -> memref<80x16xf32, #tpu.memory_space<vmem>>
        %dma_start3A_600 = arith.constant 0 : i32
        %dma_start3A_601 = tpu.memref_slice %arg13[%dma_start3A_596, %dma_start3A_600] : memref<5x80xi32, #tpu.memory_space<vmem>> -> memref<1x80xi32, #tpu.memory_space<vmem>>
        %dma_start3A_602 = tpu.memref_squeeze %dma_start3A_601 : memref<1x80xi32, #tpu.memory_space<vmem>> -> memref<80xi32, #tpu.memory_space<vmem>>
        %dma_start3A_603 = arith.constant 0 : i32
        %dma_start3A_604 = arith.constant 0 : i32
        %dma_start3A_605 = tpu.memref_slice %arg10[%dma_start3A_603, %dma_start3A_604] : memref<10240x16xf32, #tpu.memory_space<vmem_shared>> -> memref<10240x16xf32, #tpu.memory_space<vmem_shared>>
        tpu.enqueue_indirect_dma source(%dma_start3A_599 : memref<80x16xf32, #tpu.memory_space<vmem>>) target(%dma_start3A_605 : memref<10240x16xf32, #tpu.memory_space<vmem_shared>>) offsets(%dma_start3A_602 : memref<80xi32, #tpu.memory_space<vmem>>) semaphore(%arg25 : memref<!tpu.dma_semaphore, #tpu.memory_space<semaphore_mem>>) {add = true}
        %dma_start3A_606 = arith.constant 2 : i32
        %dma_start3A_607 = arith.constant 160 : i32
        %dma_start3A_608 = arith.constant 0 : i32
        %dma_start3A_609 = tpu.memref_slice %arg15[%dma_start3A_607, %dma_start3A_608] : memref<400x16xf32, #tpu.memory_space<vmem>> -> memref<80x16xf32, #tpu.memory_space<vmem>>
        %dma_start3A_610 = arith.constant 0 : i32
        %dma_start3A_611 = tpu.memref_slice %arg13[%dma_start3A_606, %dma_start3A_610] : memref<5x80xi32, #tpu.memory_space<vmem>> -> memref<1x80xi32, #tpu.memory_space<vmem>>
        %dma_start3A_612 = tpu.memref_squeeze %dma_start3A_611 : memref<1x80xi32, #tpu.memory_space<vmem>> -> memref<80xi32, #tpu.memory_space<vmem>>
        %dma_start3A_613 = arith.constant 0 : i32
        %dma_start3A_614 = arith.constant 0 : i32
        %dma_start3A_615 = tpu.memref_slice %arg9[%dma_start3A_613, %dma_start3A_614] : memref<10240x16xf32, #tpu.memory_space<vmem_shared>> -> memref<10240x16xf32, #tpu.memory_space<vmem_shared>>
        tpu.enqueue_indirect_dma source(%dma_start3A_609 : memref<80x16xf32, #tpu.memory_space<vmem>>) target(%dma_start3A_615 : memref<10240x16xf32, #tpu.memory_space<vmem_shared>>) offsets(%dma_start3A_612 : memref<80xi32, #tpu.memory_space<vmem>>) semaphore(%arg25 : memref<!tpu.dma_semaphore, #tpu.memory_space<semaphore_mem>>) {add = true}
        %dma_start3A_616 = arith.constant 2 : i32
        %dma_start3A_617 = arith.constant 160 : i32
        %dma_start3A_618 = arith.constant 0 : i32
        %dma_start3A_619 = tpu.memref_slice %arg21[%dma_start3A_617, %dma_start3A_618] : memref<400x16xf32, #tpu.memory_space<vmem>> -> memref<80x16xf32, #tpu.memory_space<vmem>>
        %dma_start3A_620 = arith.constant 0 : i32
        %dma_start3A_621 = tpu.memref_slice %arg13[%dma_start3A_616, %dma_start3A_620] : memref<5x80xi32, #tpu.memory_space<vmem>> -> memref<1x80xi32, #tpu.memory_space<vmem>>
        %dma_start3A_622 = tpu.memref_squeeze %dma_start3A_621 : memref<1x80xi32, #tpu.memory_space<vmem>> -> memref<80xi32, #tpu.memory_space<vmem>>
        %dma_start3A_623 = arith.constant 0 : i32
        %dma_start3A_624 = arith.constant 0 : i32
        %dma_start3A_625 = tpu.memref_slice %arg10[%dma_start3A_623, %dma_start3A_624] : memref<10240x16xf32, #tpu.memory_space<vmem_shared>> -> memref<10240x16xf32, #tpu.memory_space<vmem_shared>>
        tpu.enqueue_indirect_dma source(%dma_start3A_619 : memref<80x16xf32, #tpu.memory_space<vmem>>) target(%dma_start3A_625 : memref<10240x16xf32, #tpu.memory_space<vmem_shared>>) offsets(%dma_start3A_622 : memref<80xi32, #tpu.memory_space<vmem>>) semaphore(%arg25 : memref<!tpu.dma_semaphore, #tpu.memory_space<semaphore_mem>>) {add = true}
        %dma_start3A_626 = arith.constant 3 : i32
        %dma_start3A_627 = arith.constant 240 : i32
        %dma_start3A_628 = arith.constant 0 : i32
        %dma_start3A_629 = tpu.memref_slice %arg15[%dma_start3A_627, %dma_start3A_628] : memref<400x16xf32, #tpu.memory_space<vmem>> -> memref<80x16xf32, #tpu.memory_space<vmem>>
        %dma_start3A_630 = arith.constant 0 : i32
        %dma_start3A_631 = tpu.memref_slice %arg13[%dma_start3A_626, %dma_start3A_630] : memref<5x80xi32, #tpu.memory_space<vmem>> -> memref<1x80xi32, #tpu.memory_space<vmem>>
        %dma_start3A_632 = tpu.memref_squeeze %dma_start3A_631 : memref<1x80xi32, #tpu.memory_space<vmem>> -> memref<80xi32, #tpu.memory_space<vmem>>
        %dma_start3A_633 = arith.constant 0 : i32
        %dma_start3A_634 = arith.constant 0 : i32
        %dma_start3A_635 = tpu.memref_slice %arg9[%dma_start3A_633, %dma_start3A_634] : memref<10240x16xf32, #tpu.memory_space<vmem_shared>> -> memref<10240x16xf32, #tpu.memory_space<vmem_shared>>
        tpu.enqueue_indirect_dma source(%dma_start3A_629 : memref<80x16xf32, #tpu.memory_space<vmem>>) target(%dma_start3A_635 : memref<10240x16xf32, #tpu.memory_space<vmem_shared>>) offsets(%dma_start3A_632 : memref<80xi32, #tpu.memory_space<vmem>>) semaphore(%arg25 : memref<!tpu.dma_semaphore, #tpu.memory_space<semaphore_mem>>) {add = true}
        %dma_start3A_636 = arith.constant 3 : i32
        %dma_start3A_637 = arith.constant 240 : i32
        %dma_start3A_638 = arith.constant 0 : i32
        %dma_start3A_639 = tpu.memref_slice %arg21[%dma_start3A_637, %dma_start3A_638] : memref<400x16xf32, #tpu.memory_space<vmem>> -> memref<80x16xf32, #tpu.memory_space<vmem>>
        %dma_start3A_640 = arith.constant 0 : i32
        %dma_start3A_641 = tpu.memref_slice %arg13[%dma_start3A_636, %dma_start3A_640] : memref<5x80xi32, #tpu.memory_space<vmem>> -> memref<1x80xi32, #tpu.memory_space<vmem>>
        %dma_start3A_642 = tpu.memref_squeeze %dma_start3A_641 : memref<1x80xi32, #tpu.memory_space<vmem>> -> memref<80xi32, #tpu.memory_space<vmem>>
        %dma_start3A_643 = arith.constant 0 : i32
        %dma_start3A_644 = arith.constant 0 : i32
        %dma_start3A_645 = tpu.memref_slice %arg10[%dma_start3A_643, %dma_start3A_644] : memref<10240x16xf32, #tpu.memory_space<vmem_shared>> -> memref<10240x16xf32, #tpu.memory_space<vmem_shared>>
        tpu.enqueue_indirect_dma source(%dma_start3A_639 : memref<80x16xf32, #tpu.memory_space<vmem>>) target(%dma_start3A_645 : memref<10240x16xf32, #tpu.memory_space<vmem_shared>>) offsets(%dma_start3A_642 : memref<80xi32, #tpu.memory_space<vmem>>) semaphore(%arg25 : memref<!tpu.dma_semaphore, #tpu.memory_space<semaphore_mem>>) {add = true}
        %dma_start3A_646 = arith.constant 4 : i32
        %dma_start3A_647 = arith.constant 320 : i32
        %dma_start3A_648 = arith.constant 0 : i32
        %dma_start3A_649 = tpu.memref_slice %arg15[%dma_start3A_647, %dma_start3A_648] : memref<400x16xf32, #tpu.memory_space<vmem>> -> memref<80x16xf32, #tpu.memory_space<vmem>>
        %dma_start3A_650 = arith.constant 0 : i32
        %dma_start3A_651 = tpu.memref_slice %arg13[%dma_start3A_646, %dma_start3A_650] : memref<5x80xi32, #tpu.memory_space<vmem>> -> memref<1x80xi32, #tpu.memory_space<vmem>>
        %dma_start3A_652 = tpu.memref_squeeze %dma_start3A_651 : memref<1x80xi32, #tpu.memory_space<vmem>> -> memref<80xi32, #tpu.memory_space<vmem>>
        %dma_start3A_653 = arith.constant 0 : i32
        %dma_start3A_654 = arith.constant 0 : i32
        %dma_start3A_655 = tpu.memref_slice %arg9[%dma_start3A_653, %dma_start3A_654] : memref<10240x16xf32, #tpu.memory_space<vmem_shared>> -> memref<10240x16xf32, #tpu.memory_space<vmem_shared>>
        tpu.enqueue_indirect_dma source(%dma_start3A_649 : memref<80x16xf32, #tpu.memory_space<vmem>>) target(%dma_start3A_655 : memref<10240x16xf32, #tpu.memory_space<vmem_shared>>) offsets(%dma_start3A_652 : memref<80xi32, #tpu.memory_space<vmem>>) semaphore(%arg25 : memref<!tpu.dma_semaphore, #tpu.memory_space<semaphore_mem>>) {add = true}
        %dma_start3A_656 = arith.constant 4 : i32
        %dma_start3A_657 = arith.constant 320 : i32
        %dma_start3A_658 = arith.constant 0 : i32
        %dma_start3A_659 = tpu.memref_slice %arg21[%dma_start3A_657, %dma_start3A_658] : memref<400x16xf32, #tpu.memory_space<vmem>> -> memref<80x16xf32, #tpu.memory_space<vmem>>
        %dma_start3A_660 = arith.constant 0 : i32
        %dma_start3A_661 = tpu.memref_slice %arg13[%dma_start3A_656, %dma_start3A_660] : memref<5x80xi32, #tpu.memory_space<vmem>> -> memref<1x80xi32, #tpu.memory_space<vmem>>
        %dma_start3A_662 = tpu.memref_squeeze %dma_start3A_661 : memref<1x80xi32, #tpu.memory_space<vmem>> -> memref<80xi32, #tpu.memory_space<vmem>>
        %dma_start3A_663 = arith.constant 0 : i32
        %dma_start3A_664 = arith.constant 0 : i32
        %dma_start3A_665 = tpu.memref_slice %arg10[%dma_start3A_663, %dma_start3A_664] : memref<10240x16xf32, #tpu.memory_space<vmem_shared>> -> memref<10240x16xf32, #tpu.memory_space<vmem_shared>>
        tpu.enqueue_indirect_dma source(%dma_start3A_659 : memref<80x16xf32, #tpu.memory_space<vmem>>) target(%dma_start3A_665 : memref<10240x16xf32, #tpu.memory_space<vmem_shared>>) offsets(%dma_start3A_662 : memref<80xi32, #tpu.memory_space<vmem>>) semaphore(%arg25 : memref<!tpu.dma_semaphore, #tpu.memory_space<semaphore_mem>>) {add = true}
      } else {
      }
      %mul3A_394 = arith.constant 2 : i32
      %mul3A_395 = arith.muli %mul3A_394, %scan3A_387 : i32
      %add3A_396 = arith.constant 1 : i32
      %add3A_397 = arith.addi %mul3A_395, %add3A_396 : i32
      %lt3A_398 = arith.constant 25 : i32
      %lt3A_399 = arith.cmpi slt, %add3A_397, %lt3A_398 : i32
      %convert_element_type3A_400 = arith.extui %lt3A_399 : i1 to i32
      %cond3A_401 = arith.constant 0 : i32
      %cond3A_402 = arith.cmpi ne, %convert_element_type3A_400, %cond3A_401 : i32
      scf.if %cond3A_402 {
        %dma_wait3A_403 = arith.constant 0 : i32
        %dma_wait3A_404 = arith.constant 0 : i32
        %dma_wait3A_405 = arith.constant 0 : i32
        %dma_wait3A_406 = tpu.memref_slice %arg16[%dma_wait3A_404, %dma_wait3A_405] : memref<400x16xf32, #tpu.memory_space<vmem>> -> memref<80x16xf32, #tpu.memory_space<vmem>>
        %dma_wait3A_407 = arith.constant 0 : i32
        %dma_wait3A_408 = tpu.memref_slice %arg12[%dma_wait3A_403, %dma_wait3A_407] : memref<5x80xi32, #tpu.memory_space<vmem>> -> memref<1x80xi32, #tpu.memory_space<vmem>>
        %dma_wait3A_409 = tpu.memref_squeeze %dma_wait3A_408 : memref<1x80xi32, #tpu.memory_space<vmem>> -> memref<80xi32, #tpu.memory_space<vmem>>
        %dma_wait3A_410 = arith.constant 0 : i32
        %dma_wait3A_411 = arith.constant 0 : i32
        %dma_wait3A_412 = tpu.memref_slice %arg4[%dma_wait3A_410, %dma_wait3A_411] : memref<10000x16xf32, #tpu.memory_space<hbm>> -> memref<10000x16xf32, #tpu.memory_space<hbm>>
        tpu.wait_indirect_dma semaphore(%arg24 : memref<!tpu.dma_semaphore, #tpu.memory_space<semaphore_mem>>) src(%dma_wait3A_412 : memref<10000x16xf32, #tpu.memory_space<hbm>>) dst(%dma_wait3A_406 : memref<80x16xf32, #tpu.memory_space<vmem>>)
        %dma_wait3A_413 = arith.constant 0 : i32
        %dma_wait3A_414 = arith.constant 0 : i32
        %dma_wait3A_415 = arith.constant 0 : i32
        %dma_wait3A_416 = tpu.memref_slice %arg18[%dma_wait3A_414, %dma_wait3A_415] : memref<400x16xf32, #tpu.memory_space<vmem>> -> memref<80x16xf32, #tpu.memory_space<vmem>>
        %dma_wait3A_417 = arith.constant 0 : i32
        %dma_wait3A_418 = tpu.memref_slice %arg12[%dma_wait3A_413, %dma_wait3A_417] : memref<5x80xi32, #tpu.memory_space<vmem>> -> memref<1x80xi32, #tpu.memory_space<vmem>>
        %dma_wait3A_419 = tpu.memref_squeeze %dma_wait3A_418 : memref<1x80xi32, #tpu.memory_space<vmem>> -> memref<80xi32, #tpu.memory_space<vmem>>
        %dma_wait3A_420 = arith.constant 0 : i32
        %dma_wait3A_421 = arith.constant 0 : i32
        %dma_wait3A_422 = tpu.memref_slice %arg5[%dma_wait3A_420, %dma_wait3A_421] : memref<10000x16xf32, #tpu.memory_space<hbm>> -> memref<10000x16xf32, #tpu.memory_space<hbm>>
        tpu.wait_indirect_dma semaphore(%arg24 : memref<!tpu.dma_semaphore, #tpu.memory_space<semaphore_mem>>) src(%dma_wait3A_422 : memref<10000x16xf32, #tpu.memory_space<hbm>>) dst(%dma_wait3A_416 : memref<80x16xf32, #tpu.memory_space<vmem>>)
        %dma_wait3A_423 = arith.constant 0 : i32
        %dma_wait3A_424 = arith.constant 0 : i32
        %dma_wait3A_425 = arith.constant 0 : i32
        %dma_wait3A_426 = tpu.memref_slice %arg20[%dma_wait3A_424, %dma_wait3A_425] : memref<400x16xf32, #tpu.memory_space<vmem>> -> memref<80x16xf32, #tpu.memory_space<vmem>>
        %dma_wait3A_427 = arith.constant 0 : i32
        %dma_wait3A_428 = tpu.memref_slice %arg14[%dma_wait3A_423, %dma_wait3A_427] : memref<5x80xi32, #tpu.memory_space<vmem>> -> memref<1x80xi32, #tpu.memory_space<vmem>>
        %dma_wait3A_429 = tpu.memref_squeeze %dma_wait3A_428 : memref<1x80xi32, #tpu.memory_space<vmem>> -> memref<80xi32, #tpu.memory_space<vmem>>
        %dma_wait3A_430 = arith.constant 0 : i32
        %dma_wait3A_431 = arith.constant 0 : i32
        %dma_wait3A_432 = tpu.memref_slice %arg6[%dma_wait3A_430, %dma_wait3A_431] : memref<10000x16xf32, #tpu.memory_space<hbm>> -> memref<10000x16xf32, #tpu.memory_space<hbm>>
        tpu.wait_indirect_dma semaphore(%arg24 : memref<!tpu.dma_semaphore, #tpu.memory_space<semaphore_mem>>) src(%dma_wait3A_432 : memref<10000x16xf32, #tpu.memory_space<hbm>>) dst(%dma_wait3A_426 : memref<80x16xf32, #tpu.memory_space<vmem>>)
        %dma_wait3A_433 = arith.constant 1 : i32
        %dma_wait3A_434 = arith.constant 80 : i32
        %dma_wait3A_435 = arith.constant 0 : i32
        %dma_wait3A_436 = tpu.memref_slice %arg16[%dma_wait3A_434, %dma_wait3A_435] : memref<400x16xf32, #tpu.memory_space<vmem>> -> memref<80x16xf32, #tpu.memory_space<vmem>>
        %dma_wait3A_437 = arith.constant 0 : i32
        %dma_wait3A_438 = tpu.memref_slice %arg12[%dma_wait3A_433, %dma_wait3A_437] : memref<5x80xi32, #tpu.memory_space<vmem>> -> memref<1x80xi32, #tpu.memory_space<vmem>>
        %dma_wait3A_439 = tpu.memref_squeeze %dma_wait3A_438 : memref<1x80xi32, #tpu.memory_space<vmem>> -> memref<80xi32, #tpu.memory_space<vmem>>
        %dma_wait3A_440 = arith.constant 0 : i32
        %dma_wait3A_441 = arith.constant 0 : i32
        %dma_wait3A_442 = tpu.memref_slice %arg4[%dma_wait3A_440, %dma_wait3A_441] : memref<10000x16xf32, #tpu.memory_space<hbm>> -> memref<10000x16xf32, #tpu.memory_space<hbm>>
        tpu.wait_indirect_dma semaphore(%arg24 : memref<!tpu.dma_semaphore, #tpu.memory_space<semaphore_mem>>) src(%dma_wait3A_442 : memref<10000x16xf32, #tpu.memory_space<hbm>>) dst(%dma_wait3A_436 : memref<80x16xf32, #tpu.memory_space<vmem>>)
        %dma_wait3A_443 = arith.constant 1 : i32
        %dma_wait3A_444 = arith.constant 80 : i32
        %dma_wait3A_445 = arith.constant 0 : i32
        %dma_wait3A_446 = tpu.memref_slice %arg18[%dma_wait3A_444, %dma_wait3A_445] : memref<400x16xf32, #tpu.memory_space<vmem>> -> memref<80x16xf32, #tpu.memory_space<vmem>>
        %dma_wait3A_447 = arith.constant 0 : i32
        %dma_wait3A_448 = tpu.memref_slice %arg12[%dma_wait3A_443, %dma_wait3A_447] : memref<5x80xi32, #tpu.memory_space<vmem>> -> memref<1x80xi32, #tpu.memory_space<vmem>>
        %dma_wait3A_449 = tpu.memref_squeeze %dma_wait3A_448 : memref<1x80xi32, #tpu.memory_space<vmem>> -> memref<80xi32, #tpu.memory_space<vmem>>
        %dma_wait3A_450 = arith.constant 0 : i32
        %dma_wait3A_451 = arith.constant 0 : i32
        %dma_wait3A_452 = tpu.memref_slice %arg5[%dma_wait3A_450, %dma_wait3A_451] : memref<10000x16xf32, #tpu.memory_space<hbm>> -> memref<10000x16xf32, #tpu.memory_space<hbm>>
        tpu.wait_indirect_dma semaphore(%arg24 : memref<!tpu.dma_semaphore, #tpu.memory_space<semaphore_mem>>) src(%dma_wait3A_452 : memref<10000x16xf32, #tpu.memory_space<hbm>>) dst(%dma_wait3A_446 : memref<80x16xf32, #tpu.memory_space<vmem>>)
        %dma_wait3A_453 = arith.constant 1 : i32
        %dma_wait3A_454 = arith.constant 80 : i32
        %dma_wait3A_455 = arith.constant 0 : i32
        %dma_wait3A_456 = tpu.memref_slice %arg20[%dma_wait3A_454, %dma_wait3A_455] : memref<400x16xf32, #tpu.memory_space<vmem>> -> memref<80x16xf32, #tpu.memory_space<vmem>>
        %dma_wait3A_457 = arith.constant 0 : i32
        %dma_wait3A_458 = tpu.memref_slice %arg14[%dma_wait3A_453, %dma_wait3A_457] : memref<5x80xi32, #tpu.memory_space<vmem>> -> memref<1x80xi32, #tpu.memory_space<vmem>>
        %dma_wait3A_459 = tpu.memref_squeeze %dma_wait3A_458 : memref<1x80xi32, #tpu.memory_space<vmem>> -> memref<80xi32, #tpu.memory_space<vmem>>
        %dma_wait3A_460 = arith.constant 0 : i32
        %dma_wait3A_461 = arith.constant 0 : i32
        %dma_wait3A_462 = tpu.memref_slice %arg6[%dma_wait3A_460, %dma_wait3A_461] : memref<10000x16xf32, #tpu.memory_space<hbm>> -> memref<10000x16xf32, #tpu.memory_space<hbm>>
        tpu.wait_indirect_dma semaphore(%arg24 : memref<!tpu.dma_semaphore, #tpu.memory_space<semaphore_mem>>) src(%dma_wait3A_462 : memref<10000x16xf32, #tpu.memory_space<hbm>>) dst(%dma_wait3A_456 : memref<80x16xf32, #tpu.memory_space<vmem>>)
        %dma_wait3A_463 = arith.constant 2 : i32
        %dma_wait3A_464 = arith.constant 160 : i32
        %dma_wait3A_465 = arith.constant 0 : i32
        %dma_wait3A_466 = tpu.memref_slice %arg16[%dma_wait3A_464, %dma_wait3A_465] : memref<400x16xf32, #tpu.memory_space<vmem>> -> memref<80x16xf32, #tpu.memory_space<vmem>>
        %dma_wait3A_467 = arith.constant 0 : i32
        %dma_wait3A_468 = tpu.memref_slice %arg12[%dma_wait3A_463, %dma_wait3A_467] : memref<5x80xi32, #tpu.memory_space<vmem>> -> memref<1x80xi32, #tpu.memory_space<vmem>>
        %dma_wait3A_469 = tpu.memref_squeeze %dma_wait3A_468 : memref<1x80xi32, #tpu.memory_space<vmem>> -> memref<80xi32, #tpu.memory_space<vmem>>
        %dma_wait3A_470 = arith.constant 0 : i32
        %dma_wait3A_471 = arith.constant 0 : i32
        %dma_wait3A_472 = tpu.memref_slice %arg4[%dma_wait3A_470, %dma_wait3A_471] : memref<10000x16xf32, #tpu.memory_space<hbm>> -> memref<10000x16xf32, #tpu.memory_space<hbm>>
        tpu.wait_indirect_dma semaphore(%arg24 : memref<!tpu.dma_semaphore, #tpu.memory_space<semaphore_mem>>) src(%dma_wait3A_472 : memref<10000x16xf32, #tpu.memory_space<hbm>>) dst(%dma_wait3A_466 : memref<80x16xf32, #tpu.memory_space<vmem>>)
        %dma_wait3A_473 = arith.constant 2 : i32
        %dma_wait3A_474 = arith.constant 160 : i32
        %dma_wait3A_475 = arith.constant 0 : i32
        %dma_wait3A_476 = tpu.memref_slice %arg18[%dma_wait3A_474, %dma_wait3A_475] : memref<400x16xf32, #tpu.memory_space<vmem>> -> memref<80x16xf32, #tpu.memory_space<vmem>>
        %dma_wait3A_477 = arith.constant 0 : i32
        %dma_wait3A_478 = tpu.memref_slice %arg12[%dma_wait3A_473, %dma_wait3A_477] : memref<5x80xi32, #tpu.memory_space<vmem>> -> memref<1x80xi32, #tpu.memory_space<vmem>>
        %dma_wait3A_479 = tpu.memref_squeeze %dma_wait3A_478 : memref<1x80xi32, #tpu.memory_space<vmem>> -> memref<80xi32, #tpu.memory_space<vmem>>
        %dma_wait3A_480 = arith.constant 0 : i32
        %dma_wait3A_481 = arith.constant 0 : i32
        %dma_wait3A_482 = tpu.memref_slice %arg5[%dma_wait3A_480, %dma_wait3A_481] : memref<10000x16xf32, #tpu.memory_space<hbm>> -> memref<10000x16xf32, #tpu.memory_space<hbm>>
        tpu.wait_indirect_dma semaphore(%arg24 : memref<!tpu.dma_semaphore, #tpu.memory_space<semaphore_mem>>) src(%dma_wait3A_482 : memref<10000x16xf32, #tpu.memory_space<hbm>>) dst(%dma_wait3A_476 : memref<80x16xf32, #tpu.memory_space<vmem>>)
        %dma_wait3A_483 = arith.constant 2 : i32
        %dma_wait3A_484 = arith.constant 160 : i32
        %dma_wait3A_485 = arith.constant 0 : i32
        %dma_wait3A_486 = tpu.memref_slice %arg20[%dma_wait3A_484, %dma_wait3A_485] : memref<400x16xf32, #tpu.memory_space<vmem>> -> memref<80x16xf32, #tpu.memory_space<vmem>>
        %dma_wait3A_487 = arith.constant 0 : i32
        %dma_wait3A_488 = tpu.memref_slice %arg14[%dma_wait3A_483, %dma_wait3A_487] : memref<5x80xi32, #tpu.memory_space<vmem>> -> memref<1x80xi32, #tpu.memory_space<vmem>>
        %dma_wait3A_489 = tpu.memref_squeeze %dma_wait3A_488 : memref<1x80xi32, #tpu.memory_space<vmem>> -> memref<80xi32, #tpu.memory_space<vmem>>
        %dma_wait3A_490 = arith.constant 0 : i32
        %dma_wait3A_491 = arith.constant 0 : i32
        %dma_wait3A_492 = tpu.memref_slice %arg6[%dma_wait3A_490, %dma_wait3A_491] : memref<10000x16xf32, #tpu.memory_space<hbm>> -> memref<10000x16xf32, #tpu.memory_space<hbm>>
        tpu.wait_indirect_dma semaphore(%arg24 : memref<!tpu.dma_semaphore, #tpu.memory_space<semaphore_mem>>) src(%dma_wait3A_492 : memref<10000x16xf32, #tpu.memory_space<hbm>>) dst(%dma_wait3A_486 : memref<80x16xf32, #tpu.memory_space<vmem>>)
        %dma_wait3A_493 = arith.constant 3 : i32
        %dma_wait3A_494 = arith.constant 240 : i32
        %dma_wait3A_495 = arith.constant 0 : i32
        %dma_wait3A_496 = tpu.memref_slice %arg16[%dma_wait3A_494, %dma_wait3A_495] : memref<400x16xf32, #tpu.memory_space<vmem>> -> memref<80x16xf32, #tpu.memory_space<vmem>>
        %dma_wait3A_497 = arith.constant 0 : i32
        %dma_wait3A_498 = tpu.memref_slice %arg12[%dma_wait3A_493, %dma_wait3A_497] : memref<5x80xi32, #tpu.memory_space<vmem>> -> memref<1x80xi32, #tpu.memory_space<vmem>>
        %dma_wait3A_499 = tpu.memref_squeeze %dma_wait3A_498 : memref<1x80xi32, #tpu.memory_space<vmem>> -> memref<80xi32, #tpu.memory_space<vmem>>
        %dma_wait3A_500 = arith.constant 0 : i32
        %dma_wait3A_501 = arith.constant 0 : i32
        %dma_wait3A_502 = tpu.memref_slice %arg4[%dma_wait3A_500, %dma_wait3A_501] : memref<10000x16xf32, #tpu.memory_space<hbm>> -> memref<10000x16xf32, #tpu.memory_space<hbm>>
        tpu.wait_indirect_dma semaphore(%arg24 : memref<!tpu.dma_semaphore, #tpu.memory_space<semaphore_mem>>) src(%dma_wait3A_502 : memref<10000x16xf32, #tpu.memory_space<hbm>>) dst(%dma_wait3A_496 : memref<80x16xf32, #tpu.memory_space<vmem>>)
        %dma_wait3A_503 = arith.constant 3 : i32
        %dma_wait3A_504 = arith.constant 240 : i32
        %dma_wait3A_505 = arith.constant 0 : i32
        %dma_wait3A_506 = tpu.memref_slice %arg18[%dma_wait3A_504, %dma_wait3A_505] : memref<400x16xf32, #tpu.memory_space<vmem>> -> memref<80x16xf32, #tpu.memory_space<vmem>>
        %dma_wait3A_507 = arith.constant 0 : i32
        %dma_wait3A_508 = tpu.memref_slice %arg12[%dma_wait3A_503, %dma_wait3A_507] : memref<5x80xi32, #tpu.memory_space<vmem>> -> memref<1x80xi32, #tpu.memory_space<vmem>>
        %dma_wait3A_509 = tpu.memref_squeeze %dma_wait3A_508 : memref<1x80xi32, #tpu.memory_space<vmem>> -> memref<80xi32, #tpu.memory_space<vmem>>
        %dma_wait3A_510 = arith.constant 0 : i32
        %dma_wait3A_511 = arith.constant 0 : i32
        %dma_wait3A_512 = tpu.memref_slice %arg5[%dma_wait3A_510, %dma_wait3A_511] : memref<10000x16xf32, #tpu.memory_space<hbm>> -> memref<10000x16xf32, #tpu.memory_space<hbm>>
        tpu.wait_indirect_dma semaphore(%arg24 : memref<!tpu.dma_semaphore, #tpu.memory_space<semaphore_mem>>) src(%dma_wait3A_512 : memref<10000x16xf32, #tpu.memory_space<hbm>>) dst(%dma_wait3A_506 : memref<80x16xf32, #tpu.memory_space<vmem>>)
        %dma_wait3A_513 = arith.constant 3 : i32
        %dma_wait3A_514 = arith.constant 240 : i32
        %dma_wait3A_515 = arith.constant 0 : i32
        %dma_wait3A_516 = tpu.memref_slice %arg20[%dma_wait3A_514, %dma_wait3A_515] : memref<400x16xf32, #tpu.memory_space<vmem>> -> memref<80x16xf32, #tpu.memory_space<vmem>>
        %dma_wait3A_517 = arith.constant 0 : i32
        %dma_wait3A_518 = tpu.memref_slice %arg14[%dma_wait3A_513, %dma_wait3A_517] : memref<5x80xi32, #tpu.memory_space<vmem>> -> memref<1x80xi32, #tpu.memory_space<vmem>>
        %dma_wait3A_519 = tpu.memref_squeeze %dma_wait3A_518 : memref<1x80xi32, #tpu.memory_space<vmem>> -> memref<80xi32, #tpu.memory_space<vmem>>
        %dma_wait3A_520 = arith.constant 0 : i32
        %dma_wait3A_521 = arith.constant 0 : i32
        %dma_wait3A_522 = tpu.memref_slice %arg6[%dma_wait3A_520, %dma_wait3A_521] : memref<10000x16xf32, #tpu.memory_space<hbm>> -> memref<10000x16xf32, #tpu.memory_space<hbm>>
        tpu.wait_indirect_dma semaphore(%arg24 : memref<!tpu.dma_semaphore, #tpu.memory_space<semaphore_mem>>) src(%dma_wait3A_522 : memref<10000x16xf32, #tpu.memory_space<hbm>>) dst(%dma_wait3A_516 : memref<80x16xf32, #tpu.memory_space<vmem>>)
        %dma_wait3A_523 = arith.constant 4 : i32
        %dma_wait3A_524 = arith.constant 320 : i32
        %dma_wait3A_525 = arith.constant 0 : i32
        %dma_wait3A_526 = tpu.memref_slice %arg16[%dma_wait3A_524, %dma_wait3A_525] : memref<400x16xf32, #tpu.memory_space<vmem>> -> memref<80x16xf32, #tpu.memory_space<vmem>>
        %dma_wait3A_527 = arith.constant 0 : i32
        %dma_wait3A_528 = tpu.memref_slice %arg12[%dma_wait3A_523, %dma_wait3A_527] : memref<5x80xi32, #tpu.memory_space<vmem>> -> memref<1x80xi32, #tpu.memory_space<vmem>>
        %dma_wait3A_529 = tpu.memref_squeeze %dma_wait3A_528 : memref<1x80xi32, #tpu.memory_space<vmem>> -> memref<80xi32, #tpu.memory_space<vmem>>
        %dma_wait3A_530 = arith.constant 0 : i32
        %dma_wait3A_531 = arith.constant 0 : i32
        %dma_wait3A_532 = tpu.memref_slice %arg4[%dma_wait3A_530, %dma_wait3A_531] : memref<10000x16xf32, #tpu.memory_space<hbm>> -> memref<10000x16xf32, #tpu.memory_space<hbm>>
        tpu.wait_indirect_dma semaphore(%arg24 : memref<!tpu.dma_semaphore, #tpu.memory_space<semaphore_mem>>) src(%dma_wait3A_532 : memref<10000x16xf32, #tpu.memory_space<hbm>>) dst(%dma_wait3A_526 : memref<80x16xf32, #tpu.memory_space<vmem>>)
        %dma_wait3A_533 = arith.constant 4 : i32
        %dma_wait3A_534 = arith.constant 320 : i32
        %dma_wait3A_535 = arith.constant 0 : i32
        %dma_wait3A_536 = tpu.memref_slice %arg18[%dma_wait3A_534, %dma_wait3A_535] : memref<400x16xf32, #tpu.memory_space<vmem>> -> memref<80x16xf32, #tpu.memory_space<vmem>>
        %dma_wait3A_537 = arith.constant 0 : i32
        %dma_wait3A_538 = tpu.memref_slice %arg12[%dma_wait3A_533, %dma_wait3A_537] : memref<5x80xi32, #tpu.memory_space<vmem>> -> memref<1x80xi32, #tpu.memory_space<vmem>>
        %dma_wait3A_539 = tpu.memref_squeeze %dma_wait3A_538 : memref<1x80xi32, #tpu.memory_space<vmem>> -> memref<80xi32, #tpu.memory_space<vmem>>
        %dma_wait3A_540 = arith.constant 0 : i32
        %dma_wait3A_541 = arith.constant 0 : i32
        %dma_wait3A_542 = tpu.memref_slice %arg5[%dma_wait3A_540, %dma_wait3A_541] : memref<10000x16xf32, #tpu.memory_space<hbm>> -> memref<10000x16xf32, #tpu.memory_space<hbm>>
        tpu.wait_indirect_dma semaphore(%arg24 : memref<!tpu.dma_semaphore, #tpu.memory_space<semaphore_mem>>) src(%dma_wait3A_542 : memref<10000x16xf32, #tpu.memory_space<hbm>>) dst(%dma_wait3A_536 : memref<80x16xf32, #tpu.memory_space<vmem>>)
        %dma_wait3A_543 = arith.constant 4 : i32
        %dma_wait3A_544 = arith.constant 320 : i32
        %dma_wait3A_545 = arith.constant 0 : i32
        %dma_wait3A_546 = tpu.memref_slice %arg20[%dma_wait3A_544, %dma_wait3A_545] : memref<400x16xf32, #tpu.memory_space<vmem>> -> memref<80x16xf32, #tpu.memory_space<vmem>>
        %dma_wait3A_547 = arith.constant 0 : i32
        %dma_wait3A_548 = tpu.memref_slice %arg14[%dma_wait3A_543, %dma_wait3A_547] : memref<5x80xi32, #tpu.memory_space<vmem>> -> memref<1x80xi32, #tpu.memory_space<vmem>>
        %dma_wait3A_549 = tpu.memref_squeeze %dma_wait3A_548 : memref<1x80xi32, #tpu.memory_space<vmem>> -> memref<80xi32, #tpu.memory_space<vmem>>
        %dma_wait3A_550 = arith.constant 0 : i32
        %dma_wait3A_551 = arith.constant 0 : i32
        %dma_wait3A_552 = tpu.memref_slice %arg6[%dma_wait3A_550, %dma_wait3A_551] : memref<10000x16xf32, #tpu.memory_space<hbm>> -> memref<10000x16xf32, #tpu.memory_space<hbm>>
        tpu.wait_indirect_dma semaphore(%arg24 : memref<!tpu.dma_semaphore, #tpu.memory_space<semaphore_mem>>) src(%dma_wait3A_552 : memref<10000x16xf32, #tpu.memory_space<hbm>>) dst(%dma_wait3A_546 : memref<80x16xf32, #tpu.memory_space<vmem>>)
        %add3A_553 = arith.constant 1 : i32
        %add3A_554 = arith.addi %add3A_397, %add3A_553 : i32
        %lt3A_555 = arith.constant 25 : i32
        %lt3A_556 = arith.cmpi slt, %add3A_554, %lt3A_555 : i32
        %convert_element_type3A_557 = arith.extui %lt3A_556 : i1 to i32
        %cond3A_558 = arith.constant 0 : i32
        %cond3A_559 = arith.cmpi ne, %convert_element_type3A_557, %cond3A_558 : i32
        scf.if %cond3A_559 {
          %ge3A = arith.constant 1 : i32
          %ge3A_666 = arith.cmpi sge, %add3A_397, %ge3A : i32
          %convert_element_type3A_667 = arith.extui %ge3A_666 : i1 to i32
          %cond3A_668 = arith.constant 0 : i32
          %cond3A_669 = arith.cmpi ne, %convert_element_type3A_667, %cond3A_668 : i32
          scf.if %cond3A_669 {
            %dma_wait3A_828 = arith.constant 0 : i32
            %dma_wait3A_829 = arith.constant 0 : i32
            %dma_wait3A_830 = arith.constant 0 : i32
            %dma_wait3A_831 = tpu.memref_slice %arg15[%dma_wait3A_829, %dma_wait3A_830] : memref<400x16xf32, #tpu.memory_space<vmem>> -> memref<80x16xf32, #tpu.memory_space<vmem>>
            %dma_wait3A_832 = arith.constant 0 : i32
            %dma_wait3A_833 = tpu.memref_slice %arg13[%dma_wait3A_828, %dma_wait3A_832] : memref<5x80xi32, #tpu.memory_space<vmem>> -> memref<1x80xi32, #tpu.memory_space<vmem>>
            %dma_wait3A_834 = tpu.memref_squeeze %dma_wait3A_833 : memref<1x80xi32, #tpu.memory_space<vmem>> -> memref<80xi32, #tpu.memory_space<vmem>>
            %dma_wait3A_835 = arith.constant 0 : i32
            %dma_wait3A_836 = arith.constant 0 : i32
            %dma_wait3A_837 = tpu.memref_slice %arg9[%dma_wait3A_835, %dma_wait3A_836] : memref<10240x16xf32, #tpu.memory_space<vmem_shared>> -> memref<10240x16xf32, #tpu.memory_space<vmem_shared>>
            tpu.wait_indirect_dma semaphore(%arg25 : memref<!tpu.dma_semaphore, #tpu.memory_space<semaphore_mem>>) src(%dma_wait3A_831 : memref<80x16xf32, #tpu.memory_space<vmem>>) dst(%dma_wait3A_837 : memref<10240x16xf32, #tpu.memory_space<vmem_shared>>)
            %dma_wait3A_838 = arith.constant 0 : i32
            %dma_wait3A_839 = arith.constant 0 : i32
            %dma_wait3A_840 = arith.constant 0 : i32
            %dma_wait3A_841 = tpu.memref_slice %arg21[%dma_wait3A_839, %dma_wait3A_840] : memref<400x16xf32, #tpu.memory_space<vmem>> -> memref<80x16xf32, #tpu.memory_space<vmem>>
            %dma_wait3A_842 = arith.constant 0 : i32
            %dma_wait3A_843 = tpu.memref_slice %arg13[%dma_wait3A_838, %dma_wait3A_842] : memref<5x80xi32, #tpu.memory_space<vmem>> -> memref<1x80xi32, #tpu.memory_space<vmem>>
            %dma_wait3A_844 = tpu.memref_squeeze %dma_wait3A_843 : memref<1x80xi32, #tpu.memory_space<vmem>> -> memref<80xi32, #tpu.memory_space<vmem>>
            %dma_wait3A_845 = arith.constant 0 : i32
            %dma_wait3A_846 = arith.constant 0 : i32
            %dma_wait3A_847 = tpu.memref_slice %arg10[%dma_wait3A_845, %dma_wait3A_846] : memref<10240x16xf32, #tpu.memory_space<vmem_shared>> -> memref<10240x16xf32, #tpu.memory_space<vmem_shared>>
            tpu.wait_indirect_dma semaphore(%arg25 : memref<!tpu.dma_semaphore, #tpu.memory_space<semaphore_mem>>) src(%dma_wait3A_841 : memref<80x16xf32, #tpu.memory_space<vmem>>) dst(%dma_wait3A_847 : memref<10240x16xf32, #tpu.memory_space<vmem_shared>>)
            %dma_wait3A_848 = arith.constant 1 : i32
            %dma_wait3A_849 = arith.constant 80 : i32
            %dma_wait3A_850 = arith.constant 0 : i32
            %dma_wait3A_851 = tpu.memref_slice %arg15[%dma_wait3A_849, %dma_wait3A_850] : memref<400x16xf32, #tpu.memory_space<vmem>> -> memref<80x16xf32, #tpu.memory_space<vmem>>
            %dma_wait3A_852 = arith.constant 0 : i32
            %dma_wait3A_853 = tpu.memref_slice %arg13[%dma_wait3A_848, %dma_wait3A_852] : memref<5x80xi32, #tpu.memory_space<vmem>> -> memref<1x80xi32, #tpu.memory_space<vmem>>
            %dma_wait3A_854 = tpu.memref_squeeze %dma_wait3A_853 : memref<1x80xi32, #tpu.memory_space<vmem>> -> memref<80xi32, #tpu.memory_space<vmem>>
            %dma_wait3A_855 = arith.constant 0 : i32
            %dma_wait3A_856 = arith.constant 0 : i32
            %dma_wait3A_857 = tpu.memref_slice %arg9[%dma_wait3A_855, %dma_wait3A_856] : memref<10240x16xf32, #tpu.memory_space<vmem_shared>> -> memref<10240x16xf32, #tpu.memory_space<vmem_shared>>
            tpu.wait_indirect_dma semaphore(%arg25 : memref<!tpu.dma_semaphore, #tpu.memory_space<semaphore_mem>>) src(%dma_wait3A_851 : memref<80x16xf32, #tpu.memory_space<vmem>>) dst(%dma_wait3A_857 : memref<10240x16xf32, #tpu.memory_space<vmem_shared>>)
            %dma_wait3A_858 = arith.constant 1 : i32
            %dma_wait3A_859 = arith.constant 80 : i32
            %dma_wait3A_860 = arith.constant 0 : i32
            %dma_wait3A_861 = tpu.memref_slice %arg21[%dma_wait3A_859, %dma_wait3A_860] : memref<400x16xf32, #tpu.memory_space<vmem>> -> memref<80x16xf32, #tpu.memory_space<vmem>>
            %dma_wait3A_862 = arith.constant 0 : i32
            %dma_wait3A_863 = tpu.memref_slice %arg13[%dma_wait3A_858, %dma_wait3A_862] : memref<5x80xi32, #tpu.memory_space<vmem>> -> memref<1x80xi32, #tpu.memory_space<vmem>>
            %dma_wait3A_864 = tpu.memref_squeeze %dma_wait3A_863 : memref<1x80xi32, #tpu.memory_space<vmem>> -> memref<80xi32, #tpu.memory_space<vmem>>
            %dma_wait3A_865 = arith.constant 0 : i32
            %dma_wait3A_866 = arith.constant 0 : i32
            %dma_wait3A_867 = tpu.memref_slice %arg10[%dma_wait3A_865, %dma_wait3A_866] : memref<10240x16xf32, #tpu.memory_space<vmem_shared>> -> memref<10240x16xf32, #tpu.memory_space<vmem_shared>>
            tpu.wait_indirect_dma semaphore(%arg25 : memref<!tpu.dma_semaphore, #tpu.memory_space<semaphore_mem>>) src(%dma_wait3A_861 : memref<80x16xf32, #tpu.memory_space<vmem>>) dst(%dma_wait3A_867 : memref<10240x16xf32, #tpu.memory_space<vmem_shared>>)
            %dma_wait3A_868 = arith.constant 2 : i32
            %dma_wait3A_869 = arith.constant 160 : i32
            %dma_wait3A_870 = arith.constant 0 : i32
            %dma_wait3A_871 = tpu.memref_slice %arg15[%dma_wait3A_869, %dma_wait3A_870] : memref<400x16xf32, #tpu.memory_space<vmem>> -> memref<80x16xf32, #tpu.memory_space<vmem>>
            %dma_wait3A_872 = arith.constant 0 : i32
            %dma_wait3A_873 = tpu.memref_slice %arg13[%dma_wait3A_868, %dma_wait3A_872] : memref<5x80xi32, #tpu.memory_space<vmem>> -> memref<1x80xi32, #tpu.memory_space<vmem>>
            %dma_wait3A_874 = tpu.memref_squeeze %dma_wait3A_873 : memref<1x80xi32, #tpu.memory_space<vmem>> -> memref<80xi32, #tpu.memory_space<vmem>>
            %dma_wait3A_875 = arith.constant 0 : i32
            %dma_wait3A_876 = arith.constant 0 : i32
            %dma_wait3A_877 = tpu.memref_slice %arg9[%dma_wait3A_875, %dma_wait3A_876] : memref<10240x16xf32, #tpu.memory_space<vmem_shared>> -> memref<10240x16xf32, #tpu.memory_space<vmem_shared>>
            tpu.wait_indirect_dma semaphore(%arg25 : memref<!tpu.dma_semaphore, #tpu.memory_space<semaphore_mem>>) src(%dma_wait3A_871 : memref<80x16xf32, #tpu.memory_space<vmem>>) dst(%dma_wait3A_877 : memref<10240x16xf32, #tpu.memory_space<vmem_shared>>)
            %dma_wait3A_878 = arith.constant 2 : i32
            %dma_wait3A_879 = arith.constant 160 : i32
            %dma_wait3A_880 = arith.constant 0 : i32
            %dma_wait3A_881 = tpu.memref_slice %arg21[%dma_wait3A_879, %dma_wait3A_880] : memref<400x16xf32, #tpu.memory_space<vmem>> -> memref<80x16xf32, #tpu.memory_space<vmem>>
            %dma_wait3A_882 = arith.constant 0 : i32
            %dma_wait3A_883 = tpu.memref_slice %arg13[%dma_wait3A_878, %dma_wait3A_882] : memref<5x80xi32, #tpu.memory_space<vmem>> -> memref<1x80xi32, #tpu.memory_space<vmem>>
            %dma_wait3A_884 = tpu.memref_squeeze %dma_wait3A_883 : memref<1x80xi32, #tpu.memory_space<vmem>> -> memref<80xi32, #tpu.memory_space<vmem>>
            %dma_wait3A_885 = arith.constant 0 : i32
            %dma_wait3A_886 = arith.constant 0 : i32
            %dma_wait3A_887 = tpu.memref_slice %arg10[%dma_wait3A_885, %dma_wait3A_886] : memref<10240x16xf32, #tpu.memory_space<vmem_shared>> -> memref<10240x16xf32, #tpu.memory_space<vmem_shared>>
            tpu.wait_indirect_dma semaphore(%arg25 : memref<!tpu.dma_semaphore, #tpu.memory_space<semaphore_mem>>) src(%dma_wait3A_881 : memref<80x16xf32, #tpu.memory_space<vmem>>) dst(%dma_wait3A_887 : memref<10240x16xf32, #tpu.memory_space<vmem_shared>>)
            %dma_wait3A_888 = arith.constant 3 : i32
            %dma_wait3A_889 = arith.constant 240 : i32
            %dma_wait3A_890 = arith.constant 0 : i32
            %dma_wait3A_891 = tpu.memref_slice %arg15[%dma_wait3A_889, %dma_wait3A_890] : memref<400x16xf32, #tpu.memory_space<vmem>> -> memref<80x16xf32, #tpu.memory_space<vmem>>
            %dma_wait3A_892 = arith.constant 0 : i32
            %dma_wait3A_893 = tpu.memref_slice %arg13[%dma_wait3A_888, %dma_wait3A_892] : memref<5x80xi32, #tpu.memory_space<vmem>> -> memref<1x80xi32, #tpu.memory_space<vmem>>
            %dma_wait3A_894 = tpu.memref_squeeze %dma_wait3A_893 : memref<1x80xi32, #tpu.memory_space<vmem>> -> memref<80xi32, #tpu.memory_space<vmem>>
            %dma_wait3A_895 = arith.constant 0 : i32
            %dma_wait3A_896 = arith.constant 0 : i32
            %dma_wait3A_897 = tpu.memref_slice %arg9[%dma_wait3A_895, %dma_wait3A_896] : memref<10240x16xf32, #tpu.memory_space<vmem_shared>> -> memref<10240x16xf32, #tpu.memory_space<vmem_shared>>
            tpu.wait_indirect_dma semaphore(%arg25 : memref<!tpu.dma_semaphore, #tpu.memory_space<semaphore_mem>>) src(%dma_wait3A_891 : memref<80x16xf32, #tpu.memory_space<vmem>>) dst(%dma_wait3A_897 : memref<10240x16xf32, #tpu.memory_space<vmem_shared>>)
            %dma_wait3A_898 = arith.constant 3 : i32
            %dma_wait3A_899 = arith.constant 240 : i32
            %dma_wait3A_900 = arith.constant 0 : i32
            %dma_wait3A_901 = tpu.memref_slice %arg21[%dma_wait3A_899, %dma_wait3A_900] : memref<400x16xf32, #tpu.memory_space<vmem>> -> memref<80x16xf32, #tpu.memory_space<vmem>>
            %dma_wait3A_902 = arith.constant 0 : i32
            %dma_wait3A_903 = tpu.memref_slice %arg13[%dma_wait3A_898, %dma_wait3A_902] : memref<5x80xi32, #tpu.memory_space<vmem>> -> memref<1x80xi32, #tpu.memory_space<vmem>>
            %dma_wait3A_904 = tpu.memref_squeeze %dma_wait3A_903 : memref<1x80xi32, #tpu.memory_space<vmem>> -> memref<80xi32, #tpu.memory_space<vmem>>
            %dma_wait3A_905 = arith.constant 0 : i32
            %dma_wait3A_906 = arith.constant 0 : i32
            %dma_wait3A_907 = tpu.memref_slice %arg10[%dma_wait3A_905, %dma_wait3A_906] : memref<10240x16xf32, #tpu.memory_space<vmem_shared>> -> memref<10240x16xf32, #tpu.memory_space<vmem_shared>>
            tpu.wait_indirect_dma semaphore(%arg25 : memref<!tpu.dma_semaphore, #tpu.memory_space<semaphore_mem>>) src(%dma_wait3A_901 : memref<80x16xf32, #tpu.memory_space<vmem>>) dst(%dma_wait3A_907 : memref<10240x16xf32, #tpu.memory_space<vmem_shared>>)
            %dma_wait3A_908 = arith.constant 4 : i32
            %dma_wait3A_909 = arith.constant 320 : i32
            %dma_wait3A_910 = arith.constant 0 : i32
            %dma_wait3A_911 = tpu.memref_slice %arg15[%dma_wait3A_909, %dma_wait3A_910] : memref<400x16xf32, #tpu.memory_space<vmem>> -> memref<80x16xf32, #tpu.memory_space<vmem>>
            %dma_wait3A_912 = arith.constant 0 : i32
            %dma_wait3A_913 = tpu.memref_slice %arg13[%dma_wait3A_908, %dma_wait3A_912] : memref<5x80xi32, #tpu.memory_space<vmem>> -> memref<1x80xi32, #tpu.memory_space<vmem>>
            %dma_wait3A_914 = tpu.memref_squeeze %dma_wait3A_913 : memref<1x80xi32, #tpu.memory_space<vmem>> -> memref<80xi32, #tpu.memory_space<vmem>>
            %dma_wait3A_915 = arith.constant 0 : i32
            %dma_wait3A_916 = arith.constant 0 : i32
            %dma_wait3A_917 = tpu.memref_slice %arg9[%dma_wait3A_915, %dma_wait3A_916] : memref<10240x16xf32, #tpu.memory_space<vmem_shared>> -> memref<10240x16xf32, #tpu.memory_space<vmem_shared>>
            tpu.wait_indirect_dma semaphore(%arg25 : memref<!tpu.dma_semaphore, #tpu.memory_space<semaphore_mem>>) src(%dma_wait3A_911 : memref<80x16xf32, #tpu.memory_space<vmem>>) dst(%dma_wait3A_917 : memref<10240x16xf32, #tpu.memory_space<vmem_shared>>)
            %dma_wait3A_918 = arith.constant 4 : i32
            %dma_wait3A_919 = arith.constant 320 : i32
            %dma_wait3A_920 = arith.constant 0 : i32
            %dma_wait3A_921 = tpu.memref_slice %arg21[%dma_wait3A_919, %dma_wait3A_920] : memref<400x16xf32, #tpu.memory_space<vmem>> -> memref<80x16xf32, #tpu.memory_space<vmem>>
            %dma_wait3A_922 = arith.constant 0 : i32
            %dma_wait3A_923 = tpu.memref_slice %arg13[%dma_wait3A_918, %dma_wait3A_922] : memref<5x80xi32, #tpu.memory_space<vmem>> -> memref<1x80xi32, #tpu.memory_space<vmem>>
            %dma_wait3A_924 = tpu.memref_squeeze %dma_wait3A_923 : memref<1x80xi32, #tpu.memory_space<vmem>> -> memref<80xi32, #tpu.memory_space<vmem>>
            %dma_wait3A_925 = arith.constant 0 : i32
            %dma_wait3A_926 = arith.constant 0 : i32
            %dma_wait3A_927 = tpu.memref_slice %arg10[%dma_wait3A_925, %dma_wait3A_926] : memref<10240x16xf32, #tpu.memory_space<vmem_shared>> -> memref<10240x16xf32, #tpu.memory_space<vmem_shared>>
            tpu.wait_indirect_dma semaphore(%arg25 : memref<!tpu.dma_semaphore, #tpu.memory_space<semaphore_mem>>) src(%dma_wait3A_921 : memref<80x16xf32, #tpu.memory_space<vmem>>) dst(%dma_wait3A_927 : memref<10240x16xf32, #tpu.memory_space<vmem_shared>>)
          } else {
          }
          %add3A_670 = arith.constant 1 : i32
          %add3A_671 = arith.addi %add3A_397, %add3A_670 : i32
          %mul3A_672 = arith.constant 5 : i32
          %mul3A_673 = arith.muli %add3A_671, %mul3A_672 : i32
          %add3A_674 = arith.addi %mul3A_19, %mul3A_673 : i32
          "tpu.region"() ({
            %run_scoped3A = tpu.sem_alloc : memref<!tpu.dma_semaphore, #tpu.memory_space<semaphore_mem>>
            %dma_start3A_828 = arith.constant 0 : i32
            %dma_start3A_829 = tpu.memref_slice %arg2[%add3A_674, %dma_start3A_828] : memref<4000x80xi32, #tpu.memory_space<hbm>> -> memref<5x80xi32, #tpu.memory_space<hbm>>
            %dma_start3A_830 = arith.constant 0 : i32
            %dma_start3A_831 = tpu.memref_slice %arg2[%add3A_674, %dma_start3A_830] : memref<4000x80xi32, #tpu.memory_space<hbm>> -> memref<5x80xi32, #tpu.memory_space<hbm>>
            tpu.enqueue_dma source(%dma_start3A_831 : memref<5x80xi32, #tpu.memory_space<hbm>>) target(%arg11 : memref<5x80xi32, #tpu.memory_space<vmem>>) target_semaphore(%run_scoped3A : memref<!tpu.dma_semaphore, #tpu.memory_space<semaphore_mem>>)
            %dma_wait3A_832 = arith.constant 0 : i32
            %dma_wait3A_833 = tpu.memref_slice %arg2[%add3A_674, %dma_wait3A_832] : memref<4000x80xi32, #tpu.memory_space<hbm>> -> memref<5x80xi32, #tpu.memory_space<hbm>>
            %dma_wait3A_834 = arith.constant 0 : i32
            %dma_wait3A_835 = tpu.memref_slice %arg2[%add3A_674, %dma_wait3A_834] : memref<4000x80xi32, #tpu.memory_space<hbm>> -> memref<5x80xi32, #tpu.memory_space<hbm>>
            tpu.wait_dma2 semaphore(%run_scoped3A : memref<!tpu.dma_semaphore, #tpu.memory_space<semaphore_mem>>) src(%dma_wait3A_835 : memref<5x80xi32, #tpu.memory_space<hbm>>) dst(%arg11 : memref<5x80xi32, #tpu.memory_space<vmem>>)
            tpu.yield
          }) : () -> ()
          %mul3A_675 = arith.constant 5 : i32
          %mul3A_676 = arith.muli %add3A_671, %mul3A_675 : i32
          %add3A_677 = arith.addi %mul3A_19, %mul3A_676 : i32
          "tpu.region"() ({
            %run_scoped3A = tpu.sem_alloc : memref<!tpu.dma_semaphore, #tpu.memory_space<semaphore_mem>>
            %dma_start3A_828 = arith.constant 0 : i32
            %dma_start3A_829 = tpu.memref_slice %arg3[%add3A_677, %dma_start3A_828] : memref<4000x80xi32, #tpu.memory_space<hbm>> -> memref<5x80xi32, #tpu.memory_space<hbm>>
            %dma_start3A_830 = arith.constant 0 : i32
            %dma_start3A_831 = tpu.memref_slice %arg3[%add3A_677, %dma_start3A_830] : memref<4000x80xi32, #tpu.memory_space<hbm>> -> memref<5x80xi32, #tpu.memory_space<hbm>>
            tpu.enqueue_dma source(%dma_start3A_831 : memref<5x80xi32, #tpu.memory_space<hbm>>) target(%arg13 : memref<5x80xi32, #tpu.memory_space<vmem>>) target_semaphore(%run_scoped3A : memref<!tpu.dma_semaphore, #tpu.memory_space<semaphore_mem>>)
            %dma_wait3A_832 = arith.constant 0 : i32
            %dma_wait3A_833 = tpu.memref_slice %arg3[%add3A_677, %dma_wait3A_832] : memref<4000x80xi32, #tpu.memory_space<hbm>> -> memref<5x80xi32, #tpu.memory_space<hbm>>
            %dma_wait3A_834 = arith.constant 0 : i32
            %dma_wait3A_835 = tpu.memref_slice %arg3[%add3A_677, %dma_wait3A_834] : memref<4000x80xi32, #tpu.memory_space<hbm>> -> memref<5x80xi32, #tpu.memory_space<hbm>>
            tpu.wait_dma2 semaphore(%run_scoped3A : memref<!tpu.dma_semaphore, #tpu.memory_space<semaphore_mem>>) src(%dma_wait3A_835 : memref<5x80xi32, #tpu.memory_space<hbm>>) dst(%arg13 : memref<5x80xi32, #tpu.memory_space<vmem>>)
            tpu.yield
          }) : () -> ()
          %dma_start3A_678 = arith.constant 0 : i32
          %dma_start3A_679 = arith.constant 0 : i32
          %dma_start3A_680 = arith.constant 0 : i32
          %dma_start3A_681 = tpu.memref_slice %arg15[%dma_start3A_679, %dma_start3A_680] : memref<400x16xf32, #tpu.memory_space<vmem>> -> memref<80x16xf32, #tpu.memory_space<vmem>>
          %dma_start3A_682 = arith.constant 0 : i32
          %dma_start3A_683 = tpu.memref_slice %arg11[%dma_start3A_678, %dma_start3A_682] : memref<5x80xi32, #tpu.memory_space<vmem>> -> memref<1x80xi32, #tpu.memory_space<vmem>>
          %dma_start3A_684 = tpu.memref_squeeze %dma_start3A_683 : memref<1x80xi32, #tpu.memory_space<vmem>> -> memref<80xi32, #tpu.memory_space<vmem>>
          %dma_start3A_685 = arith.constant 0 : i32
          %dma_start3A_686 = arith.constant 0 : i32
          %dma_start3A_687 = tpu.memref_slice %arg4[%dma_start3A_685, %dma_start3A_686] : memref<10000x16xf32, #tpu.memory_space<hbm>> -> memref<10000x16xf32, #tpu.memory_space<hbm>>
          tpu.enqueue_indirect_dma source(%dma_start3A_687 : memref<10000x16xf32, #tpu.memory_space<hbm>>) target(%dma_start3A_681 : memref<80x16xf32, #tpu.memory_space<vmem>>) offsets(%dma_start3A_684 : memref<80xi32, #tpu.memory_space<vmem>>) semaphore(%arg23 : memref<!tpu.dma_semaphore, #tpu.memory_space<semaphore_mem>>)
          %dma_start3A_688 = arith.constant 0 : i32
          %dma_start3A_689 = arith.constant 0 : i32
          %dma_start3A_690 = arith.constant 0 : i32
          %dma_start3A_691 = tpu.memref_slice %arg17[%dma_start3A_689, %dma_start3A_690] : memref<400x16xf32, #tpu.memory_space<vmem>> -> memref<80x16xf32, #tpu.memory_space<vmem>>
          %dma_start3A_692 = arith.constant 0 : i32
          %dma_start3A_693 = tpu.memref_slice %arg11[%dma_start3A_688, %dma_start3A_692] : memref<5x80xi32, #tpu.memory_space<vmem>> -> memref<1x80xi32, #tpu.memory_space<vmem>>
          %dma_start3A_694 = tpu.memref_squeeze %dma_start3A_693 : memref<1x80xi32, #tpu.memory_space<vmem>> -> memref<80xi32, #tpu.memory_space<vmem>>
          %dma_start3A_695 = arith.constant 0 : i32
          %dma_start3A_696 = arith.constant 0 : i32
          %dma_start3A_697 = tpu.memref_slice %arg5[%dma_start3A_695, %dma_start3A_696] : memref<10000x16xf32, #tpu.memory_space<hbm>> -> memref<10000x16xf32, #tpu.memory_space<hbm>>
          tpu.enqueue_indirect_dma source(%dma_start3A_697 : memref<10000x16xf32, #tpu.memory_space<hbm>>) target(%dma_start3A_691 : memref<80x16xf32, #tpu.memory_space<vmem>>) offsets(%dma_start3A_694 : memref<80xi32, #tpu.memory_space<vmem>>) semaphore(%arg23 : memref<!tpu.dma_semaphore, #tpu.memory_space<semaphore_mem>>)
          %dma_start3A_698 = arith.constant 0 : i32
          %dma_start3A_699 = arith.constant 0 : i32
          %dma_start3A_700 = arith.constant 0 : i32
          %dma_start3A_701 = tpu.memref_slice %arg19[%dma_start3A_699, %dma_start3A_700] : memref<400x16xf32, #tpu.memory_space<vmem>> -> memref<80x16xf32, #tpu.memory_space<vmem>>
          %dma_start3A_702 = arith.constant 0 : i32
          %dma_start3A_703 = tpu.memref_slice %arg13[%dma_start3A_698, %dma_start3A_702] : memref<5x80xi32, #tpu.memory_space<vmem>> -> memref<1x80xi32, #tpu.memory_space<vmem>>
          %dma_start3A_704 = tpu.memref_squeeze %dma_start3A_703 : memref<1x80xi32, #tpu.memory_space<vmem>> -> memref<80xi32, #tpu.memory_space<vmem>>
          %dma_start3A_705 = arith.constant 0 : i32
          %dma_start3A_706 = arith.constant 0 : i32
          %dma_start3A_707 = tpu.memref_slice %arg6[%dma_start3A_705, %dma_start3A_706] : memref<10000x16xf32, #tpu.memory_space<hbm>> -> memref<10000x16xf32, #tpu.memory_space<hbm>>
          tpu.enqueue_indirect_dma source(%dma_start3A_707 : memref<10000x16xf32, #tpu.memory_space<hbm>>) target(%dma_start3A_701 : memref<80x16xf32, #tpu.memory_space<vmem>>) offsets(%dma_start3A_704 : memref<80xi32, #tpu.memory_space<vmem>>) semaphore(%arg23 : memref<!tpu.dma_semaphore, #tpu.memory_space<semaphore_mem>>)
          %dma_start3A_708 = arith.constant 1 : i32
          %dma_start3A_709 = arith.constant 80 : i32
          %dma_start3A_710 = arith.constant 0 : i32
          %dma_start3A_711 = tpu.memref_slice %arg15[%dma_start3A_709, %dma_start3A_710] : memref<400x16xf32, #tpu.memory_space<vmem>> -> memref<80x16xf32, #tpu.memory_space<vmem>>
          %dma_start3A_712 = arith.constant 0 : i32
          %dma_start3A_713 = tpu.memref_slice %arg11[%dma_start3A_708, %dma_start3A_712] : memref<5x80xi32, #tpu.memory_space<vmem>> -> memref<1x80xi32, #tpu.memory_space<vmem>>
          %dma_start3A_714 = tpu.memref_squeeze %dma_start3A_713 : memref<1x80xi32, #tpu.memory_space<vmem>> -> memref<80xi32, #tpu.memory_space<vmem>>
          %dma_start3A_715 = arith.constant 0 : i32
          %dma_start3A_716 = arith.constant 0 : i32
          %dma_start3A_717 = tpu.memref_slice %arg4[%dma_start3A_715, %dma_start3A_716] : memref<10000x16xf32, #tpu.memory_space<hbm>> -> memref<10000x16xf32, #tpu.memory_space<hbm>>
          tpu.enqueue_indirect_dma source(%dma_start3A_717 : memref<10000x16xf32, #tpu.memory_space<hbm>>) target(%dma_start3A_711 : memref<80x16xf32, #tpu.memory_space<vmem>>) offsets(%dma_start3A_714 : memref<80xi32, #tpu.memory_space<vmem>>) semaphore(%arg23 : memref<!tpu.dma_semaphore, #tpu.memory_space<semaphore_mem>>)
          %dma_start3A_718 = arith.constant 1 : i32
          %dma_start3A_719 = arith.constant 80 : i32
          %dma_start3A_720 = arith.constant 0 : i32
          %dma_start3A_721 = tpu.memref_slice %arg17[%dma_start3A_719, %dma_start3A_720] : memref<400x16xf32, #tpu.memory_space<vmem>> -> memref<80x16xf32, #tpu.memory_space<vmem>>
          %dma_start3A_722 = arith.constant 0 : i32
          %dma_start3A_723 = tpu.memref_slice %arg11[%dma_start3A_718, %dma_start3A_722] : memref<5x80xi32, #tpu.memory_space<vmem>> -> memref<1x80xi32, #tpu.memory_space<vmem>>
          %dma_start3A_724 = tpu.memref_squeeze %dma_start3A_723 : memref<1x80xi32, #tpu.memory_space<vmem>> -> memref<80xi32, #tpu.memory_space<vmem>>
          %dma_start3A_725 = arith.constant 0 : i32
          %dma_start3A_726 = arith.constant 0 : i32
          %dma_start3A_727 = tpu.memref_slice %arg5[%dma_start3A_725, %dma_start3A_726] : memref<10000x16xf32, #tpu.memory_space<hbm>> -> memref<10000x16xf32, #tpu.memory_space<hbm>>
          tpu.enqueue_indirect_dma source(%dma_start3A_727 : memref<10000x16xf32, #tpu.memory_space<hbm>>) target(%dma_start3A_721 : memref<80x16xf32, #tpu.memory_space<vmem>>) offsets(%dma_start3A_724 : memref<80xi32, #tpu.memory_space<vmem>>) semaphore(%arg23 : memref<!tpu.dma_semaphore, #tpu.memory_space<semaphore_mem>>)
          %dma_start3A_728 = arith.constant 1 : i32
          %dma_start3A_729 = arith.constant 80 : i32
          %dma_start3A_730 = arith.constant 0 : i32
          %dma_start3A_731 = tpu.memref_slice %arg19[%dma_start3A_729, %dma_start3A_730] : memref<400x16xf32, #tpu.memory_space<vmem>> -> memref<80x16xf32, #tpu.memory_space<vmem>>
          %dma_start3A_732 = arith.constant 0 : i32
          %dma_start3A_733 = tpu.memref_slice %arg13[%dma_start3A_728, %dma_start3A_732] : memref<5x80xi32, #tpu.memory_space<vmem>> -> memref<1x80xi32, #tpu.memory_space<vmem>>
          %dma_start3A_734 = tpu.memref_squeeze %dma_start3A_733 : memref<1x80xi32, #tpu.memory_space<vmem>> -> memref<80xi32, #tpu.memory_space<vmem>>
          %dma_start3A_735 = arith.constant 0 : i32
          %dma_start3A_736 = arith.constant 0 : i32
          %dma_start3A_737 = tpu.memref_slice %arg6[%dma_start3A_735, %dma_start3A_736] : memref<10000x16xf32, #tpu.memory_space<hbm>> -> memref<10000x16xf32, #tpu.memory_space<hbm>>
          tpu.enqueue_indirect_dma source(%dma_start3A_737 : memref<10000x16xf32, #tpu.memory_space<hbm>>) target(%dma_start3A_731 : memref<80x16xf32, #tpu.memory_space<vmem>>) offsets(%dma_start3A_734 : memref<80xi32, #tpu.memory_space<vmem>>) semaphore(%arg23 : memref<!tpu.dma_semaphore, #tpu.memory_space<semaphore_mem>>)
          %dma_start3A_738 = arith.constant 2 : i32
          %dma_start3A_739 = arith.constant 160 : i32
          %dma_start3A_740 = arith.constant 0 : i32
          %dma_start3A_741 = tpu.memref_slice %arg15[%dma_start3A_739, %dma_start3A_740] : memref<400x16xf32, #tpu.memory_space<vmem>> -> memref<80x16xf32, #tpu.memory_space<vmem>>
          %dma_start3A_742 = arith.constant 0 : i32
          %dma_start3A_743 = tpu.memref_slice %arg11[%dma_start3A_738, %dma_start3A_742] : memref<5x80xi32, #tpu.memory_space<vmem>> -> memref<1x80xi32, #tpu.memory_space<vmem>>
          %dma_start3A_744 = tpu.memref_squeeze %dma_start3A_743 : memref<1x80xi32, #tpu.memory_space<vmem>> -> memref<80xi32, #tpu.memory_space<vmem>>
          %dma_start3A_745 = arith.constant 0 : i32
          %dma_start3A_746 = arith.constant 0 : i32
          %dma_start3A_747 = tpu.memref_slice %arg4[%dma_start3A_745, %dma_start3A_746] : memref<10000x16xf32, #tpu.memory_space<hbm>> -> memref<10000x16xf32, #tpu.memory_space<hbm>>
          tpu.enqueue_indirect_dma source(%dma_start3A_747 : memref<10000x16xf32, #tpu.memory_space<hbm>>) target(%dma_start3A_741 : memref<80x16xf32, #tpu.memory_space<vmem>>) offsets(%dma_start3A_744 : memref<80xi32, #tpu.memory_space<vmem>>) semaphore(%arg23 : memref<!tpu.dma_semaphore, #tpu.memory_space<semaphore_mem>>)
          %dma_start3A_748 = arith.constant 2 : i32
          %dma_start3A_749 = arith.constant 160 : i32
          %dma_start3A_750 = arith.constant 0 : i32
          %dma_start3A_751 = tpu.memref_slice %arg17[%dma_start3A_749, %dma_start3A_750] : memref<400x16xf32, #tpu.memory_space<vmem>> -> memref<80x16xf32, #tpu.memory_space<vmem>>
          %dma_start3A_752 = arith.constant 0 : i32
          %dma_start3A_753 = tpu.memref_slice %arg11[%dma_start3A_748, %dma_start3A_752] : memref<5x80xi32, #tpu.memory_space<vmem>> -> memref<1x80xi32, #tpu.memory_space<vmem>>
          %dma_start3A_754 = tpu.memref_squeeze %dma_start3A_753 : memref<1x80xi32, #tpu.memory_space<vmem>> -> memref<80xi32, #tpu.memory_space<vmem>>
          %dma_start3A_755 = arith.constant 0 : i32
          %dma_start3A_756 = arith.constant 0 : i32
          %dma_start3A_757 = tpu.memref_slice %arg5[%dma_start3A_755, %dma_start3A_756] : memref<10000x16xf32, #tpu.memory_space<hbm>> -> memref<10000x16xf32, #tpu.memory_space<hbm>>
          tpu.enqueue_indirect_dma source(%dma_start3A_757 : memref<10000x16xf32, #tpu.memory_space<hbm>>) target(%dma_start3A_751 : memref<80x16xf32, #tpu.memory_space<vmem>>) offsets(%dma_start3A_754 : memref<80xi32, #tpu.memory_space<vmem>>) semaphore(%arg23 : memref<!tpu.dma_semaphore, #tpu.memory_space<semaphore_mem>>)
          %dma_start3A_758 = arith.constant 2 : i32
          %dma_start3A_759 = arith.constant 160 : i32
          %dma_start3A_760 = arith.constant 0 : i32
          %dma_start3A_761 = tpu.memref_slice %arg19[%dma_start3A_759, %dma_start3A_760] : memref<400x16xf32, #tpu.memory_space<vmem>> -> memref<80x16xf32, #tpu.memory_space<vmem>>
          %dma_start3A_762 = arith.constant 0 : i32
          %dma_start3A_763 = tpu.memref_slice %arg13[%dma_start3A_758, %dma_start3A_762] : memref<5x80xi32, #tpu.memory_space<vmem>> -> memref<1x80xi32, #tpu.memory_space<vmem>>
          %dma_start3A_764 = tpu.memref_squeeze %dma_start3A_763 : memref<1x80xi32, #tpu.memory_space<vmem>> -> memref<80xi32, #tpu.memory_space<vmem>>
          %dma_start3A_765 = arith.constant 0 : i32
          %dma_start3A_766 = arith.constant 0 : i32
          %dma_start3A_767 = tpu.memref_slice %arg6[%dma_start3A_765, %dma_start3A_766] : memref<10000x16xf32, #tpu.memory_space<hbm>> -> memref<10000x16xf32, #tpu.memory_space<hbm>>
          tpu.enqueue_indirect_dma source(%dma_start3A_767 : memref<10000x16xf32, #tpu.memory_space<hbm>>) target(%dma_start3A_761 : memref<80x16xf32, #tpu.memory_space<vmem>>) offsets(%dma_start3A_764 : memref<80xi32, #tpu.memory_space<vmem>>) semaphore(%arg23 : memref<!tpu.dma_semaphore, #tpu.memory_space<semaphore_mem>>)
          %dma_start3A_768 = arith.constant 3 : i32
          %dma_start3A_769 = arith.constant 240 : i32
          %dma_start3A_770 = arith.constant 0 : i32
          %dma_start3A_771 = tpu.memref_slice %arg15[%dma_start3A_769, %dma_start3A_770] : memref<400x16xf32, #tpu.memory_space<vmem>> -> memref<80x16xf32, #tpu.memory_space<vmem>>
          %dma_start3A_772 = arith.constant 0 : i32
          %dma_start3A_773 = tpu.memref_slice %arg11[%dma_start3A_768, %dma_start3A_772] : memref<5x80xi32, #tpu.memory_space<vmem>> -> memref<1x80xi32, #tpu.memory_space<vmem>>
          %dma_start3A_774 = tpu.memref_squeeze %dma_start3A_773 : memref<1x80xi32, #tpu.memory_space<vmem>> -> memref<80xi32, #tpu.memory_space<vmem>>
          %dma_start3A_775 = arith.constant 0 : i32
          %dma_start3A_776 = arith.constant 0 : i32
          %dma_start3A_777 = tpu.memref_slice %arg4[%dma_start3A_775, %dma_start3A_776] : memref<10000x16xf32, #tpu.memory_space<hbm>> -> memref<10000x16xf32, #tpu.memory_space<hbm>>
          tpu.enqueue_indirect_dma source(%dma_start3A_777 : memref<10000x16xf32, #tpu.memory_space<hbm>>) target(%dma_start3A_771 : memref<80x16xf32, #tpu.memory_space<vmem>>) offsets(%dma_start3A_774 : memref<80xi32, #tpu.memory_space<vmem>>) semaphore(%arg23 : memref<!tpu.dma_semaphore, #tpu.memory_space<semaphore_mem>>)
          %dma_start3A_778 = arith.constant 3 : i32
          %dma_start3A_779 = arith.constant 240 : i32
          %dma_start3A_780 = arith.constant 0 : i32
          %dma_start3A_781 = tpu.memref_slice %arg17[%dma_start3A_779, %dma_start3A_780] : memref<400x16xf32, #tpu.memory_space<vmem>> -> memref<80x16xf32, #tpu.memory_space<vmem>>
          %dma_start3A_782 = arith.constant 0 : i32
          %dma_start3A_783 = tpu.memref_slice %arg11[%dma_start3A_778, %dma_start3A_782] : memref<5x80xi32, #tpu.memory_space<vmem>> -> memref<1x80xi32, #tpu.memory_space<vmem>>
          %dma_start3A_784 = tpu.memref_squeeze %dma_start3A_783 : memref<1x80xi32, #tpu.memory_space<vmem>> -> memref<80xi32, #tpu.memory_space<vmem>>
          %dma_start3A_785 = arith.constant 0 : i32
          %dma_start3A_786 = arith.constant 0 : i32
          %dma_start3A_787 = tpu.memref_slice %arg5[%dma_start3A_785, %dma_start3A_786] : memref<10000x16xf32, #tpu.memory_space<hbm>> -> memref<10000x16xf32, #tpu.memory_space<hbm>>
          tpu.enqueue_indirect_dma source(%dma_start3A_787 : memref<10000x16xf32, #tpu.memory_space<hbm>>) target(%dma_start3A_781 : memref<80x16xf32, #tpu.memory_space<vmem>>) offsets(%dma_start3A_784 : memref<80xi32, #tpu.memory_space<vmem>>) semaphore(%arg23 : memref<!tpu.dma_semaphore, #tpu.memory_space<semaphore_mem>>)
          %dma_start3A_788 = arith.constant 3 : i32
          %dma_start3A_789 = arith.constant 240 : i32
          %dma_start3A_790 = arith.constant 0 : i32
          %dma_start3A_791 = tpu.memref_slice %arg19[%dma_start3A_789, %dma_start3A_790] : memref<400x16xf32, #tpu.memory_space<vmem>> -> memref<80x16xf32, #tpu.memory_space<vmem>>
          %dma_start3A_792 = arith.constant 0 : i32
          %dma_start3A_793 = tpu.memref_slice %arg13[%dma_start3A_788, %dma_start3A_792] : memref<5x80xi32, #tpu.memory_space<vmem>> -> memref<1x80xi32, #tpu.memory_space<vmem>>
          %dma_start3A_794 = tpu.memref_squeeze %dma_start3A_793 : memref<1x80xi32, #tpu.memory_space<vmem>> -> memref<80xi32, #tpu.memory_space<vmem>>
          %dma_start3A_795 = arith.constant 0 : i32
          %dma_start3A_796 = arith.constant 0 : i32
          %dma_start3A_797 = tpu.memref_slice %arg6[%dma_start3A_795, %dma_start3A_796] : memref<10000x16xf32, #tpu.memory_space<hbm>> -> memref<10000x16xf32, #tpu.memory_space<hbm>>
          tpu.enqueue_indirect_dma source(%dma_start3A_797 : memref<10000x16xf32, #tpu.memory_space<hbm>>) target(%dma_start3A_791 : memref<80x16xf32, #tpu.memory_space<vmem>>) offsets(%dma_start3A_794 : memref<80xi32, #tpu.memory_space<vmem>>) semaphore(%arg23 : memref<!tpu.dma_semaphore, #tpu.memory_space<semaphore_mem>>)
          %dma_start3A_798 = arith.constant 4 : i32
          %dma_start3A_799 = arith.constant 320 : i32
          %dma_start3A_800 = arith.constant 0 : i32
          %dma_start3A_801 = tpu.memref_slice %arg15[%dma_start3A_799, %dma_start3A_800] : memref<400x16xf32, #tpu.memory_space<vmem>> -> memref<80x16xf32, #tpu.memory_space<vmem>>
          %dma_start3A_802 = arith.constant 0 : i32
          %dma_start3A_803 = tpu.memref_slice %arg11[%dma_start3A_798, %dma_start3A_802] : memref<5x80xi32, #tpu.memory_space<vmem>> -> memref<1x80xi32, #tpu.memory_space<vmem>>
          %dma_start3A_804 = tpu.memref_squeeze %dma_start3A_803 : memref<1x80xi32, #tpu.memory_space<vmem>> -> memref<80xi32, #tpu.memory_space<vmem>>
          %dma_start3A_805 = arith.constant 0 : i32
          %dma_start3A_806 = arith.constant 0 : i32
          %dma_start3A_807 = tpu.memref_slice %arg4[%dma_start3A_805, %dma_start3A_806] : memref<10000x16xf32, #tpu.memory_space<hbm>> -> memref<10000x16xf32, #tpu.memory_space<hbm>>
          tpu.enqueue_indirect_dma source(%dma_start3A_807 : memref<10000x16xf32, #tpu.memory_space<hbm>>) target(%dma_start3A_801 : memref<80x16xf32, #tpu.memory_space<vmem>>) offsets(%dma_start3A_804 : memref<80xi32, #tpu.memory_space<vmem>>) semaphore(%arg23 : memref<!tpu.dma_semaphore, #tpu.memory_space<semaphore_mem>>)
          %dma_start3A_808 = arith.constant 4 : i32
          %dma_start3A_809 = arith.constant 320 : i32
          %dma_start3A_810 = arith.constant 0 : i32
          %dma_start3A_811 = tpu.memref_slice %arg17[%dma_start3A_809, %dma_start3A_810] : memref<400x16xf32, #tpu.memory_space<vmem>> -> memref<80x16xf32, #tpu.memory_space<vmem>>
          %dma_start3A_812 = arith.constant 0 : i32
          %dma_start3A_813 = tpu.memref_slice %arg11[%dma_start3A_808, %dma_start3A_812] : memref<5x80xi32, #tpu.memory_space<vmem>> -> memref<1x80xi32, #tpu.memory_space<vmem>>
          %dma_start3A_814 = tpu.memref_squeeze %dma_start3A_813 : memref<1x80xi32, #tpu.memory_space<vmem>> -> memref<80xi32, #tpu.memory_space<vmem>>
          %dma_start3A_815 = arith.constant 0 : i32
          %dma_start3A_816 = arith.constant 0 : i32
          %dma_start3A_817 = tpu.memref_slice %arg5[%dma_start3A_815, %dma_start3A_816] : memref<10000x16xf32, #tpu.memory_space<hbm>> -> memref<10000x16xf32, #tpu.memory_space<hbm>>
          tpu.enqueue_indirect_dma source(%dma_start3A_817 : memref<10000x16xf32, #tpu.memory_space<hbm>>) target(%dma_start3A_811 : memref<80x16xf32, #tpu.memory_space<vmem>>) offsets(%dma_start3A_814 : memref<80xi32, #tpu.memory_space<vmem>>) semaphore(%arg23 : memref<!tpu.dma_semaphore, #tpu.memory_space<semaphore_mem>>)
          %dma_start3A_818 = arith.constant 4 : i32
          %dma_start3A_819 = arith.constant 320 : i32
          %dma_start3A_820 = arith.constant 0 : i32
          %dma_start3A_821 = tpu.memref_slice %arg19[%dma_start3A_819, %dma_start3A_820] : memref<400x16xf32, #tpu.memory_space<vmem>> -> memref<80x16xf32, #tpu.memory_space<vmem>>
          %dma_start3A_822 = arith.constant 0 : i32
          %dma_start3A_823 = tpu.memref_slice %arg13[%dma_start3A_818, %dma_start3A_822] : memref<5x80xi32, #tpu.memory_space<vmem>> -> memref<1x80xi32, #tpu.memory_space<vmem>>
          %dma_start3A_824 = tpu.memref_squeeze %dma_start3A_823 : memref<1x80xi32, #tpu.memory_space<vmem>> -> memref<80xi32, #tpu.memory_space<vmem>>
          %dma_start3A_825 = arith.constant 0 : i32
          %dma_start3A_826 = arith.constant 0 : i32
          %dma_start3A_827 = tpu.memref_slice %arg6[%dma_start3A_825, %dma_start3A_826] : memref<10000x16xf32, #tpu.memory_space<hbm>> -> memref<10000x16xf32, #tpu.memory_space<hbm>>
          tpu.enqueue_indirect_dma source(%dma_start3A_827 : memref<10000x16xf32, #tpu.memory_space<hbm>>) target(%dma_start3A_821 : memref<80x16xf32, #tpu.memory_space<vmem>>) offsets(%dma_start3A_824 : memref<80xi32, #tpu.memory_space<vmem>>) semaphore(%arg23 : memref<!tpu.dma_semaphore, #tpu.memory_space<semaphore_mem>>)
        } else {
        }
        %scan3A_560 = arith.constant 0 : i32
        %scan3A_561 = arith.constant 0 : i32
        %scan3A_562 = arith.constant 400 : i32
        %scan3A_563 = arith.addi %scan3A_561, %scan3A_562 : i32
        %scan3A_564 = arith.constant 1 : i32
        scf.for %scan3A_666 = %scan3A_561 to %scan3A_563 step %scan3A_564  : i32 {
          %get3A = arith.index_cast %scan3A_666 : i32 to index
          %get3A_667 = arith.constant 0 : index
          %get3A_668 = tpu.vector_load %arg18[%get3A, %get3A_667] {strides = array<i32>} : memref<400x16xf32, #tpu.memory_space<vmem>>, vector<1x16xf32>,
          %get3A_669 = vector.shape_cast %get3A_668 : vector<1x16xf32> to vector<16xf32>
          %get3A_670 = arith.index_cast %scan3A_666 : i32 to index
          %get3A_671 = arith.constant 0 : index
          %get3A_672 = tpu.vector_load %arg20[%get3A_670, %get3A_671] {strides = array<i32>} : memref<400x16xf32, #tpu.memory_space<vmem>>, vector<1x16xf32>,
          %get3A_673 = vector.shape_cast %get3A_672 : vector<1x16xf32> to vector<16xf32>
          %add3A_674 = arith.addf %get3A_669, %get3A_673 : vector<16xf32>
          %mul3A_675 = arith.constant 2.000000e-01 : f32
          %mul3A_676 = vector.broadcast %mul3A_675 : f32 to vector<16xf32>
          %mul3A_677 = arith.mulf %mul3A_676, %add3A_674 : vector<16xf32>
          %max3A = arith.maximumf %add3A_674, %mul3A_677 : vector<16xf32>
          %exp3A = math.exp %max3A : vector<16xf32>
          %get3A_678 = arith.index_cast %scan3A_666 : i32 to index
          %get3A_679 = arith.constant 0 : index
          %get3A_680 = tpu.vector_load %arg16[%get3A_678, %get3A_679] {strides = array<i32>} : memref<400x16xf32, #tpu.memory_space<vmem>>, vector<1x16xf32>,
          %get3A_681 = vector.shape_cast %get3A_680 : vector<1x16xf32> to vector<16xf32>
          %mul3A_682 = arith.mulf %exp3A, %get3A_681 : vector<16xf32>
          %swap3A = arith.index_cast %scan3A_666 : i32 to index
          %swap3A_683 = arith.constant 0 : index
          %swap3A_684 = tpu.vector_load %arg16[%swap3A, %swap3A_683] {strides = array<i32>} : memref<400x16xf32, #tpu.memory_space<vmem>>, vector<1x16xf32>,
          %swap3A_685 = vector.shape_cast %swap3A_684 : vector<1x16xf32> to vector<16xf32>
          %swap3A_686 = vector.shape_cast %mul3A_682 : vector<16xf32> to vector<1x16xf32>
          tpu.vector_store %arg16[%swap3A, %swap3A_683], %swap3A_686 {strides = array<i32>} : memref<400x16xf32, #tpu.memory_space<vmem>>, vector<1x16xf32>,
          %swap3A_687 = arith.index_cast %scan3A_666 : i32 to index
          %swap3A_688 = arith.constant 0 : index
          %swap3A_689 = tpu.vector_load %arg22[%swap3A_687, %swap3A_688] {strides = array<i32>} : memref<400x16xf32, #tpu.memory_space<vmem>>, vector<1x16xf32>,
          %swap3A_690 = vector.shape_cast %swap3A_689 : vector<1x16xf32> to vector<16xf32>
          %swap3A_691 = vector.shape_cast %exp3A : vector<16xf32> to vector<1x16xf32>
          tpu.vector_store %arg22[%swap3A_687, %swap3A_688], %swap3A_691 {strides = array<i32>} : memref<400x16xf32, #tpu.memory_space<vmem>>, vector<1x16xf32>,
        }
        %scan3A_565 = arith.constant 400 : i32
        %dma_start3A_566 = arith.constant 0 : i32
        %dma_start3A_567 = arith.constant 0 : i32
        %dma_start3A_568 = arith.constant 0 : i32
        %dma_start3A_569 = tpu.memref_slice %arg16[%dma_start3A_567, %dma_start3A_568] : memref<400x16xf32, #tpu.memory_space<vmem>> -> memref<80x16xf32, #tpu.memory_space<vmem>>
        %dma_start3A_570 = arith.constant 0 : i32
        %dma_start3A_571 = tpu.memref_slice %arg14[%dma_start3A_566, %dma_start3A_570] : memref<5x80xi32, #tpu.memory_space<vmem>> -> memref<1x80xi32, #tpu.memory_space<vmem>>
        %dma_start3A_572 = tpu.memref_squeeze %dma_start3A_571 : memref<1x80xi32, #tpu.memory_space<vmem>> -> memref<80xi32, #tpu.memory_space<vmem>>
        %dma_start3A_573 = arith.constant 0 : i32
        %dma_start3A_574 = arith.constant 0 : i32
        %dma_start3A_575 = tpu.memref_slice %arg9[%dma_start3A_573, %dma_start3A_574] : memref<10240x16xf32, #tpu.memory_space<vmem_shared>> -> memref<10240x16xf32, #tpu.memory_space<vmem_shared>>
        tpu.enqueue_indirect_dma source(%dma_start3A_569 : memref<80x16xf32, #tpu.memory_space<vmem>>) target(%dma_start3A_575 : memref<10240x16xf32, #tpu.memory_space<vmem_shared>>) offsets(%dma_start3A_572 : memref<80xi32, #tpu.memory_space<vmem>>) semaphore(%arg26 : memref<!tpu.dma_semaphore, #tpu.memory_space<semaphore_mem>>) {add = true}
        %dma_start3A_576 = arith.constant 0 : i32
        %dma_start3A_577 = arith.constant 0 : i32
        %dma_start3A_578 = arith.constant 0 : i32
        %dma_start3A_579 = tpu.memref_slice %arg22[%dma_start3A_577, %dma_start3A_578] : memref<400x16xf32, #tpu.memory_space<vmem>> -> memref<80x16xf32, #tpu.memory_space<vmem>>
        %dma_start3A_580 = arith.constant 0 : i32
        %dma_start3A_581 = tpu.memref_slice %arg14[%dma_start3A_576, %dma_start3A_580] : memref<5x80xi32, #tpu.memory_space<vmem>> -> memref<1x80xi32, #tpu.memory_space<vmem>>
        %dma_start3A_582 = tpu.memref_squeeze %dma_start3A_581 : memref<1x80xi32, #tpu.memory_space<vmem>> -> memref<80xi32, #tpu.memory_space<vmem>>
        %dma_start3A_583 = arith.constant 0 : i32
        %dma_start3A_584 = arith.constant 0 : i32
        %dma_start3A_585 = tpu.memref_slice %arg10[%dma_start3A_583, %dma_start3A_584] : memref<10240x16xf32, #tpu.memory_space<vmem_shared>> -> memref<10240x16xf32, #tpu.memory_space<vmem_shared>>
        tpu.enqueue_indirect_dma source(%dma_start3A_579 : memref<80x16xf32, #tpu.memory_space<vmem>>) target(%dma_start3A_585 : memref<10240x16xf32, #tpu.memory_space<vmem_shared>>) offsets(%dma_start3A_582 : memref<80xi32, #tpu.memory_space<vmem>>) semaphore(%arg26 : memref<!tpu.dma_semaphore, #tpu.memory_space<semaphore_mem>>) {add = true}
        %dma_start3A_586 = arith.constant 1 : i32
        %dma_start3A_587 = arith.constant 80 : i32
        %dma_start3A_588 = arith.constant 0 : i32
        %dma_start3A_589 = tpu.memref_slice %arg16[%dma_start3A_587, %dma_start3A_588] : memref<400x16xf32, #tpu.memory_space<vmem>> -> memref<80x16xf32, #tpu.memory_space<vmem>>
        %dma_start3A_590 = arith.constant 0 : i32
        %dma_start3A_591 = tpu.memref_slice %arg14[%dma_start3A_586, %dma_start3A_590] : memref<5x80xi32, #tpu.memory_space<vmem>> -> memref<1x80xi32, #tpu.memory_space<vmem>>
        %dma_start3A_592 = tpu.memref_squeeze %dma_start3A_591 : memref<1x80xi32, #tpu.memory_space<vmem>> -> memref<80xi32, #tpu.memory_space<vmem>>
        %dma_start3A_593 = arith.constant 0 : i32
        %dma_start3A_594 = arith.constant 0 : i32
        %dma_start3A_595 = tpu.memref_slice %arg9[%dma_start3A_593, %dma_start3A_594] : memref<10240x16xf32, #tpu.memory_space<vmem_shared>> -> memref<10240x16xf32, #tpu.memory_space<vmem_shared>>
        tpu.enqueue_indirect_dma source(%dma_start3A_589 : memref<80x16xf32, #tpu.memory_space<vmem>>) target(%dma_start3A_595 : memref<10240x16xf32, #tpu.memory_space<vmem_shared>>) offsets(%dma_start3A_592 : memref<80xi32, #tpu.memory_space<vmem>>) semaphore(%arg26 : memref<!tpu.dma_semaphore, #tpu.memory_space<semaphore_mem>>) {add = true}
        %dma_start3A_596 = arith.constant 1 : i32
        %dma_start3A_597 = arith.constant 80 : i32
        %dma_start3A_598 = arith.constant 0 : i32
        %dma_start3A_599 = tpu.memref_slice %arg22[%dma_start3A_597, %dma_start3A_598] : memref<400x16xf32, #tpu.memory_space<vmem>> -> memref<80x16xf32, #tpu.memory_space<vmem>>
        %dma_start3A_600 = arith.constant 0 : i32
        %dma_start3A_601 = tpu.memref_slice %arg14[%dma_start3A_596, %dma_start3A_600] : memref<5x80xi32, #tpu.memory_space<vmem>> -> memref<1x80xi32, #tpu.memory_space<vmem>>
        %dma_start3A_602 = tpu.memref_squeeze %dma_start3A_601 : memref<1x80xi32, #tpu.memory_space<vmem>> -> memref<80xi32, #tpu.memory_space<vmem>>
        %dma_start3A_603 = arith.constant 0 : i32
        %dma_start3A_604 = arith.constant 0 : i32
        %dma_start3A_605 = tpu.memref_slice %arg10[%dma_start3A_603, %dma_start3A_604] : memref<10240x16xf32, #tpu.memory_space<vmem_shared>> -> memref<10240x16xf32, #tpu.memory_space<vmem_shared>>
        tpu.enqueue_indirect_dma source(%dma_start3A_599 : memref<80x16xf32, #tpu.memory_space<vmem>>) target(%dma_start3A_605 : memref<10240x16xf32, #tpu.memory_space<vmem_shared>>) offsets(%dma_start3A_602 : memref<80xi32, #tpu.memory_space<vmem>>) semaphore(%arg26 : memref<!tpu.dma_semaphore, #tpu.memory_space<semaphore_mem>>) {add = true}
        %dma_start3A_606 = arith.constant 2 : i32
        %dma_start3A_607 = arith.constant 160 : i32
        %dma_start3A_608 = arith.constant 0 : i32
        %dma_start3A_609 = tpu.memref_slice %arg16[%dma_start3A_607, %dma_start3A_608] : memref<400x16xf32, #tpu.memory_space<vmem>> -> memref<80x16xf32, #tpu.memory_space<vmem>>
        %dma_start3A_610 = arith.constant 0 : i32
        %dma_start3A_611 = tpu.memref_slice %arg14[%dma_start3A_606, %dma_start3A_610] : memref<5x80xi32, #tpu.memory_space<vmem>> -> memref<1x80xi32, #tpu.memory_space<vmem>>
        %dma_start3A_612 = tpu.memref_squeeze %dma_start3A_611 : memref<1x80xi32, #tpu.memory_space<vmem>> -> memref<80xi32, #tpu.memory_space<vmem>>
        %dma_start3A_613 = arith.constant 0 : i32
        %dma_start3A_614 = arith.constant 0 : i32
        %dma_start3A_615 = tpu.memref_slice %arg9[%dma_start3A_613, %dma_start3A_614] : memref<10240x16xf32, #tpu.memory_space<vmem_shared>> -> memref<10240x16xf32, #tpu.memory_space<vmem_shared>>
        tpu.enqueue_indirect_dma source(%dma_start3A_609 : memref<80x16xf32, #tpu.memory_space<vmem>>) target(%dma_start3A_615 : memref<10240x16xf32, #tpu.memory_space<vmem_shared>>) offsets(%dma_start3A_612 : memref<80xi32, #tpu.memory_space<vmem>>) semaphore(%arg26 : memref<!tpu.dma_semaphore, #tpu.memory_space<semaphore_mem>>) {add = true}
        %dma_start3A_616 = arith.constant 2 : i32
        %dma_start3A_617 = arith.constant 160 : i32
        %dma_start3A_618 = arith.constant 0 : i32
        %dma_start3A_619 = tpu.memref_slice %arg22[%dma_start3A_617, %dma_start3A_618] : memref<400x16xf32, #tpu.memory_space<vmem>> -> memref<80x16xf32, #tpu.memory_space<vmem>>
        %dma_start3A_620 = arith.constant 0 : i32
        %dma_start3A_621 = tpu.memref_slice %arg14[%dma_start3A_616, %dma_start3A_620] : memref<5x80xi32, #tpu.memory_space<vmem>> -> memref<1x80xi32, #tpu.memory_space<vmem>>
        %dma_start3A_622 = tpu.memref_squeeze %dma_start3A_621 : memref<1x80xi32, #tpu.memory_space<vmem>> -> memref<80xi32, #tpu.memory_space<vmem>>
        %dma_start3A_623 = arith.constant 0 : i32
        %dma_start3A_624 = arith.constant 0 : i32
        %dma_start3A_625 = tpu.memref_slice %arg10[%dma_start3A_623, %dma_start3A_624] : memref<10240x16xf32, #tpu.memory_space<vmem_shared>> -> memref<10240x16xf32, #tpu.memory_space<vmem_shared>>
        tpu.enqueue_indirect_dma source(%dma_start3A_619 : memref<80x16xf32, #tpu.memory_space<vmem>>) target(%dma_start3A_625 : memref<10240x16xf32, #tpu.memory_space<vmem_shared>>) offsets(%dma_start3A_622 : memref<80xi32, #tpu.memory_space<vmem>>) semaphore(%arg26 : memref<!tpu.dma_semaphore, #tpu.memory_space<semaphore_mem>>) {add = true}
        %dma_start3A_626 = arith.constant 3 : i32
        %dma_start3A_627 = arith.constant 240 : i32
        %dma_start3A_628 = arith.constant 0 : i32
        %dma_start3A_629 = tpu.memref_slice %arg16[%dma_start3A_627, %dma_start3A_628] : memref<400x16xf32, #tpu.memory_space<vmem>> -> memref<80x16xf32, #tpu.memory_space<vmem>>
        %dma_start3A_630 = arith.constant 0 : i32
        %dma_start3A_631 = tpu.memref_slice %arg14[%dma_start3A_626, %dma_start3A_630] : memref<5x80xi32, #tpu.memory_space<vmem>> -> memref<1x80xi32, #tpu.memory_space<vmem>>
        %dma_start3A_632 = tpu.memref_squeeze %dma_start3A_631 : memref<1x80xi32, #tpu.memory_space<vmem>> -> memref<80xi32, #tpu.memory_space<vmem>>
        %dma_start3A_633 = arith.constant 0 : i32
        %dma_start3A_634 = arith.constant 0 : i32
        %dma_start3A_635 = tpu.memref_slice %arg9[%dma_start3A_633, %dma_start3A_634] : memref<10240x16xf32, #tpu.memory_space<vmem_shared>> -> memref<10240x16xf32, #tpu.memory_space<vmem_shared>>
        tpu.enqueue_indirect_dma source(%dma_start3A_629 : memref<80x16xf32, #tpu.memory_space<vmem>>) target(%dma_start3A_635 : memref<10240x16xf32, #tpu.memory_space<vmem_shared>>) offsets(%dma_start3A_632 : memref<80xi32, #tpu.memory_space<vmem>>) semaphore(%arg26 : memref<!tpu.dma_semaphore, #tpu.memory_space<semaphore_mem>>) {add = true}
        %dma_start3A_636 = arith.constant 3 : i32
        %dma_start3A_637 = arith.constant 240 : i32
        %dma_start3A_638 = arith.constant 0 : i32
        %dma_start3A_639 = tpu.memref_slice %arg22[%dma_start3A_637, %dma_start3A_638] : memref<400x16xf32, #tpu.memory_space<vmem>> -> memref<80x16xf32, #tpu.memory_space<vmem>>
        %dma_start3A_640 = arith.constant 0 : i32
        %dma_start3A_641 = tpu.memref_slice %arg14[%dma_start3A_636, %dma_start3A_640] : memref<5x80xi32, #tpu.memory_space<vmem>> -> memref<1x80xi32, #tpu.memory_space<vmem>>
        %dma_start3A_642 = tpu.memref_squeeze %dma_start3A_641 : memref<1x80xi32, #tpu.memory_space<vmem>> -> memref<80xi32, #tpu.memory_space<vmem>>
        %dma_start3A_643 = arith.constant 0 : i32
        %dma_start3A_644 = arith.constant 0 : i32
        %dma_start3A_645 = tpu.memref_slice %arg10[%dma_start3A_643, %dma_start3A_644] : memref<10240x16xf32, #tpu.memory_space<vmem_shared>> -> memref<10240x16xf32, #tpu.memory_space<vmem_shared>>
        tpu.enqueue_indirect_dma source(%dma_start3A_639 : memref<80x16xf32, #tpu.memory_space<vmem>>) target(%dma_start3A_645 : memref<10240x16xf32, #tpu.memory_space<vmem_shared>>) offsets(%dma_start3A_642 : memref<80xi32, #tpu.memory_space<vmem>>) semaphore(%arg26 : memref<!tpu.dma_semaphore, #tpu.memory_space<semaphore_mem>>) {add = true}
        %dma_start3A_646 = arith.constant 4 : i32
        %dma_start3A_647 = arith.constant 320 : i32
        %dma_start3A_648 = arith.constant 0 : i32
        %dma_start3A_649 = tpu.memref_slice %arg16[%dma_start3A_647, %dma_start3A_648] : memref<400x16xf32, #tpu.memory_space<vmem>> -> memref<80x16xf32, #tpu.memory_space<vmem>>
        %dma_start3A_650 = arith.constant 0 : i32
        %dma_start3A_651 = tpu.memref_slice %arg14[%dma_start3A_646, %dma_start3A_650] : memref<5x80xi32, #tpu.memory_space<vmem>> -> memref<1x80xi32, #tpu.memory_space<vmem>>
        %dma_start3A_652 = tpu.memref_squeeze %dma_start3A_651 : memref<1x80xi32, #tpu.memory_space<vmem>> -> memref<80xi32, #tpu.memory_space<vmem>>
        %dma_start3A_653 = arith.constant 0 : i32
        %dma_start3A_654 = arith.constant 0 : i32
        %dma_start3A_655 = tpu.memref_slice %arg9[%dma_start3A_653, %dma_start3A_654] : memref<10240x16xf32, #tpu.memory_space<vmem_shared>> -> memref<10240x16xf32, #tpu.memory_space<vmem_shared>>
        tpu.enqueue_indirect_dma source(%dma_start3A_649 : memref<80x16xf32, #tpu.memory_space<vmem>>) target(%dma_start3A_655 : memref<10240x16xf32, #tpu.memory_space<vmem_shared>>) offsets(%dma_start3A_652 : memref<80xi32, #tpu.memory_space<vmem>>) semaphore(%arg26 : memref<!tpu.dma_semaphore, #tpu.memory_space<semaphore_mem>>) {add = true}
        %dma_start3A_656 = arith.constant 4 : i32
        %dma_start3A_657 = arith.constant 320 : i32
        %dma_start3A_658 = arith.constant 0 : i32
        %dma_start3A_659 = tpu.memref_slice %arg22[%dma_start3A_657, %dma_start3A_658] : memref<400x16xf32, #tpu.memory_space<vmem>> -> memref<80x16xf32, #tpu.memory_space<vmem>>
        %dma_start3A_660 = arith.constant 0 : i32
        %dma_start3A_661 = tpu.memref_slice %arg14[%dma_start3A_656, %dma_start3A_660] : memref<5x80xi32, #tpu.memory_space<vmem>> -> memref<1x80xi32, #tpu.memory_space<vmem>>
        %dma_start3A_662 = tpu.memref_squeeze %dma_start3A_661 : memref<1x80xi32, #tpu.memory_space<vmem>> -> memref<80xi32, #tpu.memory_space<vmem>>
        %dma_start3A_663 = arith.constant 0 : i32
        %dma_start3A_664 = arith.constant 0 : i32
        %dma_start3A_665 = tpu.memref_slice %arg10[%dma_start3A_663, %dma_start3A_664] : memref<10240x16xf32, #tpu.memory_space<vmem_shared>> -> memref<10240x16xf32, #tpu.memory_space<vmem_shared>>
        tpu.enqueue_indirect_dma source(%dma_start3A_659 : memref<80x16xf32, #tpu.memory_space<vmem>>) target(%dma_start3A_665 : memref<10240x16xf32, #tpu.memory_space<vmem_shared>>) offsets(%dma_start3A_662 : memref<80xi32, #tpu.memory_space<vmem>>) semaphore(%arg26 : memref<!tpu.dma_semaphore, #tpu.memory_space<semaphore_mem>>) {add = true}
      } else {
      }
    }
    %scan3A_178 = arith.constant 13 : i32
    %dma_wait3A = arith.constant 0 : i32
    %dma_wait3A_179 = arith.constant 0 : i32
    %dma_wait3A_180 = arith.constant 0 : i32
    %dma_wait3A_181 = tpu.memref_slice %arg16[%dma_wait3A_179, %dma_wait3A_180] : memref<400x16xf32, #tpu.memory_space<vmem>> -> memref<80x16xf32, #tpu.memory_space<vmem>>
    %dma_wait3A_182 = arith.constant 0 : i32
    %dma_wait3A_183 = tpu.memref_slice %arg14[%dma_wait3A, %dma_wait3A_182] : memref<5x80xi32, #tpu.memory_space<vmem>> -> memref<1x80xi32, #tpu.memory_space<vmem>>
    %dma_wait3A_184 = tpu.memref_squeeze %dma_wait3A_183 : memref<1x80xi32, #tpu.memory_space<vmem>> -> memref<80xi32, #tpu.memory_space<vmem>>
    %dma_wait3A_185 = arith.constant 0 : i32
    %dma_wait3A_186 = arith.constant 0 : i32
    %dma_wait3A_187 = tpu.memref_slice %arg9[%dma_wait3A_185, %dma_wait3A_186] : memref<10240x16xf32, #tpu.memory_space<vmem_shared>> -> memref<10240x16xf32, #tpu.memory_space<vmem_shared>>
    tpu.wait_indirect_dma semaphore(%arg26 : memref<!tpu.dma_semaphore, #tpu.memory_space<semaphore_mem>>) src(%dma_wait3A_181 : memref<80x16xf32, #tpu.memory_space<vmem>>) dst(%dma_wait3A_187 : memref<10240x16xf32, #tpu.memory_space<vmem_shared>>)
    %dma_wait3A_188 = arith.constant 0 : i32
    %dma_wait3A_189 = arith.constant 0 : i32
    %dma_wait3A_190 = arith.constant 0 : i32
    %dma_wait3A_191 = tpu.memref_slice %arg22[%dma_wait3A_189, %dma_wait3A_190] : memref<400x16xf32, #tpu.memory_space<vmem>> -> memref<80x16xf32, #tpu.memory_space<vmem>>
    %dma_wait3A_192 = arith.constant 0 : i32
    %dma_wait3A_193 = tpu.memref_slice %arg14[%dma_wait3A_188, %dma_wait3A_192] : memref<5x80xi32, #tpu.memory_space<vmem>> -> memref<1x80xi32, #tpu.memory_space<vmem>>
    %dma_wait3A_194 = tpu.memref_squeeze %dma_wait3A_193 : memref<1x80xi32, #tpu.memory_space<vmem>> -> memref<80xi32, #tpu.memory_space<vmem>>
    %dma_wait3A_195 = arith.constant 0 : i32
    %dma_wait3A_196 = arith.constant 0 : i32
    %dma_wait3A_197 = tpu.memref_slice %arg10[%dma_wait3A_195, %dma_wait3A_196] : memref<10240x16xf32, #tpu.memory_space<vmem_shared>> -> memref<10240x16xf32, #tpu.memory_space<vmem_shared>>
    tpu.wait_indirect_dma semaphore(%arg26 : memref<!tpu.dma_semaphore, #tpu.memory_space<semaphore_mem>>) src(%dma_wait3A_191 : memref<80x16xf32, #tpu.memory_space<vmem>>) dst(%dma_wait3A_197 : memref<10240x16xf32, #tpu.memory_space<vmem_shared>>)
    %dma_wait3A_198 = arith.constant 1 : i32
    %dma_wait3A_199 = arith.constant 80 : i32
    %dma_wait3A_200 = arith.constant 0 : i32
    %dma_wait3A_201 = tpu.memref_slice %arg16[%dma_wait3A_199, %dma_wait3A_200] : memref<400x16xf32, #tpu.memory_space<vmem>> -> memref<80x16xf32, #tpu.memory_space<vmem>>
    %dma_wait3A_202 = arith.constant 0 : i32
    %dma_wait3A_203 = tpu.memref_slice %arg14[%dma_wait3A_198, %dma_wait3A_202] : memref<5x80xi32, #tpu.memory_space<vmem>> -> memref<1x80xi32, #tpu.memory_space<vmem>>
    %dma_wait3A_204 = tpu.memref_squeeze %dma_wait3A_203 : memref<1x80xi32, #tpu.memory_space<vmem>> -> memref<80xi32, #tpu.memory_space<vmem>>
    %dma_wait3A_205 = arith.constant 0 : i32
    %dma_wait3A_206 = arith.constant 0 : i32
    %dma_wait3A_207 = tpu.memref_slice %arg9[%dma_wait3A_205, %dma_wait3A_206] : memref<10240x16xf32, #tpu.memory_space<vmem_shared>> -> memref<10240x16xf32, #tpu.memory_space<vmem_shared>>
    tpu.wait_indirect_dma semaphore(%arg26 : memref<!tpu.dma_semaphore, #tpu.memory_space<semaphore_mem>>) src(%dma_wait3A_201 : memref<80x16xf32, #tpu.memory_space<vmem>>) dst(%dma_wait3A_207 : memref<10240x16xf32, #tpu.memory_space<vmem_shared>>)
    %dma_wait3A_208 = arith.constant 1 : i32
    %dma_wait3A_209 = arith.constant 80 : i32
    %dma_wait3A_210 = arith.constant 0 : i32
    %dma_wait3A_211 = tpu.memref_slice %arg22[%dma_wait3A_209, %dma_wait3A_210] : memref<400x16xf32, #tpu.memory_space<vmem>> -> memref<80x16xf32, #tpu.memory_space<vmem>>
    %dma_wait3A_212 = arith.constant 0 : i32
    %dma_wait3A_213 = tpu.memref_slice %arg14[%dma_wait3A_208, %dma_wait3A_212] : memref<5x80xi32, #tpu.memory_space<vmem>> -> memref<1x80xi32, #tpu.memory_space<vmem>>
    %dma_wait3A_214 = tpu.memref_squeeze %dma_wait3A_213 : memref<1x80xi32, #tpu.memory_space<vmem>> -> memref<80xi32, #tpu.memory_space<vmem>>
    %dma_wait3A_215 = arith.constant 0 : i32
    %dma_wait3A_216 = arith.constant 0 : i32
    %dma_wait3A_217 = tpu.memref_slice %arg10[%dma_wait3A_215, %dma_wait3A_216] : memref<10240x16xf32, #tpu.memory_space<vmem_shared>> -> memref<10240x16xf32, #tpu.memory_space<vmem_shared>>
    tpu.wait_indirect_dma semaphore(%arg26 : memref<!tpu.dma_semaphore, #tpu.memory_space<semaphore_mem>>) src(%dma_wait3A_211 : memref<80x16xf32, #tpu.memory_space<vmem>>) dst(%dma_wait3A_217 : memref<10240x16xf32, #tpu.memory_space<vmem_shared>>)
    %dma_wait3A_218 = arith.constant 2 : i32
    %dma_wait3A_219 = arith.constant 160 : i32
    %dma_wait3A_220 = arith.constant 0 : i32
    %dma_wait3A_221 = tpu.memref_slice %arg16[%dma_wait3A_219, %dma_wait3A_220] : memref<400x16xf32, #tpu.memory_space<vmem>> -> memref<80x16xf32, #tpu.memory_space<vmem>>
    %dma_wait3A_222 = arith.constant 0 : i32
    %dma_wait3A_223 = tpu.memref_slice %arg14[%dma_wait3A_218, %dma_wait3A_222] : memref<5x80xi32, #tpu.memory_space<vmem>> -> memref<1x80xi32, #tpu.memory_space<vmem>>
    %dma_wait3A_224 = tpu.memref_squeeze %dma_wait3A_223 : memref<1x80xi32, #tpu.memory_space<vmem>> -> memref<80xi32, #tpu.memory_space<vmem>>
    %dma_wait3A_225 = arith.constant 0 : i32
    %dma_wait3A_226 = arith.constant 0 : i32
    %dma_wait3A_227 = tpu.memref_slice %arg9[%dma_wait3A_225, %dma_wait3A_226] : memref<10240x16xf32, #tpu.memory_space<vmem_shared>> -> memref<10240x16xf32, #tpu.memory_space<vmem_shared>>
    tpu.wait_indirect_dma semaphore(%arg26 : memref<!tpu.dma_semaphore, #tpu.memory_space<semaphore_mem>>) src(%dma_wait3A_221 : memref<80x16xf32, #tpu.memory_space<vmem>>) dst(%dma_wait3A_227 : memref<10240x16xf32, #tpu.memory_space<vmem_shared>>)
    %dma_wait3A_228 = arith.constant 2 : i32
    %dma_wait3A_229 = arith.constant 160 : i32
    %dma_wait3A_230 = arith.constant 0 : i32
    %dma_wait3A_231 = tpu.memref_slice %arg22[%dma_wait3A_229, %dma_wait3A_230] : memref<400x16xf32, #tpu.memory_space<vmem>> -> memref<80x16xf32, #tpu.memory_space<vmem>>
    %dma_wait3A_232 = arith.constant 0 : i32
    %dma_wait3A_233 = tpu.memref_slice %arg14[%dma_wait3A_228, %dma_wait3A_232] : memref<5x80xi32, #tpu.memory_space<vmem>> -> memref<1x80xi32, #tpu.memory_space<vmem>>
    %dma_wait3A_234 = tpu.memref_squeeze %dma_wait3A_233 : memref<1x80xi32, #tpu.memory_space<vmem>> -> memref<80xi32, #tpu.memory_space<vmem>>
    %dma_wait3A_235 = arith.constant 0 : i32
    %dma_wait3A_236 = arith.constant 0 : i32
    %dma_wait3A_237 = tpu.memref_slice %arg10[%dma_wait3A_235, %dma_wait3A_236] : memref<10240x16xf32, #tpu.memory_space<vmem_shared>> -> memref<10240x16xf32, #tpu.memory_space<vmem_shared>>
    tpu.wait_indirect_dma semaphore(%arg26 : memref<!tpu.dma_semaphore, #tpu.memory_space<semaphore_mem>>) src(%dma_wait3A_231 : memref<80x16xf32, #tpu.memory_space<vmem>>) dst(%dma_wait3A_237 : memref<10240x16xf32, #tpu.memory_space<vmem_shared>>)
    %dma_wait3A_238 = arith.constant 3 : i32
    %dma_wait3A_239 = arith.constant 240 : i32
    %dma_wait3A_240 = arith.constant 0 : i32
    %dma_wait3A_241 = tpu.memref_slice %arg16[%dma_wait3A_239, %dma_wait3A_240] : memref<400x16xf32, #tpu.memory_space<vmem>> -> memref<80x16xf32, #tpu.memory_space<vmem>>
    %dma_wait3A_242 = arith.constant 0 : i32
    %dma_wait3A_243 = tpu.memref_slice %arg14[%dma_wait3A_238, %dma_wait3A_242] : memref<5x80xi32, #tpu.memory_space<vmem>> -> memref<1x80xi32, #tpu.memory_space<vmem>>
    %dma_wait3A_244 = tpu.memref_squeeze %dma_wait3A_243 : memref<1x80xi32, #tpu.memory_space<vmem>> -> memref<80xi32, #tpu.memory_space<vmem>>
    %dma_wait3A_245 = arith.constant 0 : i32
    %dma_wait3A_246 = arith.constant 0 : i32
    %dma_wait3A_247 = tpu.memref_slice %arg9[%dma_wait3A_245, %dma_wait3A_246] : memref<10240x16xf32, #tpu.memory_space<vmem_shared>> -> memref<10240x16xf32, #tpu.memory_space<vmem_shared>>
    tpu.wait_indirect_dma semaphore(%arg26 : memref<!tpu.dma_semaphore, #tpu.memory_space<semaphore_mem>>) src(%dma_wait3A_241 : memref<80x16xf32, #tpu.memory_space<vmem>>) dst(%dma_wait3A_247 : memref<10240x16xf32, #tpu.memory_space<vmem_shared>>)
    %dma_wait3A_248 = arith.constant 3 : i32
    %dma_wait3A_249 = arith.constant 240 : i32
    %dma_wait3A_250 = arith.constant 0 : i32
    %dma_wait3A_251 = tpu.memref_slice %arg22[%dma_wait3A_249, %dma_wait3A_250] : memref<400x16xf32, #tpu.memory_space<vmem>> -> memref<80x16xf32, #tpu.memory_space<vmem>>
    %dma_wait3A_252 = arith.constant 0 : i32
    %dma_wait3A_253 = tpu.memref_slice %arg14[%dma_wait3A_248, %dma_wait3A_252] : memref<5x80xi32, #tpu.memory_space<vmem>> -> memref<1x80xi32, #tpu.memory_space<vmem>>
    %dma_wait3A_254 = tpu.memref_squeeze %dma_wait3A_253 : memref<1x80xi32, #tpu.memory_space<vmem>> -> memref<80xi32, #tpu.memory_space<vmem>>
    %dma_wait3A_255 = arith.constant 0 : i32
    %dma_wait3A_256 = arith.constant 0 : i32
    %dma_wait3A_257 = tpu.memref_slice %arg10[%dma_wait3A_255, %dma_wait3A_256] : memref<10240x16xf32, #tpu.memory_space<vmem_shared>> -> memref<10240x16xf32, #tpu.memory_space<vmem_shared>>
    tpu.wait_indirect_dma semaphore(%arg26 : memref<!tpu.dma_semaphore, #tpu.memory_space<semaphore_mem>>) src(%dma_wait3A_251 : memref<80x16xf32, #tpu.memory_space<vmem>>) dst(%dma_wait3A_257 : memref<10240x16xf32, #tpu.memory_space<vmem_shared>>)
    %dma_wait3A_258 = arith.constant 4 : i32
    %dma_wait3A_259 = arith.constant 320 : i32
    %dma_wait3A_260 = arith.constant 0 : i32
    %dma_wait3A_261 = tpu.memref_slice %arg16[%dma_wait3A_259, %dma_wait3A_260] : memref<400x16xf32, #tpu.memory_space<vmem>> -> memref<80x16xf32, #tpu.memory_space<vmem>>
    %dma_wait3A_262 = arith.constant 0 : i32
    %dma_wait3A_263 = tpu.memref_slice %arg14[%dma_wait3A_258, %dma_wait3A_262] : memref<5x80xi32, #tpu.memory_space<vmem>> -> memref<1x80xi32, #tpu.memory_space<vmem>>
    %dma_wait3A_264 = tpu.memref_squeeze %dma_wait3A_263 : memref<1x80xi32, #tpu.memory_space<vmem>> -> memref<80xi32, #tpu.memory_space<vmem>>
    %dma_wait3A_265 = arith.constant 0 : i32
    %dma_wait3A_266 = arith.constant 0 : i32
    %dma_wait3A_267 = tpu.memref_slice %arg9[%dma_wait3A_265, %dma_wait3A_266] : memref<10240x16xf32, #tpu.memory_space<vmem_shared>> -> memref<10240x16xf32, #tpu.memory_space<vmem_shared>>
    tpu.wait_indirect_dma semaphore(%arg26 : memref<!tpu.dma_semaphore, #tpu.memory_space<semaphore_mem>>) src(%dma_wait3A_261 : memref<80x16xf32, #tpu.memory_space<vmem>>) dst(%dma_wait3A_267 : memref<10240x16xf32, #tpu.memory_space<vmem_shared>>)
    %dma_wait3A_268 = arith.constant 4 : i32
    %dma_wait3A_269 = arith.constant 320 : i32
    %dma_wait3A_270 = arith.constant 0 : i32
    %dma_wait3A_271 = tpu.memref_slice %arg22[%dma_wait3A_269, %dma_wait3A_270] : memref<400x16xf32, #tpu.memory_space<vmem>> -> memref<80x16xf32, #tpu.memory_space<vmem>>
    %dma_wait3A_272 = arith.constant 0 : i32
    %dma_wait3A_273 = tpu.memref_slice %arg14[%dma_wait3A_268, %dma_wait3A_272] : memref<5x80xi32, #tpu.memory_space<vmem>> -> memref<1x80xi32, #tpu.memory_space<vmem>>
    %dma_wait3A_274 = tpu.memref_squeeze %dma_wait3A_273 : memref<1x80xi32, #tpu.memory_space<vmem>> -> memref<80xi32, #tpu.memory_space<vmem>>
    %dma_wait3A_275 = arith.constant 0 : i32
    %dma_wait3A_276 = arith.constant 0 : i32
    %dma_wait3A_277 = tpu.memref_slice %arg10[%dma_wait3A_275, %dma_wait3A_276] : memref<10240x16xf32, #tpu.memory_space<vmem_shared>> -> memref<10240x16xf32, #tpu.memory_space<vmem_shared>>
    tpu.wait_indirect_dma semaphore(%arg26 : memref<!tpu.dma_semaphore, #tpu.memory_space<semaphore_mem>>) src(%dma_wait3A_271 : memref<80x16xf32, #tpu.memory_space<vmem>>) dst(%dma_wait3A_277 : memref<10240x16xf32, #tpu.memory_space<vmem_shared>>)
    %dma_wait3A_278 = arith.constant 0 : i32
    %dma_wait3A_279 = arith.constant 0 : i32
    %dma_wait3A_280 = arith.constant 0 : i32
    %dma_wait3A_281 = tpu.memref_slice %arg15[%dma_wait3A_279, %dma_wait3A_280] : memref<400x16xf32, #tpu.memory_space<vmem>> -> memref<80x16xf32, #tpu.memory_space<vmem>>
    %dma_wait3A_282 = arith.constant 0 : i32
    %dma_wait3A_283 = tpu.memref_slice %arg13[%dma_wait3A_278, %dma_wait3A_282] : memref<5x80xi32, #tpu.memory_space<vmem>> -> memref<1x80xi32, #tpu.memory_space<vmem>>
    %dma_wait3A_284 = tpu.memref_squeeze %dma_wait3A_283 : memref<1x80xi32, #tpu.memory_space<vmem>> -> memref<80xi32, #tpu.memory_space<vmem>>
    %dma_wait3A_285 = arith.constant 0 : i32
    %dma_wait3A_286 = arith.constant 0 : i32
    %dma_wait3A_287 = tpu.memref_slice %arg9[%dma_wait3A_285, %dma_wait3A_286] : memref<10240x16xf32, #tpu.memory_space<vmem_shared>> -> memref<10240x16xf32, #tpu.memory_space<vmem_shared>>
    tpu.wait_indirect_dma semaphore(%arg25 : memref<!tpu.dma_semaphore, #tpu.memory_space<semaphore_mem>>) src(%dma_wait3A_281 : memref<80x16xf32, #tpu.memory_space<vmem>>) dst(%dma_wait3A_287 : memref<10240x16xf32, #tpu.memory_space<vmem_shared>>)
    %dma_wait3A_288 = arith.constant 0 : i32
    %dma_wait3A_289 = arith.constant 0 : i32
    %dma_wait3A_290 = arith.constant 0 : i32
    %dma_wait3A_291 = tpu.memref_slice %arg21[%dma_wait3A_289, %dma_wait3A_290] : memref<400x16xf32, #tpu.memory_space<vmem>> -> memref<80x16xf32, #tpu.memory_space<vmem>>
    %dma_wait3A_292 = arith.constant 0 : i32
    %dma_wait3A_293 = tpu.memref_slice %arg13[%dma_wait3A_288, %dma_wait3A_292] : memref<5x80xi32, #tpu.memory_space<vmem>> -> memref<1x80xi32, #tpu.memory_space<vmem>>
    %dma_wait3A_294 = tpu.memref_squeeze %dma_wait3A_293 : memref<1x80xi32, #tpu.memory_space<vmem>> -> memref<80xi32, #tpu.memory_space<vmem>>
    %dma_wait3A_295 = arith.constant 0 : i32
    %dma_wait3A_296 = arith.constant 0 : i32
    %dma_wait3A_297 = tpu.memref_slice %arg10[%dma_wait3A_295, %dma_wait3A_296] : memref<10240x16xf32, #tpu.memory_space<vmem_shared>> -> memref<10240x16xf32, #tpu.memory_space<vmem_shared>>
    tpu.wait_indirect_dma semaphore(%arg25 : memref<!tpu.dma_semaphore, #tpu.memory_space<semaphore_mem>>) src(%dma_wait3A_291 : memref<80x16xf32, #tpu.memory_space<vmem>>) dst(%dma_wait3A_297 : memref<10240x16xf32, #tpu.memory_space<vmem_shared>>)
    %dma_wait3A_298 = arith.constant 1 : i32
    %dma_wait3A_299 = arith.constant 80 : i32
    %dma_wait3A_300 = arith.constant 0 : i32
    %dma_wait3A_301 = tpu.memref_slice %arg15[%dma_wait3A_299, %dma_wait3A_300] : memref<400x16xf32, #tpu.memory_space<vmem>> -> memref<80x16xf32, #tpu.memory_space<vmem>>
    %dma_wait3A_302 = arith.constant 0 : i32
    %dma_wait3A_303 = tpu.memref_slice %arg13[%dma_wait3A_298, %dma_wait3A_302] : memref<5x80xi32, #tpu.memory_space<vmem>> -> memref<1x80xi32, #tpu.memory_space<vmem>>
    %dma_wait3A_304 = tpu.memref_squeeze %dma_wait3A_303 : memref<1x80xi32, #tpu.memory_space<vmem>> -> memref<80xi32, #tpu.memory_space<vmem>>
    %dma_wait3A_305 = arith.constant 0 : i32
    %dma_wait3A_306 = arith.constant 0 : i32
    %dma_wait3A_307 = tpu.memref_slice %arg9[%dma_wait3A_305, %dma_wait3A_306] : memref<10240x16xf32, #tpu.memory_space<vmem_shared>> -> memref<10240x16xf32, #tpu.memory_space<vmem_shared>>
    tpu.wait_indirect_dma semaphore(%arg25 : memref<!tpu.dma_semaphore, #tpu.memory_space<semaphore_mem>>) src(%dma_wait3A_301 : memref<80x16xf32, #tpu.memory_space<vmem>>) dst(%dma_wait3A_307 : memref<10240x16xf32, #tpu.memory_space<vmem_shared>>)
    %dma_wait3A_308 = arith.constant 1 : i32
    %dma_wait3A_309 = arith.constant 80 : i32
    %dma_wait3A_310 = arith.constant 0 : i32
    %dma_wait3A_311 = tpu.memref_slice %arg21[%dma_wait3A_309, %dma_wait3A_310] : memref<400x16xf32, #tpu.memory_space<vmem>> -> memref<80x16xf32, #tpu.memory_space<vmem>>
    %dma_wait3A_312 = arith.constant 0 : i32
    %dma_wait3A_313 = tpu.memref_slice %arg13[%dma_wait3A_308, %dma_wait3A_312] : memref<5x80xi32, #tpu.memory_space<vmem>> -> memref<1x80xi32, #tpu.memory_space<vmem>>
    %dma_wait3A_314 = tpu.memref_squeeze %dma_wait3A_313 : memref<1x80xi32, #tpu.memory_space<vmem>> -> memref<80xi32, #tpu.memory_space<vmem>>
    %dma_wait3A_315 = arith.constant 0 : i32
    %dma_wait3A_316 = arith.constant 0 : i32
    %dma_wait3A_317 = tpu.memref_slice %arg10[%dma_wait3A_315, %dma_wait3A_316] : memref<10240x16xf32, #tpu.memory_space<vmem_shared>> -> memref<10240x16xf32, #tpu.memory_space<vmem_shared>>
    tpu.wait_indirect_dma semaphore(%arg25 : memref<!tpu.dma_semaphore, #tpu.memory_space<semaphore_mem>>) src(%dma_wait3A_311 : memref<80x16xf32, #tpu.memory_space<vmem>>) dst(%dma_wait3A_317 : memref<10240x16xf32, #tpu.memory_space<vmem_shared>>)
    %dma_wait3A_318 = arith.constant 2 : i32
    %dma_wait3A_319 = arith.constant 160 : i32
    %dma_wait3A_320 = arith.constant 0 : i32
    %dma_wait3A_321 = tpu.memref_slice %arg15[%dma_wait3A_319, %dma_wait3A_320] : memref<400x16xf32, #tpu.memory_space<vmem>> -> memref<80x16xf32, #tpu.memory_space<vmem>>
    %dma_wait3A_322 = arith.constant 0 : i32
    %dma_wait3A_323 = tpu.memref_slice %arg13[%dma_wait3A_318, %dma_wait3A_322] : memref<5x80xi32, #tpu.memory_space<vmem>> -> memref<1x80xi32, #tpu.memory_space<vmem>>
    %dma_wait3A_324 = tpu.memref_squeeze %dma_wait3A_323 : memref<1x80xi32, #tpu.memory_space<vmem>> -> memref<80xi32, #tpu.memory_space<vmem>>
    %dma_wait3A_325 = arith.constant 0 : i32
    %dma_wait3A_326 = arith.constant 0 : i32
    %dma_wait3A_327 = tpu.memref_slice %arg9[%dma_wait3A_325, %dma_wait3A_326] : memref<10240x16xf32, #tpu.memory_space<vmem_shared>> -> memref<10240x16xf32, #tpu.memory_space<vmem_shared>>
    tpu.wait_indirect_dma semaphore(%arg25 : memref<!tpu.dma_semaphore, #tpu.memory_space<semaphore_mem>>) src(%dma_wait3A_321 : memref<80x16xf32, #tpu.memory_space<vmem>>) dst(%dma_wait3A_327 : memref<10240x16xf32, #tpu.memory_space<vmem_shared>>)
    %dma_wait3A_328 = arith.constant 2 : i32
    %dma_wait3A_329 = arith.constant 160 : i32
    %dma_wait3A_330 = arith.constant 0 : i32
    %dma_wait3A_331 = tpu.memref_slice %arg21[%dma_wait3A_329, %dma_wait3A_330] : memref<400x16xf32, #tpu.memory_space<vmem>> -> memref<80x16xf32, #tpu.memory_space<vmem>>
    %dma_wait3A_332 = arith.constant 0 : i32
    %dma_wait3A_333 = tpu.memref_slice %arg13[%dma_wait3A_328, %dma_wait3A_332] : memref<5x80xi32, #tpu.memory_space<vmem>> -> memref<1x80xi32, #tpu.memory_space<vmem>>
    %dma_wait3A_334 = tpu.memref_squeeze %dma_wait3A_333 : memref<1x80xi32, #tpu.memory_space<vmem>> -> memref<80xi32, #tpu.memory_space<vmem>>
    %dma_wait3A_335 = arith.constant 0 : i32
    %dma_wait3A_336 = arith.constant 0 : i32
    %dma_wait3A_337 = tpu.memref_slice %arg10[%dma_wait3A_335, %dma_wait3A_336] : memref<10240x16xf32, #tpu.memory_space<vmem_shared>> -> memref<10240x16xf32, #tpu.memory_space<vmem_shared>>
    tpu.wait_indirect_dma semaphore(%arg25 : memref<!tpu.dma_semaphore, #tpu.memory_space<semaphore_mem>>) src(%dma_wait3A_331 : memref<80x16xf32, #tpu.memory_space<vmem>>) dst(%dma_wait3A_337 : memref<10240x16xf32, #tpu.memory_space<vmem_shared>>)
    %dma_wait3A_338 = arith.constant 3 : i32
    %dma_wait3A_339 = arith.constant 240 : i32
    %dma_wait3A_340 = arith.constant 0 : i32
    %dma_wait3A_341 = tpu.memref_slice %arg15[%dma_wait3A_339, %dma_wait3A_340] : memref<400x16xf32, #tpu.memory_space<vmem>> -> memref<80x16xf32, #tpu.memory_space<vmem>>
    %dma_wait3A_342 = arith.constant 0 : i32
    %dma_wait3A_343 = tpu.memref_slice %arg13[%dma_wait3A_338, %dma_wait3A_342] : memref<5x80xi32, #tpu.memory_space<vmem>> -> memref<1x80xi32, #tpu.memory_space<vmem>>
    %dma_wait3A_344 = tpu.memref_squeeze %dma_wait3A_343 : memref<1x80xi32, #tpu.memory_space<vmem>> -> memref<80xi32, #tpu.memory_space<vmem>>
    %dma_wait3A_345 = arith.constant 0 : i32
    %dma_wait3A_346 = arith.constant 0 : i32
    %dma_wait3A_347 = tpu.memref_slice %arg9[%dma_wait3A_345, %dma_wait3A_346] : memref<10240x16xf32, #tpu.memory_space<vmem_shared>> -> memref<10240x16xf32, #tpu.memory_space<vmem_shared>>
    tpu.wait_indirect_dma semaphore(%arg25 : memref<!tpu.dma_semaphore, #tpu.memory_space<semaphore_mem>>) src(%dma_wait3A_341 : memref<80x16xf32, #tpu.memory_space<vmem>>) dst(%dma_wait3A_347 : memref<10240x16xf32, #tpu.memory_space<vmem_shared>>)
    %dma_wait3A_348 = arith.constant 3 : i32
    %dma_wait3A_349 = arith.constant 240 : i32
    %dma_wait3A_350 = arith.constant 0 : i32
    %dma_wait3A_351 = tpu.memref_slice %arg21[%dma_wait3A_349, %dma_wait3A_350] : memref<400x16xf32, #tpu.memory_space<vmem>> -> memref<80x16xf32, #tpu.memory_space<vmem>>
    %dma_wait3A_352 = arith.constant 0 : i32
    %dma_wait3A_353 = tpu.memref_slice %arg13[%dma_wait3A_348, %dma_wait3A_352] : memref<5x80xi32, #tpu.memory_space<vmem>> -> memref<1x80xi32, #tpu.memory_space<vmem>>
    %dma_wait3A_354 = tpu.memref_squeeze %dma_wait3A_353 : memref<1x80xi32, #tpu.memory_space<vmem>> -> memref<80xi32, #tpu.memory_space<vmem>>
    %dma_wait3A_355 = arith.constant 0 : i32
    %dma_wait3A_356 = arith.constant 0 : i32
    %dma_wait3A_357 = tpu.memref_slice %arg10[%dma_wait3A_355, %dma_wait3A_356] : memref<10240x16xf32, #tpu.memory_space<vmem_shared>> -> memref<10240x16xf32, #tpu.memory_space<vmem_shared>>
    tpu.wait_indirect_dma semaphore(%arg25 : memref<!tpu.dma_semaphore, #tpu.memory_space<semaphore_mem>>) src(%dma_wait3A_351 : memref<80x16xf32, #tpu.memory_space<vmem>>) dst(%dma_wait3A_357 : memref<10240x16xf32, #tpu.memory_space<vmem_shared>>)
    %dma_wait3A_358 = arith.constant 4 : i32
    %dma_wait3A_359 = arith.constant 320 : i32
    %dma_wait3A_360 = arith.constant 0 : i32
    %dma_wait3A_361 = tpu.memref_slice %arg15[%dma_wait3A_359, %dma_wait3A_360] : memref<400x16xf32, #tpu.memory_space<vmem>> -> memref<80x16xf32, #tpu.memory_space<vmem>>
    %dma_wait3A_362 = arith.constant 0 : i32
    %dma_wait3A_363 = tpu.memref_slice %arg13[%dma_wait3A_358, %dma_wait3A_362] : memref<5x80xi32, #tpu.memory_space<vmem>> -> memref<1x80xi32, #tpu.memory_space<vmem>>
    %dma_wait3A_364 = tpu.memref_squeeze %dma_wait3A_363 : memref<1x80xi32, #tpu.memory_space<vmem>> -> memref<80xi32, #tpu.memory_space<vmem>>
    %dma_wait3A_365 = arith.constant 0 : i32
    %dma_wait3A_366 = arith.constant 0 : i32
    %dma_wait3A_367 = tpu.memref_slice %arg9[%dma_wait3A_365, %dma_wait3A_366] : memref<10240x16xf32, #tpu.memory_space<vmem_shared>> -> memref<10240x16xf32, #tpu.memory_space<vmem_shared>>
    tpu.wait_indirect_dma semaphore(%arg25 : memref<!tpu.dma_semaphore, #tpu.memory_space<semaphore_mem>>) src(%dma_wait3A_361 : memref<80x16xf32, #tpu.memory_space<vmem>>) dst(%dma_wait3A_367 : memref<10240x16xf32, #tpu.memory_space<vmem_shared>>)
    %dma_wait3A_368 = arith.constant 4 : i32
    %dma_wait3A_369 = arith.constant 320 : i32
    %dma_wait3A_370 = arith.constant 0 : i32
    %dma_wait3A_371 = tpu.memref_slice %arg21[%dma_wait3A_369, %dma_wait3A_370] : memref<400x16xf32, #tpu.memory_space<vmem>> -> memref<80x16xf32, #tpu.memory_space<vmem>>
    %dma_wait3A_372 = arith.constant 0 : i32
    %dma_wait3A_373 = tpu.memref_slice %arg13[%dma_wait3A_368, %dma_wait3A_372] : memref<5x80xi32, #tpu.memory_space<vmem>> -> memref<1x80xi32, #tpu.memory_space<vmem>>
    %dma_wait3A_374 = tpu.memref_squeeze %dma_wait3A_373 : memref<1x80xi32, #tpu.memory_space<vmem>> -> memref<80xi32, #tpu.memory_space<vmem>>
    %dma_wait3A_375 = arith.constant 0 : i32
    %dma_wait3A_376 = arith.constant 0 : i32
    %dma_wait3A_377 = tpu.memref_slice %arg10[%dma_wait3A_375, %dma_wait3A_376] : memref<10240x16xf32, #tpu.memory_space<vmem_shared>> -> memref<10240x16xf32, #tpu.memory_space<vmem_shared>>
    tpu.wait_indirect_dma semaphore(%arg25 : memref<!tpu.dma_semaphore, #tpu.memory_space<semaphore_mem>>) src(%dma_wait3A_371 : memref<80x16xf32, #tpu.memory_space<vmem>>) dst(%dma_wait3A_377 : memref<10240x16xf32, #tpu.memory_space<vmem_shared>>)
    %barrier3A_378 = arith.constant 0 : index
    tpu.barrier barrier_id(%barrier3A_378)
    %mul3A_379 = arith.constant 640 : i32
    %mul3A_380 = arith.muli %arg1, %mul3A_379 : i32
    %mul3A_381 = arith.constant 640 : i32
    %mul3A_382 = arith.muli %arg1, %mul3A_381 : i32
    "tpu.region"() ({
      %run_scoped3A = tpu.sem_alloc : memref<!tpu.dma_semaphore, #tpu.memory_space<semaphore_mem>>
      %dma_start3A_387 = arith.constant 0 : i32
      %dma_start3A_388 = tpu.memref_slice %arg7[%arg0, %mul3A_382, %dma_start3A_387] : memref<2x10240x16xf32, #tpu.memory_space<hbm>> -> memref<1x640x16xf32, #tpu.memory_space<hbm>>
      %dma_start3A_389 = tpu.memref_squeeze %dma_start3A_388 : memref<1x640x16xf32, #tpu.memory_space<hbm>> -> memref<640x16xf32, #tpu.memory_space<hbm>>
      %dma_start3A_390 = arith.constant 0 : i32
      %dma_start3A_391 = tpu.memref_slice %arg9[%mul3A_380, %dma_start3A_390] : memref<10240x16xf32, #tpu.memory_space<vmem_shared>> -> memref<640x16xf32, #tpu.memory_space<vmem_shared>>
      tpu.enqueue_dma source(%dma_start3A_391 : memref<640x16xf32, #tpu.memory_space<vmem_shared>>) target(%dma_start3A_389 : memref<640x16xf32, #tpu.memory_space<hbm>>) target_semaphore(%run_scoped3A : memref<!tpu.dma_semaphore, #tpu.memory_space<semaphore_mem>>)
      %dma_wait3A_392 = arith.constant 0 : i32
      %dma_wait3A_393 = tpu.memref_slice %arg7[%arg0, %mul3A_382, %dma_wait3A_392] : memref<2x10240x16xf32, #tpu.memory_space<hbm>> -> memref<1x640x16xf32, #tpu.memory_space<hbm>>
      %dma_wait3A_394 = tpu.memref_squeeze %dma_wait3A_393 : memref<1x640x16xf32, #tpu.memory_space<hbm>> -> memref<640x16xf32, #tpu.memory_space<hbm>>
      %dma_wait3A_395 = arith.constant 0 : i32
      %dma_wait3A_396 = tpu.memref_slice %arg9[%mul3A_380, %dma_wait3A_395] : memref<10240x16xf32, #tpu.memory_space<vmem_shared>> -> memref<640x16xf32, #tpu.memory_space<vmem_shared>>
      tpu.wait_dma2 semaphore(%run_scoped3A : memref<!tpu.dma_semaphore, #tpu.memory_space<semaphore_mem>>) src(%dma_wait3A_396 : memref<640x16xf32, #tpu.memory_space<vmem_shared>>) dst(%dma_wait3A_394 : memref<640x16xf32, #tpu.memory_space<hbm>>)
      tpu.yield
    }) : () -> ()
    %mul3A_383 = arith.constant 640 : i32
    %mul3A_384 = arith.muli %arg1, %mul3A_383 : i32
    %mul3A_385 = arith.constant 640 : i32
    %mul3A_386 = arith.muli %arg1, %mul3A_385 : i32
    "tpu.region"() ({
      %run_scoped3A = tpu.sem_alloc : memref<!tpu.dma_semaphore, #tpu.memory_space<semaphore_mem>>
      %dma_start3A_387 = arith.constant 0 : i32
      %dma_start3A_388 = tpu.memref_slice %arg8[%arg0, %mul3A_386, %dma_start3A_387] : memref<2x10240x16xf32, #tpu.memory_space<hbm>> -> memref<1x640x16xf32, #tpu.memory_space<hbm>>
      %dma_start3A_389 = tpu.memref_squeeze %dma_start3A_388 : memref<1x640x16xf32, #tpu.memory_space<hbm>> -> memref<640x16xf32, #tpu.memory_space<hbm>>
      %dma_start3A_390 = arith.constant 0 : i32
      %dma_start3A_391 = tpu.memref_slice %arg10[%mul3A_384, %dma_start3A_390] : memref<10240x16xf32, #tpu.memory_space<vmem_shared>> -> memref<640x16xf32, #tpu.memory_space<vmem_shared>>
      tpu.enqueue_dma source(%dma_start3A_391 : memref<640x16xf32, #tpu.memory_space<vmem_shared>>) target(%dma_start3A_389 : memref<640x16xf32, #tpu.memory_space<hbm>>) target_semaphore(%run_scoped3A : memref<!tpu.dma_semaphore, #tpu.memory_space<semaphore_mem>>)
      %dma_wait3A_392 = arith.constant 0 : i32
      %dma_wait3A_393 = tpu.memref_slice %arg8[%arg0, %mul3A_386, %dma_wait3A_392] : memref<2x10240x16xf32, #tpu.memory_space<hbm>> -> memref<1x640x16xf32, #tpu.memory_space<hbm>>
      %dma_wait3A_394 = tpu.memref_squeeze %dma_wait3A_393 : memref<1x640x16xf32, #tpu.memory_space<hbm>> -> memref<640x16xf32, #tpu.memory_space<hbm>>
      %dma_wait3A_395 = arith.constant 0 : i32
      %dma_wait3A_396 = tpu.memref_slice %arg10[%mul3A_384, %dma_wait3A_395] : memref<10240x16xf32, #tpu.memory_space<vmem_shared>> -> memref<640x16xf32, #tpu.memory_space<vmem_shared>>
      tpu.wait_dma2 semaphore(%run_scoped3A : memref<!tpu.dma_semaphore, #tpu.memory_space<semaphore_mem>>) src(%dma_wait3A_396 : memref<640x16xf32, #tpu.memory_space<vmem_shared>>) dst(%dma_wait3A_394 : memref<640x16xf32, #tpu.memory_space<hbm>>)
      tpu.yield
    }) : () -> ()
    return
  }
}

module attributes {stable_mosaic.version = 14 : i64} {
  func.func @_dense1_body(%arg0: i32, %arg1: memref<2000x128xf32, #tpu.memory_space<vmem>>, %arg2: memref<128x128xf32, #tpu.memory_space<vmem>>, %arg3: memref<128x128xf32, #tpu.memory_space<vmem>>, %arg4: memref<128x128xf32, #tpu.memory_space<vmem>>, %arg5: memref<128x16xf32, #tpu.memory_space<vmem>>, %arg6: memref<128x16xf32, #tpu.memory_space<vmem>>, %arg7: memref<2000x128xf32, #tpu.memory_space<vmem>>, %arg8: memref<2000x16xf32, #tpu.memory_space<vmem>>, %arg9: memref<2000x16xf32, #tpu.memory_space<vmem>>, %arg10: memref<2000x128xf32, #tpu.memory_space<vmem>>, %arg11: memref<2000x16xf32, #tpu.memory_space<vmem>>) attributes {dimension_semantics = [#tpu.dimension_semantics<arbitrary>], iteration_bounds = array<i64: 5>, scalar_prefetch = 0 : i64, scratch_operands = 0 : i64, tpu.core_type = #tpu.core_type<tc>, window_params = [{transform_indices = @transform_0, window_bounds = array<i64: 2000, 128>}, {pipeline_mode = #tpu.pipeline_mode<synchronous>, transform_indices = @transform_1, window_bounds = array<i64: 128, 128>}, {pipeline_mode = #tpu.pipeline_mode<synchronous>, transform_indices = @transform_2, window_bounds = array<i64: 128, 128>}, {pipeline_mode = #tpu.pipeline_mode<synchronous>, transform_indices = @transform_3, window_bounds = array<i64: 128, 128>}, {pipeline_mode = #tpu.pipeline_mode<synchronous>, transform_indices = @transform_4, window_bounds = array<i64: 128, 16>}, {pipeline_mode = #tpu.pipeline_mode<synchronous>, transform_indices = @transform_5, window_bounds = array<i64: 128, 16>}, {transform_indices = @transform_6, window_bounds = array<i64: 2000, 128>}, {transform_indices = @transform_7, window_bounds = array<i64: 2000, 16>}, {transform_indices = @transform_8, window_bounds = array<i64: 2000, 16>}, {transform_indices = @transform_9, window_bounds = array<i64: 2000, 128>}, {transform_indices = @transform_10, window_bounds = array<i64: 2000, 16>}]} {
    %get3A = arith.constant 0 : index
    %get3A_0 = arith.constant 0 : index
    %get3A_1 = vector.load %arg1[%get3A, %get3A_0] : memref<2000x128xf32, #tpu.memory_space<vmem>>, vector<2000x128xf32>
    %get3A_2 = arith.constant 0 : index
    %get3A_3 = arith.constant 0 : index
    %get3A_4 = vector.load %arg2[%get3A_2, %get3A_3] : memref<128x128xf32, #tpu.memory_space<vmem>>, vector<128x128xf32>
    %dot_general3A = arith.constant dense<0.000000e+00> : vector<2000x128xf32>
    %dot_general3A_5 = tpu.matmul %get3A_1, %get3A_4, %dot_general3A {dimension_numbers = #tpu.dot_dimension_numbers<[1], [0], [0], [1], [0, 0, 1, 1], [], []>, transpose_lhs_hint = false} : vector<2000x128xf32>, vector<128x128xf32>, vector<2000x128xf32> -> vector<2000x128xf32>
    %get3A_6 = arith.constant 0 : index
    %get3A_7 = arith.constant 0 : index
    %get3A_8 = vector.load %arg3[%get3A_6, %get3A_7] : memref<128x128xf32, #tpu.memory_space<vmem>>, vector<128x128xf32>
    %dot_general3A_9 = arith.constant dense<0.000000e+00> : vector<2000x128xf32>
    %dot_general3A_10 = tpu.matmul %dot_general3A_5, %get3A_8, %dot_general3A_9 {dimension_numbers = #tpu.dot_dimension_numbers<[1], [0], [0], [1], [0, 0, 1, 1], [], []>, precision = #tpu.contract_precision<fp32>, transpose_lhs_hint = false} : vector<2000x128xf32>, vector<128x128xf32>, vector<2000x128xf32> -> vector<2000x128xf32>
    %get3A_11 = arith.constant 0 : index
    %get3A_12 = arith.constant 0 : index
    %get3A_13 = vector.load %arg4[%get3A_11, %get3A_12] : memref<128x128xf32, #tpu.memory_space<vmem>>, vector<128x128xf32>
    %dot_general3A_14 = arith.constant dense<0.000000e+00> : vector<2000x128xf32>
    %dot_general3A_15 = tpu.matmul %dot_general3A_5, %get3A_13, %dot_general3A_14 {dimension_numbers = #tpu.dot_dimension_numbers<[1], [0], [0], [1], [0, 0, 1, 1], [], []>, precision = #tpu.contract_precision<fp32>, transpose_lhs_hint = false} : vector<2000x128xf32>, vector<128x128xf32>, vector<2000x128xf32> -> vector<2000x128xf32>
    %get3A_16 = arith.constant 0 : index
    %get3A_17 = arith.constant 0 : index
    %get3A_18 = vector.load %arg5[%get3A_16, %get3A_17] : memref<128x16xf32, #tpu.memory_space<vmem>>, vector<128x16xf32>
    %dot_general3A_19 = arith.constant dense<0.000000e+00> : vector<2000x16xf32>
    %dot_general3A_20 = tpu.matmul %dot_general3A_5, %get3A_18, %dot_general3A_19 {dimension_numbers = #tpu.dot_dimension_numbers<[1], [0], [0], [1], [0, 0, 1, 1], [], []>, precision = #tpu.contract_precision<fp32>, transpose_lhs_hint = false} : vector<2000x128xf32>, vector<128x16xf32>, vector<2000x16xf32> -> vector<2000x16xf32>
    %get3A_21 = arith.constant 0 : index
    %get3A_22 = arith.constant 0 : index
    %get3A_23 = vector.load %arg6[%get3A_21, %get3A_22] : memref<128x16xf32, #tpu.memory_space<vmem>>, vector<128x16xf32>
    %dot_general3A_24 = arith.constant dense<0.000000e+00> : vector<2000x16xf32>
    %dot_general3A_25 = tpu.matmul %dot_general3A_5, %get3A_23, %dot_general3A_24 {dimension_numbers = #tpu.dot_dimension_numbers<[1], [0], [0], [1], [0, 0, 1, 1], [], []>, precision = #tpu.contract_precision<fp32>, transpose_lhs_hint = false} : vector<2000x128xf32>, vector<128x16xf32>, vector<2000x16xf32> -> vector<2000x16xf32>
    %swap3A = arith.constant 0 : index
    %swap3A_26 = arith.constant 0 : index
    %swap3A_27 = vector.load %arg7[%swap3A, %swap3A_26] : memref<2000x128xf32, #tpu.memory_space<vmem>>, vector<2000x128xf32>
    tpu.vector_store %arg7[%swap3A, %swap3A_26], %dot_general3A_5 {strides = array<i32>} : memref<2000x128xf32, #tpu.memory_space<vmem>>, vector<2000x128xf32>,
    %swap3A_28 = arith.constant 0 : index
    %swap3A_29 = arith.constant 0 : index
    %swap3A_30 = vector.load %arg8[%swap3A_28, %swap3A_29] : memref<2000x16xf32, #tpu.memory_space<vmem>>, vector<2000x16xf32>
    tpu.vector_store %arg8[%swap3A_28, %swap3A_29], %dot_general3A_20 {strides = array<i32>} : memref<2000x16xf32, #tpu.memory_space<vmem>>, vector<2000x16xf32>,
    %swap3A_31 = arith.constant 0 : index
    %swap3A_32 = arith.constant 0 : index
    %swap3A_33 = vector.load %arg9[%swap3A_31, %swap3A_32] : memref<2000x16xf32, #tpu.memory_space<vmem>>, vector<2000x16xf32>
    tpu.vector_store %arg9[%swap3A_31, %swap3A_32], %dot_general3A_25 {strides = array<i32>} : memref<2000x16xf32, #tpu.memory_space<vmem>>, vector<2000x16xf32>,
    %add3A = arith.addf %dot_general3A_10, %dot_general3A_15 : vector<2000x128xf32>
    %mul3A = arith.constant 2.000000e-01 : f32
    %mul3A_34 = vector.broadcast %mul3A : f32 to vector<2000x128xf32>
    %mul3A_35 = arith.mulf %mul3A_34, %add3A : vector<2000x128xf32>
    %max3A = arith.maximumf %add3A, %mul3A_35 : vector<2000x128xf32>
    %exp3A = math.exp %max3A : vector<2000x128xf32>
    %mul3A_36 = arith.mulf %exp3A, %dot_general3A_5 : vector<2000x128xf32>
    %swap3A_37 = arith.constant 0 : index
    %swap3A_38 = arith.constant 0 : index
    %swap3A_39 = vector.load %arg10[%swap3A_37, %swap3A_38] : memref<2000x128xf32, #tpu.memory_space<vmem>>, vector<2000x128xf32>
    tpu.vector_store %arg10[%swap3A_37, %swap3A_38], %mul3A_36 {strides = array<i32>} : memref<2000x128xf32, #tpu.memory_space<vmem>>, vector<2000x128xf32>,
    %add3A_40 = arith.addf %dot_general3A_20, %dot_general3A_25 : vector<2000x16xf32>
    %mul3A_41 = arith.constant 2.000000e-01 : f32
    %mul3A_42 = vector.broadcast %mul3A_41 : f32 to vector<2000x16xf32>
    %mul3A_43 = arith.mulf %mul3A_42, %add3A_40 : vector<2000x16xf32>
    %max3A_44 = arith.maximumf %add3A_40, %mul3A_43 : vector<2000x16xf32>
    %exp3A_45 = math.exp %max3A_44 : vector<2000x16xf32>
    %swap3A_46 = arith.constant 0 : index
    %swap3A_47 = arith.constant 0 : index
    %swap3A_48 = vector.load %arg11[%swap3A_46, %swap3A_47] : memref<2000x16xf32, #tpu.memory_space<vmem>>, vector<2000x16xf32>
    tpu.vector_store %arg11[%swap3A_46, %swap3A_47], %exp3A_45 {strides = array<i32>} : memref<2000x16xf32, #tpu.memory_space<vmem>>, vector<2000x16xf32>,
    return
  }
  func.func @transform_0(%arg0: i32) -> (i32, i32) {
    %c0_i32 = arith.constant 0 : i32
    %c0_i32_0 = arith.constant 0 : i32
    return %arg0, %c0_i32 : i32, i32
  }
  func.func @transform_1(%arg0: i32) -> (i32, i32) {
    %c0_i32 = arith.constant 0 : i32
    %c0_i32_0 = arith.constant 0 : i32
    %c0_i32_1 = arith.constant 0 : i32
    return %c0_i32, %c0_i32_0 : i32, i32
  }
  func.func @transform_2(%arg0: i32) -> (i32, i32) {
    %c0_i32 = arith.constant 0 : i32
    %c0_i32_0 = arith.constant 0 : i32
    %c0_i32_1 = arith.constant 0 : i32
    return %c0_i32, %c0_i32_0 : i32, i32
  }
  func.func @transform_3(%arg0: i32) -> (i32, i32) {
    %c0_i32 = arith.constant 0 : i32
    %c0_i32_0 = arith.constant 0 : i32
    %c0_i32_1 = arith.constant 0 : i32
    return %c0_i32, %c0_i32_0 : i32, i32
  }
  func.func @transform_4(%arg0: i32) -> (i32, i32) {
    %c0_i32 = arith.constant 0 : i32
    %c0_i32_0 = arith.constant 0 : i32
    %c0_i32_1 = arith.constant 0 : i32
    return %c0_i32, %c0_i32_0 : i32, i32
  }
  func.func @transform_5(%arg0: i32) -> (i32, i32) {
    %c0_i32 = arith.constant 0 : i32
    %c0_i32_0 = arith.constant 0 : i32
    %c0_i32_1 = arith.constant 0 : i32
    return %c0_i32, %c0_i32_0 : i32, i32
  }
  func.func @transform_6(%arg0: i32) -> (i32, i32) {
    %c0_i32 = arith.constant 0 : i32
    %c0_i32_0 = arith.constant 0 : i32
    return %arg0, %c0_i32 : i32, i32
  }
  func.func @transform_7(%arg0: i32) -> (i32, i32) {
    %c0_i32 = arith.constant 0 : i32
    %c0_i32_0 = arith.constant 0 : i32
    return %arg0, %c0_i32 : i32, i32
  }
  func.func @transform_8(%arg0: i32) -> (i32, i32) {
    %c0_i32 = arith.constant 0 : i32
    %c0_i32_0 = arith.constant 0 : i32
    return %arg0, %c0_i32 : i32, i32
  }
  func.func @transform_9(%arg0: i32) -> (i32, i32) {
    %c0_i32 = arith.constant 0 : i32
    %c0_i32_0 = arith.constant 0 : i32
    return %arg0, %c0_i32 : i32, i32
  }
  func.func @transform_10(%arg0: i32) -> (i32, i32) {
    %c0_i32 = arith.constant 0 : i32
    %c0_i32_0 = arith.constant 0 : i32
    return %arg0, %c0_i32 : i32, i32
  }
}

module attributes {stable_mosaic.version = 14 : i64} {
  func.func @_dense2_body(%arg0: i32, %arg1: memref<2000x128xf32, #tpu.memory_space<vmem>>, %arg2: memref<2000x128xf32, #tpu.memory_space<vmem>>, %arg3: memref<2000x16xf32, #tpu.memory_space<vmem>>, %arg4: memref<2000x16xf32, #tpu.memory_space<vmem>>, %arg5: memref<2000x128xf32, #tpu.memory_space<vmem>>, %arg6: memref<2000x16xf32, #tpu.memory_space<vmem>>, %arg7: memref<16x128xf32, #tpu.memory_space<vmem>>, %arg8: memref<128x16xf32, #tpu.memory_space<vmem>>, %arg9: memref<16x16xf32, #tpu.memory_space<vmem>>, %arg10: memref<16x16xf32, #tpu.memory_space<vmem>>, %arg11: memref<1x128xf32, #tpu.memory_space<vmem>>, %arg12: memref<2000x16xf32, #tpu.memory_space<vmem>>, %arg13: memref<2000x16xf32, #tpu.memory_space<vmem>>, %arg14: memref<2000x16xf32, #tpu.memory_space<vmem>>, %arg15: memref<2000x16xf32, #tpu.memory_space<vmem>>, %arg16: memref<2000x16xf32, #tpu.memory_space<vmem>>) attributes {dimension_semantics = [#tpu.dimension_semantics<arbitrary>], iteration_bounds = array<i64: 5>, scalar_prefetch = 0 : i64, scratch_operands = 0 : i64, tpu.core_type = #tpu.core_type<tc>, window_params = [{transform_indices = @transform_0, window_bounds = array<i64: 2000, 128>}, {transform_indices = @transform_1, window_bounds = array<i64: 2000, 128>}, {transform_indices = @transform_2, window_bounds = array<i64: 2000, 16>}, {transform_indices = @transform_3, window_bounds = array<i64: 2000, 16>}, {transform_indices = @transform_4, window_bounds = array<i64: 2000, 128>}, {transform_indices = @transform_5, window_bounds = array<i64: 2000, 16>}, {pipeline_mode = #tpu.pipeline_mode<synchronous>, transform_indices = @transform_6, window_bounds = array<i64: 16, 128>}, {pipeline_mode = #tpu.pipeline_mode<synchronous>, transform_indices = @transform_7, window_bounds = array<i64: 128, 16>}, {pipeline_mode = #tpu.pipeline_mode<synchronous>, transform_indices = @transform_8, window_bounds = array<i64: 16, 16>}, {pipeline_mode = #tpu.pipeline_mode<synchronous>, transform_indices = @transform_9, window_bounds = array<i64: 16, 16>}, {pipeline_mode = #tpu.pipeline_mode<synchronous>, transform_indices = @transform_10, window_bounds = array<i64: 1, 128>}, {transform_indices = @transform_11, window_bounds = array<i64: 2000, 16>}, {transform_indices = @transform_12, window_bounds = array<i64: 2000, 16>}, {transform_indices = @transform_13, window_bounds = array<i64: 2000, 16>}, {transform_indices = @transform_14, window_bounds = array<i64: 2000, 16>}, {transform_indices = @transform_15, window_bounds = array<i64: 2000, 16>}]} {
    %get3A = arith.constant 0 : index
    %get3A_0 = arith.constant 0 : index
    %get3A_1 = vector.load %arg1[%get3A, %get3A_0] : memref<2000x128xf32, #tpu.memory_space<vmem>>, vector<2000x128xf32>
    %get3A_2 = arith.constant 0 : index
    %get3A_3 = arith.constant 0 : index
    %get3A_4 = vector.load %arg2[%get3A_2, %get3A_3] : memref<2000x128xf32, #tpu.memory_space<vmem>>, vector<2000x128xf32>
    %add3A = arith.addf %get3A_1, %get3A_4 : vector<2000x128xf32>
    %get3A_5 = arith.constant 0 : index
    %get3A_6 = arith.constant 0 : index
    %get3A_7 = vector.load %arg5[%get3A_5, %get3A_6] : memref<2000x128xf32, #tpu.memory_space<vmem>>, vector<2000x128xf32>
    %add3A_8 = arith.addf %add3A, %get3A_7 : vector<2000x128xf32>
    %get3A_9 = arith.constant 0 : index
    %get3A_10 = arith.constant 0 : index
    %get3A_11 = vector.load %arg3[%get3A_9, %get3A_10] : memref<2000x16xf32, #tpu.memory_space<vmem>>, vector<2000x16xf32>
    %get3A_12 = arith.constant 0 : index
    %get3A_13 = arith.constant 0 : index
    %get3A_14 = vector.load %arg4[%get3A_12, %get3A_13] : memref<2000x16xf32, #tpu.memory_space<vmem>>, vector<2000x16xf32>
    %add3A_15 = arith.addf %get3A_11, %get3A_14 : vector<2000x16xf32>
    %get3A_16 = arith.constant 0 : index
    %get3A_17 = arith.constant 0 : index
    %get3A_18 = vector.load %arg6[%get3A_16, %get3A_17] : memref<2000x16xf32, #tpu.memory_space<vmem>>, vector<2000x16xf32>
    %add3A_19 = arith.addf %add3A_15, %get3A_18 : vector<2000x16xf32>
    %get3A_20 = arith.constant 0 : index
    %get3A_21 = arith.constant 0 : index
    %get3A_22 = vector.load %arg7[%get3A_20, %get3A_21] : memref<16x128xf32, #tpu.memory_space<vmem>>, vector<16x128xf32>
    %dot_general3A = arith.constant dense<0.000000e+00> : vector<2000x128xf32>
    %dot_general3A_23 = tpu.matmul %add3A_19, %get3A_22, %dot_general3A {dimension_numbers = #tpu.dot_dimension_numbers<[1], [0], [0], [1], [0, 0, 1, 1], [], []>, precision = #tpu.contract_precision<fp32>, transpose_lhs_hint = false} : vector<2000x16xf32>, vector<16x128xf32>, vector<2000x128xf32> -> vector<2000x128xf32>
    %div3A = arith.divf %add3A_8, %dot_general3A_23 : vector<2000x128xf32>
    %get3A_24 = arith.constant 0 : index
    %get3A_25 = arith.constant 0 : index
    %get3A_26 = vector.load %arg11[%get3A_24, %get3A_25] : memref<1x128xf32, #tpu.memory_space<vmem>>, vector<1x128xf32>
    %add3A_27 = vector.broadcast %get3A_26 : vector<1x128xf32> to vector<2000x128xf32>
    %add3A_28 = arith.addf %div3A, %add3A_27 : vector<2000x128xf32>
    %gt3A = arith.constant 0.000000e+00 : f32
    %gt3A_29 = vector.broadcast %gt3A : f32 to vector<2000x128xf32>
    %gt3A_30 = arith.cmpf ogt, %add3A_28, %gt3A_29 : vector<2000x128xf32>
    %exp3A = math.exp %add3A_28 : vector<2000x128xf32>
    %sub3A = arith.constant 1.000000e+00 : f32
    %sub3A_31 = vector.broadcast %sub3A : f32 to vector<2000x128xf32>
    %sub3A_32 = arith.subf %exp3A, %sub3A_31 : vector<2000x128xf32>
    %select_n3A = arith.select %gt3A_30, %add3A_28, %sub3A_32 : vector<2000x128xi1>, vector<2000x128xf32>
    %get3A_33 = arith.constant 0 : index
    %get3A_34 = arith.constant 0 : index
    %get3A_35 = vector.load %arg8[%get3A_33, %get3A_34] : memref<128x16xf32, #tpu.memory_space<vmem>>, vector<128x16xf32>
    %dot_general3A_36 = arith.constant dense<0.000000e+00> : vector<2000x16xf32>
    %dot_general3A_37 = tpu.matmul %select_n3A, %get3A_35, %dot_general3A_36 {dimension_numbers = #tpu.dot_dimension_numbers<[1], [0], [0], [1], [0, 0, 1, 1], [], []>, transpose_lhs_hint = false} : vector<2000x128xf32>, vector<128x16xf32>, vector<2000x16xf32> -> vector<2000x16xf32>
    %get3A_38 = arith.constant 0 : index
    %get3A_39 = arith.constant 0 : index
    %get3A_40 = vector.load %arg9[%get3A_38, %get3A_39] : memref<16x16xf32, #tpu.memory_space<vmem>>, vector<16x16xf32>
    %dot_general3A_41 = arith.constant dense<0.000000e+00> : vector<2000x16xf32>
    %dot_general3A_42 = tpu.matmul %dot_general3A_37, %get3A_40, %dot_general3A_41 {dimension_numbers = #tpu.dot_dimension_numbers<[1], [0], [0], [1], [0, 0, 1, 1], [], []>, precision = #tpu.contract_precision<fp32>, transpose_lhs_hint = false} : vector<2000x16xf32>, vector<16x16xf32>, vector<2000x16xf32> -> vector<2000x16xf32>
    %get3A_43 = arith.constant 0 : index
    %get3A_44 = arith.constant 0 : index
    %get3A_45 = vector.load %arg10[%get3A_43, %get3A_44] : memref<16x16xf32, #tpu.memory_space<vmem>>, vector<16x16xf32>
    %dot_general3A_46 = arith.constant dense<0.000000e+00> : vector<2000x16xf32>
    %dot_general3A_47 = tpu.matmul %dot_general3A_37, %get3A_45, %dot_general3A_46 {dimension_numbers = #tpu.dot_dimension_numbers<[1], [0], [0], [1], [0, 0, 1, 1], [], []>, precision = #tpu.contract_precision<fp32>, transpose_lhs_hint = false} : vector<2000x16xf32>, vector<16x16xf32>, vector<2000x16xf32> -> vector<2000x16xf32>
    %swap3A = arith.constant 0 : index
    %swap3A_48 = arith.constant 0 : index
    %swap3A_49 = vector.load %arg12[%swap3A, %swap3A_48] : memref<2000x16xf32, #tpu.memory_space<vmem>>, vector<2000x16xf32>
    tpu.vector_store %arg12[%swap3A, %swap3A_48], %dot_general3A_37 {strides = array<i32>} : memref<2000x16xf32, #tpu.memory_space<vmem>>, vector<2000x16xf32>,
    %swap3A_50 = arith.constant 0 : index
    %swap3A_51 = arith.constant 0 : index
    %swap3A_52 = vector.load %arg13[%swap3A_50, %swap3A_51] : memref<2000x16xf32, #tpu.memory_space<vmem>>, vector<2000x16xf32>
    tpu.vector_store %arg13[%swap3A_50, %swap3A_51], %dot_general3A_42 {strides = array<i32>} : memref<2000x16xf32, #tpu.memory_space<vmem>>, vector<2000x16xf32>,
    %swap3A_53 = arith.constant 0 : index
    %swap3A_54 = arith.constant 0 : index
    %swap3A_55 = vector.load %arg14[%swap3A_53, %swap3A_54] : memref<2000x16xf32, #tpu.memory_space<vmem>>, vector<2000x16xf32>
    tpu.vector_store %arg14[%swap3A_53, %swap3A_54], %dot_general3A_47 {strides = array<i32>} : memref<2000x16xf32, #tpu.memory_space<vmem>>, vector<2000x16xf32>,
    %add3A_56 = arith.addf %dot_general3A_42, %dot_general3A_47 : vector<2000x16xf32>
    %mul3A = arith.constant 2.000000e-01 : f32
    %mul3A_57 = vector.broadcast %mul3A : f32 to vector<2000x16xf32>
    %mul3A_58 = arith.mulf %mul3A_57, %add3A_56 : vector<2000x16xf32>
    %max3A = arith.maximumf %add3A_56, %mul3A_58 : vector<2000x16xf32>
    %exp3A_59 = math.exp %max3A : vector<2000x16xf32>
    %mul3A_60 = arith.mulf %exp3A_59, %dot_general3A_37 : vector<2000x16xf32>
    %swap3A_61 = arith.constant 0 : index
    %swap3A_62 = arith.constant 0 : index
    %swap3A_63 = vector.load %arg15[%swap3A_61, %swap3A_62] : memref<2000x16xf32, #tpu.memory_space<vmem>>, vector<2000x16xf32>
    tpu.vector_store %arg15[%swap3A_61, %swap3A_62], %mul3A_60 {strides = array<i32>} : memref<2000x16xf32, #tpu.memory_space<vmem>>, vector<2000x16xf32>,
    %swap3A_64 = arith.constant 0 : index
    %swap3A_65 = arith.constant 0 : index
    %swap3A_66 = vector.load %arg16[%swap3A_64, %swap3A_65] : memref<2000x16xf32, #tpu.memory_space<vmem>>, vector<2000x16xf32>
    tpu.vector_store %arg16[%swap3A_64, %swap3A_65], %exp3A_59 {strides = array<i32>} : memref<2000x16xf32, #tpu.memory_space<vmem>>, vector<2000x16xf32>,
    return
  }
  func.func @transform_0(%arg0: i32) -> (i32, i32) {
    %c0_i32 = arith.constant 0 : i32
    %c0_i32_0 = arith.constant 0 : i32
    return %arg0, %c0_i32 : i32, i32
  }
  func.func @transform_1(%arg0: i32) -> (i32, i32) {
    %c0_i32 = arith.constant 0 : i32
    %c0_i32_0 = arith.constant 0 : i32
    return %arg0, %c0_i32 : i32, i32
  }
  func.func @transform_2(%arg0: i32) -> (i32, i32) {
    %c0_i32 = arith.constant 0 : i32
    %c0_i32_0 = arith.constant 0 : i32
    return %arg0, %c0_i32 : i32, i32
  }
  func.func @transform_3(%arg0: i32) -> (i32, i32) {
    %c0_i32 = arith.constant 0 : i32
    %c0_i32_0 = arith.constant 0 : i32
    return %arg0, %c0_i32 : i32, i32
  }
  func.func @transform_4(%arg0: i32) -> (i32, i32) {
    %c0_i32 = arith.constant 0 : i32
    %c0_i32_0 = arith.constant 0 : i32
    return %arg0, %c0_i32 : i32, i32
  }
  func.func @transform_5(%arg0: i32) -> (i32, i32) {
    %c0_i32 = arith.constant 0 : i32
    %c0_i32_0 = arith.constant 0 : i32
    return %arg0, %c0_i32 : i32, i32
  }
  func.func @transform_6(%arg0: i32) -> (i32, i32) {
    %c0_i32 = arith.constant 0 : i32
    %c0_i32_0 = arith.constant 0 : i32
    %c0_i32_1 = arith.constant 0 : i32
    return %c0_i32, %c0_i32_0 : i32, i32
  }
  func.func @transform_7(%arg0: i32) -> (i32, i32) {
    %c0_i32 = arith.constant 0 : i32
    %c0_i32_0 = arith.constant 0 : i32
    %c0_i32_1 = arith.constant 0 : i32
    return %c0_i32, %c0_i32_0 : i32, i32
  }
  func.func @transform_8(%arg0: i32) -> (i32, i32) {
    %c0_i32 = arith.constant 0 : i32
    %c0_i32_0 = arith.constant 0 : i32
    %c0_i32_1 = arith.constant 0 : i32
    return %c0_i32, %c0_i32_0 : i32, i32
  }
  func.func @transform_9(%arg0: i32) -> (i32, i32) {
    %c0_i32 = arith.constant 0 : i32
    %c0_i32_0 = arith.constant 0 : i32
    %c0_i32_1 = arith.constant 0 : i32
    return %c0_i32, %c0_i32_0 : i32, i32
  }
  func.func @transform_10(%arg0: i32) -> (i32, i32) {
    %c0_i32 = arith.constant 0 : i32
    %c0_i32_0 = arith.constant 0 : i32
    %c0_i32_1 = arith.constant 0 : i32
    return %c0_i32, %c0_i32_0 : i32, i32
  }
  func.func @transform_11(%arg0: i32) -> (i32, i32) {
    %c0_i32 = arith.constant 0 : i32
    %c0_i32_0 = arith.constant 0 : i32
    return %arg0, %c0_i32 : i32, i32
  }
  func.func @transform_12(%arg0: i32) -> (i32, i32) {
    %c0_i32 = arith.constant 0 : i32
    %c0_i32_0 = arith.constant 0 : i32
    return %arg0, %c0_i32 : i32, i32
  }
  func.func @transform_13(%arg0: i32) -> (i32, i32) {
    %c0_i32 = arith.constant 0 : i32
    %c0_i32_0 = arith.constant 0 : i32
    return %arg0, %c0_i32 : i32, i32
  }
  func.func @transform_14(%arg0: i32) -> (i32, i32) {
    %c0_i32 = arith.constant 0 : i32
    %c0_i32_0 = arith.constant 0 : i32
    return %arg0, %c0_i32 : i32, i32
  }
  func.func @transform_15(%arg0: i32) -> (i32, i32) {
    %c0_i32 = arith.constant 0 : i32
    %c0_i32_0 = arith.constant 0 : i32
    return %arg0, %c0_i32 : i32, i32
  }
}

module attributes {stable_mosaic.version = 14 : i64} {
  func.func @_dense3_body(%arg0: i32, %arg1: memref<2000x16xf32, #tpu.memory_space<vmem>>, %arg2: memref<2000x16xf32, #tpu.memory_space<vmem>>, %arg3: memref<2000x16xf32, #tpu.memory_space<vmem>>, %arg4: memref<2000x16xf32, #tpu.memory_space<vmem>>, %arg5: memref<2000x16xf32, #tpu.memory_space<vmem>>, %arg6: memref<2000x16xf32, #tpu.memory_space<vmem>>, %arg7: memref<1x16xf32, #tpu.memory_space<vmem>>, %arg8: memref<16x40xf32, #tpu.memory_space<vmem>>, %arg9: memref<1x40xf32, #tpu.memory_space<vmem>>, %arg10: memref<2000x40xf32, #tpu.memory_space<vmem>>, %arg11: memref<2000x16xf32, #tpu.memory_space<vmem>>, %arg12: memref<2000x40xf32, #tpu.memory_space<vmem>>, %arg13: memref<2000x1xi32, #tpu.memory_space<vmem>>) attributes {dimension_semantics = [#tpu.dimension_semantics<arbitrary>], iteration_bounds = array<i64: 5>, scalar_prefetch = 0 : i64, scratch_operands = 0 : i64, tpu.core_type = #tpu.core_type<tc>, window_params = [{transform_indices = @transform_0, window_bounds = array<i64: 2000, 16>}, {transform_indices = @transform_1, window_bounds = array<i64: 2000, 16>}, {transform_indices = @transform_2, window_bounds = array<i64: 2000, 16>}, {transform_indices = @transform_3, window_bounds = array<i64: 2000, 16>}, {transform_indices = @transform_4, window_bounds = array<i64: 2000, 16>}, {transform_indices = @transform_5, window_bounds = array<i64: 2000, 16>}, {pipeline_mode = #tpu.pipeline_mode<synchronous>, transform_indices = @transform_6, window_bounds = array<i64: 1, 16>}, {pipeline_mode = #tpu.pipeline_mode<synchronous>, transform_indices = @transform_7, window_bounds = array<i64: 16, 40>}, {pipeline_mode = #tpu.pipeline_mode<synchronous>, transform_indices = @transform_8, window_bounds = array<i64: 1, 40>}, {transform_indices = @transform_9, window_bounds = array<i64: 2000, 40>}, {transform_indices = @transform_10, window_bounds = array<i64: 2000, 16>}, {transform_indices = @transform_11, window_bounds = array<i64: 2000, 40>}, {transform_indices = @transform_12, window_bounds = array<i64: 2000, 1>}]} {
    %get3A = arith.constant 0 : index
    %get3A_0 = arith.constant 0 : index
    %get3A_1 = vector.load %arg1[%get3A, %get3A_0] : memref<2000x16xf32, #tpu.memory_space<vmem>>, vector<2000x16xf32>
    %get3A_2 = arith.constant 0 : index
    %get3A_3 = arith.constant 0 : index
    %get3A_4 = vector.load %arg2[%get3A_2, %get3A_3] : memref<2000x16xf32, #tpu.memory_space<vmem>>, vector<2000x16xf32>
    %add3A = arith.addf %get3A_1, %get3A_4 : vector<2000x16xf32>
    %get3A_5 = arith.constant 0 : index
    %get3A_6 = arith.constant 0 : index
    %get3A_7 = vector.load %arg5[%get3A_5, %get3A_6] : memref<2000x16xf32, #tpu.memory_space<vmem>>, vector<2000x16xf32>
    %add3A_8 = arith.addf %add3A, %get3A_7 : vector<2000x16xf32>
    %get3A_9 = arith.constant 0 : index
    %get3A_10 = arith.constant 0 : index
    %get3A_11 = vector.load %arg3[%get3A_9, %get3A_10] : memref<2000x16xf32, #tpu.memory_space<vmem>>, vector<2000x16xf32>
    %get3A_12 = arith.constant 0 : index
    %get3A_13 = arith.constant 0 : index
    %get3A_14 = vector.load %arg4[%get3A_12, %get3A_13] : memref<2000x16xf32, #tpu.memory_space<vmem>>, vector<2000x16xf32>
    %add3A_15 = arith.addf %get3A_11, %get3A_14 : vector<2000x16xf32>
    %get3A_16 = arith.constant 0 : index
    %get3A_17 = arith.constant 0 : index
    %get3A_18 = vector.load %arg6[%get3A_16, %get3A_17] : memref<2000x16xf32, #tpu.memory_space<vmem>>, vector<2000x16xf32>
    %add3A_19 = arith.addf %add3A_15, %get3A_18 : vector<2000x16xf32>
    %div3A = arith.divf %add3A_8, %add3A_19 : vector<2000x16xf32>
    %get3A_20 = arith.constant 0 : index
    %get3A_21 = arith.constant 0 : index
    %get3A_22 = vector.load %arg7[%get3A_20, %get3A_21] : memref<1x16xf32, #tpu.memory_space<vmem>>, vector<1x16xf32>
    %add3A_23 = vector.broadcast %get3A_22 : vector<1x16xf32> to vector<2000x16xf32>
    %add3A_24 = arith.addf %div3A, %add3A_23 : vector<2000x16xf32>
    %get3A_25 = arith.constant 0 : index
    %get3A_26 = arith.constant 0 : index
    %get3A_27 = vector.load %arg8[%get3A_25, %get3A_26] : memref<16x40xf32, #tpu.memory_space<vmem>>, vector<16x40xf32>
    %dot_general3A = arith.constant dense<0.000000e+00> : vector<2000x40xf32>
    %dot_general3A_28 = tpu.matmul %add3A_24, %get3A_27, %dot_general3A {dimension_numbers = #tpu.dot_dimension_numbers<[1], [0], [0], [1], [0, 0, 1, 1], [], []>, transpose_lhs_hint = false} : vector<2000x16xf32>, vector<16x40xf32>, vector<2000x40xf32> -> vector<2000x40xf32>
    %get3A_29 = arith.constant 0 : index
    %get3A_30 = arith.constant 0 : index
    %get3A_31 = vector.load %arg9[%get3A_29, %get3A_30] : memref<1x40xf32, #tpu.memory_space<vmem>>, vector<1x40xf32>
    %add3A_32 = vector.broadcast %get3A_31 : vector<1x40xf32> to vector<2000x40xf32>
    %add3A_33 = arith.addf %dot_general3A_28, %add3A_32 : vector<2000x40xf32>
    %reduce_max3A = arith.constant dense<0xFF800000> : vector<2000xf32>
    %reduce_max3A_34 = vector.multi_reduction <maximumf>, %add3A_33, %reduce_max3A [1] : vector<2000x40xf32> to vector<2000xf32>
    %broadcast_in_dim3A = vector.shape_cast %reduce_max3A_34 : vector<2000xf32> to vector<2000x1xf32>
    %sub3A = vector.broadcast %broadcast_in_dim3A : vector<2000x1xf32> to vector<2000x40xf32>
    %sub3A_35 = arith.subf %add3A_33, %sub3A : vector<2000x40xf32>
    %exp3A = math.exp %sub3A_35 : vector<2000x40xf32>
    %reduce_sum3A = arith.constant dense<0.000000e+00> : vector<2000xf32>
    %reduce_sum3A_36 = vector.multi_reduction <add>, %exp3A, %reduce_sum3A [1] : vector<2000x40xf32> to vector<2000xf32>
    %broadcast_in_dim3A_37 = vector.shape_cast %reduce_sum3A_36 : vector<2000xf32> to vector<2000x1xf32>
    %div3A_38 = vector.broadcast %broadcast_in_dim3A_37 : vector<2000x1xf32> to vector<2000x40xf32>
    %div3A_39 = arith.divf %exp3A, %div3A_38 : vector<2000x40xf32>
    %iota3A = tpu.iota {dimensions = array<i32: 1>} : vector<2000x40xi32>
    %ge3A = vector.broadcast %broadcast_in_dim3A : vector<2000x1xf32> to vector<2000x40xf32>
    %ge3A_40 = arith.cmpf oge, %add3A_33, %ge3A : vector<2000x40xf32>
    %jit3A = arith.constant 40 : i32
    %broadcast_in_dim3A_41 = vector.broadcast %jit3A : i32 to vector<2000x40xi32>
    %select_n3A = arith.select %ge3A_40, %iota3A, %broadcast_in_dim3A_41 : vector<2000x40xi1>, vector<2000x40xi32>
    %reduce_min3A = arith.constant dense<2147483647> : vector<2000xi32>
    %reduce_min3A_42 = vector.multi_reduction <minsi>, %select_n3A, %reduce_min3A [1] : vector<2000x40xi32> to vector<2000xi32>
    %swap3A = arith.constant 0 : index
    %swap3A_43 = arith.constant 0 : index
    %swap3A_44 = vector.load %arg11[%swap3A, %swap3A_43] : memref<2000x16xf32, #tpu.memory_space<vmem>>, vector<2000x16xf32>
    tpu.vector_store %arg11[%swap3A, %swap3A_43], %add3A_24 {strides = array<i32>} : memref<2000x16xf32, #tpu.memory_space<vmem>>, vector<2000x16xf32>,
    %swap3A_45 = arith.constant 0 : index
    %swap3A_46 = arith.constant 0 : index
    %swap3A_47 = vector.load %arg10[%swap3A_45, %swap3A_46] : memref<2000x40xf32, #tpu.memory_space<vmem>>, vector<2000x40xf32>
    tpu.vector_store %arg10[%swap3A_45, %swap3A_46], %add3A_33 {strides = array<i32>} : memref<2000x40xf32, #tpu.memory_space<vmem>>, vector<2000x40xf32>,
    %swap3A_48 = arith.constant 0 : index
    %swap3A_49 = arith.constant 0 : index
    %swap3A_50 = vector.load %arg12[%swap3A_48, %swap3A_49] : memref<2000x40xf32, #tpu.memory_space<vmem>>, vector<2000x40xf32>
    tpu.vector_store %arg12[%swap3A_48, %swap3A_49], %div3A_39 {strides = array<i32>} : memref<2000x40xf32, #tpu.memory_space<vmem>>, vector<2000x40xf32>,
    %broadcast_in_dim3A_51 = vector.shape_cast %reduce_min3A_42 : vector<2000xi32> to vector<2000x1xi32>
    %swap3A_52 = arith.constant 0 : index
    %swap3A_53 = arith.constant 0 : index
    %swap3A_54 = vector.load %arg13[%swap3A_52, %swap3A_53] : memref<2000x1xi32, #tpu.memory_space<vmem>>, vector<2000x1xi32>
    tpu.vector_store %arg13[%swap3A_52, %swap3A_53], %broadcast_in_dim3A_51 {strides = array<i32>} : memref<2000x1xi32, #tpu.memory_space<vmem>>, vector<2000x1xi32>,
    return
  }
  func.func @transform_0(%arg0: i32) -> (i32, i32) {
    %c0_i32 = arith.constant 0 : i32
    %c0_i32_0 = arith.constant 0 : i32
    return %arg0, %c0_i32 : i32, i32
  }
  func.func @transform_1(%arg0: i32) -> (i32, i32) {
    %c0_i32 = arith.constant 0 : i32
    %c0_i32_0 = arith.constant 0 : i32
    return %arg0, %c0_i32 : i32, i32
  }
  func.func @transform_2(%arg0: i32) -> (i32, i32) {
    %c0_i32 = arith.constant 0 : i32
    %c0_i32_0 = arith.constant 0 : i32
    return %arg0, %c0_i32 : i32, i32
  }
  func.func @transform_3(%arg0: i32) -> (i32, i32) {
    %c0_i32 = arith.constant 0 : i32
    %c0_i32_0 = arith.constant 0 : i32
    return %arg0, %c0_i32 : i32, i32
  }
  func.func @transform_4(%arg0: i32) -> (i32, i32) {
    %c0_i32 = arith.constant 0 : i32
    %c0_i32_0 = arith.constant 0 : i32
    return %arg0, %c0_i32 : i32, i32
  }
  func.func @transform_5(%arg0: i32) -> (i32, i32) {
    %c0_i32 = arith.constant 0 : i32
    %c0_i32_0 = arith.constant 0 : i32
    return %arg0, %c0_i32 : i32, i32
  }
  func.func @transform_6(%arg0: i32) -> (i32, i32) {
    %c0_i32 = arith.constant 0 : i32
    %c0_i32_0 = arith.constant 0 : i32
    %c0_i32_1 = arith.constant 0 : i32
    return %c0_i32, %c0_i32_0 : i32, i32
  }
  func.func @transform_7(%arg0: i32) -> (i32, i32) {
    %c0_i32 = arith.constant 0 : i32
    %c0_i32_0 = arith.constant 0 : i32
    %c0_i32_1 = arith.constant 0 : i32
    return %c0_i32, %c0_i32_0 : i32, i32
  }
  func.func @transform_8(%arg0: i32) -> (i32, i32) {
    %c0_i32 = arith.constant 0 : i32
    %c0_i32_0 = arith.constant 0 : i32
    %c0_i32_1 = arith.constant 0 : i32
    return %c0_i32, %c0_i32_0 : i32, i32
  }
  func.func @transform_9(%arg0: i32) -> (i32, i32) {
    %c0_i32 = arith.constant 0 : i32
    %c0_i32_0 = arith.constant 0 : i32
    return %arg0, %c0_i32 : i32, i32
  }
  func.func @transform_10(%arg0: i32) -> (i32, i32) {
    %c0_i32 = arith.constant 0 : i32
    %c0_i32_0 = arith.constant 0 : i32
    return %arg0, %c0_i32 : i32, i32
  }
  func.func @transform_11(%arg0: i32) -> (i32, i32) {
    %c0_i32 = arith.constant 0 : i32
    %c0_i32_0 = arith.constant 0 : i32
    return %arg0, %c0_i32 : i32, i32
  }
  func.func @transform_12(%arg0: i32) -> (i32, i32) {
    %c0_i32 = arith.constant 0 : i32
    %c0_i32_0 = arith.constant 0 : i32
    return %arg0, %c0_i32 : i32, i32
  }
}

</mosaic_0001>

<sc_bundles>
// kernel: kernel.10.cloned.1.call-start
scs
__scs_entry_jumppad:
0x0: {  	(pc) =	sbr.rel $0x88, $3  }
0x1: {  	(tag) =	ssettag $0x0;
	lr =	simm.s32 $0x1  }
0x2: {  	[smem:$0x3F95] =	sst lr;
	_ =	strace $0xD0000000  }
0x3: {  	_ = 	snop  }
0x4: {  	_ = 	snop  }
0x5: {  	_ = 	snop  }
0x6: {  	_ = 	snop  }
0x7: {  	_ = 	snop  }
__scs_overlays_trampoline_lowered:
0x8: {  	[smem:$0x3FA4] =	sst s0  }
0x9: {  	[smem:$0x3FA5] =	sst s1  }
0xa: {  	[smem:$0x3FA6] =	sst s2  }
0xb: {  	[smem:$0x3FA7] =	sst s3  }
0xc: {  	[smem:$0x3FA8] =	sst s4  }
0xd: {  	[smem:$0x3FA9] =	sst s5  }
0xe: {  	[smem:$0x3FAA] =	sst s6  }
0xf: {  	[smem:$0x3FAB] =	sst s7  }
0x10: {  	[smem:$0x3FAC] =	sst s8  }
0x11: {  	[smem:$0x3FAD] =	sst s9;
	s0 =	simm.s32 @!p0 $0x0  }
0x12: {  	s1 =	sld [smem:$0x3F93];
	s0 =	simm.s32 @p0 $0x1  }
0x13: {  	[smem:$0x3FAE] =	sst s0;
	s0 =	simm.s32 @!p1 $0x0  }
0x14: {  	s2 =	sld [smem:$0x3F92];
	s0 =	simm.s32 @p1 $0x1  }
0x15: {  	[smem:$0x3FAF] =	sst s0;
	s0 =	simm.s32 @!p2 $0x0  }
0x16: {  	s3 =	sld [smem:$0x3FDB];
	s0 =	simm.s32 @p2 $0x1  }
0x17: {  	s4 =	simm.s32 $0x1BF5;
	[smem:$0x3FB1] =	sst s0  }
0x18: {  	s0 =	sld [smem:$0x3F94];
	_ =	swait.ge [sflag:s4], $0x0  }
0x19: {  	s7 =	sld [smem:$0x3F95]  }
0x1a: {  	s8 =	sadd.s32 $0xFFFFE003, lr  }
0x1b: {  	s9 =	sadd.s32 $0xFFFFFEF7, lr;
	s5 =	simm.s32 $0xFFFFFFFF;
	p2 =	slt.u32 s8, $0xFFFFF086  }
0x1c: {  	p1 =	slt.u32 s9, $0xF7A;
	s5 =	simm.s32 @!p2 $0x0  }
0x1d: {  	s5 =	simm.s32 @p1 $0x1;
	p0 =	seq.s32 s7, s2  }
0x1e: {  	s7 =	smul.u32 @!p0 $0xF7A, s2;
	p2 =	seq.s32 @!p0 s5, $0x0  }
0x1f: {  	s9 =	smul.u32 $0xF7A, s1;
	s8 =	simm.s32 @!p0 $0x1BF5;
	p2 =	por !p2, p0  }
0x20: {  	[sflag:s8] =	ssyncset.s32 @!p0 $0xFFFFF086;
	s6 =	sadd.s32 @!p0 s3, s7;
	s7 =	simm.s32 @!p0 $0x108  }
0x21: {  	s3 =	sadd.s32 s3, s9;
	s6 =	sadd.s32 @!p0 $0x88, s6;
	s7 =	simm.s32 @p2 $0x1082  }
0x22: {  	[simem:s7], [sflag:s8] =	dma.local @!p0 [hbm:s6], $0xF7A  }
0x23: {  	s9 =	sor.u32 $0xD0000000, s2;
	s6 =	simm.s32 $0x108;
	_ =	swait.ge @!p0 [sflag:s8], $0x0  }
0x24: {  	s3 =	sadd.s32 $0x88, s3;
	s6 =	simm.s32 @!p1 $0x1082;
	[sflag:s4] =	ssyncset.s32 $0xFFFFF086  }
0x25: {  	[simem:s6], [sflag:s4] =	dma.local [hbm:s3], $0xF7A  }
0x26: {  	[smem:$0x3F95] =	sst s1;
	(tag) =	ssettag s2;
	_ =	strace s9  }
0x27: {  	s1 =	sld [smem:$0x3FA5]  }
0x28: {  	s2 =	sld [smem:$0x3FA6]  }
0x29: {  	s4 =	sld [smem:$0x3FA8]  }
0x2a: {  	p0 =	seq.s32 s5, $0x0;
	s5 =	sld [smem:$0x3FA9]  }
0x2b: {  	s6 =	sld [smem:$0x3FAA]  }
0x2c: {  	s7 =	sld [smem:$0x3FAB]  }
0x2d: {  	s3 =	simm.s32 $0x108;
	s8 =	sld [smem:$0x3FAC]  }
0x2e: {  	s3 =	simm.s32 @!p0 $0x1082;
	s9 =	sld [smem:$0x3FAD]  }
0x2f: {  	lr =	sadd.s32 s0, s3;
	s0 =	sld [smem:$0x3FA4]  }
0x30: {  	s3 =	sld [smem:$0x3FA7]  }
0x31: {  	[smem:$0x3FB0] =	sst s10  }
0x32: {  	s10 =	sld [smem:$0x3FAE];
	_ =	sdelay $0x3  }
0x33: {  	p0 =	seq.s32 s10, $0x1;
	s10 =	sld [smem:$0x3FB0];
	_ =	sdelay $0x3  }
0x34: {  	[smem:$0x3FB0] =	sst s10  }
0x35: {  	s10 =	sld [smem:$0x3FAF];
	_ =	sdelay $0x3  }
0x36: {  	p1 =	seq.s32 s10, $0x1;
	s10 =	sld [smem:$0x3FB0];
	_ =	sdelay $0x3  }
0x37: {  	[smem:$0x3FB0] =	sst s10  }
0x38: {  	s10 =	sld [smem:$0x3FB1]  }
0x39: {  	_ = 	snop;
	(pc) =	sbr.ind lr, $3  }
0x3a: {  	_ = 	snop  }
0x3b: {  	_ = 	snop  }
0x3c: {  	p2 =	seq.s32 s10, $0x1;
	s10 =	sld [smem:$0x3FB0]  }
0x3d: {  	_ =	shalt  }
0x3e: {  	_ =	shalt  }
0x3f: {  	_ =	shalt  }
0x40: {  	_ =	shalt  }
0x41: {  	_ =	shalt  }
0x42: {  	_ =	shalt  }
0x43: {  	_ =	shalt  }
0x44: {  	_ =	shalt  }
0x45: {  	_ =	shalt  }
0x46: {  	_ =	shalt  }
0x47: {  	_ =	shalt  }
0x48: {  	_ =	shalt  }
0x49: {  	_ =	shalt  }
0x4a: {  	_ =	shalt  }
0x4b: {  	_ =	shalt  }
0x4c: {  	_ =	shalt  }
0x4d: {  	_ =	shalt  }
0x4e: {  	_ =	shalt  }
0x4f: {  	_ =	shalt  }
0x50: {  	_ =	shalt  }
0x51: {  	_ =	shalt  }
0x52: {  	_ =	shalt  }
0x53: {  	_ =	shalt  }
0x54: {  	_ =	shalt  }
0x55: {  	_ =	shalt  }
0x56: {  	_ =	shalt  }
0x57: {  	_ =	shalt  }
0x58: {  	_ =	shalt  }
0x59: {  	_ =	shalt  }
0x5a: {  	_ =	shalt  }
0x5b: {  	_ =	shalt  }
0x5c: {  	_ =	shalt  }
0x5d: {  	_ =	shalt  }
0x5e: {  	_ =	shalt  }
0x5f: {  	_ =	shalt  }
0x60: {  	_ =	shalt  }
0x61: {  	_ =	shalt  }
0x62: {  	_ =	shalt  }
0x63: {  	_ =	shalt  }
0x64: {  	_ =	shalt  }
0x65: {  	_ =	shalt  }
0x66: {  	_ =	shalt  }
0x67: {  	_ =	shalt  }
0x68: {  	_ =	shalt  }
0x69: {  	_ =	shalt  }
0x6a: {  	_ =	shalt  }
0x6b: {  	_ =	shalt  }
0x6c: {  	_ =	shalt  }
0x6d: {  	_ =	shalt  }
0x6e: {  	_ =	shalt  }
0x6f: {  	_ =	shalt  }
0x70: {  	_ =	shalt  }
0x71: {  	_ =	shalt  }
0x72: {  	_ =	shalt  }
0x73: {  	_ =	shalt  }
0x74: {  	_ =	shalt  }
0x75: {  	_ =	shalt  }
0x76: {  	_ =	shalt  }
0x77: {  	_ =	shalt  }
0x78: {  	_ =	shalt  }
0x79: {  	_ =	shalt  }
0x7a: {  	_ =	shalt  }
0x7b: {  	_ =	shalt  }
0x7c: {  	_ =	shalt  }
0x7d: {  	_ =	shalt  }
0x7e: {  	_ =	shalt  }
0x7f: {  	_ =	shalt  }
0x80: {  	_ =	shalt  }
0x81: {  	_ =	shalt  }
0x82: {  	_ =	shalt  }
0x83: {  	_ =	shalt  }
0x84: {  	_ =	shalt  }
0x85: {  	_ =	shalt  }
0x86: {  	_ =	shalt  }
0x87: {  	_ =	shalt  }
.Lfunc_end0:
.L_simem_size_0:
called_computation.1_lowered:
.L_overlay_start_0:
0x88: {  	s2 =	sld [smem:$0x3FD9]  }
0x89: {  	s3 =	sld [smem:$0x3FFE];
	_ =	sdelay $0x1  }
0x8a: {  	s1 =	srdreg.scid  }
0x8b: {  	s0 =	sand.u32 $0x1, s1  }
0x8c: {  	s14 =	sshll.u32 s0, $0xA;
	s2 =	sadd.s32 s3, s2  }
0x8d: {  	s2 =	sadd.s32 s2, s14  }
0x8e: {  	[smem:$0x3FBC] =	sst s2  }
0x8f: {  	_ = 	snop  }
0x90: {  	s2 =	sld [smem:$0x3FD0];
	_ =	sdelay $0x2  }
0x91: {  	s15 =	simm.s32 $0xA;
	s4 =	simm.s32 $0x10  }
0x92: {  	[smem:s4], [sflag:s15] =	dma.local [hbm:s2], $0x1  }
0x93: {  	_ =	swait.eq [sflag:s15], $0x1  }
0x94: {  	s16 =	sld [smem:$0x10];
	[sflag:s15] =	ssyncset.done $0x0  }
0x95: {  	s17 =	sld [smem:$0x11];
	[sflag:s15] =	ssyncadd.s32 $0xFFFFFFFF  }
0x96: {  	s18 =	sld [smem:$0x12];
	(tm) =	ssettm $0x1  }
0x97: {  	s5 =	sld [smem:$0x3FFB];
	_ =	sdelay $0x3  }
0x98: {  	_ =	strace s5  }
0x99: {  	s5 =	sld [smem:$0x3FFC];
	_ =	sdelay $0x3  }
0x9a: {  	_ =	strace s5  }
0x9b: {  	s5 =	sld [smem:$0x3FFD];
	_ =	sdelay $0x3  }
0x9c: {  	_ =	strace s5  }
0x9d: {  	_ =	strace $0x8FFFFFFF  }
0x9e: {  	s19 =	sld [smem:$0x3FDB];
	_ =	sdelay $0x1  }
0x9f: {  	s6 =	simm.s32 $_scs_section_size  }
0xa0: {  	s7 =	simm.s32 $_size__tile_overlayer_lowered;
	s8 =	simm.s32 $_tile_overlayer_lowered  }
0xa1: {  	s22 =	simm.s32 $0x1BFF;
	s21 =	sshll.u32 s8, $0x1;
	s5 =	sadd.s32 s6, s19  }
0xa2: {  	s9 =	simm.s32 $0x0;
	s20 =	sshll.u32 s7, $0x1;
	s7 =	sadd.s32 s21, s5  }
0xa3: {  	[timem:s9], [sflag:s22] =	dma.local [hbm:s7], s20  }
0xa4: {  	_ =	swait.ge [sflag:s22], s20  }
0xa5: {  	s6 =	ssub.s32 $0x0, s20;
	[sflag:s22] =	ssyncset.done $0x0  }
0xa6: {  	[sflag:s22] =	ssyncadd.s32 s6;
	_ =	sdelay $0x1  }
0xa7: {  	s23 =	simm.s32 $0x1B8B  }
0xa8: {  	_ =	swait.ge [sflag:s23], $0x1  }
0xa9: {  	[sflag:s23] =	ssyncset.done $0x0  }
0xaa: {  	s25 =	simm.s32 $0x1B8E;
	s24 =	sld [smem:$0x3FFE];
	[sflag:s23] =	ssyncadd.s32 $0xFFFFFFFF  }
0xab: {  	s26 =	simm.s32 $execute0_lowered;
	[smem:$0x3FD2] =	sst s25  }
0xac: {  	s7 =	sshll.u32 s26, $0x1;
	_ =	strace $0x80000049;
	[dreg:$0x1] =	wrdreg $0xFFFFFFFF  }
0xad: {  	s28 =	simm.s32 $_size_execute0_lowered;
	s5 =	sadd.s32 s5, s7;
	[dreg:$0x0] =	wrdreg $0x0  }
0xae: {  	s7 =	sshll.u32 s28, $0x1;
	[dreg:$0x2] =	wrdreg s5  }
0xaf: {  	[dreg:$0x3] =	wrdreg s7  }
0xb0: {  	[dreg:$0x4] =	wrdreg $0xC0  }
0xb1: {  	_ =	task [dreg:s9], $0x5FFFF  }
0xb2: {  	[dreg:$0x1] =	wrdreg $0xFFFFFFFF  }
0xb3: {  	[dreg:$0x0] =	wrdreg $0x60  }
0xb4: {  	[dreg:$0x2] =	wrdreg s24  }
0xb5: {  	[dreg:$0x3] =	wrdreg s17  }
0xb6: {  	[dreg:$0x4] =	wrdreg s18  }
0xb7: {  	[dreg:$0x5] =	wrdreg s16  }
0xb8: {  	[dreg:$0x6] =	wrdreg $0x0  }
0xb9: {  	[dreg:$0x7] =	wrdreg $0x28000  }
0xba: {  	[dreg:$0x8] =	wrdreg $0x9  }
0xbb: {  	_ =	task.clear_ibuf [dreg:s9], $0x9FFFF;
	_ =	strace $0x90000049  }
0xbc: {  	s29 =	simm.s32 $0x9;
	_ =	strace $0x8000004B  }
0xbd: {  	_ =	swait.ge [sflag:s29], $0x1  }
0xbe: {  	[sflag:s29] =	ssyncadd.s32 $0xFFFFFFFF  }
0xbf: {  	_ =	strace $0x9000004B  }
0xc0: {  	_ =	sfence  }
0xc1: {  	s30 =	sld [smem:$0x0];
	_ =	sdelay $0x2  }
0xc2: {  	s31 =	sshll.u32 s1, $0xD;
	s1 =	sshrl.u32 s1, $0x2  }
0xc3: {  	s3 =	sand.u32 $0x4000, s31;
	s1 =	sadd.s32 s1, s30  }
0xc4: {  	s0 =	sor.u32 s3, s0;
	s1 =	sshll.u32 s1, $0x11  }
0xc5: {  	s0 =	sor.u32 s1, s0  }
0xc6: {  	s0 =	sadd.s32 $0x8F2B, s0  }
0xc7: {  	[sflag:s0] =	ssyncadd.remote.s32 $0x1  }
0xc8: {  	_ =	sfence.sel $0xFFFF  }
0xc9: {  	[dreg:$0x0] =	wrdreg $0xFFFFFFFF;
	(pc) =	sbr.abs _section_cstart, $3  }
0xca: {  	[dreg:$0x1] =	wrdreg $0xFFFFFFFF  }
0xcb: {  	_ =	task.clear_ibuf [dreg:s9], $0x2FFFF;
	_ =	strace $0x9FFFFFFF  }
0xcc: {  	(tm) =	ssettm $0x7FFFFFFF  }
0xcd: {  	_ =	shalt  }
tec
execute0_lowered:
.L_overlay_start_1:
0x0: {  	(tag) =	ssettag $0x1  }
0x1: {  	s0 =	rddreg [dreg:$0x0]  }
0x2: {  	s1 =	rddreg [dreg:$0x1]  }
0x3: {  	s4 =	rddreg [dreg:$0x2]  }
0x4: {  	s5 =	rddreg [dreg:$0x3]  }
0x5: {  	s2 =	rddreg [dreg:$0x4]  }
0x6: {  	s3 =	rddreg [dreg:$0x5]  }
0x7: {  	s6 =	simm.s32 $0x0;
	s7 =	srdreg.scid;
	s14 =	stileid.u32  }
0x8: {  	s18 =	simm.s32 $0x53C0;
	s28 =	simm.s32 $0x5410;
	s19 =	simm.s32 $0x5460  }
0x9: {  	s29 =	simm.s32 $0x1;
	s17 =	simm.s32 $0x55A0;
	s30 =	simm.s32 $0x55F0  }
0xa: {  	s20 =	simm.s32 $0x2;
	[smem:$0x7FF] =	sst s6;
	s6 =	sadd.s32 $0xCA00, s0  }
0xb: {  	s10 =	sand.u32 $0x1, s7;
	s7 =	sadd.s32 $0x2C00, s0;
	s8 =	sadd.s32 $0x3DA00, s0  }
0xc: {  	s13 =	smul.u32 $0x2800, s14;
	s9 =	sadd.s32 $0x42A00, s0;
	_ =	strace $0x8000004A  }
0xd: {  	s11 =	ssub.s32 $0x2, s10;
	s23 =	sshll.u32 s10, $0x4;
	s10 =	smul.u32 $0x28000, s10  }
0xe: {  	s12 =	sshrl.u32 s11, $0x1;
	s16 =	sadd.s32 s13, s2;
	s21 =	sadd.s32 s13, s3  }
0xf: {  	s24 =	sadd.s32 $0x1900, s13;
	s22 =	ssub.s32 s11, s12;
	s11 =	sor.u32 s14, s23  }
0x10: {  	s15 =	sadd.s32 s24, s2;
	s10 =	sadd.s32 s13, s10;
	[dreg:$0x7] =	wrdreg s16  }
0x11: {  	s12 =	sadd.s32 s24, s3;
	s23 =	simm.s32 $0x5000;
	[dreg:$0x8] =	wrdreg s21  }
0x12: {  	s24 =	simm.s32 $0x5320;
	s14 =	smul.u32 $0x4E2, s11;
	[dreg:$0x9] =	wrdreg s15  }
0x13: {  	s13 =	simm.s32 $0x5550;
	s11 =	smul.u32 $0x7D, s11;
	[dreg:$0xb] =	wrdreg s12  }
0x14: {  	s10 =	sshrl.u32 s10, $0x3;
	s0 =	smax.u32 s22, $0x1;
	s22 =	simm.s32 $0x5  }
0x15: {  	s12 =	simm.s32 $0x6A40;
	s15 =	simm.s32 $0x0;
	[dreg:$0x11] =	wrdreg s0  }
0x16: {  	s4 =	sadd.s32 s4, s10;
	s31 =	sadd.s32 s5, s10;
	[dreg:$0xa] =	wrdreg s11  }
.Ltmp0:
0x17: {  	s5 =	simm.s32 $0x5370;
	[dreg:$0xf] =	wrdreg s4;
	(pc) =	sbr.rel .LBB2_1-.Ltmp0, $4  }
0x18: {  	s10 =	simm.s32 $0x6540;
	s25 =	sadd.s32 s6, s14;
	[dreg:$0x10] =	wrdreg s31  }
0x19: {  	s26 =	sadd.s32 s7, s14;
	s11 =	sadd.s32 $0xA, s11;
	[dreg:$0xc] =	wrdreg s25  }
0x1a: {  	s4 =	simm.s32 $0x5500;
	s14 =	simm.s32 $0x3;
	[dreg:$0xd] =	wrdreg s26  }
0x1b: {  	v0 =	vimm.f32 $0.0e+00;
	[dreg:$0xe] =	wrdreg s11;
	s25 =	simm.s32 $0x50;
	s11 =	simm.s32 $0x54B0  }
.LBB2_13:
0x1c: {  	s0 =	simm.s32 $0x4  }
0x1d: {  	_ =	swait.ge [sflag:s0], $0x500  }
0x1e: {  	[sflag:s0] =	ssyncset.done $0x0  }
0x1f: {  	[sflag:s0] =	ssyncadd.s32 $0xFFFFFB00  }
0x20: {  	_ =	swait.ge [sflag:s0], $0x500  }
0x21: {  	[sflag:s0] =	ssyncset.done $0x0  }
0x22: {  	[sflag:s0] =	ssyncadd.s32 $0xFFFFFB00  }
0x23: {  	_ =	swait.ge [sflag:s0], $0x500  }
0x24: {  	[sflag:s0] =	ssyncset.done $0x0  }
0x25: {  	[sflag:s0] =	ssyncadd.s32 $0xFFFFFB00  }
0x26: {  	_ =	swait.ge [sflag:s0], $0x500  }
0x27: {  	[sflag:s0] =	ssyncset.done $0x0  }
0x28: {  	[sflag:s0] =	ssyncadd.s32 $0xFFFFFB00  }
0x29: {  	_ =	swait.ge [sflag:s0], $0x500  }
0x2a: {  	[sflag:s0] =	ssyncset.done $0x0  }
0x2b: {  	[sflag:s0] =	ssyncadd.s32 $0xFFFFFB00  }
0x2c: {  	_ =	swait.ge [sflag:s0], $0x500  }
0x2d: {  	[sflag:s0] =	ssyncset.done $0x0  }
0x2e: {  	[sflag:s0] =	ssyncadd.s32 $0xFFFFFB00  }
0x2f: {  	_ =	swait.ge [sflag:s0], $0x500  }
0x30: {  	[sflag:s0] =	ssyncset.done $0x0  }
0x31: {  	[sflag:s0] =	ssyncadd.s32 $0xFFFFFB00  }
0x32: {  	_ =	swait.ge [sflag:s0], $0x500  }
0x33: {  	[sflag:s0] =	ssyncset.done $0x0  }
0x34: {  	[sflag:s0] =	ssyncadd.s32 $0xFFFFFB00  }
0x35: {  	_ =	swait.ge [sflag:s0], $0x500  }
0x36: {  	[sflag:s0] =	ssyncset.done $0x0  }
0x37: {  	[sflag:s0] =	ssyncadd.s32 $0xFFFFFB00  }
0x38: {  	_ =	swait.ge [sflag:s0], $0x500  }
0x39: {  	[sflag:s0] =	ssyncset.done $0x0  }
0x3a: {  	[sflag:s0] =	ssyncadd.s32 $0xFFFFFB00  }
0x3b: {  	_ =	swait.ge [sflag:s14], $0x500  }
0x3c: {  	[sflag:s14] =	ssyncset.done $0x0  }
0x3d: {  	[sflag:s14] =	ssyncadd.s32 $0xFFFFFB00  }
0x3e: {  	_ =	swait.ge [sflag:s14], $0x500  }
0x3f: {  	[sflag:s14] =	ssyncset.done $0x0  }
0x40: {  	[sflag:s14] =	ssyncadd.s32 $0xFFFFFB00  }
0x41: {  	_ =	swait.ge [sflag:s14], $0x500  }
0x42: {  	[sflag:s14] =	ssyncset.done $0x0  }
0x43: {  	[sflag:s14] =	ssyncadd.s32 $0xFFFFFB00  }
0x44: {  	_ =	swait.ge [sflag:s14], $0x500  }
0x45: {  	[sflag:s14] =	ssyncset.done $0x0  }
0x46: {  	[sflag:s14] =	ssyncadd.s32 $0xFFFFFB00  }
0x47: {  	_ =	swait.ge [sflag:s14], $0x500  }
0x48: {  	[sflag:s14] =	ssyncset.done $0x0  }
0x49: {  	[sflag:s14] =	ssyncadd.s32 $0xFFFFFB00  }
0x4a: {  	_ =	swait.ge [sflag:s14], $0x500  }
0x4b: {  	[sflag:s14] =	ssyncset.done $0x0  }
0x4c: {  	[sflag:s14] =	ssyncadd.s32 $0xFFFFFB00  }
0x4d: {  	_ =	swait.ge [sflag:s14], $0x500  }
0x4e: {  	[sflag:s14] =	ssyncset.done $0x0  }
0x4f: {  	[sflag:s14] =	ssyncadd.s32 $0xFFFFFB00  }
0x50: {  	_ =	swait.ge [sflag:s14], $0x500  }
0x51: {  	[sflag:s14] =	ssyncset.done $0x0  }
0x52: {  	[sflag:s14] =	ssyncadd.s32 $0xFFFFFB00  }
0x53: {  	_ =	swait.ge [sflag:s14], $0x500  }
0x54: {  	[sflag:s14] =	ssyncset.done $0x0  }
0x55: {  	[sflag:s14] =	ssyncadd.s32 $0xFFFFFB00  }
0x56: {  	_ =	swait.ge [sflag:s14], $0x500  }
0x57: {  	[sflag:s14] =	ssyncset.done $0x0  }
0x58: {  	[sflag:s14] =	ssyncadd.s32 $0xFFFFFB00  }
0x59: {  	s26 =	stileid.u32;
	[bflag:$0x0] =	sbarrier.arrive $0xFFFF  }
0x5a: {  	s0 =	sshll.u32 s26, $0x6;
	s16 =	rddreg [dreg:$0x7]  }
0x5b: {  	s0 =	sor.u32 $0x1C05, s0;
	s21 =	rddreg [dreg:$0xf];
	s15 =	sshrl.u32 s16, $0x3  }
0x5c: {  	[hbm:s21], [sflag:s0] =	dma.local [spmem:s15], $0x500  }
0x5d: {  	_ =	swait.ge [sflag:s22], $0x500  }
0x5e: {  	[sflag:s22] =	ssyncset.done $0x0;
	s21 =	rddreg [dreg:$0x8]  }
0x5f: {  	s26 =	rddreg [dreg:$0x10];
	[sflag:s22] =	ssyncadd.s32 $0xFFFFFB00;
	s31 =	sshrl.u32 s21, $0x3  }
0x60: {  	[hbm:s26], [sflag:s0] =	dma.local [spmem:s31], $0x500  }
0x61: {  	_ =	swait.ge [sflag:s22], $0x500  }
0x62: {  	s26 =	rddreg [dreg:$0x12]  }
0x63: {  	s31 =	rddreg [dreg:$0x11];
	s15 =	sadd.s32 $0x1, s26  }
0x64: {  	p0 =	sne.s32 s15, s31  }
.Ltmp1:
0x65: {  	_ = 	snop;
	(pc) =	sbr.rel @!p0 .LBB2_14-.Ltmp1, $3  }
0x66: {  	_ =	sdelay $0x1  }
0x67: {  	[sflag:s22] =	ssyncset.done $0x0  }
0x68: {  	[sflag:s22] =	ssyncadd.s32 $0xFFFFFB00  }
.LBB2_1:
0x69: {  	[dreg:$0x12] =	wrdreg s15;
	s0 =	simm.s32 $0x40;
	s15 =	simm.s32 $0x0  }
.LBB2_2:
0x6a: {  	p0 =	sne.s32 s0, $0x63C0;
	[tilespmem:s15+$0xEC40] =	vst v0;
	s15 =	smov.u32 s0;
	s0 =	sadd.s32 $0x40, s0  }
.Ltmp2:
0x6b: {  	(pc) =	sbr.rel @p0 .LBB2_2-.Ltmp2, $2  }
0x6c: {  	_ =	sdelay $0x2  }
0x6d: {  	s15 =	sshra.s32 s15, $0x2  }
0x6e: {  	[tilespmem:s15+$0xEC40] =	vst v0;
	s26 =	simm.s32 $0xEC40  }
0x6f: {  	[spmem:s16] =	stream.linear.scatter [tilespmem:s26], [sflag:$0x5], $0x1900, $0x38;
	[tilespmem:$0x11E40] =	vst v63  }
0x70: {  	_ =	swait.ge [sflag:s22], $0x1900  }
0x71: {  	[sflag:s22] =	ssyncset.done $0x0  }
0x72: {  	[sflag:s22] =	ssyncadd.s32 $0xFFFFE700  }
0x73: {  	[spmem:s21] =	stream.linear.scatter [tilespmem:s26], [sflag:$0x5], $0x1900, $0x38;
	[tilespmem:$0x11E40] =	vst v63  }
0x74: {  	_ =	swait.ge [sflag:s22], $0x1900  }
0x75: {  	[sflag:s22] =	ssyncset.done $0x0  }
0x76: {  	s0 =	rddreg [dreg:$0x9];
	[sflag:s22] =	ssyncadd.s32 $0xFFFFE700  }
0x77: {  	[spmem:s0] =	stream.linear.scatter [tilespmem:s26], [sflag:$0x5], $0xF00, $0x38;
	[tilespmem:$0x11E40] =	vst v63  }
0x78: {  	_ =	swait.ge [sflag:s22], $0xF00  }
0x79: {  	[sflag:s22] =	ssyncset.done $0x0  }
0x7a: {  	s31 =	rddreg [dreg:$0xb];
	[sflag:s22] =	ssyncadd.s32 $0xFFFFF100  }
0x7b: {  	[spmem:s31] =	stream.linear.scatter [tilespmem:s26], [sflag:$0x5], $0xF00, $0x38;
	[tilespmem:$0x11E40] =	vst v63  }
0x7c: {  	_ =	swait.ge [sflag:s22], $0xF00  }
0x7d: {  	[sflag:s22] =	ssyncset.done $0x0  }
0x7e: {  	[sflag:s22] =	ssyncadd.s32 $0xFFFFF100  }
0x7f: {  	[bflag:$0x0] =	sbarrier.arrive $0xFFFF  }
0x80: {  	s0 =	simm.s32 $0x0;
	s16 =	rddreg [dreg:$0xc]  }
0x81: {  	[tilespmem:s23], [sflag:$0x5] =	stream.linear.gather [hbm4b:s16+s0], $0x190, $0x38;
	[tilespmem:$0x11E40] =	vst v63  }
0x82: {  	_ =	swait.ge [sflag:s22], $0x190  }
0x83: {  	[sflag:s22] =	ssyncset.done $0x0  }
0x84: {  	s21 =	rddreg [dreg:$0xd];
	[sflag:s22] =	ssyncadd.s32 $0xFFFFFE70  }
0x85: {  	[tilespmem:s24], [sflag:$0x5] =	stream.linear.gather [hbm4b:s21+s0], $0x190, $0x38;
	[tilespmem:$0x11E40] =	vst v63  }
0x86: {  	_ =	swait.ge [sflag:s22], $0x190  }
0x87: {  	[sflag:s22] =	ssyncset.done $0x0  }
0x88: {  	s26 =	simm.s32 $0x5640;
	[sflag:s22] =	ssyncadd.s32 $0xFFFFFE70  }
0x89: {  	[tilespmem:s26], [sflag:$0x1] =	stream.indirect.gather [hbm4b:s1+s25], $0x10, s23, s25, $0xb8;
	[tilespmem:$0x11E40] =	vst v63  }
0x8a: {  	s31 =	simm.s32 $0x8840  }
0x8b: {  	[tilespmem:s31], [sflag:$0x1] =	stream.indirect.gather [hbm4b:s8+s25], $0x10, s23, s25, $0xb8;
	[tilespmem:$0x11E40] =	vst v63  }
0x8c: {  	s16 =	simm.s32 $0xBA40  }
0x8d: {  	[tilespmem:s16], [sflag:$0x1] =	stream.indirect.gather [hbm4b:s9+s25], $0x10, s24, s25, $0xb8;
	[tilespmem:$0x11E40] =	vst v63  }
0x8e: {  	s21 =	simm.s32 $0x5050;
	s26 =	simm.s32 $0x5B40  }
0x8f: {  	[tilespmem:s26], [sflag:$0x1] =	stream.indirect.gather [hbm4b:s1+s25], $0x10, s21, s25, $0xb8;
	[tilespmem:$0x11E40] =	vst v63  }
0x90: {  	s31 =	simm.s32 $0x8D40  }
0x91: {  	[tilespmem:s31], [sflag:$0x1] =	stream.indirect.gather [hbm4b:s8+s25], $0x10, s21, s25, $0xb8;
	[tilespmem:$0x11E40] =	vst v63  }
0x92: {  	s16 =	simm.s32 $0xBF40  }
0x93: {  	[tilespmem:s16], [sflag:$0x1] =	stream.indirect.gather [hbm4b:s9+s25], $0x10, s5, s25, $0xb8;
	[tilespmem:$0x11E40] =	vst v63  }
0x94: {  	s26 =	simm.s32 $0x6040;
	s21 =	simm.s32 $0x50A0  }
0x95: {  	[tilespmem:s26], [sflag:$0x1] =	stream.indirect.gather [hbm4b:s1+s25], $0x10, s21, s25, $0xb8;
	[tilespmem:$0x11E40] =	vst v63  }
0x96: {  	s31 =	simm.s32 $0x9240  }
0x97: {  	[tilespmem:s31], [sflag:$0x1] =	stream.indirect.gather [hbm4b:s8+s25], $0x10, s21, s25, $0xb8;
	[tilespmem:$0x11E40] =	vst v63  }
0x98: {  	s21 =	simm.s32 $0xC440  }
0x99: {  	[tilespmem:s21], [sflag:$0x1] =	stream.indirect.gather [hbm4b:s9+s25], $0x10, s18, s25, $0xb8;
	[tilespmem:$0x11E40] =	vst v63  }
0x9a: {  	s26 =	simm.s32 $0x50F0  }
0x9b: {  	[tilespmem:s10], [sflag:$0x1] =	stream.indirect.gather [hbm4b:s1+s25], $0x10, s26, s25, $0xb8;
	[tilespmem:$0x11E40] =	vst v63  }
0x9c: {  	s31 =	simm.s32 $0x9740  }
0x9d: {  	[tilespmem:s31], [sflag:$0x1] =	stream.indirect.gather [hbm4b:s8+s25], $0x10, s26, s25, $0xb8;
	[tilespmem:$0x11E40] =	vst v63  }
0x9e: {  	s16 =	simm.s32 $0xC940  }
0x9f: {  	[tilespmem:s16], [sflag:$0x1] =	stream.indirect.gather [hbm4b:s9+s25], $0x10, s28, s25, $0xb8;
	[tilespmem:$0x11E40] =	vst v63  }
0xa0: {  	s21 =	simm.s32 $0x5140  }
0xa1: {  	[tilespmem:s12], [sflag:$0x1] =	stream.indirect.gather [hbm4b:s1+s25], $0x10, s21, s25, $0xb8;
	[tilespmem:$0x11E40] =	vst v63  }
.Ltmp3:
0xa2: {  	_ = 	snop;
	(pc) =	sbr.rel .LBB2_4-.Ltmp3, $4  }
0xa3: {  	s26 =	simm.s32 $0x9C40  }
0xa4: {  	[tilespmem:s26], [sflag:$0x1] =	stream.indirect.gather [hbm4b:s8+s25], $0x10, s21, s25, $0xb8;
	[tilespmem:$0x11E40] =	vst v63  }
0xa5: {  	s31 =	simm.s32 $0xCE40  }
0xa6: {  	[tilespmem:s31], [sflag:$0x1] =	stream.indirect.gather [hbm4b:s9+s25], $0x10, s19, s25, $0xb8;
	[tilespmem:$0x11E40] =	vst v63  }
.LBB2_12:
0xa7: {  	s0 =	sadd.s32 $0x1, s0  }
0xa8: {  	p0 =	sne.s32 s0, $0xD  }
.Ltmp4:
0xa9: {  	_ = 	snop;
	(pc) =	sbr.rel @!p0 .LBB2_13-.Ltmp4, $1  }
0xaa: {  	_ =	sdelay $0x3  }
.LBB2_4:
0xab: {  	_ =	swait.ge [sflag:s29], $0x500  }
0xac: {  	[sflag:s29] =	ssyncset.done $0x0  }
0xad: {  	[sflag:s29] =	ssyncadd.s32 $0xFFFFFB00  }
0xae: {  	_ =	swait.ge [sflag:s29], $0x500  }
0xaf: {  	[sflag:s29] =	ssyncset.done $0x0  }
0xb0: {  	[sflag:s29] =	ssyncadd.s32 $0xFFFFFB00  }
0xb1: {  	_ =	swait.ge [sflag:s29], $0x500  }
0xb2: {  	[sflag:s29] =	ssyncset.done $0x0  }
0xb3: {  	[sflag:s29] =	ssyncadd.s32 $0xFFFFFB00  }
0xb4: {  	_ =	swait.ge [sflag:s29], $0x500  }
0xb5: {  	[sflag:s29] =	ssyncset.done $0x0  }
0xb6: {  	[sflag:s29] =	ssyncadd.s32 $0xFFFFFB00  }
0xb7: {  	_ =	swait.ge [sflag:s29], $0x500  }
0xb8: {  	[sflag:s29] =	ssyncset.done $0x0  }
0xb9: {  	[sflag:s29] =	ssyncadd.s32 $0xFFFFFB00  }
0xba: {  	_ =	swait.ge [sflag:s29], $0x500  }
0xbb: {  	[sflag:s29] =	ssyncset.done $0x0  }
0xbc: {  	[sflag:s29] =	ssyncadd.s32 $0xFFFFFB00  }
0xbd: {  	_ =	swait.ge [sflag:s29], $0x500  }
0xbe: {  	[sflag:s29] =	ssyncset.done $0x0  }
0xbf: {  	[sflag:s29] =	ssyncadd.s32 $0xFFFFFB00  }
0xc0: {  	_ =	swait.ge [sflag:s29], $0x500  }
0xc1: {  	[sflag:s29] =	ssyncset.done $0x0  }
0xc2: {  	[sflag:s29] =	ssyncadd.s32 $0xFFFFFB00  }
0xc3: {  	_ =	swait.ge [sflag:s29], $0x500  }
0xc4: {  	[sflag:s29] =	ssyncset.done $0x0  }
0xc5: {  	[sflag:s29] =	ssyncadd.s32 $0xFFFFFB00  }
0xc6: {  	_ =	swait.ge [sflag:s29], $0x500  }
0xc7: {  	[sflag:s29] =	ssyncset.done $0x0  }
0xc8: {  	[sflag:s29] =	ssyncadd.s32 $0xFFFFFB00  }
0xc9: {  	_ =	swait.ge [sflag:s29], $0x500  }
0xca: {  	[sflag:s29] =	ssyncset.done $0x0  }
0xcb: {  	[sflag:s29] =	ssyncadd.s32 $0xFFFFFB00  }
0xcc: {  	_ =	swait.ge [sflag:s29], $0x500  }
0xcd: {  	[sflag:s29] =	ssyncset.done $0x0  }
0xce: {  	[sflag:s29] =	ssyncadd.s32 $0xFFFFFB00  }
0xcf: {  	_ =	swait.ge [sflag:s29], $0x500  }
0xd0: {  	[sflag:s29] =	ssyncset.done $0x0  }
0xd1: {  	s15 =	sshllo.u32 s0, $0x1;
	[sflag:s29] =	ssyncadd.s32 $0xFFFFFB00  }
0xd2: {  	p0 =	sgt.u32 s15, $0x18;
	_ =	swait.ge [sflag:s29], $0x500  }
.Ltmp5:
0xd3: {  	[sflag:s29] =	ssyncset.done $0x0;
	(pc) =	sbr.rel @p0 .LBB2_6-.Ltmp5, $4  }
0xd4: {  	[sflag:s29] =	ssyncadd.s32 $0xFFFFFB00  }
0xd5: {  	_ =	swait.ge [sflag:s29], $0x500  }
0xd6: {  	[sflag:s29] =	ssyncset.done $0x0  }
0xd7: {  	[sflag:s29] =	ssyncadd.s32 $0xFFFFFB00  }
0xd8: {  	p1 =	seq.s32 s0, $0x0  }
0xd9: {  	s16 =	simm.s32 @!p1 $0x4  }
0xda: {  	_ =	swait.ge @!p1 [sflag:s16], $0x500  }
0xdb: {  	[sflag:s16] =	ssyncset.done @!p1 $0x0  }
0xdc: {  	[sflag:s16] =	ssyncadd.s32 @!p1 $0xFFFFFB00  }
0xdd: {  	_ =	swait.ge @!p1 [sflag:s16], $0x500  }
0xde: {  	[sflag:s16] =	ssyncset.done @!p1 $0x0  }
0xdf: {  	[sflag:s16] =	ssyncadd.s32 @!p1 $0xFFFFFB00  }
0xe0: {  	_ =	swait.ge @!p1 [sflag:s16], $0x500  }
0xe1: {  	[sflag:s16] =	ssyncset.done @!p1 $0x0  }
0xe2: {  	[sflag:s16] =	ssyncadd.s32 @!p1 $0xFFFFFB00  }
0xe3: {  	_ =	swait.ge @!p1 [sflag:s16], $0x500  }
0xe4: {  	[sflag:s16] =	ssyncset.done @!p1 $0x0  }
0xe5: {  	[sflag:s16] =	ssyncadd.s32 @!p1 $0xFFFFFB00  }
0xe6: {  	_ =	swait.ge @!p1 [sflag:s16], $0x500  }
0xe7: {  	[sflag:s16] =	ssyncset.done @!p1 $0x0  }
0xe8: {  	[sflag:s16] =	ssyncadd.s32 @!p1 $0xFFFFFB00  }
0xe9: {  	_ =	swait.ge @!p1 [sflag:s16], $0x500  }
0xea: {  	[sflag:s16] =	ssyncset.done @!p1 $0x0  }
0xeb: {  	[sflag:s16] =	ssyncadd.s32 @!p1 $0xFFFFFB00  }
0xec: {  	_ =	swait.ge @!p1 [sflag:s16], $0x500  }
0xed: {  	[sflag:s16] =	ssyncset.done @!p1 $0x0  }
0xee: {  	[sflag:s16] =	ssyncadd.s32 @!p1 $0xFFFFFB00  }
0xef: {  	_ =	swait.ge @!p1 [sflag:s16], $0x500  }
0xf0: {  	[sflag:s16] =	ssyncset.done @!p1 $0x0  }
0xf1: {  	[sflag:s16] =	ssyncadd.s32 @!p1 $0xFFFFFB00  }
0xf2: {  	s15 =	smul.u32 $0x5, s15;
	_ =	swait.ge @!p1 [sflag:s16], $0x500  }
0xf3: {  	[sflag:s16] =	ssyncset.done @!p1 $0x0;
	s21 =	rddreg [dreg:$0xa]  }
0xf4: {  	[sflag:s16] =	ssyncadd.s32 @!p1 $0xFFFFFB00;
	s15 =	sadd.s32 s21, s15  }
0xf5: {  	_ =	swait.ge @!p1 [sflag:s16], $0x500;
	s15 =	smul.u32 $0xA, s15  }
0xf6: {  	s31 =	simm.s32 $0x0;
	[sflag:s16] =	ssyncset.done @!p1 $0x0  }
0xf7: {  	s26 =	simm.s32 $0x5190;
	[sflag:s16] =	ssyncadd.s32 @!p1 $0xFFFFFB00;
	s21 =	sadd.s32 s6, s15  }
0xf8: {  	[tilespmem:s26], [sflag:$0x5] =	stream.linear.gather [hbm4b:s21+s31], $0x190, $0x38;
	[tilespmem:$0x11E40] =	vst v63  }
0xf9: {  	_ =	swait.ge [sflag:s22], $0x190  }
0xfa: {  	[sflag:s22] =	ssyncset.done $0x0  }
0xfb: {  	s15 =	sadd.s32 s7, s15;
	[sflag:s22] =	ssyncadd.s32 $0xFFFFFE70  }
0xfc: {  	[tilespmem:s11], [sflag:$0x5] =	stream.linear.gather [hbm4b:s15+s31], $0x190, $0x38;
	[tilespmem:$0x11E40] =	vst v63  }
0xfd: {  	_ =	swait.ge [sflag:s22], $0x190  }
0xfe: {  	[sflag:s22] =	ssyncset.done $0x0  }
0xff: {  	s21 =	simm.s32 $0x6F40;
	[sflag:s22] =	ssyncadd.s32 $0xFFFFFE70  }
0x100: {  	[tilespmem:s21], [sflag:$0x2] =	stream.indirect.gather [hbm4b:s1+s25], $0x10, s26, s25, $0xb8;
	[tilespmem:$0x11E40] =	vst v63  }
0x101: {  	s31 =	simm.s32 $0xA140  }
0x102: {  	[tilespmem:s31], [sflag:$0x2] =	stream.indirect.gather [hbm4b:s8+s25], $0x10, s26, s25, $0xb8;
	[tilespmem:$0x11E40] =	vst v63  }
0x103: {  	s16 =	simm.s32 $0xD340  }
0x104: {  	[tilespmem:s16], [sflag:$0x2] =	stream.indirect.gather [hbm4b:s9+s25], $0x10, s11, s25, $0xb8;
	[tilespmem:$0x11E40] =	vst v63  }
0x105: {  	s21 =	simm.s32 $0x51E0;
	s26 =	simm.s32 $0x7440  }
0x106: {  	[tilespmem:s26], [sflag:$0x2] =	stream.indirect.gather [hbm4b:s1+s25], $0x10, s21, s25, $0xb8;
	[tilespmem:$0x11E40] =	vst v63  }
0x107: {  	s31 =	simm.s32 $0xA640  }
0x108: {  	[tilespmem:s31], [sflag:$0x2] =	stream.indirect.gather [hbm4b:s8+s25], $0x10, s21, s25, $0xb8;
	[tilespmem:$0x11E40] =	vst v63  }
0x109: {  	s16 =	simm.s32 $0xD840  }
0x10a: {  	[tilespmem:s16], [sflag:$0x2] =	stream.indirect.gather [hbm4b:s9+s25], $0x10, s4, s25, $0xb8;
	[tilespmem:$0x11E40] =	vst v63  }
0x10b: {  	s26 =	simm.s32 $0x7940;
	s21 =	simm.s32 $0x5230  }
0x10c: {  	[tilespmem:s26], [sflag:$0x2] =	stream.indirect.gather [hbm4b:s1+s25], $0x10, s21, s25, $0xb8;
	[tilespmem:$0x11E40] =	vst v63  }
0x10d: {  	s31 =	simm.s32 $0xAB40  }
0x10e: {  	[tilespmem:s31], [sflag:$0x2] =	stream.indirect.gather [hbm4b:s8+s25], $0x10, s21, s25, $0xb8;
	[tilespmem:$0x11E40] =	vst v63  }
0x10f: {  	s21 =	simm.s32 $0xDD40  }
0x110: {  	[tilespmem:s21], [sflag:$0x2] =	stream.indirect.gather [hbm4b:s9+s25], $0x10, s13, s25, $0xb8;
	[tilespmem:$0x11E40] =	vst v63  }
0x111: {  	s26 =	simm.s32 $0x5280;
	s31 =	simm.s32 $0x7E40  }
0x112: {  	[tilespmem:s31], [sflag:$0x2] =	stream.indirect.gather [hbm4b:s1+s25], $0x10, s26, s25, $0xb8;
	[tilespmem:$0x11E40] =	vst v63  }
0x113: {  	s21 =	simm.s32 $0xB040  }
0x114: {  	[tilespmem:s21], [sflag:$0x2] =	stream.indirect.gather [hbm4b:s8+s25], $0x10, s26, s25, $0xb8;
	[tilespmem:$0x11E40] =	vst v63  }
0x115: {  	s26 =	simm.s32 $0xE240  }
0x116: {  	[tilespmem:s26], [sflag:$0x2] =	stream.indirect.gather [hbm4b:s9+s25], $0x10, s17, s25, $0xb8;
	[tilespmem:$0x11E40] =	vst v63  }
0x117: {  	s31 =	simm.s32 $0x52D0;
	s21 =	simm.s32 $0x8340  }
0x118: {  	[tilespmem:s21], [sflag:$0x2] =	stream.indirect.gather [hbm4b:s1+s25], $0x10, s31, s25, $0xb8;
	[tilespmem:$0x11E40] =	vst v63  }
0x119: {  	s26 =	simm.s32 $0xB540  }
0x11a: {  	[tilespmem:s26], [sflag:$0x2] =	stream.indirect.gather [hbm4b:s8+s25], $0x10, s31, s25, $0xb8;
	[tilespmem:$0x11E40] =	vst v63  }
0x11b: {  	s31 =	simm.s32 $0xE740  }
0x11c: {  	[tilespmem:s31], [sflag:$0x2] =	stream.indirect.gather [hbm4b:s9+s25], $0x10, s30, s25, $0xb8;
	[tilespmem:$0x11E40] =	vst v63  }
.LBB2_6:
0x11d: {  	s31 =	simm.s32 $0x0  }
0x11e: {  	v1 =	vld [tilespmem:s31+$0x8840]  }
0x11f: {  	v2 =	vld [tilespmem:s31+$0xBA40];
	_ =	sdelay $0x4  }
0x120: {  	v1 =	vadd.f32 v2, v1;
	_ =	sdelay $0x1  }
0x121: {  	s21 =	simm.s32 $0x10;
	v2 =	vmul.f32 $2.000000030e-01, v1  }
0x122: {  	v3 =	vld [tilespmem:s21+$0x8840]  }
0x123: {  	v1 =	vmax.f32 v1, v2;
	v2 =	vld [tilespmem:s21+$0xBA40]  }
0x124: {  	v1 =	vmul.f32 $1.442695020e+00, v1;
	_ =	sdelay $0x1  }
0x125: {  	(erf) = vpow2.f32 v1;
	_ =	sdelay $0x1  }
0x126: {  	s26 =	simm.s32 $0x20;
	v1 =	vadd.f32 v2, v3  }
0x127: {  	v2 =	vld [tilespmem:s26+$0x8840]  }
0x128: {  	v3 =	vld [tilespmem:s26+$0xBA40];
	v4 =	vmul.f32 $2.000000030e-01, v1;
	_ =	sdelay $0x1  }
0x129: {  	v5 =	vld [tilespmem:s31+$0x5640];
	v1 =	vmax.f32 v1, v4  }
0x12a: {  	v4 =	vmul.f32 $1.442695020e+00, v1;
	_ =	sdelay $0x1  }
0x12b: {  	v1 =	vadd.f32 v3, v2;
	v2 =	vpop (erf);
	(erf) = vpow2.f32 v4;
	_ =	sdelay $0x1  }
0x12c: {  	s15 =	simm.s32 $0x30;
	[tilespmem:s31+$0xEC40] =	vst v2;
	v3 =	vmul.f32 v2, v5  }
0x12d: {  	s16 =	simm.s32 $0x100;
	v4 =	vmul.f32 $2.000000030e-01, v1;
	v2 =	vld [tilespmem:s15+$0x8840]  }
.LBB2_7:
0x12e: {  	p1 =	sne.s32 s16, $0x63C0;
	v5 =	vld [tilespmem:s15+$0xBA40];
	[tilespmem:s31+$0x5640] =	vst v3;
	s31 =	smov.u32 s21;
	s21 =	smov.u32 s26  }
0x12f: {  	s26 =	smov.u32 s15;
	v1 =	vmax.f32 v1, v4;
	v3 =	vld [tilespmem:s31+$0x5640]  }
0x130: {  	v1 =	vmul.f32 $1.442695020e+00, v1  }
.Ltmp6:
0x131: {  	(pc) =	sbr.rel @p1 .LBB2_7-.Ltmp6, $4  }
0x132: {  	(erf) = vpow2.f32 v1  }
0x133: {  	v1 =	vadd.f32 v5, v2;
	v2 =	vpop (erf)  }
0x134: {  	s15 =	sshra.s32 s16, $0x2;
	v3 =	vmul.f32 v2, v3;
	[tilespmem:s31+$0xEC40] =	vst v2  }
0x135: {  	s16 =	sadd.s32 $0x40, s16;
	v2 =	vld [tilespmem:s15+$0x8840];
	v4 =	vmul.f32 $2.000000030e-01, v1  }
0x136: {  	v5 =	vld [tilespmem:s15+$0xBA40]  }
0x137: {  	[tilespmem:s31+$0x5640] =	vst v3  }
0x138: {  	v1 =	vmax.f32 v1, v4;
	v3 =	vld [tilespmem:s21+$0x5640]  }
0x139: {  	v1 =	vmul.f32 $1.442695020e+00, v1;
	_ =	sdelay $0x1  }
0x13a: {  	(erf) = vpow2.f32 v1;
	v1 =	vadd.f32 v5, v2  }
0x13b: {  	v2 =	vpop (erf)  }
0x13c: {  	v3 =	vmul.f32 v2, v3;
	[tilespmem:s21+$0xEC40] =	vst v2;
	v2 =	vmul.f32 $2.000000030e-01, v1;
	_ =	sdelay $0x1  }
0x13d: {  	[tilespmem:s21+$0x5640] =	vst v3;
	v1 =	vmax.f32 v1, v2  }
0x13e: {  	v2 =	vld [tilespmem:s26+$0x5640];
	v1 =	vmul.f32 $1.442695020e+00, v1;
	_ =	sdelay $0x2  }
0x13f: {  	(erf) = vpow2.f32 v1  }
0x140: {  	v1 =	vpop (erf)  }
0x141: {  	v2 =	vmul.f32 v1, v2  }
0x142: {  	[tilespmem:s26+$0xEC40] =	vst v1  }
0x143: {  	[tilespmem:s26+$0x5640] =	vst v2  }
0x144: {  	v1 =	vld [tilespmem:s15+$0x5640];
	_ =	sdelay $0x3  }
0x145: {  	v2 =	vpop (erf)  }
0x146: {  	v1 =	vmul.f32 v2, v1  }
0x147: {  	[tilespmem:s15+$0xEC40] =	vst v2  }
0x148: {  	s16 =	simm.s32 $0x5640;
	[tilespmem:s15+$0x5640] =	vst v1  }
0x149: {  	[spmem:s2] =	stream.indirect.scatter.add.f32 [tilespmem:s16], [sflag:$0x3], $0x10, s24, s25, $0xb8;
	[tilespmem:$0x11E40] =	vst v63  }
0x14a: {  	s21 =	simm.s32 $0xEC40  }
0x14b: {  	[spmem:s3] =	stream.indirect.scatter.add.f32 [tilespmem:s21], [sflag:$0x3], $0x10, s24, s25, $0xb8;
	[tilespmem:$0x11E40] =	vst v63  }
0x14c: {  	s26 =	simm.s32 $0x5B40  }
0x14d: {  	[spmem:s2] =	stream.indirect.scatter.add.f32 [tilespmem:s26], [sflag:$0x3], $0x10, s5, s25, $0xb8;
	[tilespmem:$0x11E40] =	vst v63  }
0x14e: {  	s31 =	simm.s32 $0xF140  }
0x14f: {  	[spmem:s3] =	stream.indirect.scatter.add.f32 [tilespmem:s31], [sflag:$0x3], $0x10, s5, s25, $0xb8;
	[tilespmem:$0x11E40] =	vst v63  }
0x150: {  	s16 =	simm.s32 $0x6040  }
0x151: {  	[spmem:s2] =	stream.indirect.scatter.add.f32 [tilespmem:s16], [sflag:$0x3], $0x10, s18, s25, $0xb8;
	[tilespmem:$0x11E40] =	vst v63  }
0x152: {  	s21 =	simm.s32 $0xF640  }
0x153: {  	[spmem:s3] =	stream.indirect.scatter.add.f32 [tilespmem:s21], [sflag:$0x3], $0x10, s18, s25, $0xb8;
	[tilespmem:$0x11E40] =	vst v63  }
0x154: {  	_ = 	snop  }
0x155: {  	[spmem:s2] =	stream.indirect.scatter.add.f32 [tilespmem:s10], [sflag:$0x3], $0x10, s28, s25, $0xb8;
	[tilespmem:$0x11E40] =	vst v63  }
0x156: {  	s26 =	simm.s32 $0xFB40  }
0x157: {  	[spmem:s3] =	stream.indirect.scatter.add.f32 [tilespmem:s26], [sflag:$0x3], $0x10, s28, s25, $0xb8;
	[tilespmem:$0x11E40] =	vst v63  }
.Ltmp7:
0x158: {  	_ = 	snop;
	(pc) =	sbr.rel @p0 .LBB2_12-.Ltmp7, $4  }
0x159: {  	_ = 	snop  }
0x15a: {  	[spmem:s2] =	stream.indirect.scatter.add.f32 [tilespmem:s12], [sflag:$0x3], $0x10, s19, s25, $0xb8;
	[tilespmem:$0x11E40] =	vst v63  }
0x15b: {  	s31 =	simm.s32 $0x10040  }
0x15c: {  	[spmem:s3] =	stream.indirect.scatter.add.f32 [tilespmem:s31], [sflag:$0x3], $0x10, s19, s25, $0xb8;
	[tilespmem:$0x11E40] =	vst v63  }
0x15d: {  	_ =	swait.ge [sflag:s20], $0x500  }
0x15e: {  	[sflag:s20] =	ssyncset.done $0x0  }
0x15f: {  	[sflag:s20] =	ssyncadd.s32 $0xFFFFFB00  }
0x160: {  	_ =	swait.ge [sflag:s20], $0x500  }
0x161: {  	[sflag:s20] =	ssyncset.done $0x0  }
0x162: {  	[sflag:s20] =	ssyncadd.s32 $0xFFFFFB00  }
0x163: {  	_ =	swait.ge [sflag:s20], $0x500  }
0x164: {  	[sflag:s20] =	ssyncset.done $0x0  }
0x165: {  	[sflag:s20] =	ssyncadd.s32 $0xFFFFFB00  }
0x166: {  	_ =	swait.ge [sflag:s20], $0x500  }
0x167: {  	[sflag:s20] =	ssyncset.done $0x0  }
0x168: {  	[sflag:s20] =	ssyncadd.s32 $0xFFFFFB00  }
0x169: {  	_ =	swait.ge [sflag:s20], $0x500  }
0x16a: {  	[sflag:s20] =	ssyncset.done $0x0  }
0x16b: {  	[sflag:s20] =	ssyncadd.s32 $0xFFFFFB00  }
0x16c: {  	_ =	swait.ge [sflag:s20], $0x500  }
0x16d: {  	[sflag:s20] =	ssyncset.done $0x0  }
0x16e: {  	[sflag:s20] =	ssyncadd.s32 $0xFFFFFB00  }
0x16f: {  	_ =	swait.ge [sflag:s20], $0x500  }
0x170: {  	[sflag:s20] =	ssyncset.done $0x0  }
0x171: {  	[sflag:s20] =	ssyncadd.s32 $0xFFFFFB00  }
0x172: {  	_ =	swait.ge [sflag:s20], $0x500  }
0x173: {  	[sflag:s20] =	ssyncset.done $0x0  }
0x174: {  	[sflag:s20] =	ssyncadd.s32 $0xFFFFFB00  }
0x175: {  	_ =	swait.ge [sflag:s20], $0x500  }
0x176: {  	[sflag:s20] =	ssyncset.done $0x0  }
0x177: {  	[sflag:s20] =	ssyncadd.s32 $0xFFFFFB00  }
0x178: {  	_ =	swait.ge [sflag:s20], $0x500  }
0x179: {  	[sflag:s20] =	ssyncset.done $0x0  }
0x17a: {  	[sflag:s20] =	ssyncadd.s32 $0xFFFFFB00  }
0x17b: {  	_ =	swait.ge [sflag:s20], $0x500  }
0x17c: {  	[sflag:s20] =	ssyncset.done $0x0  }
0x17d: {  	[sflag:s20] =	ssyncadd.s32 $0xFFFFFB00  }
0x17e: {  	_ =	swait.ge [sflag:s20], $0x500  }
0x17f: {  	[sflag:s20] =	ssyncset.done $0x0  }
0x180: {  	[sflag:s20] =	ssyncadd.s32 $0xFFFFFB00  }
0x181: {  	_ =	swait.ge [sflag:s20], $0x500  }
0x182: {  	[sflag:s20] =	ssyncset.done $0x0  }
0x183: {  	[sflag:s20] =	ssyncadd.s32 $0xFFFFFB00  }
0x184: {  	_ =	swait.ge [sflag:s20], $0x500  }
0x185: {  	[sflag:s20] =	ssyncset.done $0x0  }
0x186: {  	[sflag:s20] =	ssyncadd.s32 $0xFFFFFB00  }
0x187: {  	_ =	swait.ge [sflag:s20], $0x500  }
0x188: {  	[sflag:s20] =	ssyncset.done $0x0  }
0x189: {  	[sflag:s20] =	ssyncadd.s32 $0xFFFFFB00  }
0x18a: {  	_ =	swait.ge [sflag:s14], $0x500  }
0x18b: {  	[sflag:s14] =	ssyncset.done $0x0  }
0x18c: {  	[sflag:s14] =	ssyncadd.s32 $0xFFFFFB00  }
0x18d: {  	_ =	swait.ge [sflag:s14], $0x500  }
0x18e: {  	[sflag:s14] =	ssyncset.done $0x0  }
0x18f: {  	[sflag:s14] =	ssyncadd.s32 $0xFFFFFB00  }
0x190: {  	_ =	swait.ge [sflag:s14], $0x500  }
0x191: {  	[sflag:s14] =	ssyncset.done $0x0  }
0x192: {  	[sflag:s14] =	ssyncadd.s32 $0xFFFFFB00  }
0x193: {  	_ =	swait.ge [sflag:s14], $0x500  }
0x194: {  	[sflag:s14] =	ssyncset.done $0x0  }
0x195: {  	[sflag:s14] =	ssyncadd.s32 $0xFFFFFB00  }
0x196: {  	_ =	swait.ge [sflag:s14], $0x500  }
0x197: {  	[sflag:s14] =	ssyncset.done $0x0  }
0x198: {  	[sflag:s14] =	ssyncadd.s32 $0xFFFFFB00  }
0x199: {  	_ =	swait.ge [sflag:s14], $0x500  }
0x19a: {  	[sflag:s14] =	ssyncset.done $0x0  }
0x19b: {  	[sflag:s14] =	ssyncadd.s32 $0xFFFFFB00  }
0x19c: {  	_ =	swait.ge [sflag:s14], $0x500  }
0x19d: {  	[sflag:s14] =	ssyncset.done $0x0  }
0x19e: {  	[sflag:s14] =	ssyncadd.s32 $0xFFFFFB00  }
0x19f: {  	_ =	swait.ge [sflag:s14], $0x500  }
0x1a0: {  	[sflag:s14] =	ssyncset.done $0x0  }
0x1a1: {  	[sflag:s14] =	ssyncadd.s32 $0xFFFFFB00  }
0x1a2: {  	s15 =	smul.u32 $0xA, s0;
	_ =	swait.ge [sflag:s14], $0x500  }
0x1a3: {  	[sflag:s14] =	ssyncset.done $0x0;
	s16 =	rddreg [dreg:$0xe]  }
0x1a4: {  	[sflag:s14] =	ssyncadd.s32 $0xFFFFFB00;
	s15 =	sadd.s32 s15, s16  }
0x1a5: {  	_ =	swait.ge [sflag:s14], $0x500;
	s15 =	smul.u32 $0xA, s15  }
0x1a6: {  	[sflag:s14] =	ssyncset.done $0x0  }
0x1a7: {  	s21 =	simm.s32 $0x0;
	[sflag:s14] =	ssyncadd.s32 $0xFFFFFB00;
	s26 =	sadd.s32 s6, s15  }
0x1a8: {  	[tilespmem:s23], [sflag:$0x5] =	stream.linear.gather [hbm4b:s26+s21], $0x190, $0x38;
	[tilespmem:$0x11E40] =	vst v63  }
0x1a9: {  	_ =	swait.ge [sflag:s22], $0x190  }
0x1aa: {  	[sflag:s22] =	ssyncset.done $0x0  }
0x1ab: {  	s15 =	sadd.s32 s7, s15;
	[sflag:s22] =	ssyncadd.s32 $0xFFFFFE70  }
0x1ac: {  	[tilespmem:s24], [sflag:$0x5] =	stream.linear.gather [hbm4b:s15+s21], $0x190, $0x38;
	[tilespmem:$0x11E40] =	vst v63  }
0x1ad: {  	_ =	swait.ge [sflag:s22], $0x190  }
0x1ae: {  	[sflag:s22] =	ssyncset.done $0x0  }
0x1af: {  	s21 =	simm.s32 $0x5640;
	[sflag:s22] =	ssyncadd.s32 $0xFFFFFE70  }
0x1b0: {  	[tilespmem:s21], [sflag:$0x1] =	stream.indirect.gather [hbm4b:s1+s25], $0x10, s23, s25, $0xb8;
	[tilespmem:$0x11E40] =	vst v63  }
0x1b1: {  	s26 =	simm.s32 $0x8840  }
0x1b2: {  	[tilespmem:s26], [sflag:$0x1] =	stream.indirect.gather [hbm4b:s8+s25], $0x10, s23, s25, $0xb8;
	[tilespmem:$0x11E40] =	vst v63  }
0x1b3: {  	s16 =	simm.s32 $0xBA40  }
0x1b4: {  	[tilespmem:s16], [sflag:$0x1] =	stream.indirect.gather [hbm4b:s9+s25], $0x10, s24, s25, $0xb8;
	[tilespmem:$0x11E40] =	vst v63  }
0x1b5: {  	s15 =	simm.s32 $0x5050;
	s21 =	simm.s32 $0x5B40  }
0x1b6: {  	[tilespmem:s21], [sflag:$0x1] =	stream.indirect.gather [hbm4b:s1+s25], $0x10, s15, s25, $0xb8;
	[tilespmem:$0x11E40] =	vst v63  }
0x1b7: {  	s26 =	simm.s32 $0x8D40  }
0x1b8: {  	[tilespmem:s26], [sflag:$0x1] =	stream.indirect.gather [hbm4b:s8+s25], $0x10, s15, s25, $0xb8;
	[tilespmem:$0x11E40] =	vst v63  }
0x1b9: {  	s21 =	simm.s32 $0xBF40  }
0x1ba: {  	[tilespmem:s21], [sflag:$0x1] =	stream.indirect.gather [hbm4b:s9+s25], $0x10, s5, s25, $0xb8;
	[tilespmem:$0x11E40] =	vst v63  }
0x1bb: {  	s15 =	simm.s32 $0x50A0;
	s26 =	simm.s32 $0x6040  }
0x1bc: {  	[tilespmem:s26], [sflag:$0x1] =	stream.indirect.gather [hbm4b:s1+s25], $0x10, s15, s25, $0xb8;
	[tilespmem:$0x11E40] =	vst v63  }
0x1bd: {  	s21 =	simm.s32 $0x9240  }
0x1be: {  	[tilespmem:s21], [sflag:$0x1] =	stream.indirect.gather [hbm4b:s8+s25], $0x10, s15, s25, $0xb8;
	[tilespmem:$0x11E40] =	vst v63  }
0x1bf: {  	s26 =	simm.s32 $0xC440  }
0x1c0: {  	[tilespmem:s26], [sflag:$0x1] =	stream.indirect.gather [hbm4b:s9+s25], $0x10, s18, s25, $0xb8;
	[tilespmem:$0x11E40] =	vst v63  }
0x1c1: {  	s16 =	simm.s32 $0x50F0  }
0x1c2: {  	[tilespmem:s10], [sflag:$0x1] =	stream.indirect.gather [hbm4b:s1+s25], $0x10, s16, s25, $0xb8;
	[tilespmem:$0x11E40] =	vst v63  }
0x1c3: {  	s21 =	simm.s32 $0x9740  }
0x1c4: {  	[tilespmem:s21], [sflag:$0x1] =	stream.indirect.gather [hbm4b:s8+s25], $0x10, s16, s25, $0xb8;
	[tilespmem:$0x11E40] =	vst v63  }
0x1c5: {  	s26 =	simm.s32 $0xC940  }
0x1c6: {  	[tilespmem:s26], [sflag:$0x1] =	stream.indirect.gather [hbm4b:s9+s25], $0x10, s28, s25, $0xb8;
	[tilespmem:$0x11E40] =	vst v63  }
0x1c7: {  	s16 =	simm.s32 $0x5140  }
0x1c8: {  	[tilespmem:s12], [sflag:$0x1] =	stream.indirect.gather [hbm4b:s1+s25], $0x10, s16, s25, $0xb8;
	[tilespmem:$0x11E40] =	vst v63  }
0x1c9: {  	s21 =	simm.s32 $0x9C40  }
0x1ca: {  	[tilespmem:s21], [sflag:$0x1] =	stream.indirect.gather [hbm4b:s8+s25], $0x10, s16, s25, $0xb8;
	[tilespmem:$0x11E40] =	vst v63  }
0x1cb: {  	s31 =	simm.s32 $0x0;
	s26 =	simm.s32 $0xCE40  }
0x1cc: {  	[tilespmem:s26], [sflag:$0x1] =	stream.indirect.gather [hbm4b:s9+s25], $0x10, s19, s25, $0xb8;
	[tilespmem:$0x11E40] =	vst v63  }
0x1cd: {  	v1 =	vld [tilespmem:s31+$0xA140]  }
0x1ce: {  	v2 =	vld [tilespmem:s31+$0xD340];
	_ =	sdelay $0x4  }
0x1cf: {  	v1 =	vadd.f32 v2, v1;
	_ =	sdelay $0x1  }
0x1d0: {  	s21 =	simm.s32 $0x10;
	v2 =	vmul.f32 $2.000000030e-01, v1  }
0x1d1: {  	v3 =	vld [tilespmem:s21+$0xA140]  }
0x1d2: {  	v1 =	vmax.f32 v1, v2;
	v2 =	vld [tilespmem:s21+$0xD340]  }
0x1d3: {  	v1 =	vmul.f32 $1.442695020e+00, v1;
	_ =	sdelay $0x1  }
0x1d4: {  	(erf) = vpow2.f32 v1;
	_ =	sdelay $0x1  }
0x1d5: {  	s26 =	simm.s32 $0x20;
	v1 =	vadd.f32 v2, v3  }
0x1d6: {  	v2 =	vld [tilespmem:s26+$0xA140]  }
0x1d7: {  	v3 =	vld [tilespmem:s26+$0xD340];
	v4 =	vmul.f32 $2.000000030e-01, v1;
	_ =	sdelay $0x1  }
0x1d8: {  	v5 =	vld [tilespmem:s31+$0x6F40];
	v1 =	vmax.f32 v1, v4  }
0x1d9: {  	v4 =	vmul.f32 $1.442695020e+00, v1;
	_ =	sdelay $0x1  }
0x1da: {  	v1 =	vadd.f32 v3, v2;
	v2 =	vpop (erf);
	(erf) = vpow2.f32 v4;
	_ =	sdelay $0x1  }
0x1db: {  	s15 =	simm.s32 $0x30;
	[tilespmem:s31+$0x10540] =	vst v2;
	v3 =	vmul.f32 v2, v5  }
0x1dc: {  	s16 =	simm.s32 $0x100;
	v4 =	vmul.f32 $2.000000030e-01, v1;
	v2 =	vld [tilespmem:s15+$0xA140]  }
.LBB2_10:
0x1dd: {  	p0 =	sne.s32 s16, $0x63C0;
	v5 =	vld [tilespmem:s15+$0xD340];
	[tilespmem:s31+$0x6F40] =	vst v3;
	s31 =	smov.u32 s21;
	s21 =	smov.u32 s26  }
0x1de: {  	s26 =	smov.u32 s15;
	v1 =	vmax.f32 v1, v4;
	v3 =	vld [tilespmem:s31+$0x6F40]  }
0x1df: {  	v1 =	vmul.f32 $1.442695020e+00, v1  }
.Ltmp8:
0x1e0: {  	(pc) =	sbr.rel @p0 .LBB2_10-.Ltmp8, $4  }
0x1e1: {  	(erf) = vpow2.f32 v1  }
0x1e2: {  	v1 =	vadd.f32 v5, v2;
	v2 =	vpop (erf)  }
0x1e3: {  	s15 =	sshra.s32 s16, $0x2;
	v3 =	vmul.f32 v2, v3;
	[tilespmem:s31+$0x10540] =	vst v2  }
0x1e4: {  	s16 =	sadd.s32 $0x40, s16;
	v2 =	vld [tilespmem:s15+$0xA140];
	v4 =	vmul.f32 $2.000000030e-01, v1  }
0x1e5: {  	v5 =	vld [tilespmem:s15+$0xD340]  }
0x1e6: {  	[tilespmem:s31+$0x6F40] =	vst v3  }
0x1e7: {  	v1 =	vmax.f32 v1, v4;
	v3 =	vld [tilespmem:s21+$0x6F40]  }
0x1e8: {  	v1 =	vmul.f32 $1.442695020e+00, v1;
	_ =	sdelay $0x1  }
0x1e9: {  	(erf) = vpow2.f32 v1;
	v1 =	vadd.f32 v5, v2  }
0x1ea: {  	v2 =	vpop (erf)  }
0x1eb: {  	v3 =	vmul.f32 v2, v3;
	[tilespmem:s21+$0x10540] =	vst v2;
	v2 =	vmul.f32 $2.000000030e-01, v1;
	_ =	sdelay $0x1  }
0x1ec: {  	[tilespmem:s21+$0x6F40] =	vst v3;
	v1 =	vmax.f32 v1, v2  }
0x1ed: {  	v2 =	vld [tilespmem:s26+$0x6F40];
	v1 =	vmul.f32 $1.442695020e+00, v1;
	_ =	sdelay $0x2  }
0x1ee: {  	(erf) = vpow2.f32 v1  }
0x1ef: {  	v1 =	vpop (erf)  }
0x1f0: {  	v2 =	vmul.f32 v1, v2  }
0x1f1: {  	[tilespmem:s26+$0x10540] =	vst v1  }
0x1f2: {  	[tilespmem:s26+$0x6F40] =	vst v2  }
0x1f3: {  	v1 =	vld [tilespmem:s15+$0x6F40];
	_ =	sdelay $0x3  }
0x1f4: {  	v2 =	vpop (erf)  }
0x1f5: {  	v1 =	vmul.f32 v2, v1  }
0x1f6: {  	[tilespmem:s15+$0x10540] =	vst v2  }
0x1f7: {  	s26 =	simm.s32 $0x6F40;
	[tilespmem:s15+$0x6F40] =	vst v1  }
0x1f8: {  	[spmem:s2] =	stream.indirect.scatter.add.f32 [tilespmem:s26], [sflag:$0x4], $0x10, s11, s25, $0xb8;
	[tilespmem:$0x11E40] =	vst v63  }
0x1f9: {  	s31 =	simm.s32 $0x10540  }
0x1fa: {  	[spmem:s3] =	stream.indirect.scatter.add.f32 [tilespmem:s31], [sflag:$0x4], $0x10, s11, s25, $0xb8;
	[tilespmem:$0x11E40] =	vst v63  }
0x1fb: {  	s16 =	simm.s32 $0x7440  }
0x1fc: {  	[spmem:s2] =	stream.indirect.scatter.add.f32 [tilespmem:s16], [sflag:$0x4], $0x10, s4, s25, $0xb8;
	[tilespmem:$0x11E40] =	vst v63  }
0x1fd: {  	s21 =	simm.s32 $0x10A40  }
0x1fe: {  	[spmem:s3] =	stream.indirect.scatter.add.f32 [tilespmem:s21], [sflag:$0x4], $0x10, s4, s25, $0xb8;
	[tilespmem:$0x11E40] =	vst v63  }
0x1ff: {  	s26 =	simm.s32 $0x7940  }
0x200: {  	[spmem:s2] =	stream.indirect.scatter.add.f32 [tilespmem:s26], [sflag:$0x4], $0x10, s13, s25, $0xb8;
	[tilespmem:$0x11E40] =	vst v63  }
0x201: {  	s31 =	simm.s32 $0x10F40  }
0x202: {  	[spmem:s3] =	stream.indirect.scatter.add.f32 [tilespmem:s31], [sflag:$0x4], $0x10, s13, s25, $0xb8;
	[tilespmem:$0x11E40] =	vst v63  }
0x203: {  	s16 =	simm.s32 $0x7E40  }
0x204: {  	[spmem:s2] =	stream.indirect.scatter.add.f32 [tilespmem:s16], [sflag:$0x4], $0x10, s17, s25, $0xb8;
	[tilespmem:$0x11E40] =	vst v63  }
0x205: {  	s21 =	simm.s32 $0x11440  }
0x206: {  	[spmem:s3] =	stream.indirect.scatter.add.f32 [tilespmem:s21], [sflag:$0x4], $0x10, s17, s25, $0xb8;
	[tilespmem:$0x11E40] =	vst v63  }
.Ltmp9:
0x207: {  	_ = 	snop;
	(pc) =	sbr.rel .LBB2_12-.Ltmp9, $4  }
0x208: {  	s26 =	simm.s32 $0x8340  }
0x209: {  	[spmem:s2] =	stream.indirect.scatter.add.f32 [tilespmem:s26], [sflag:$0x4], $0x10, s30, s25, $0xb8;
	[tilespmem:$0x11E40] =	vst v63  }
0x20a: {  	s31 =	simm.s32 $0x11940  }
0x20b: {  	[spmem:s3] =	stream.indirect.scatter.add.f32 [tilespmem:s31], [sflag:$0x4], $0x10, s30, s25, $0xb8;
	[tilespmem:$0x11E40] =	vst v63  }
.LBB2_14:
0x20c: {  	_ =	sfence.sel $0x180000  }
0x20d: {  	[bflag:$0x0] =	sbarrier.arrive $0xFFFF  }
0x20e: {  	_ =	strace $0x9000004A  }
0x20f: {  	s0 =	stileid.u32;
	[bflag:$0x2] =	sbarrier.arrive $0xFFFF  }
0x210: {  	p0 =	sne.s32 s0, $0x0;
	s0 =	rddreg [dreg:$0x6]  }
0x211: {  	s0 =	sadd.s32 @!p0 $0x100000, s0  }
0x212: {  	[sflag:s0] =	ssyncadd.tile.s32 @!p0 $0x1;
	_ =	shalt  }
.Lfunc_end2:
_tile_overlayer_lowered:
.L_overlay_start_2:
0x213: {  	(tag) =	ssettag $0x2  }
0x214: {  	s0 =	rddreg [dreg:$0x0];
	s2 =	stileid.u32  }
0x215: {  	s1 =	rddreg [dreg:$0x1];
	p0 =	sne.s32 s2, $0x0  }
0x216: {  	s3 =	rddreg [dreg:$0x2];
	[bflag:$0x3] =	sbarrier.arrive $0xFFFF;
	s2 =	simm.s32 @!p0 $0x1C05  }
0x217: {  	[timem:s3], [sflag:s2] =	dma.local @!p0 [hbm:s0], s1  }
0x218: {  	s0 =	simm.s32 @!p0 $0x5  }
0x219: {  	_ =	swait.ge @!p0 [sflag:s0], s1  }
0x21a: {  	s1 =	ssub.s32 @!p0 $0x0, s1;
	[sflag:s0] =	ssyncset.done @!p0 $0x0  }
0x21b: {  	[sflag:s0] =	ssyncadd.s32 @!p0 s1  }
0x21c: {  	[bflag:$0x3] =	sbarrier.arrive $0xFFFF  }
0x21d: {  	_ =	shalt  }

// kernel: kernel.7.cloned.1.call-start
scs
__scs_entry_jumppad:
0x0: {  	(pc) =	sbr.rel $0x88, $3  }
0x1: {  	(tag) =	ssettag $0x0;
	lr =	simm.s32 $0x1  }
0x2: {  	[smem:$0x3F95] =	sst lr;
	_ =	strace $0xD0000000  }
0x3: {  	_ = 	snop  }
0x4: {  	_ = 	snop  }
0x5: {  	_ = 	snop  }
0x6: {  	_ = 	snop  }
0x7: {  	_ = 	snop  }
__scs_overlays_trampoline_lowered:
0x8: {  	[smem:$0x3FA4] =	sst s0  }
0x9: {  	[smem:$0x3FA5] =	sst s1  }
0xa: {  	[smem:$0x3FA6] =	sst s2  }
0xb: {  	[smem:$0x3FA7] =	sst s3  }
0xc: {  	[smem:$0x3FA8] =	sst s4  }
0xd: {  	[smem:$0x3FA9] =	sst s5  }
0xe: {  	[smem:$0x3FAA] =	sst s6  }
0xf: {  	[smem:$0x3FAB] =	sst s7  }
0x10: {  	[smem:$0x3FAC] =	sst s8  }
0x11: {  	[smem:$0x3FAD] =	sst s9;
	s0 =	simm.s32 @!p0 $0x0  }
0x12: {  	s1 =	sld [smem:$0x3F93];
	s0 =	simm.s32 @p0 $0x1  }
0x13: {  	[smem:$0x3FAE] =	sst s0;
	s0 =	simm.s32 @!p1 $0x0  }
0x14: {  	s2 =	sld [smem:$0x3F92];
	s0 =	simm.s32 @p1 $0x1  }
0x15: {  	[smem:$0x3FAF] =	sst s0;
	s0 =	simm.s32 @!p2 $0x0  }
0x16: {  	s3 =	sld [smem:$0x3FDB];
	s0 =	simm.s32 @p2 $0x1  }
0x17: {  	s4 =	simm.s32 $0x1BF5;
	[smem:$0x3FB1] =	sst s0  }
0x18: {  	s0 =	sld [smem:$0x3F94];
	_ =	swait.ge [sflag:s4], $0x0  }
0x19: {  	s7 =	sld [smem:$0x3F95]  }
0x1a: {  	s8 =	sadd.s32 $0xFFFFE003, lr  }
0x1b: {  	s9 =	sadd.s32 $0xFFFFFEF7, lr;
	s5 =	simm.s32 $0xFFFFFFFF;
	p2 =	slt.u32 s8, $0xFFFFF086  }
0x1c: {  	p1 =	slt.u32 s9, $0xF7A;
	s5 =	simm.s32 @!p2 $0x0  }
0x1d: {  	s5 =	simm.s32 @p1 $0x1;
	p0 =	seq.s32 s7, s2  }
0x1e: {  	s7 =	smul.u32 @!p0 $0xF7A, s2;
	p2 =	seq.s32 @!p0 s5, $0x0  }
0x1f: {  	s9 =	smul.u32 $0xF7A, s1;
	s8 =	simm.s32 @!p0 $0x1BF5;
	p2 =	por !p2, p0  }
0x20: {  	[sflag:s8] =	ssyncset.s32 @!p0 $0xFFFFF086;
	s6 =	sadd.s32 @!p0 s3, s7;
	s7 =	simm.s32 @!p0 $0x108  }
0x21: {  	s3 =	sadd.s32 s3, s9;
	s6 =	sadd.s32 @!p0 $0x88, s6;
	s7 =	simm.s32 @p2 $0x1082  }
0x22: {  	[simem:s7], [sflag:s8] =	dma.local @!p0 [hbm:s6], $0xF7A  }
0x23: {  	s9 =	sor.u32 $0xD0000000, s2;
	s6 =	simm.s32 $0x108;
	_ =	swait.ge @!p0 [sflag:s8], $0x0  }
0x24: {  	s3 =	sadd.s32 $0x88, s3;
	s6 =	simm.s32 @!p1 $0x1082;
	[sflag:s4] =	ssyncset.s32 $0xFFFFF086  }
0x25: {  	[simem:s6], [sflag:s4] =	dma.local [hbm:s3], $0xF7A  }
0x26: {  	[smem:$0x3F95] =	sst s1;
	(tag) =	ssettag s2;
	_ =	strace s9  }
0x27: {  	s1 =	sld [smem:$0x3FA5]  }
0x28: {  	s2 =	sld [smem:$0x3FA6]  }
0x29: {  	s4 =	sld [smem:$0x3FA8]  }
0x2a: {  	p0 =	seq.s32 s5, $0x0;
	s5 =	sld [smem:$0x3FA9]  }
0x2b: {  	s6 =	sld [smem:$0x3FAA]  }
0x2c: {  	s7 =	sld [smem:$0x3FAB]  }
0x2d: {  	s3 =	simm.s32 $0x108;
	s8 =	sld [smem:$0x3FAC]  }
0x2e: {  	s3 =	simm.s32 @!p0 $0x1082;
	s9 =	sld [smem:$0x3FAD]  }
0x2f: {  	lr =	sadd.s32 s0, s3;
	s0 =	sld [smem:$0x3FA4]  }
0x30: {  	s3 =	sld [smem:$0x3FA7]  }
0x31: {  	[smem:$0x3FB0] =	sst s10  }
0x32: {  	s10 =	sld [smem:$0x3FAE];
	_ =	sdelay $0x3  }
0x33: {  	p0 =	seq.s32 s10, $0x1;
	s10 =	sld [smem:$0x3FB0];
	_ =	sdelay $0x3  }
0x34: {  	[smem:$0x3FB0] =	sst s10  }
0x35: {  	s10 =	sld [smem:$0x3FAF];
	_ =	sdelay $0x3  }
0x36: {  	p1 =	seq.s32 s10, $0x1;
	s10 =	sld [smem:$0x3FB0];
	_ =	sdelay $0x3  }
0x37: {  	[smem:$0x3FB0] =	sst s10  }
0x38: {  	s10 =	sld [smem:$0x3FB1]  }
0x39: {  	_ = 	snop;
	(pc) =	sbr.ind lr, $3  }
0x3a: {  	_ = 	snop  }
0x3b: {  	_ = 	snop  }
0x3c: {  	p2 =	seq.s32 s10, $0x1;
	s10 =	sld [smem:$0x3FB0]  }
0x3d: {  	_ =	shalt  }
0x3e: {  	_ =	shalt  }
0x3f: {  	_ =	shalt  }
0x40: {  	_ =	shalt  }
0x41: {  	_ =	shalt  }
0x42: {  	_ =	shalt  }
0x43: {  	_ =	shalt  }
0x44: {  	_ =	shalt  }
0x45: {  	_ =	shalt  }
0x46: {  	_ =	shalt  }
0x47: {  	_ =	shalt  }
0x48: {  	_ =	shalt  }
0x49: {  	_ =	shalt  }
0x4a: {  	_ =	shalt  }
0x4b: {  	_ =	shalt  }
0x4c: {  	_ =	shalt  }
0x4d: {  	_ =	shalt  }
0x4e: {  	_ =	shalt  }
0x4f: {  	_ =	shalt  }
0x50: {  	_ =	shalt  }
0x51: {  	_ =	shalt  }
0x52: {  	_ =	shalt  }
0x53: {  	_ =	shalt  }
0x54: {  	_ =	shalt  }
0x55: {  	_ =	shalt  }
0x56: {  	_ =	shalt  }
0x57: {  	_ =	shalt  }
0x58: {  	_ =	shalt  }
0x59: {  	_ =	shalt  }
0x5a: {  	_ =	shalt  }
0x5b: {  	_ =	shalt  }
0x5c: {  	_ =	shalt  }
0x5d: {  	_ =	shalt  }
0x5e: {  	_ =	shalt  }
0x5f: {  	_ =	shalt  }
0x60: {  	_ =	shalt  }
0x61: {  	_ =	shalt  }
0x62: {  	_ =	shalt  }
0x63: {  	_ =	shalt  }
0x64: {  	_ =	shalt  }
0x65: {  	_ =	shalt  }
0x66: {  	_ =	shalt  }
0x67: {  	_ =	shalt  }
0x68: {  	_ =	shalt  }
0x69: {  	_ =	shalt  }
0x6a: {  	_ =	shalt  }
0x6b: {  	_ =	shalt  }
0x6c: {  	_ =	shalt  }
0x6d: {  	_ =	shalt  }
0x6e: {  	_ =	shalt  }
0x6f: {  	_ =	shalt  }
0x70: {  	_ =	shalt  }
0x71: {  	_ =	shalt  }
0x72: {  	_ =	shalt  }
0x73: {  	_ =	shalt  }
0x74: {  	_ =	shalt  }
0x75: {  	_ =	shalt  }
0x76: {  	_ =	shalt  }
0x77: {  	_ =	shalt  }
0x78: {  	_ =	shalt  }
0x79: {  	_ =	shalt  }
0x7a: {  	_ =	shalt  }
0x7b: {  	_ =	shalt  }
0x7c: {  	_ =	shalt  }
0x7d: {  	_ =	shalt  }
0x7e: {  	_ =	shalt  }
0x7f: {  	_ =	shalt  }
0x80: {  	_ =	shalt  }
0x81: {  	_ =	shalt  }
0x82: {  	_ =	shalt  }
0x83: {  	_ =	shalt  }
0x84: {  	_ =	shalt  }
0x85: {  	_ =	shalt  }
0x86: {  	_ =	shalt  }
0x87: {  	_ =	shalt  }
.Lfunc_end0:
.L_simem_size_0:
called_computation_lowered:
.L_overlay_start_0:
0x88: {  	s2 =	sld [smem:$0x3FD9]  }
0x89: {  	s3 =	sld [smem:$0x3FFE];
	_ =	sdelay $0x1  }
0x8a: {  	s1 =	srdreg.scid  }
0x8b: {  	s0 =	sand.u32 $0x1, s1  }
0x8c: {  	s14 =	sshll.u32 s0, $0xA;
	s2 =	sadd.s32 s3, s2  }
0x8d: {  	s2 =	sadd.s32 s2, s14  }
0x8e: {  	[smem:$0x3FBC] =	sst s2  }
0x8f: {  	_ = 	snop  }
0x90: {  	s2 =	sld [smem:$0x3FD0];
	_ =	sdelay $0x2  }
0x91: {  	s15 =	simm.s32 $0xA;
	s4 =	simm.s32 $0x10  }
0x92: {  	[smem:s4], [sflag:s15] =	dma.local [hbm:s2], $0x1  }
0x93: {  	_ =	swait.eq [sflag:s15], $0x1  }
0x94: {  	s16 =	sld [smem:$0x10];
	[sflag:s15] =	ssyncset.done $0x0  }
0x95: {  	s17 =	sld [smem:$0x11];
	[sflag:s15] =	ssyncadd.s32 $0xFFFFFFFF  }
0x96: {  	s18 =	sld [smem:$0x12];
	(tm) =	ssettm $0x1  }
0x97: {  	s5 =	sld [smem:$0x3FFB];
	_ =	sdelay $0x3  }
0x98: {  	_ =	strace s5  }
0x99: {  	s5 =	sld [smem:$0x3FFC];
	_ =	sdelay $0x3  }
0x9a: {  	_ =	strace s5  }
0x9b: {  	s5 =	sld [smem:$0x3FFD];
	_ =	sdelay $0x3  }
0x9c: {  	_ =	strace s5  }
0x9d: {  	_ =	strace $0x8FFFFFFF  }
0x9e: {  	s19 =	sld [smem:$0x3FDB];
	_ =	sdelay $0x1  }
0x9f: {  	s6 =	simm.s32 $_scs_section_size  }
0xa0: {  	s7 =	simm.s32 $_size__tile_overlayer_lowered;
	s8 =	simm.s32 $_tile_overlayer_lowered  }
0xa1: {  	s22 =	simm.s32 $0x1BFF;
	s21 =	sshll.u32 s8, $0x1;
	s5 =	sadd.s32 s6, s19  }
0xa2: {  	s9 =	simm.s32 $0x0;
	s20 =	sshll.u32 s7, $0x1;
	s7 =	sadd.s32 s21, s5  }
0xa3: {  	[timem:s9], [sflag:s22] =	dma.local [hbm:s7], s20  }
0xa4: {  	_ =	swait.ge [sflag:s22], s20  }
0xa5: {  	s6 =	ssub.s32 $0x0, s20;
	[sflag:s22] =	ssyncset.done $0x0  }
0xa6: {  	[sflag:s22] =	ssyncadd.s32 s6;
	_ =	sdelay $0x1  }
0xa7: {  	s23 =	simm.s32 $0x1B8B  }
0xa8: {  	_ =	swait.ge [sflag:s23], $0x1  }
0xa9: {  	[sflag:s23] =	ssyncset.done $0x0  }
0xaa: {  	s25 =	simm.s32 $0x1B8E;
	s24 =	sld [smem:$0x3FFE];
	[sflag:s23] =	ssyncadd.s32 $0xFFFFFFFF  }
0xab: {  	s26 =	simm.s32 $execute0_lowered;
	[smem:$0x3FD2] =	sst s25  }
0xac: {  	s7 =	sshll.u32 s26, $0x1;
	_ =	strace $0x80000046;
	[dreg:$0x1] =	wrdreg $0xFFFFFFFF  }
0xad: {  	s28 =	simm.s32 $_size_execute0_lowered;
	s5 =	sadd.s32 s5, s7;
	[dreg:$0x0] =	wrdreg $0x0  }
0xae: {  	s7 =	sshll.u32 s28, $0x1;
	[dreg:$0x2] =	wrdreg s5  }
0xaf: {  	[dreg:$0x3] =	wrdreg s7  }
0xb0: {  	[dreg:$0x4] =	wrdreg $0xC0  }
0xb1: {  	_ =	task [dreg:s9], $0x5FFFF  }
0xb2: {  	[dreg:$0x1] =	wrdreg $0xFFFFFFFF  }
0xb3: {  	[dreg:$0x0] =	wrdreg $0x60  }
0xb4: {  	[dreg:$0x2] =	wrdreg s24  }
0xb5: {  	[dreg:$0x3] =	wrdreg s17  }
0xb6: {  	[dreg:$0x4] =	wrdreg s16  }
0xb7: {  	[dreg:$0x5] =	wrdreg s18  }
0xb8: {  	[dreg:$0x6] =	wrdreg $0x0  }
0xb9: {  	[dreg:$0x7] =	wrdreg $0x140000  }
0xba: {  	[dreg:$0x8] =	wrdreg $0x9  }
0xbb: {  	_ =	task.clear_ibuf [dreg:s9], $0x9FFFF;
	_ =	strace $0x90000046  }
0xbc: {  	s29 =	simm.s32 $0x9;
	_ =	strace $0x80000048  }
0xbd: {  	_ =	swait.ge [sflag:s29], $0x1  }
0xbe: {  	[sflag:s29] =	ssyncadd.s32 $0xFFFFFFFF  }
0xbf: {  	_ =	strace $0x90000048  }
0xc0: {  	_ =	sfence  }
0xc1: {  	s30 =	sld [smem:$0x0];
	_ =	sdelay $0x2  }
0xc2: {  	s31 =	sshll.u32 s1, $0xD;
	s1 =	sshrl.u32 s1, $0x2  }
0xc3: {  	s3 =	sand.u32 $0x4000, s31;
	s1 =	sadd.s32 s1, s30  }
0xc4: {  	s0 =	sor.u32 s3, s0;
	s1 =	sshll.u32 s1, $0x11  }
0xc5: {  	s0 =	sor.u32 s1, s0  }
0xc6: {  	s0 =	sadd.s32 $0x8F2B, s0  }
0xc7: {  	[sflag:s0] =	ssyncadd.remote.s32 $0x1  }
0xc8: {  	_ =	sfence.sel $0xFFFF  }
0xc9: {  	[dreg:$0x0] =	wrdreg $0xFFFFFFFF;
	(pc) =	sbr.abs _section_cstart, $3  }
0xca: {  	[dreg:$0x1] =	wrdreg $0xFFFFFFFF  }
0xcb: {  	_ =	task.clear_ibuf [dreg:s9], $0x2FFFF;
	_ =	strace $0x9FFFFFFF  }
0xcc: {  	(tm) =	ssettm $0x7FFFFFFF  }
0xcd: {  	_ =	shalt  }
tec
execute0_lowered:
.L_overlay_start_1:
0x0: {  	(tag) =	ssettag $0x1  }
0x1: {  	s0 =	rddreg [dreg:$0x0]  }
0x2: {  	s1 =	rddreg [dreg:$0x1]  }
0x3: {  	s2 =	rddreg [dreg:$0x2]  }
0x4: {  	s3 =	rddreg [dreg:$0x3]  }
0x5: {  	s4 =	rddreg [dreg:$0x4]  }
0x6: {  	s5 =	rddreg [dreg:$0x5];
	s19 =	stileid.u32  }
0x7: {  	s7 =	srdreg.scid;
	s6 =	simm.s32 $0x0;
	s10 =	smul.u32 $0x14000, s19  }
0x8: {  	s28 =	simm.s32 $0x4;
	s12 =	sand.u32 $0x1, s7;
	s14 =	smul.u32 $0x280, s19  }
0x9: {  	[smem:$0x7FF] =	sst s6;
	s7 =	sadd.s32 $0xCA00, s0;
	s15 =	smul.u32 $0x2800, s19  }
0xa: {  	s8 =	sadd.s32 $0x2C00, s0;
	s9 =	sadd.s32 $0x3DA00, s0;
	s11 =	smul.u32 $0x140000, s12  }
0xb: {  	_ =	strace $0x80000047;
	s13 =	ssub.s32 $0x2, s12;
	s18 =	smul.u32 $0x28000, s12  }
0xc: {  	s12 =	sshll.u32 s12, $0x4;
	s23 =	sshrl.u32 s13, $0x1;
	s16 =	sor.u32 $0x50, s14  }
0xd: {  	s31 =	sadd.s32 s15, s5;
	s26 =	sadd.s32 $0xA0, s14;
	s20 =	sadd.s32 $0xF0, s14  }
0xe: {  	s11 =	sadd.s32 s10, s11;
	s13 =	ssub.s32 s13, s23;
	s17 =	sshll.u32 s16, $0x7  }
0xf: {  	s16 =	sshll.u32 s16, $0x4;
	s29 =	sshll.u32 s26, $0x7;
	s21 =	sshll.u32 s20, $0x7  }
0x10: {  	s15 =	sadd.s32 s15, s18;
	s18 =	sor.u32 s19, s12;
	s12 =	simm.s32 $0x16940  }
0x11: {  	[dreg:$0x8] =	wrdreg s31;
	s11 =	sshrl.u32 s11, $0x3;
	s24 =	sadd.s32 s17, s4  }
0x12: {  	s25 =	sadd.s32 s16, s5;
	s16 =	sshll.u32 s26, $0x4;
	s30 =	sadd.s32 s29, s4  }
0x13: {  	s22 =	sadd.s32 s21, s4;
	s15 =	sshrl.u32 s15, $0x3;
	[dreg:$0x9] =	wrdreg s24  }
0x14: {  	s0 =	sadd.s32 s11, s0;
	s11 =	sadd.s32 s10, s4;
	[dreg:$0xa] =	wrdreg s25  }
0x15: {  	[dreg:$0xb] =	wrdreg s30;
	s17 =	sadd.s32 s16, s5;
	s16 =	sshll.u32 s20, $0x4  }
0x16: {  	[dreg:$0xd] =	wrdreg s22;
	s24 =	sadd.s32 $0x140, s14;
	s25 =	sadd.s32 $0x190, s14  }
0x17: {  	s3 =	sadd.s32 s3, s15;
	[dreg:$0xc] =	wrdreg s17;
	s23 =	sadd.s32 s16, s5  }
0x18: {  	[dreg:$0xf] =	wrdreg s3;
	s26 =	sshll.u32 s24, $0x7;
	s29 =	sshll.u32 s24, $0x4  }
0x19: {  	s30 =	sshll.u32 s25, $0x7;
	s16 =	sshll.u32 s25, $0x4;
	s17 =	sadd.s32 $0x1E0, s14  }
0x1a: {  	s14 =	sadd.s32 $0x230, s14;
	s0 =	sadd.s32 $0x8BE00, s0;
	[dreg:$0x7] =	wrdreg s11  }
0x1b: {  	[dreg:$0xe] =	wrdreg s23;
	s3 =	sadd.s32 s26, s4;
	s10 =	sadd.s32 s29, s5  }
0x1c: {  	s15 =	sadd.s32 s30, s4;
	s19 =	sshll.u32 s17, $0x7;
	s23 =	smul.u32 $0x2710, s18  }
0x1d: {  	s22 =	sshll.u32 s14, $0x7;
	s24 =	sshll.u32 s14, $0x4;
	[dreg:$0x1a] =	wrdreg s0  }
0x1e: {  	s30 =	smax.u32 s13, $0x1;
	s13 =	simm.s32 $0x5;
	[dreg:$0x10] =	wrdreg s3  }
0x1f: {  	s14 =	simm.s32 $0x1CD40;
	s18 =	simm.s32 $0x1B940;
	[dreg:$0x11] =	wrdreg s10  }
0x20: {  	[dreg:$0x12] =	wrdreg s15;
	s3 =	sadd.s32 s16, s5;
	s15 =	sshll.u32 s17, $0x4  }
0x21: {  	s20 =	sadd.s32 s19, s4;
	[dreg:$0x1b] =	wrdreg s30;
	s16 =	simm.s32 $0x168A0  }
0x22: {  	s17 =	simm.s32 $0x50;
	s19 =	simm.s32 $0x1C340;
	[dreg:$0x13] =	wrdreg s3  }
0x23: {  	[dreg:$0x14] =	wrdreg s20;
	s21 =	sadd.s32 s15, s5;
	s3 =	sadd.s32 s22, s4  }
0x24: {  	s25 =	sshrl.u32 s23, $0x3;
	s15 =	simm.s32 $0x16800;
	s20 =	simm.s32 $0x1  }
.Ltmp0:
0x25: {  	s22 =	simm.s32 $0x3;
	[dreg:$0x15] =	wrdreg s21;
	(pc) =	sbr.rel .LBB2_1-.Ltmp0, $4  }
0x26: {  	[dreg:$0x16] =	wrdreg s3;
	s3 =	sadd.s32 s24, s5;
	s26 =	sadd.s32 s7, s25  }
0x27: {  	v0 =	vimm.f32 $0.0e+00;
	v1 =	vimm.s32 $0x0;
	v2 =	vimm.s32 $0x1;
	s29 =	sadd.s32 s8, s25;
	s21 =	simm.s32 $0x2;
	[dreg:$0x17] =	wrdreg s3  }
0x28: {  	v3 =	vimm.s32 $0x2;
	v4 =	vimm.s32 $0x3;
	v5 =	vimm.s32 $0x4;
	s24 =	simm.s32 $0x168F0;
	s25 =	simm.s32 $0x19140;
	[dreg:$0x18] =	wrdreg s26  }
0x29: {  	v6 =	vimm.s32 $0x5;
	v7 =	vimm.s32 $0x6;
	v8 =	vimm.s32 $0x7;
	[dreg:$0x19] =	wrdreg s29;
	s3 =	sadd.s32 $0xA0, s23;
	s26 =	simm.s32 $0x1D240  }
.LBB2_11:
0x2a: {  	_ =	swait.ge [sflag:s28], $0x2800  }
0x2b: {  	[sflag:s28] =	ssyncset.done $0x0  }
0x2c: {  	[sflag:s28] =	ssyncadd.s32 $0xFFFFD800  }
0x2d: {  	_ =	swait.ge [sflag:s28], $0x500  }
0x2e: {  	[sflag:s28] =	ssyncset.done $0x0  }
0x2f: {  	[sflag:s28] =	ssyncadd.s32 $0xFFFFFB00  }
0x30: {  	_ =	swait.ge [sflag:s22], $0x2800  }
0x31: {  	[sflag:s22] =	ssyncset.done $0x0  }
0x32: {  	[sflag:s22] =	ssyncadd.s32 $0xFFFFD800  }
0x33: {  	_ =	swait.ge [sflag:s22], $0x500  }
0x34: {  	[sflag:s22] =	ssyncset.done $0x0  }
0x35: {  	[sflag:s22] =	ssyncadd.s32 $0xFFFFFB00  }
0x36: {  	s0 =	stileid.u32;
	[bflag:$0x0] =	sbarrier.arrive $0xFFFF  }
0x37: {  	s0 =	sshll.u32 s0, $0x6;
	s11 =	rddreg [dreg:$0x7]  }
0x38: {  	s0 =	sor.u32 $0x1C05, s0;
	s29 =	rddreg [dreg:$0x1a];
	s10 =	sshrl.u32 s11, $0x3  }
0x39: {  	[hbm:s29], [sflag:s0] =	dma.local [spmem:s10], $0x2800  }
0x3a: {  	_ =	swait.ge [sflag:s13], $0x2800  }
0x3b: {  	[sflag:s13] =	ssyncset.done $0x0;
	s31 =	rddreg [dreg:$0x8]  }
0x3c: {  	s30 =	rddreg [dreg:$0xf];
	[sflag:s13] =	ssyncadd.s32 $0xFFFFD800;
	s10 =	sshrl.u32 s31, $0x3  }
0x3d: {  	[hbm:s30], [sflag:s0] =	dma.local [spmem:s10], $0x500  }
0x3e: {  	_ =	swait.ge [sflag:s13], $0x500  }
0x3f: {  	s6 =	sadd.s32 $0x1, s6;
	s30 =	rddreg [dreg:$0x1b]  }
0x40: {  	p0 =	sne.s32 s6, s30  }
.Ltmp1:
0x41: {  	_ = 	snop;
	(pc) =	sbr.rel @!p0 .LBB2_12-.Ltmp1, $3  }
0x42: {  	_ =	sdelay $0x1  }
0x43: {  	[sflag:s13] =	ssyncset.done $0x0  }
0x44: {  	[sflag:s13] =	ssyncadd.s32 $0xFFFFFB00  }
.LBB2_1:
0x45: {  	s0 =	simm.s32 $0x16980  }
0x46: {  	[tilespmem:s0+$0xFFFFFFD0] =	vst v0  }
0x47: {  	[tilespmem:s0+$0xFFFFFFE0] =	vst v0  }
0x48: {  	[tilespmem:s0+$0xFFFFFFF0] =	vst v0  }
0x49: {  	[tilespmem:s0+$0x0] =	vst v0  }
0x4a: {  	[tilespmem:s0+$0x10] =	vst v0  }
0x4b: {  	[tilespmem:s0+$0x20] =	vst v0  }
0x4c: {  	[tilespmem:s0+$0x30] =	vst v0  }
0x4d: {  	s30 =	simm.s32 $0x0;
	s29 =	simm.s32 $0x40;
	[tilespmem:s0+$0xFFFFFFC0] =	vst v0  }
.LBB2_2:
0x4e: {  	p0 =	sne.s32 s29, $0x13C0;
	[tilespmem:s30+$0x1CD40] =	vst v0;
	s0 =	sadd.s32 $0x80, s0  }
0x4f: {  	[tilespmem:s0+$0xFFFFFFD0] =	vst v0  }
0x50: {  	[tilespmem:s0+$0xFFFFFFE0] =	vst v0  }
0x51: {  	[tilespmem:s0+$0xFFFFFFF0] =	vst v0  }
.Ltmp2:
0x52: {  	[tilespmem:s0+$0x0] =	vst v0;
	(pc) =	sbr.rel @p0 .LBB2_2-.Ltmp2, $4  }
0x53: {  	[tilespmem:s0+$0x10] =	vst v0  }
0x54: {  	[tilespmem:s0+$0x20] =	vst v0  }
0x55: {  	[tilespmem:s0+$0x30] =	vst v0  }
0x56: {  	s30 =	sshra.s32 s29, $0x2;
	s29 =	sadd.s32 $0x40, s29;
	[tilespmem:s0+$0xFFFFFFC0] =	vst v0  }
0x57: {  	[tilespmem:s30+$0x1CD40] =	vst v0  }
0x58: {  	[spmem:s11] =	stream.linear.scatter [tilespmem:s12], [sflag:$0x5], $0x2800, $0x38;
	[tilespmem:$0x1D740] =	vst v63  }
0x59: {  	_ =	swait.ge [sflag:s13], $0x2800  }
0x5a: {  	[sflag:s13] =	ssyncset.done $0x0  }
0x5b: {  	[sflag:s13] =	ssyncadd.s32 $0xFFFFD800  }
0x5c: {  	[spmem:s31] =	stream.linear.scatter [tilespmem:s14], [sflag:$0x5], $0x500, $0x38;
	[tilespmem:$0x1D740] =	vst v63  }
0x5d: {  	_ =	swait.ge [sflag:s13], $0x500  }
0x5e: {  	[sflag:s13] =	ssyncset.done $0x0  }
0x5f: {  	s0 =	rddreg [dreg:$0x9];
	[sflag:s13] =	ssyncadd.s32 $0xFFFFFB00  }
0x60: {  	[spmem:s0] =	stream.linear.scatter [tilespmem:s12], [sflag:$0x5], $0x2800, $0x38;
	[tilespmem:$0x1D740] =	vst v63  }
0x61: {  	_ =	swait.ge [sflag:s13], $0x2800  }
0x62: {  	[sflag:s13] =	ssyncset.done $0x0  }
0x63: {  	s11 =	rddreg [dreg:$0xa];
	[sflag:s13] =	ssyncadd.s32 $0xFFFFD800  }
0x64: {  	[spmem:s11] =	stream.linear.scatter [tilespmem:s14], [sflag:$0x5], $0x500, $0x38;
	[tilespmem:$0x1D740] =	vst v63  }
0x65: {  	_ =	swait.ge [sflag:s13], $0x500  }
0x66: {  	[sflag:s13] =	ssyncset.done $0x0  }
0x67: {  	s30 =	rddreg [dreg:$0xb];
	[sflag:s13] =	ssyncadd.s32 $0xFFFFFB00  }
0x68: {  	[spmem:s30] =	stream.linear.scatter [tilespmem:s12], [sflag:$0x5], $0x2800, $0x38;
	[tilespmem:$0x1D740] =	vst v63  }
0x69: {  	_ =	swait.ge [sflag:s13], $0x2800  }
0x6a: {  	[sflag:s13] =	ssyncset.done $0x0  }
0x6b: {  	s31 =	rddreg [dreg:$0xc];
	[sflag:s13] =	ssyncadd.s32 $0xFFFFD800  }
0x6c: {  	[spmem:s31] =	stream.linear.scatter [tilespmem:s14], [sflag:$0x5], $0x500, $0x38;
	[tilespmem:$0x1D740] =	vst v63  }
0x6d: {  	_ =	swait.ge [sflag:s13], $0x500  }
0x6e: {  	[sflag:s13] =	ssyncset.done $0x0  }
0x6f: {  	s10 =	rddreg [dreg:$0xd];
	[sflag:s13] =	ssyncadd.s32 $0xFFFFFB00  }
0x70: {  	[spmem:s10] =	stream.linear.scatter [tilespmem:s12], [sflag:$0x5], $0x2800, $0x38;
	[tilespmem:$0x1D740] =	vst v63  }
0x71: {  	_ =	swait.ge [sflag:s13], $0x2800  }
0x72: {  	[sflag:s13] =	ssyncset.done $0x0  }
0x73: {  	s11 =	rddreg [dreg:$0xe];
	[sflag:s13] =	ssyncadd.s32 $0xFFFFD800  }
0x74: {  	[spmem:s11] =	stream.linear.scatter [tilespmem:s14], [sflag:$0x5], $0x500, $0x38;
	[tilespmem:$0x1D740] =	vst v63  }
0x75: {  	_ =	swait.ge [sflag:s13], $0x500  }
0x76: {  	[sflag:s13] =	ssyncset.done $0x0  }
0x77: {  	s30 =	rddreg [dreg:$0x10];
	[sflag:s13] =	ssyncadd.s32 $0xFFFFFB00  }
0x78: {  	[spmem:s30] =	stream.linear.scatter [tilespmem:s12], [sflag:$0x5], $0x2800, $0x38;
	[tilespmem:$0x1D740] =	vst v63  }
0x79: {  	_ =	swait.ge [sflag:s13], $0x2800  }
0x7a: {  	[sflag:s13] =	ssyncset.done $0x0  }
0x7b: {  	s31 =	rddreg [dreg:$0x11];
	[sflag:s13] =	ssyncadd.s32 $0xFFFFD800  }
0x7c: {  	[spmem:s31] =	stream.linear.scatter [tilespmem:s14], [sflag:$0x5], $0x500, $0x38;
	[tilespmem:$0x1D740] =	vst v63  }
0x7d: {  	_ =	swait.ge [sflag:s13], $0x500  }
0x7e: {  	[sflag:s13] =	ssyncset.done $0x0  }
0x7f: {  	s10 =	rddreg [dreg:$0x12];
	[sflag:s13] =	ssyncadd.s32 $0xFFFFFB00  }
0x80: {  	[spmem:s10] =	stream.linear.scatter [tilespmem:s12], [sflag:$0x5], $0x2800, $0x38;
	[tilespmem:$0x1D740] =	vst v63  }
0x81: {  	_ =	swait.ge [sflag:s13], $0x2800  }
0x82: {  	[sflag:s13] =	ssyncset.done $0x0  }
0x83: {  	s11 =	rddreg [dreg:$0x13];
	[sflag:s13] =	ssyncadd.s32 $0xFFFFD800  }
0x84: {  	[spmem:s11] =	stream.linear.scatter [tilespmem:s14], [sflag:$0x5], $0x500, $0x38;
	[tilespmem:$0x1D740] =	vst v63  }
0x85: {  	_ =	swait.ge [sflag:s13], $0x500  }
0x86: {  	[sflag:s13] =	ssyncset.done $0x0  }
0x87: {  	s30 =	rddreg [dreg:$0x14];
	[sflag:s13] =	ssyncadd.s32 $0xFFFFFB00  }
0x88: {  	[spmem:s30] =	stream.linear.scatter [tilespmem:s12], [sflag:$0x5], $0x2800, $0x38;
	[tilespmem:$0x1D740] =	vst v63  }
0x89: {  	_ =	swait.ge [sflag:s13], $0x2800  }
0x8a: {  	[sflag:s13] =	ssyncset.done $0x0  }
0x8b: {  	s31 =	rddreg [dreg:$0x15];
	[sflag:s13] =	ssyncadd.s32 $0xFFFFD800  }
0x8c: {  	[spmem:s31] =	stream.linear.scatter [tilespmem:s14], [sflag:$0x5], $0x500, $0x38;
	[tilespmem:$0x1D740] =	vst v63  }
0x8d: {  	_ =	swait.ge [sflag:s13], $0x500  }
0x8e: {  	[sflag:s13] =	ssyncset.done $0x0  }
0x8f: {  	s10 =	rddreg [dreg:$0x16];
	[sflag:s13] =	ssyncadd.s32 $0xFFFFFB00  }
0x90: {  	[spmem:s10] =	stream.linear.scatter [tilespmem:s12], [sflag:$0x5], $0x2800, $0x38;
	[tilespmem:$0x1D740] =	vst v63  }
0x91: {  	_ =	swait.ge [sflag:s13], $0x2800  }
0x92: {  	[sflag:s13] =	ssyncset.done $0x0  }
0x93: {  	s11 =	rddreg [dreg:$0x17];
	[sflag:s13] =	ssyncadd.s32 $0xFFFFD800  }
0x94: {  	[spmem:s11] =	stream.linear.scatter [tilespmem:s14], [sflag:$0x5], $0x500, $0x38;
	[tilespmem:$0x1D740] =	vst v63  }
0x95: {  	_ =	swait.ge [sflag:s13], $0x500  }
0x96: {  	[sflag:s13] =	ssyncset.done $0x0  }
0x97: {  	[sflag:s13] =	ssyncadd.s32 $0xFFFFFB00  }
0x98: {  	[bflag:$0x0] =	sbarrier.arrive $0xFFFF  }
0x99: {  	s29 =	simm.s32 $0x0;
	s30 =	rddreg [dreg:$0x18]  }
0x9a: {  	[tilespmem:s15], [sflag:$0x5] =	stream.linear.gather [hbm4b:s30+s29], $0x50, $0x38;
	[tilespmem:$0x1D740] =	vst v63  }
0x9b: {  	_ =	swait.ge [sflag:s13], $0x50  }
0x9c: {  	[sflag:s13] =	ssyncset.done $0x0  }
0x9d: {  	s31 =	rddreg [dreg:$0x19];
	[sflag:s13] =	ssyncadd.s32 $0xFFFFFFB0  }
0x9e: {  	[tilespmem:s16], [sflag:$0x5] =	stream.linear.gather [hbm4b:s31+s29], $0x50, $0x38;
	[tilespmem:$0x1D740] =	vst v63  }
0x9f: {  	_ =	swait.ge [sflag:s13], $0x50  }
0xa0: {  	[sflag:s13] =	ssyncset.done $0x0  }
0xa1: {  	[sflag:s13] =	ssyncadd.s32 $0xFFFFFFB0  }
0xa2: {  	[tilespmem:s12], [sflag:$0x1] =	stream.indirect.gather [hbm4b:s9+s17], $0x80, s15, s17, $0xb8;
	[tilespmem:$0x1D740] =	vst v63  }
.Ltmp3:
0xa3: {  	_ = 	snop;
	(pc) =	sbr.rel .LBB2_4-.Ltmp3, $4  }
0xa4: {  	_ = 	snop  }
0xa5: {  	[tilespmem:s18], [sflag:$0x1] =	stream.indirect.gather [hbm4b:s1+s17], $0x10, s15, s17, $0xb8;
	[tilespmem:$0x1D740] =	vst v63  }
0xa6: {  	_ = 	snop  }
0xa7: {  	[tilespmem:s19], [sflag:$0x1] =	stream.indirect.gather [hbm4b:s2+s17], $0x10, s16, s17, $0xb8;
	[tilespmem:$0x1D740] =	vst v63  }
.LBB2_10:
0xa8: {  	s29 =	sadd.s32 $0x1, s29  }
0xa9: {  	p0 =	sne.s32 s29, $0x3F  }
.Ltmp4:
0xaa: {  	_ = 	snop;
	(pc) =	sbr.rel @!p0 .LBB2_11-.Ltmp4, $1  }
0xab: {  	_ =	sdelay $0x3  }
.LBB2_4:
0xac: {  	_ =	swait.ge [sflag:s20], $0x2800  }
0xad: {  	[sflag:s20] =	ssyncset.done $0x0  }
0xae: {  	[sflag:s20] =	ssyncadd.s32 $0xFFFFD800  }
0xaf: {  	_ =	swait.ge [sflag:s20], $0x500  }
0xb0: {  	s0 =	sshllo.u32 s29, $0x1;
	[sflag:s20] =	ssyncset.done $0x0  }
0xb1: {  	p0 =	sgt.u32 s0, $0x7C;
	[sflag:s20] =	ssyncadd.s32 $0xFFFFFB00  }
0xb2: {  	p1 =	seq.s32 @!p0 s29, $0x0;
	_ =	swait.ge [sflag:s20], $0x500  }
0xb3: {  	p1 =	por p1, p0;
	[sflag:s20] =	ssyncset.done $0x0  }
0xb4: {  	s30 =	simm.s32 @!p1 $0x4;
	[sflag:s20] =	ssyncadd.s32 $0xFFFFFB00  }
0xb5: {  	_ =	swait.ge @!p1 [sflag:s30], $0x2800  }
0xb6: {  	s0 =	smul.u32 @!p0 $0x50, s0;
	[sflag:s30] =	ssyncset.done @!p1 $0x0  }
0xb7: {  	[sflag:s30] =	ssyncadd.s32 @!p1 $0xFFFFD800  }
0xb8: {  	s0 =	sadd.s32 @!p0 s23, s0;
	_ =	swait.ge @!p1 [sflag:s30], $0x500  }
0xb9: {  	s31 =	simm.s32 @!p0 $0x0;
	s0 =	sshrl.u32 @!p0 s0, $0x3;
	[sflag:s30] =	ssyncset.done @!p1 $0x0  }
0xba: {  	s10 =	simm.s32 @!p0 $0x16850;
	[sflag:s30] =	ssyncadd.s32 @!p1 $0xFFFFFB00;
	s30 =	sadd.s32 @!p0 s7, s0  }
0xbb: {  	[tilespmem:s10], [sflag:$0x5] =	stream.linear.gather @!p0 [hbm4b:s30+s31], $0x50, $0x38;
	[tilespmem:$0x1D740] =	vst v63  }
0xbc: {  	s30 =	simm.s32 @!p0 $0x5  }
0xbd: {  	_ =	swait.ge @!p0 [sflag:s30], $0x50  }
0xbe: {  	[sflag:s30] =	ssyncset.done @!p0 $0x0  }
0xbf: {  	s11 =	simm.s32 @!p0 $0x168F0;
	s0 =	sadd.s32 @!p0 s8, s0;
	[sflag:s30] =	ssyncadd.s32 @!p0 $0xFFFFFFB0  }
0xc0: {  	[tilespmem:s11], [sflag:$0x5] =	stream.linear.gather @!p0 [hbm4b:s0+s31], $0x50, $0x38;
	[tilespmem:$0x1D740] =	vst v63  }
0xc1: {  	_ =	swait.ge @!p0 [sflag:s30], $0x50  }
0xc2: {  	[sflag:s30] =	ssyncset.done @!p0 $0x0  }
0xc3: {  	s0 =	simm.s32 @!p0 $0x50;
	[sflag:s30] =	ssyncadd.s32 @!p0 $0xFFFFFFB0;
	s30 =	simm.s32 @!p0 $0x19140  }
0xc4: {  	[tilespmem:s30], [sflag:$0x2] =	stream.indirect.gather @!p0 [hbm4b:s9+s0], $0x80, s10, s0, $0xb8;
	[tilespmem:$0x1D740] =	vst v63  }
0xc5: {  	s30 =	simm.s32 @!p0 $0x1BE40  }
0xc6: {  	[tilespmem:s30], [sflag:$0x2] =	stream.indirect.gather @!p0 [hbm4b:s1+s0], $0x10, s10, s0, $0xb8;
	[tilespmem:$0x1D740] =	vst v63  }
0xc7: {  	s10 =	simm.s32 @!p0 $0x1C840  }
0xc8: {  	[tilespmem:s10], [sflag:$0x2] =	stream.indirect.gather @!p0 [hbm4b:s2+s0], $0x10, s11, s0, $0xb8;
	[tilespmem:$0x1D740] =	vst v63  }
0xc9: {  	s11 =	simm.s32 $0x0  }
0xca: {  	v9 =	vld [tilespmem:s11+$0x1C340]  }
0xcb: {  	v10 =	vld [tilespmem:s11+$0x1B940];
	_ =	sdelay $0x4  }
0xcc: {  	v9 =	vadd.f32 v9, v10;
	_ =	sdelay $0x1  }
0xcd: {  	v10 =	vmul.f32 $2.000000030e-01, v9;
	_ =	sdelay $0x1  }
0xce: {  	v9 =	vmax.f32 v9, v10  }
0xcf: {  	v9 =	vmul.f32 $1.442695020e+00, v9;
	_ =	sdelay $0x1  }
0xd0: {  	(erf) = vpow2.f32 v9;
	_ =	sdelay $0x8  }
0xd1: {  	v9 =	vpop (erf)  }
0xd2: {  	s30 =	simm.s32 $0x16980;
	[tilespmem:s11+$0x1CD40] =	vst v9  }
0xd3: {  	v10 =	vld [tilespmem:s30+$0xFFFFFFC0]  }
0xd4: {  	v13 =	vperm.xlane v9, v1;
	v11 =	vld [tilespmem:s30+$0xFFFFFFD0]  }
0xd5: {  	v15 =	vperm.xlane v9, v2;
	v17 =	vperm.xlane v9, v3;
	v61 =	vld [tilespmem:s30+$0x30]  }
0xd6: {  	v18 =	vperm.xlane v9, v4;
	v19 =	vperm.xlane v9, v5;
	v12 =	vld [tilespmem:s30+$0xFFFFFFE0]  }
0xd7: {  	v62 =	vperm.xlane v9, v6;
	v63 =	vperm.xlane v9, v7;
	v14 =	vld [tilespmem:s30+$0xFFFFFFF0]  }
0xd8: {  	v9 =	vperm.xlane v9, v8;
	v16 =	vld [tilespmem:s30+$0x0];
	v10 =	vmul.f32 v10, v13  }
0xd9: {  	v59 =	vld [tilespmem:s30+$0x10];
	v11 =	vmul.f32 v11, v15  }
0xda: {  	v60 =	vld [tilespmem:s30+$0x20];
	v9 =	vmul.f32 v61, v9;
	[tilespmem:s30+$0xFFFFFFC0] =	vst v10  }
0xdb: {  	v10 =	vmul.f32 v12, v17;
	[tilespmem:s30+$0xFFFFFFD0] =	vst v11  }
0xdc: {  	v11 =	vmul.f32 v14, v18;
	[tilespmem:s30+$0x30] =	vst v9  }
0xdd: {  	[tilespmem:s30+$0xFFFFFFE0] =	vst v10;
	v10 =	vmul.f32 v16, v19  }
0xde: {  	[tilespmem:s30+$0xFFFFFFF0] =	vst v11;
	v11 =	vmul.f32 v59, v62  }
0xdf: {  	[tilespmem:s30+$0x0] =	vst v10;
	v10 =	vmul.f32 v60, v63  }
0xe0: {  	[tilespmem:s30+$0x10] =	vst v11  }
0xe1: {  	s0 =	simm.s32 $0x10;
	[tilespmem:s30+$0x20] =	vst v10  }
0xe2: {  	s31 =	simm.s32 $0x80;
	v9 =	vld [tilespmem:s0+$0x1C340]  }
.LBB2_5:
0xe3: {  	p1 =	sne.s32 s31, $0x13C0;
	v10 =	vld [tilespmem:s0+$0x1B940];
	_ =	sdelay $0x4  }
0xe4: {  	v9 =	vadd.f32 v9, v10;
	_ =	sdelay $0x1  }
0xe5: {  	v10 =	vmul.f32 $2.000000030e-01, v9;
	_ =	sdelay $0x1  }
0xe6: {  	v9 =	vmax.f32 v9, v10  }
0xe7: {  	v9 =	vmul.f32 $1.442695020e+00, v9;
	_ =	sdelay $0x1  }
0xe8: {  	(erf) = vpow2.f32 v9;
	_ =	sdelay $0x8  }
0xe9: {  	v9 =	vpop (erf)  }
0xea: {  	s30 =	sadd.s32 $0x80, s30;
	[tilespmem:s0+$0x1CD40] =	vst v9;
	v10 =	vperm.xlane v9, v2;
	v11 =	vperm.xlane v9, v3  }
0xeb: {  	v13 =	vperm.xlane v9, v4;
	v14 =	vperm.xlane v9, v5;
	v12 =	vld [tilespmem:s30+$0xFFFFFFC0]  }
0xec: {  	v16 =	vperm.xlane v9, v6;
	v17 =	vperm.xlane v9, v7;
	v15 =	vld [tilespmem:s30+$0xFFFFFFD0]  }
0xed: {  	v18 =	vperm.xlane v9, v1;
	v9 =	vperm.xlane v9, v8;
	v19 =	vld [tilespmem:s30+$0xFFFFFFE0]  }
0xee: {  	v20 =	vld [tilespmem:s30+$0xFFFFFFF0]  }
0xef: {  	v21 =	vld [tilespmem:s30+$0x0]  }
0xf0: {  	v12 =	vmul.f32 v12, v18;
	v18 =	vld [tilespmem:s30+$0x10]  }
0xf1: {  	v10 =	vmul.f32 v15, v10;
	v15 =	vld [tilespmem:s30+$0x20]  }
0xf2: {  	[tilespmem:s30+$0xFFFFFFC0] =	vst v12;
	v11 =	vmul.f32 v19, v11;
	v12 =	vld [tilespmem:s30+$0x30]  }
0xf3: {  	[tilespmem:s30+$0xFFFFFFD0] =	vst v10;
	v10 =	vmul.f32 v20, v13  }
0xf4: {  	[tilespmem:s30+$0xFFFFFFE0] =	vst v11;
	v11 =	vmul.f32 v21, v14  }
0xf5: {  	[tilespmem:s30+$0xFFFFFFF0] =	vst v10;
	v10 =	vmul.f32 v18, v16  }
.Ltmp5:
0xf6: {  	[tilespmem:s30+$0x0] =	vst v11;
	v11 =	vmul.f32 v15, v17;
	(pc) =	sbr.rel @p1 .LBB2_5-.Ltmp5, $4  }
0xf7: {  	[tilespmem:s30+$0x10] =	vst v10;
	v9 =	vmul.f32 v12, v9  }
0xf8: {  	[tilespmem:s30+$0x20] =	vst v11  }
0xf9: {  	s0 =	sshra.s32 s31, $0x2;
	[tilespmem:s30+$0x30] =	vst v9  }
0xfa: {  	s31 =	sadd.s32 $0x40, s31;
	v9 =	vld [tilespmem:s0+$0x1C340]  }
0xfb: {  	v10 =	vld [tilespmem:s0+$0x1B940];
	_ =	sdelay $0x4  }
0xfc: {  	v9 =	vadd.f32 v9, v10;
	_ =	sdelay $0x1  }
0xfd: {  	v10 =	vmul.f32 $2.000000030e-01, v9;
	_ =	sdelay $0x1  }
0xfe: {  	v9 =	vmax.f32 v9, v10  }
0xff: {  	v9 =	vmul.f32 $1.442695020e+00, v9;
	_ =	sdelay $0x1  }
0x100: {  	(erf) = vpow2.f32 v9;
	_ =	sdelay $0x8  }
0x101: {  	v9 =	vpop (erf)  }
0x102: {  	s31 =	sadd.s32 $0x80, s30;
	[tilespmem:s0+$0x1CD40] =	vst v9  }
0x103: {  	v10 =	vld [tilespmem:s31+$0xFFFFFFC0]  }
0x104: {  	v13 =	vperm.xlane v9, v1;
	v11 =	vld [tilespmem:s31+$0xFFFFFFD0]  }
0x105: {  	v15 =	vperm.xlane v9, v2;
	v17 =	vperm.xlane v9, v3;
	v61 =	vld [tilespmem:s31+$0x30]  }
0x106: {  	v18 =	vperm.xlane v9, v4;
	v19 =	vperm.xlane v9, v5;
	v12 =	vld [tilespmem:s31+$0xFFFFFFE0]  }
0x107: {  	v62 =	vperm.xlane v9, v6;
	v63 =	vperm.xlane v9, v7;
	v14 =	vld [tilespmem:s31+$0xFFFFFFF0]  }
0x108: {  	v9 =	vperm.xlane v9, v8;
	v16 =	vld [tilespmem:s31+$0x0];
	v10 =	vmul.f32 v10, v13  }
0x109: {  	v59 =	vld [tilespmem:s31+$0x10];
	v11 =	vmul.f32 v11, v15  }
0x10a: {  	v60 =	vld [tilespmem:s31+$0x20];
	v9 =	vmul.f32 v61, v9;
	[tilespmem:s31+$0xFFFFFFC0] =	vst v10  }
0x10b: {  	v10 =	vmul.f32 v12, v17;
	[tilespmem:s31+$0xFFFFFFD0] =	vst v11  }
0x10c: {  	v11 =	vmul.f32 v14, v18;
	[tilespmem:s31+$0x30] =	vst v9  }
0x10d: {  	[tilespmem:s31+$0xFFFFFFE0] =	vst v10;
	v10 =	vmul.f32 v16, v19  }
0x10e: {  	[tilespmem:s31+$0xFFFFFFF0] =	vst v11;
	v11 =	vmul.f32 v59, v62  }
0x10f: {  	[tilespmem:s31+$0x0] =	vst v10;
	v10 =	vmul.f32 v60, v63  }
.Ltmp6:
0x110: {  	[tilespmem:s31+$0x10] =	vst v11;
	(pc) =	sbr.rel @p0 .LBB2_10-.Ltmp6, $4  }
0x111: {  	[tilespmem:s31+$0x20] =	vst v10  }
0x112: {  	[spmem:s4] =	stream.indirect.scatter.add.f32 [tilespmem:s12], [sflag:$0x3], $0x80, s16, s17, $0xb8;
	[tilespmem:$0x1D740] =	vst v63  }
0x113: {  	_ = 	snop  }
0x114: {  	[spmem:s5] =	stream.indirect.scatter.add.f32 [tilespmem:s14], [sflag:$0x3], $0x10, s16, s17, $0xb8;
	[tilespmem:$0x1D740] =	vst v63  }
0x115: {  	_ =	swait.ge [sflag:s21], $0x2800  }
0x116: {  	[sflag:s21] =	ssyncset.done $0x0  }
0x117: {  	[sflag:s21] =	ssyncadd.s32 $0xFFFFD800  }
0x118: {  	_ =	swait.ge [sflag:s21], $0x500  }
0x119: {  	[sflag:s21] =	ssyncset.done $0x0  }
0x11a: {  	[sflag:s21] =	ssyncadd.s32 $0xFFFFFB00  }
0x11b: {  	_ =	swait.ge [sflag:s21], $0x500  }
0x11c: {  	[sflag:s21] =	ssyncset.done $0x0  }
0x11d: {  	[sflag:s21] =	ssyncadd.s32 $0xFFFFFB00  }
0x11e: {  	_ =	swait.ge [sflag:s22], $0x2800  }
0x11f: {  	s0 =	smul.u32 $0xA0, s29;
	[sflag:s22] =	ssyncset.done $0x0  }
0x120: {  	[sflag:s22] =	ssyncadd.s32 $0xFFFFD800  }
0x121: {  	s0 =	sadd.s32 s0, s3;
	_ =	swait.ge [sflag:s22], $0x500  }
0x122: {  	s0 =	sshrl.u32 s0, $0x3;
	[sflag:s22] =	ssyncset.done $0x0  }
0x123: {  	s11 =	simm.s32 $0x0;
	s10 =	sadd.s32 s7, s0;
	[sflag:s22] =	ssyncadd.s32 $0xFFFFFB00  }
0x124: {  	[tilespmem:s15], [sflag:$0x5] =	stream.linear.gather [hbm4b:s10+s11], $0x50, $0x38;
	[tilespmem:$0x1D740] =	vst v63  }
0x125: {  	_ =	swait.ge [sflag:s13], $0x50  }
0x126: {  	[sflag:s13] =	ssyncset.done $0x0  }
0x127: {  	s0 =	sadd.s32 s8, s0;
	[sflag:s13] =	ssyncadd.s32 $0xFFFFFFB0  }
0x128: {  	[tilespmem:s16], [sflag:$0x5] =	stream.linear.gather [hbm4b:s0+s11], $0x50, $0x38;
	[tilespmem:$0x1D740] =	vst v63  }
0x129: {  	_ =	swait.ge [sflag:s13], $0x50  }
0x12a: {  	[sflag:s13] =	ssyncset.done $0x0  }
0x12b: {  	[sflag:s13] =	ssyncadd.s32 $0xFFFFFFB0  }
0x12c: {  	[tilespmem:s12], [sflag:$0x1] =	stream.indirect.gather [hbm4b:s9+s17], $0x80, s15, s17, $0xb8;
	[tilespmem:$0x1D740] =	vst v63  }
0x12d: {  	_ = 	snop  }
0x12e: {  	[tilespmem:s18], [sflag:$0x1] =	stream.indirect.gather [hbm4b:s1+s17], $0x10, s15, s17, $0xb8;
	[tilespmem:$0x1D740] =	vst v63  }
0x12f: {  	s11 =	simm.s32 $0x0  }
0x130: {  	[tilespmem:s19], [sflag:$0x1] =	stream.indirect.gather [hbm4b:s2+s17], $0x10, s16, s17, $0xb8;
	[tilespmem:$0x1D740] =	vst v63  }
0x131: {  	v9 =	vld [tilespmem:s11+$0x1C840]  }
0x132: {  	v10 =	vld [tilespmem:s11+$0x1BE40];
	_ =	sdelay $0x4  }
0x133: {  	v9 =	vadd.f32 v9, v10;
	_ =	sdelay $0x1  }
0x134: {  	v10 =	vmul.f32 $2.000000030e-01, v9;
	_ =	sdelay $0x1  }
0x135: {  	v9 =	vmax.f32 v9, v10  }
0x136: {  	v9 =	vmul.f32 $1.442695020e+00, v9;
	_ =	sdelay $0x1  }
0x137: {  	(erf) = vpow2.f32 v9;
	_ =	sdelay $0x8  }
0x138: {  	v9 =	vpop (erf)  }
0x139: {  	s30 =	simm.s32 $0x19180;
	[tilespmem:s11+$0x1D240] =	vst v9  }
0x13a: {  	v10 =	vld [tilespmem:s30+$0xFFFFFFC0]  }
0x13b: {  	v13 =	vperm.xlane v9, v1;
	v11 =	vld [tilespmem:s30+$0xFFFFFFD0]  }
0x13c: {  	v15 =	vperm.xlane v9, v2;
	v17 =	vperm.xlane v9, v3;
	v61 =	vld [tilespmem:s30+$0x30]  }
0x13d: {  	v18 =	vperm.xlane v9, v4;
	v19 =	vperm.xlane v9, v5;
	v12 =	vld [tilespmem:s30+$0xFFFFFFE0]  }
0x13e: {  	v62 =	vperm.xlane v9, v6;
	v63 =	vperm.xlane v9, v7;
	v14 =	vld [tilespmem:s30+$0xFFFFFFF0]  }
0x13f: {  	v9 =	vperm.xlane v9, v8;
	v16 =	vld [tilespmem:s30+$0x0];
	v10 =	vmul.f32 v10, v13  }
0x140: {  	v59 =	vld [tilespmem:s30+$0x10];
	v11 =	vmul.f32 v11, v15  }
0x141: {  	v60 =	vld [tilespmem:s30+$0x20];
	v9 =	vmul.f32 v61, v9;
	[tilespmem:s30+$0xFFFFFFC0] =	vst v10  }
0x142: {  	v10 =	vmul.f32 v12, v17;
	[tilespmem:s30+$0xFFFFFFD0] =	vst v11  }
0x143: {  	v11 =	vmul.f32 v14, v18;
	[tilespmem:s30+$0x30] =	vst v9  }
0x144: {  	[tilespmem:s30+$0xFFFFFFE0] =	vst v10;
	v10 =	vmul.f32 v16, v19  }
0x145: {  	[tilespmem:s30+$0xFFFFFFF0] =	vst v11;
	v11 =	vmul.f32 v59, v62  }
0x146: {  	[tilespmem:s30+$0x0] =	vst v10;
	v10 =	vmul.f32 v60, v63  }
0x147: {  	[tilespmem:s30+$0x10] =	vst v11  }
0x148: {  	s0 =	simm.s32 $0x10;
	[tilespmem:s30+$0x20] =	vst v10  }
0x149: {  	s31 =	simm.s32 $0x80;
	v9 =	vld [tilespmem:s0+$0x1C840]  }
.LBB2_8:
0x14a: {  	p0 =	sne.s32 s31, $0x13C0;
	v10 =	vld [tilespmem:s0+$0x1BE40];
	_ =	sdelay $0x4  }
0x14b: {  	v9 =	vadd.f32 v9, v10;
	_ =	sdelay $0x1  }
0x14c: {  	v10 =	vmul.f32 $2.000000030e-01, v9;
	_ =	sdelay $0x1  }
0x14d: {  	v9 =	vmax.f32 v9, v10  }
0x14e: {  	v9 =	vmul.f32 $1.442695020e+00, v9;
	_ =	sdelay $0x1  }
0x14f: {  	(erf) = vpow2.f32 v9;
	_ =	sdelay $0x8  }
0x150: {  	v9 =	vpop (erf)  }
0x151: {  	s30 =	sadd.s32 $0x80, s30;
	[tilespmem:s0+$0x1D240] =	vst v9;
	v10 =	vperm.xlane v9, v2;
	v11 =	vperm.xlane v9, v3  }
0x152: {  	v13 =	vperm.xlane v9, v4;
	v14 =	vperm.xlane v9, v5;
	v12 =	vld [tilespmem:s30+$0xFFFFFFC0]  }
0x153: {  	v16 =	vperm.xlane v9, v6;
	v17 =	vperm.xlane v9, v7;
	v15 =	vld [tilespmem:s30+$0xFFFFFFD0]  }
0x154: {  	v18 =	vperm.xlane v9, v1;
	v9 =	vperm.xlane v9, v8;
	v19 =	vld [tilespmem:s30+$0xFFFFFFE0]  }
0x155: {  	v20 =	vld [tilespmem:s30+$0xFFFFFFF0]  }
0x156: {  	v21 =	vld [tilespmem:s30+$0x0]  }
0x157: {  	v12 =	vmul.f32 v12, v18;
	v18 =	vld [tilespmem:s30+$0x10]  }
0x158: {  	v10 =	vmul.f32 v15, v10;
	v15 =	vld [tilespmem:s30+$0x20]  }
0x159: {  	[tilespmem:s30+$0xFFFFFFC0] =	vst v12;
	v11 =	vmul.f32 v19, v11;
	v12 =	vld [tilespmem:s30+$0x30]  }
0x15a: {  	[tilespmem:s30+$0xFFFFFFD0] =	vst v10;
	v10 =	vmul.f32 v20, v13  }
0x15b: {  	[tilespmem:s30+$0xFFFFFFE0] =	vst v11;
	v11 =	vmul.f32 v21, v14  }
0x15c: {  	[tilespmem:s30+$0xFFFFFFF0] =	vst v10;
	v10 =	vmul.f32 v18, v16  }
.Ltmp7:
0x15d: {  	[tilespmem:s30+$0x0] =	vst v11;
	v11 =	vmul.f32 v15, v17;
	(pc) =	sbr.rel @p0 .LBB2_8-.Ltmp7, $4  }
0x15e: {  	[tilespmem:s30+$0x10] =	vst v10;
	v9 =	vmul.f32 v12, v9  }
0x15f: {  	[tilespmem:s30+$0x20] =	vst v11  }
0x160: {  	s0 =	sshra.s32 s31, $0x2;
	[tilespmem:s30+$0x30] =	vst v9  }
0x161: {  	s31 =	sadd.s32 $0x40, s31;
	v9 =	vld [tilespmem:s0+$0x1C840]  }
0x162: {  	v10 =	vld [tilespmem:s0+$0x1BE40];
	_ =	sdelay $0x4  }
0x163: {  	v9 =	vadd.f32 v9, v10;
	_ =	sdelay $0x1  }
0x164: {  	v10 =	vmul.f32 $2.000000030e-01, v9;
	_ =	sdelay $0x1  }
0x165: {  	v9 =	vmax.f32 v9, v10  }
0x166: {  	v9 =	vmul.f32 $1.442695020e+00, v9;
	_ =	sdelay $0x1  }
0x167: {  	(erf) = vpow2.f32 v9;
	_ =	sdelay $0x8  }
0x168: {  	v9 =	vpop (erf)  }
0x169: {  	s31 =	sadd.s32 $0x80, s30;
	[tilespmem:s0+$0x1D240] =	vst v9  }
0x16a: {  	v10 =	vld [tilespmem:s31+$0xFFFFFFC0]  }
0x16b: {  	v13 =	vperm.xlane v9, v1;
	v11 =	vld [tilespmem:s31+$0xFFFFFFD0]  }
0x16c: {  	v15 =	vperm.xlane v9, v2;
	v17 =	vperm.xlane v9, v3;
	v61 =	vld [tilespmem:s31+$0x30]  }
0x16d: {  	v18 =	vperm.xlane v9, v4;
	v19 =	vperm.xlane v9, v5;
	v12 =	vld [tilespmem:s31+$0xFFFFFFE0]  }
0x16e: {  	v62 =	vperm.xlane v9, v6;
	v63 =	vperm.xlane v9, v7;
	v14 =	vld [tilespmem:s31+$0xFFFFFFF0]  }
0x16f: {  	v9 =	vperm.xlane v9, v8;
	v16 =	vld [tilespmem:s31+$0x0];
	v10 =	vmul.f32 v10, v13  }
0x170: {  	v59 =	vld [tilespmem:s31+$0x10];
	v11 =	vmul.f32 v11, v15  }
0x171: {  	v60 =	vld [tilespmem:s31+$0x20];
	v9 =	vmul.f32 v61, v9;
	[tilespmem:s31+$0xFFFFFFC0] =	vst v10  }
0x172: {  	v10 =	vmul.f32 v12, v17;
	[tilespmem:s31+$0xFFFFFFD0] =	vst v11  }
0x173: {  	v11 =	vmul.f32 v14, v18;
	[tilespmem:s31+$0x30] =	vst v9  }
0x174: {  	[tilespmem:s31+$0xFFFFFFE0] =	vst v10;
	v10 =	vmul.f32 v16, v19  }
0x175: {  	[tilespmem:s31+$0xFFFFFFF0] =	vst v11;
	v11 =	vmul.f32 v59, v62  }
0x176: {  	[tilespmem:s31+$0x0] =	vst v10;
	v10 =	vmul.f32 v60, v63  }
.Ltmp8:
0x177: {  	[tilespmem:s31+$0x10] =	vst v11;
	(pc) =	sbr.rel .LBB2_10-.Ltmp8, $4  }
0x178: {  	[tilespmem:s31+$0x20] =	vst v10  }
0x179: {  	[spmem:s4] =	stream.indirect.scatter.add.f32 [tilespmem:s25], [sflag:$0x4], $0x80, s24, s17, $0xb8;
	[tilespmem:$0x1D740] =	vst v63  }
0x17a: {  	_ = 	snop  }
0x17b: {  	[spmem:s5] =	stream.indirect.scatter.add.f32 [tilespmem:s26], [sflag:$0x4], $0x10, s24, s17, $0xb8;
	[tilespmem:$0x1D740] =	vst v63  }
.LBB2_12:
0x17c: {  	_ =	sfence.sel $0x180000  }
0x17d: {  	[bflag:$0x0] =	sbarrier.arrive $0xFFFF  }
0x17e: {  	_ =	strace $0x90000047  }
0x17f: {  	s0 =	stileid.u32;
	[bflag:$0x2] =	sbarrier.arrive $0xFFFF  }
0x180: {  	p0 =	sne.s32 s0, $0x0;
	s0 =	rddreg [dreg:$0x6]  }
0x181: {  	s0 =	sadd.s32 @!p0 $0x100000, s0  }
0x182: {  	[sflag:s0] =	ssyncadd.tile.s32 @!p0 $0x1;
	_ =	shalt  }
.Lfunc_end2:
_tile_overlayer_lowered:
.L_overlay_start_2:
0x183: {  	(tag) =	ssettag $0x2  }
0x184: {  	s0 =	rddreg [dreg:$0x0];
	s2 =	stileid.u32  }
0x185: {  	s1 =	rddreg [dreg:$0x1];
	p0 =	sne.s32 s2, $0x0  }
0x186: {  	s3 =	rddreg [dreg:$0x2];
	[bflag:$0x3] =	sbarrier.arrive $0xFFFF;
	s2 =	simm.s32 @!p0 $0x1C05  }
0x187: {  	[timem:s3], [sflag:s2] =	dma.local @!p0 [hbm:s0], s1  }
0x188: {  	s0 =	simm.s32 @!p0 $0x5  }
0x189: {  	_ =	swait.ge @!p0 [sflag:s0], s1  }
0x18a: {  	s1 =	ssub.s32 @!p0 $0x0, s1;
	[sflag:s0] =	ssyncset.done @!p0 $0x0  }
0x18b: {  	[sflag:s0] =	ssyncadd.s32 @!p0 s1  }
0x18c: {  	[bflag:$0x3] =	sbarrier.arrive $0xFFFF  }
0x18d: {  	_ =	shalt  }

</sc_bundles>
